<compile_context>
chip_gen: v7x
topology: tpu7x:2x2x1
jax: 0.10.2.dev20260603
libtpu: 0.0.44.dev20260713+nightly
codegen_flags: <defaults>
</compile_context>

<pallas_src>
import functools

import jax
import jax.numpy as jnp
from jax import lax
from jax.experimental import pallas as pl
from jax.experimental.pallas import tpu as pltpu
from jax.experimental.pallas import tpu_sc as plsc

B, S, D = 4, 2048, 1024
B_TC = 3
_NC, _NS, _L = 2, 16, 16
_NW = _NC * _NS

_SEQ_PER_W = S // _NW
_CH_ROWS = 16
_NCHUNK = _SEQ_PER_W // _CH_ROWS
_NSTEP = (B - B_TC) * _NCHUNK


def _sc_body(x_hbm, emb_hbm, out_hbm, eb, xb0, xb1, xb2,
             si0, si1, si2, so0, so1, so2):
    wid = lax.axis_index("s") * _NC + lax.axis_index("c")
    sw = wid * _SEQ_PER_W
    pltpu.sync_copy(emb_hbm.at[pl.ds(sw, _SEQ_PER_W)], eb)

    xbufs = (xb0, xb1, xb2)
    sin = (si0, si1, si2)
    sout = (so0, so1, so2)

    def xrow(step):
        b, c = step // _NCHUNK, step % _NCHUNK
        return (B_TC + b) * S + sw + c * _CH_ROWS

    def orow(step):
        b, c = step // _NCHUNK, step % _NCHUNK
        return b * S + sw + c * _CH_ROWS

    pltpu.async_copy(x_hbm.at[pl.ds(xrow(0), _CH_ROWS)], xb0, si0)
    for k in range(_NSTEP):
        p = k % 3
        if k + 1 < _NSTEP:
            q = (k + 1) % 3
            if k - 2 >= 0:
                pltpu.make_async_copy(
                    xbufs[q], out_hbm.at[pl.ds(orow(k - 2), _CH_ROWS)], sout[q]
                ).wait()
            pltpu.async_copy(
                x_hbm.at[pl.ds(xrow(k + 1), _CH_ROWS)], xbufs[q], sin[q])
        xb = xbufs[p]
        pltpu.make_async_copy(
            x_hbm.at[pl.ds(xrow(k), _CH_ROWS)], xb, sin[p]).wait()
        erow = (k % _NCHUNK) * _CH_ROWS

        def add_row(r, _, xb=xb, erow=erow):
            for u in range(D // _L):
                cs = pl.ds(u * _L, _L)
                xb[r, cs] = xb[r, cs] + eb[erow + r, cs]
            return 0

        lax.fori_loop(0, _CH_ROWS, add_row, 0)
        pltpu.async_copy(xb, out_hbm.at[pl.ds(orow(k), _CH_ROWS)], sout[p])
    for k in range(max(0, _NSTEP - 3), _NSTEP):
        p = k % 3
        pltpu.make_async_copy(
            xbufs[p], out_hbm.at[pl.ds(orow(k), _CH_ROWS)], sout[p]
        ).wait()


_sc_call = functools.partial(
    pl.kernel,
    out_type=jax.ShapeDtypeStruct(((B - B_TC) * S, D), jnp.float32),
    mesh=plsc.VectorSubcoreMesh(core_axis_name="c", subcore_axis_name="s"),
    compiler_params=pltpu.CompilerParams(use_tc_tiling_on_sc=True),
    scratch_types=[
        pltpu.VMEM((_SEQ_PER_W, D), jnp.float32),
        pltpu.VMEM((_CH_ROWS, D), jnp.float32),
        pltpu.VMEM((_CH_ROWS, D), jnp.float32),
        pltpu.VMEM((_CH_ROWS, D), jnp.float32),
        pltpu.SemaphoreType.DMA,
        pltpu.SemaphoreType.DMA,
        pltpu.SemaphoreType.DMA,
        pltpu.SemaphoreType.DMA,
        pltpu.SemaphoreType.DMA,
        pltpu.SemaphoreType.DMA,
    ],
)(_sc_body)


def _tc_body(x_ref, emb_ref, o_ref):
    o_ref[...] = x_ref[...] + emb_ref[...]


def _tc_call(x, emb_weight):
    return pl.pallas_call(
        _tc_body,
        grid=(B_TC,),
        in_specs=[
            pl.BlockSpec((1, S, D), lambda b: (b, 0, 0)),
            pl.BlockSpec((S, D), lambda b: (0, 0)),
        ],
        out_specs=pl.BlockSpec((1, S, D), lambda b: (b, 0, 0)),
        out_shape=jax.ShapeDtypeStruct((B_TC, S, D), x.dtype),
    )(x, emb_weight)


def kernel(x, emb_weight):
    sc_out = _sc_call(x.reshape(B * S, D), emb_weight)
    tc_out = _tc_call(x, emb_weight)
    return jnp.concatenate(
        [tc_out, sc_out.reshape(B - B_TC, S, D)], axis=0)

# --- scband reference (transcript-rebuilt; emitter-appended) ---
"""Pipeline reference for scband-positional-encoding-1941325217937 (READ-ONLY COPY).

The authoritative reference and input builder live on the scoring server;
editing this copy changes nothing except your own understanding.
"""

import jax, jax.numpy as jnp
import numpy as np

D_MODEL = 1024
NUM_POSITIONS = 2048
BATCH = 4
SEQ_LEN = 2048


def setup_inputs(seed: int = 0) -> dict:
    key = jax.random.key(seed)
    k1, k2 = jax.random.split(key)
    x = jax.random.normal(k1, (BATCH, SEQ_LEN, D_MODEL), dtype=jnp.float32)
    # nn.Embedding default init: N(0, 1)
    emb_weight = jax.random.normal(k2, (NUM_POSITIONS, D_MODEL), dtype=jnp.float32)
    return {"x": x, "emb_weight": emb_weight}


def reference(x, emb_weight):
    input_size = x.shape[-2]
    indices_to_embed = jnp.arange(0, input_size, dtype=jnp.int32)
    # batched=True path: embed positions, unsqueeze batch dim, add
    emb = jnp.take(emb_weight, indices_to_embed, axis=0)  # [seq_len, d_model]
    emb_unsq = emb[None, :, :]  # [1, seq_len, d_model]
    return x + emb_unsq

if __name__ == "__main__":
    import jax
    _d = setup_inputs()
    print(jax.jit(kernel)(*tuple(_d.values())))

</pallas_src>

<mosaic_0001>
#map = affine_map<(d0, d1) -> (0, 0)>
module attributes {stable_mosaic.version = 14 : i64} {
  func.func @_sc_body(%arg0: i32, %arg1: i32, %arg2: memref<8192x1024xf32, #tpu.memory_space<hbm>>, %arg3: memref<2048x1024xf32, #tpu.memory_space<hbm>>, %arg4: memref<2048x1024xf32, #tpu.memory_space<hbm>>, %arg5: memref<64x1024xf32, #tpu.memory_space<vmem>>, %arg6: memref<16x1024xf32, #tpu.memory_space<vmem>>, %arg7: memref<16x1024xf32, #tpu.memory_space<vmem>>, %arg8: memref<16x1024xf32, #tpu.memory_space<vmem>>, %arg9: memref<!tpu.dma_semaphore, #tpu.memory_space<semaphore_mem>>, %arg10: memref<!tpu.dma_semaphore, #tpu.memory_space<semaphore_mem>>, %arg11: memref<!tpu.dma_semaphore, #tpu.memory_space<semaphore_mem>>, %arg12: memref<!tpu.dma_semaphore, #tpu.memory_space<semaphore_mem>>, %arg13: memref<!tpu.dma_semaphore, #tpu.memory_space<semaphore_mem>>, %arg14: memref<!tpu.dma_semaphore, #tpu.memory_space<semaphore_mem>>) attributes {dimension_semantics = [#tpu.dimension_semantics<core_parallel>, #tpu.dimension_semantics<subcore_parallel>], iteration_bounds = array<i64: 2, 16>, scalar_prefetch = 0 : i64, scratch_operands = 10 : i64, tpu.core_type = #tpu.core_type<sc_vector_subcore>, window_params = [{transform_indices = #map}, {transform_indices = #map}, {transform_indices = #map}]} {
    %mul3A = arith.constant 2 : i32
    %mul3A_0 = arith.muli %arg1, %mul3A : i32
    %add3A = arith.addi %mul3A_0, %arg0 : i32
    %mul3A_1 = arith.constant 64 : i32
    %mul3A_2 = arith.muli %add3A, %mul3A_1 : i32
    "tpu.region"() ({
      %run_scoped3A = tpu.sem_alloc : memref<!tpu.dma_semaphore, #tpu.memory_space<semaphore_mem>>
      %dma_start3A_156 = arith.constant 0 : i32
      %dma_start3A_157 = tpu.memref_slice %arg3[%mul3A_2, %dma_start3A_156] : memref<2048x1024xf32, #tpu.memory_space<hbm>> -> memref<64x1024xf32, #tpu.memory_space<hbm>>
      %dma_start3A_158 = arith.constant 0 : i32
      %dma_start3A_159 = tpu.memref_slice %arg3[%mul3A_2, %dma_start3A_158] : memref<2048x1024xf32, #tpu.memory_space<hbm>> -> memref<64x1024xf32, #tpu.memory_space<hbm>>
      tpu.enqueue_dma source(%dma_start3A_159 : memref<64x1024xf32, #tpu.memory_space<hbm>>) target(%arg5 : memref<64x1024xf32, #tpu.memory_space<vmem>>) target_semaphore(%run_scoped3A : memref<!tpu.dma_semaphore, #tpu.memory_space<semaphore_mem>>)
      %dma_wait3A_160 = arith.constant 0 : i32
      %dma_wait3A_161 = tpu.memref_slice %arg3[%mul3A_2, %dma_wait3A_160] : memref<2048x1024xf32, #tpu.memory_space<hbm>> -> memref<64x1024xf32, #tpu.memory_space<hbm>>
      %dma_wait3A_162 = arith.constant 0 : i32
      %dma_wait3A_163 = tpu.memref_slice %arg3[%mul3A_2, %dma_wait3A_162] : memref<2048x1024xf32, #tpu.memory_space<hbm>> -> memref<64x1024xf32, #tpu.memory_space<hbm>>
      tpu.wait_dma2 semaphore(%run_scoped3A : memref<!tpu.dma_semaphore, #tpu.memory_space<semaphore_mem>>) src(%dma_wait3A_163 : memref<64x1024xf32, #tpu.memory_space<hbm>>) dst(%arg5 : memref<64x1024xf32, #tpu.memory_space<vmem>>)
      tpu.yield
    }) : () -> ()
    %add3A_3 = arith.constant 6144 : i32
    %add3A_4 = arith.addi %add3A_3, %mul3A_2 : i32
    %add3A_5 = arith.constant 0 : i32
    %add3A_6 = arith.addi %add3A_4, %add3A_5 : i32
    %dma_start3A = arith.constant 0 : i32
    %dma_start3A_7 = tpu.memref_slice %arg2[%add3A_6, %dma_start3A] : memref<8192x1024xf32, #tpu.memory_space<hbm>> -> memref<16x1024xf32, #tpu.memory_space<hbm>>
    %dma_start3A_8 = arith.constant 0 : i32
    %dma_start3A_9 = tpu.memref_slice %arg2[%add3A_6, %dma_start3A_8] : memref<8192x1024xf32, #tpu.memory_space<hbm>> -> memref<16x1024xf32, #tpu.memory_space<hbm>>
    tpu.enqueue_dma source(%dma_start3A_9 : memref<16x1024xf32, #tpu.memory_space<hbm>>) target(%arg6 : memref<16x1024xf32, #tpu.memory_space<vmem>>) target_semaphore(%arg9 : memref<!tpu.dma_semaphore, #tpu.memory_space<semaphore_mem>>)
    %add3A_10 = arith.constant 6144 : i32
    %add3A_11 = arith.addi %add3A_10, %mul3A_2 : i32
    %add3A_12 = arith.constant 16 : i32
    %add3A_13 = arith.addi %add3A_11, %add3A_12 : i32
    %dma_start3A_14 = arith.constant 0 : i32
    %dma_start3A_15 = tpu.memref_slice %arg2[%add3A_13, %dma_start3A_14] : memref<8192x1024xf32, #tpu.memory_space<hbm>> -> memref<16x1024xf32, #tpu.memory_space<hbm>>
    %dma_start3A_16 = arith.constant 0 : i32
    %dma_start3A_17 = tpu.memref_slice %arg2[%add3A_13, %dma_start3A_16] : memref<8192x1024xf32, #tpu.memory_space<hbm>> -> memref<16x1024xf32, #tpu.memory_space<hbm>>
    tpu.enqueue_dma source(%dma_start3A_17 : memref<16x1024xf32, #tpu.memory_space<hbm>>) target(%arg7 : memref<16x1024xf32, #tpu.memory_space<vmem>>) target_semaphore(%arg10 : memref<!tpu.dma_semaphore, #tpu.memory_space<semaphore_mem>>)
    %add3A_18 = arith.constant 6144 : i32
    %add3A_19 = arith.addi %add3A_18, %mul3A_2 : i32
    %add3A_20 = arith.constant 0 : i32
    %add3A_21 = arith.addi %add3A_19, %add3A_20 : i32
    %dma_wait3A = arith.constant 0 : i32
    %dma_wait3A_22 = tpu.memref_slice %arg2[%add3A_21, %dma_wait3A] : memref<8192x1024xf32, #tpu.memory_space<hbm>> -> memref<16x1024xf32, #tpu.memory_space<hbm>>
    %dma_wait3A_23 = arith.constant 0 : i32
    %dma_wait3A_24 = tpu.memref_slice %arg2[%add3A_21, %dma_wait3A_23] : memref<8192x1024xf32, #tpu.memory_space<hbm>> -> memref<16x1024xf32, #tpu.memory_space<hbm>>
    tpu.wait_dma2 semaphore(%arg9 : memref<!tpu.dma_semaphore, #tpu.memory_space<semaphore_mem>>) src(%dma_wait3A_24 : memref<16x1024xf32, #tpu.memory_space<hbm>>) dst(%arg6 : memref<16x1024xf32, #tpu.memory_space<vmem>>)
    %scan3A = arith.constant 0 : i32
    %scan3A_25 = arith.constant 0 : i32
    %scan3A_26 = arith.constant 16 : i32
    %scan3A_27 = arith.addi %scan3A_25, %scan3A_26 : i32
    %scan3A_28 = arith.constant 1 : i32
    %scan3A_29 = scf.for %scan3A_156 = %scan3A_25 to %scan3A_27 step %scan3A_28 iter_args(%scan3A_157 = %scan3A) -> (i32)  : i32 {
      %get3A = arith.index_cast %scan3A_156 : i32 to index
      %get3A_158 = arith.constant 0 : index
      %get3A_159 = tpu.vector_load %arg6[%get3A, %get3A_158] {strides = array<i32>} : memref<16x1024xf32, #tpu.memory_space<vmem>>, vector<1x16xf32>,
      %get3A_160 = vector.shape_cast %get3A_159 : vector<1x16xf32> to vector<16xf32>
      %add3A_161 = arith.constant 0 : i32
      %add3A_162 = arith.addi %add3A_161, %scan3A_156 : i32
      %get3A_163 = arith.index_cast %add3A_162 : i32 to index
      %get3A_164 = arith.constant 0 : index
      %get3A_165 = tpu.vector_load %arg5[%get3A_163, %get3A_164] {strides = array<i32>} : memref<64x1024xf32, #tpu.memory_space<vmem>>, vector<1x16xf32>,
      %get3A_166 = vector.shape_cast %get3A_165 : vector<1x16xf32> to vector<16xf32>
      %add3A_167 = arith.addf %get3A_160, %get3A_166 : vector<16xf32>
      %swap3A = arith.index_cast %scan3A_156 : i32 to index
      %swap3A_168 = arith.constant 0 : index
      %swap3A_169 = tpu.vector_load %arg6[%swap3A, %swap3A_168] {strides = array<i32>} : memref<16x1024xf32, #tpu.memory_space<vmem>>, vector<1x16xf32>,
      %swap3A_170 = vector.shape_cast %swap3A_169 : vector<1x16xf32> to vector<16xf32>
      %swap3A_171 = vector.shape_cast %add3A_167 : vector<16xf32> to vector<1x16xf32>
      tpu.vector_store %arg6[%swap3A, %swap3A_168], %swap3A_171 {strides = array<i32>} : memref<16x1024xf32, #tpu.memory_space<vmem>>, vector<1x16xf32>,
      %get3A_172 = arith.index_cast %scan3A_156 : i32 to index
      %get3A_173 = arith.constant 16 : index
      %get3A_174 = tpu.vector_load %arg6[%get3A_172, %get3A_173] {strides = array<i32>} : memref<16x1024xf32, #tpu.memory_space<vmem>>, vector<1x16xf32>,
      %get3A_175 = vector.shape_cast %get3A_174 : vector<1x16xf32> to vector<16xf32>
      %add3A_176 = arith.constant 0 : i32
      %add3A_177 = arith.addi %add3A_176, %scan3A_156 : i32
      %get3A_178 = arith.index_cast %add3A_177 : i32 to index
      %get3A_179 = arith.constant 16 : index
      %get3A_180 = tpu.vector_load %arg5[%get3A_178, %get3A_179] {strides = array<i32>} : memref<64x1024xf32, #tpu.memory_space<vmem>>, vector<1x16xf32>,
      %get3A_181 = vector.shape_cast %get3A_180 : vector<1x16xf32> to vector<16xf32>
      %add3A_182 = arith.addf %get3A_175, %get3A_181 : vector<16xf32>
      %swap3A_183 = arith.index_cast %scan3A_156 : i32 to index
      %swap3A_184 = arith.constant 16 : index
      %swap3A_185 = tpu.vector_load %arg6[%swap3A_183, %swap3A_184] {strides = array<i32>} : memref<16x1024xf32, #tpu.memory_space<vmem>>, vector<1x16xf32>,
      %swap3A_186 = vector.shape_cast %swap3A_185 : vector<1x16xf32> to vector<16xf32>
      %swap3A_187 = vector.shape_cast %add3A_182 : vector<16xf32> to vector<1x16xf32>
      tpu.vector_store %arg6[%swap3A_183, %swap3A_184], %swap3A_187 {strides = array<i32>} : memref<16x1024xf32, #tpu.memory_space<vmem>>, vector<1x16xf32>,
      %get3A_188 = arith.index_cast %scan3A_156 : i32 to index
      %get3A_189 = arith.constant 32 : index
      %get3A_190 = tpu.vector_load %arg6[%get3A_188, %get3A_189] {strides = array<i32>} : memref<16x1024xf32, #tpu.memory_space<vmem>>, vector<1x16xf32>,
      %get3A_191 = vector.shape_cast %get3A_190 : vector<1x16xf32> to vector<16xf32>
      %add3A_192 = arith.constant 0 : i32
      %add3A_193 = arith.addi %add3A_192, %scan3A_156 : i32
      %get3A_194 = arith.index_cast %add3A_193 : i32 to index
      %get3A_195 = arith.constant 32 : index
      %get3A_196 = tpu.vector_load %arg5[%get3A_194, %get3A_195] {strides = array<i32>} : memref<64x1024xf32, #tpu.memory_space<vmem>>, vector<1x16xf32>,
      %get3A_197 = vector.shape_cast %get3A_196 : vector<1x16xf32> to vector<16xf32>
      %add3A_198 = arith.addf %get3A_191, %get3A_197 : vector<16xf32>
      %swap3A_199 = arith.index_cast %scan3A_156 : i32 to index
      %swap3A_200 = arith.constant 32 : index
      %swap3A_201 = tpu.vector_load %arg6[%swap3A_199, %swap3A_200] {strides = array<i32>} : memref<16x1024xf32, #tpu.memory_space<vmem>>, vector<1x16xf32>,
      %swap3A_202 = vector.shape_cast %swap3A_201 : vector<1x16xf32> to vector<16xf32>
      %swap3A_203 = vector.shape_cast %add3A_198 : vector<16xf32> to vector<1x16xf32>
      tpu.vector_store %arg6[%swap3A_199, %swap3A_200], %swap3A_203 {strides = array<i32>} : memref<16x1024xf32, #tpu.memory_space<vmem>>, vector<1x16xf32>,
      %get3A_204 = arith.index_cast %scan3A_156 : i32 to index
      %get3A_205 = arith.constant 48 : index
      %get3A_206 = tpu.vector_load %arg6[%get3A_204, %get3A_205] {strides = array<i32>} : memref<16x1024xf32, #tpu.memory_space<vmem>>, vector<1x16xf32>,
      %get3A_207 = vector.shape_cast %get3A_206 : vector<1x16xf32> to vector<16xf32>
      %add3A_208 = arith.constant 0 : i32
      %add3A_209 = arith.addi %add3A_208, %scan3A_156 : i32
      %get3A_210 = arith.index_cast %add3A_209 : i32 to index
      %get3A_211 = arith.constant 48 : index
      %get3A_212 = tpu.vector_load %arg5[%get3A_210, %get3A_211] {strides = array<i32>} : memref<64x1024xf32, #tpu.memory_space<vmem>>, vector<1x16xf32>,
      %get3A_213 = vector.shape_cast %get3A_212 : vector<1x16xf32> to vector<16xf32>
      %add3A_214 = arith.addf %get3A_207, %get3A_213 : vector<16xf32>
      %swap3A_215 = arith.index_cast %scan3A_156 : i32 to index
      %swap3A_216 = arith.constant 48 : index
      %swap3A_217 = tpu.vector_load %arg6[%swap3A_215, %swap3A_216] {strides = array<i32>} : memref<16x1024xf32, #tpu.memory_space<vmem>>, vector<1x16xf32>,
      %swap3A_218 = vector.shape_cast %swap3A_217 : vector<1x16xf32> to vector<16xf32>
      %swap3A_219 = vector.shape_cast %add3A_214 : vector<16xf32> to vector<1x16xf32>
      tpu.vector_store %arg6[%swap3A_215, %swap3A_216], %swap3A_219 {strides = array<i32>} : memref<16x1024xf32, #tpu.memory_space<vmem>>, vector<1x16xf32>,
      %get3A_220 = arith.index_cast %scan3A_156 : i32 to index
      %get3A_221 = arith.constant 64 : index
      %get3A_222 = tpu.vector_load %arg6[%get3A_220, %get3A_221] {strides = array<i32>} : memref<16x1024xf32, #tpu.memory_space<vmem>>, vector<1x16xf32>,
      %get3A_223 = vector.shape_cast %get3A_222 : vector<1x16xf32> to vector<16xf32>
      %add3A_224 = arith.constant 0 : i32
      %add3A_225 = arith.addi %add3A_224, %scan3A_156 : i32
      %get3A_226 = arith.index_cast %add3A_225 : i32 to index
      %get3A_227 = arith.constant 64 : index
      %get3A_228 = tpu.vector_load %arg5[%get3A_226, %get3A_227] {strides = array<i32>} : memref<64x1024xf32, #tpu.memory_space<vmem>>, vector<1x16xf32>,
      %get3A_229 = vector.shape_cast %get3A_228 : vector<1x16xf32> to vector<16xf32>
      %add3A_230 = arith.addf %get3A_223, %get3A_229 : vector<16xf32>
      %swap3A_231 = arith.index_cast %scan3A_156 : i32 to index
      %swap3A_232 = arith.constant 64 : index
      %swap3A_233 = tpu.vector_load %arg6[%swap3A_231, %swap3A_232] {strides = array<i32>} : memref<16x1024xf32, #tpu.memory_space<vmem>>, vector<1x16xf32>,
      %swap3A_234 = vector.shape_cast %swap3A_233 : vector<1x16xf32> to vector<16xf32>
      %swap3A_235 = vector.shape_cast %add3A_230 : vector<16xf32> to vector<1x16xf32>
      tpu.vector_store %arg6[%swap3A_231, %swap3A_232], %swap3A_235 {strides = array<i32>} : memref<16x1024xf32, #tpu.memory_space<vmem>>, vector<1x16xf32>,
      %get3A_236 = arith.index_cast %scan3A_156 : i32 to index
      %get3A_237 = arith.constant 80 : index
      %get3A_238 = tpu.vector_load %arg6[%get3A_236, %get3A_237] {strides = array<i32>} : memref<16x1024xf32, #tpu.memory_space<vmem>>, vector<1x16xf32>,
      %get3A_239 = vector.shape_cast %get3A_238 : vector<1x16xf32> to vector<16xf32>
      %add3A_240 = arith.constant 0 : i32
      %add3A_241 = arith.addi %add3A_240, %scan3A_156 : i32
      %get3A_242 = arith.index_cast %add3A_241 : i32 to index
      %get3A_243 = arith.constant 80 : index
      %get3A_244 = tpu.vector_load %arg5[%get3A_242, %get3A_243] {strides = array<i32>} : memref<64x1024xf32, #tpu.memory_space<vmem>>, vector<1x16xf32>,
      %get3A_245 = vector.shape_cast %get3A_244 : vector<1x16xf32> to vector<16xf32>
      %add3A_246 = arith.addf %get3A_239, %get3A_245 : vector<16xf32>
      %swap3A_247 = arith.index_cast %scan3A_156 : i32 to index
      %swap3A_248 = arith.constant 80 : index
      %swap3A_249 = tpu.vector_load %arg6[%swap3A_247, %swap3A_248] {strides = array<i32>} : memref<16x1024xf32, #tpu.memory_space<vmem>>, vector<1x16xf32>,
      %swap3A_250 = vector.shape_cast %swap3A_249 : vector<1x16xf32> to vector<16xf32>
      %swap3A_251 = vector.shape_cast %add3A_246 : vector<16xf32> to vector<1x16xf32>
      tpu.vector_store %arg6[%swap3A_247, %swap3A_248], %swap3A_251 {strides = array<i32>} : memref<16x1024xf32, #tpu.memory_space<vmem>>, vector<1x16xf32>,
      %get3A_252 = arith.index_cast %scan3A_156 : i32 to index
      %get3A_253 = arith.constant 96 : index
      %get3A_254 = tpu.vector_load %arg6[%get3A_252, %get3A_253] {strides = array<i32>} : memref<16x1024xf32, #tpu.memory_space<vmem>>, vector<1x16xf32>,
      %get3A_255 = vector.shape_cast %get3A_254 : vector<1x16xf32> to vector<16xf32>
      %add3A_256 = arith.constant 0 : i32
      %add3A_257 = arith.addi %add3A_256, %scan3A_156 : i32
      %get3A_258 = arith.index_cast %add3A_257 : i32 to index
      %get3A_259 = arith.constant 96 : index
      %get3A_260 = tpu.vector_load %arg5[%get3A_258, %get3A_259] {strides = array<i32>} : memref<64x1024xf32, #tpu.memory_space<vmem>>, vector<1x16xf32>,
      %get3A_261 = vector.shape_cast %get3A_260 : vector<1x16xf32> to vector<16xf32>
      %add3A_262 = arith.addf %get3A_255, %get3A_261 : vector<16xf32>
      %swap3A_263 = arith.index_cast %scan3A_156 : i32 to index
      %swap3A_264 = arith.constant 96 : index
      %swap3A_265 = tpu.vector_load %arg6[%swap3A_263, %swap3A_264] {strides = array<i32>} : memref<16x1024xf32, #tpu.memory_space<vmem>>, vector<1x16xf32>,
      %swap3A_266 = vector.shape_cast %swap3A_265 : vector<1x16xf32> to vector<16xf32>
      %swap3A_267 = vector.shape_cast %add3A_262 : vector<16xf32> to vector<1x16xf32>
      tpu.vector_store %arg6[%swap3A_263, %swap3A_264], %swap3A_267 {strides = array<i32>} : memref<16x1024xf32, #tpu.memory_space<vmem>>, vector<1x16xf32>,
      %get3A_268 = arith.index_cast %scan3A_156 : i32 to index
      %get3A_269 = arith.constant 112 : index
      %get3A_270 = tpu.vector_load %arg6[%get3A_268, %get3A_269] {strides = array<i32>} : memref<16x1024xf32, #tpu.memory_space<vmem>>, vector<1x16xf32>,
      %get3A_271 = vector.shape_cast %get3A_270 : vector<1x16xf32> to vector<16xf32>
      %add3A_272 = arith.constant 0 : i32
      %add3A_273 = arith.addi %add3A_272, %scan3A_156 : i32
      %get3A_274 = arith.index_cast %add3A_273 : i32 to index
      %get3A_275 = arith.constant 112 : index
      %get3A_276 = tpu.vector_load %arg5[%get3A_274, %get3A_275] {strides = array<i32>} : memref<64x1024xf32, #tpu.memory_space<vmem>>, vector<1x16xf32>,
      %get3A_277 = vector.shape_cast %get3A_276 : vector<1x16xf32> to vector<16xf32>
      %add3A_278 = arith.addf %get3A_271, %get3A_277 : vector<16xf32>
      %swap3A_279 = arith.index_cast %scan3A_156 : i32 to index
      %swap3A_280 = arith.constant 112 : index
      %swap3A_281 = tpu.vector_load %arg6[%swap3A_279, %swap3A_280] {strides = array<i32>} : memref<16x1024xf32, #tpu.memory_space<vmem>>, vector<1x16xf32>,
      %swap3A_282 = vector.shape_cast %swap3A_281 : vector<1x16xf32> to vector<16xf32>
      %swap3A_283 = vector.shape_cast %add3A_278 : vector<16xf32> to vector<1x16xf32>
      tpu.vector_store %arg6[%swap3A_279, %swap3A_280], %swap3A_283 {strides = array<i32>} : memref<16x1024xf32, #tpu.memory_space<vmem>>, vector<1x16xf32>,
      %get3A_284 = arith.index_cast %scan3A_156 : i32 to index
      %get3A_285 = arith.constant 128 : index
      %get3A_286 = tpu.vector_load %arg6[%get3A_284, %get3A_285] {strides = array<i32>} : memref<16x1024xf32, #tpu.memory_space<vmem>>, vector<1x16xf32>,
      %get3A_287 = vector.shape_cast %get3A_286 : vector<1x16xf32> to vector<16xf32>
      %add3A_288 = arith.constant 0 : i32
      %add3A_289 = arith.addi %add3A_288, %scan3A_156 : i32
      %get3A_290 = arith.index_cast %add3A_289 : i32 to index
      %get3A_291 = arith.constant 128 : index
      %get3A_292 = tpu.vector_load %arg5[%get3A_290, %get3A_291] {strides = array<i32>} : memref<64x1024xf32, #tpu.memory_space<vmem>>, vector<1x16xf32>,
      %get3A_293 = vector.shape_cast %get3A_292 : vector<1x16xf32> to vector<16xf32>
      %add3A_294 = arith.addf %get3A_287, %get3A_293 : vector<16xf32>
      %swap3A_295 = arith.index_cast %scan3A_156 : i32 to index
      %swap3A_296 = arith.constant 128 : index
      %swap3A_297 = tpu.vector_load %arg6[%swap3A_295, %swap3A_296] {strides = array<i32>} : memref<16x1024xf32, #tpu.memory_space<vmem>>, vector<1x16xf32>,
      %swap3A_298 = vector.shape_cast %swap3A_297 : vector<1x16xf32> to vector<16xf32>
      %swap3A_299 = vector.shape_cast %add3A_294 : vector<16xf32> to vector<1x16xf32>
      tpu.vector_store %arg6[%swap3A_295, %swap3A_296], %swap3A_299 {strides = array<i32>} : memref<16x1024xf32, #tpu.memory_space<vmem>>, vector<1x16xf32>,
      %get3A_300 = arith.index_cast %scan3A_156 : i32 to index
      %get3A_301 = arith.constant 144 : index
      %get3A_302 = tpu.vector_load %arg6[%get3A_300, %get3A_301] {strides = array<i32>} : memref<16x1024xf32, #tpu.memory_space<vmem>>, vector<1x16xf32>,
      %get3A_303 = vector.shape_cast %get3A_302 : vector<1x16xf32> to vector<16xf32>
      %add3A_304 = arith.constant 0 : i32
      %add3A_305 = arith.addi %add3A_304, %scan3A_156 : i32
      %get3A_306 = arith.index_cast %add3A_305 : i32 to index
      %get3A_307 = arith.constant 144 : index
      %get3A_308 = tpu.vector_load %arg5[%get3A_306, %get3A_307] {strides = array<i32>} : memref<64x1024xf32, #tpu.memory_space<vmem>>, vector<1x16xf32>,
      %get3A_309 = vector.shape_cast %get3A_308 : vector<1x16xf32> to vector<16xf32>
      %add3A_310 = arith.addf %get3A_303, %get3A_309 : vector<16xf32>
      %swap3A_311 = arith.index_cast %scan3A_156 : i32 to index
      %swap3A_312 = arith.constant 144 : index
      %swap3A_313 = tpu.vector_load %arg6[%swap3A_311, %swap3A_312] {strides = array<i32>} : memref<16x1024xf32, #tpu.memory_space<vmem>>, vector<1x16xf32>,
      %swap3A_314 = vector.shape_cast %swap3A_313 : vector<1x16xf32> to vector<16xf32>
      %swap3A_315 = vector.shape_cast %add3A_310 : vector<16xf32> to vector<1x16xf32>
      tpu.vector_store %arg6[%swap3A_311, %swap3A_312], %swap3A_315 {strides = array<i32>} : memref<16x1024xf32, #tpu.memory_space<vmem>>, vector<1x16xf32>,
      %get3A_316 = arith.index_cast %scan3A_156 : i32 to index
      %get3A_317 = arith.constant 160 : index
      %get3A_318 = tpu.vector_load %arg6[%get3A_316, %get3A_317] {strides = array<i32>} : memref<16x1024xf32, #tpu.memory_space<vmem>>, vector<1x16xf32>,
      %get3A_319 = vector.shape_cast %get3A_318 : vector<1x16xf32> to vector<16xf32>
      %add3A_320 = arith.constant 0 : i32
      %add3A_321 = arith.addi %add3A_320, %scan3A_156 : i32
      %get3A_322 = arith.index_cast %add3A_321 : i32 to index
      %get3A_323 = arith.constant 160 : index
      %get3A_324 = tpu.vector_load %arg5[%get3A_322, %get3A_323] {strides = array<i32>} : memref<64x1024xf32, #tpu.memory_space<vmem>>, vector<1x16xf32>,
      %get3A_325 = vector.shape_cast %get3A_324 : vector<1x16xf32> to vector<16xf32>
      %add3A_326 = arith.addf %get3A_319, %get3A_325 : vector<16xf32>
      %swap3A_327 = arith.index_cast %scan3A_156 : i32 to index
      %swap3A_328 = arith.constant 160 : index
      %swap3A_329 = tpu.vector_load %arg6[%swap3A_327, %swap3A_328] {strides = array<i32>} : memref<16x1024xf32, #tpu.memory_space<vmem>>, vector<1x16xf32>,
      %swap3A_330 = vector.shape_cast %swap3A_329 : vector<1x16xf32> to vector<16xf32>
      %swap3A_331 = vector.shape_cast %add3A_326 : vector<16xf32> to vector<1x16xf32>
      tpu.vector_store %arg6[%swap3A_327, %swap3A_328], %swap3A_331 {strides = array<i32>} : memref<16x1024xf32, #tpu.memory_space<vmem>>, vector<1x16xf32>,
      %get3A_332 = arith.index_cast %scan3A_156 : i32 to index
      %get3A_333 = arith.constant 176 : index
      %get3A_334 = tpu.vector_load %arg6[%get3A_332, %get3A_333] {strides = array<i32>} : memref<16x1024xf32, #tpu.memory_space<vmem>>, vector<1x16xf32>,
      %get3A_335 = vector.shape_cast %get3A_334 : vector<1x16xf32> to vector<16xf32>
      %add3A_336 = arith.constant 0 : i32
      %add3A_337 = arith.addi %add3A_336, %scan3A_156 : i32
      %get3A_338 = arith.index_cast %add3A_337 : i32 to index
      %get3A_339 = arith.constant 176 : index
      %get3A_340 = tpu.vector_load %arg5[%get3A_338, %get3A_339] {strides = array<i32>} : memref<64x1024xf32, #tpu.memory_space<vmem>>, vector<1x16xf32>,
      %get3A_341 = vector.shape_cast %get3A_340 : vector<1x16xf32> to vector<16xf32>
      %add3A_342 = arith.addf %get3A_335, %get3A_341 : vector<16xf32>
      %swap3A_343 = arith.index_cast %scan3A_156 : i32 to index
      %swap3A_344 = arith.constant 176 : index
      %swap3A_345 = tpu.vector_load %arg6[%swap3A_343, %swap3A_344] {strides = array<i32>} : memref<16x1024xf32, #tpu.memory_space<vmem>>, vector<1x16xf32>,
      %swap3A_346 = vector.shape_cast %swap3A_345 : vector<1x16xf32> to vector<16xf32>
      %swap3A_347 = vector.shape_cast %add3A_342 : vector<16xf32> to vector<1x16xf32>
      tpu.vector_store %arg6[%swap3A_343, %swap3A_344], %swap3A_347 {strides = array<i32>} : memref<16x1024xf32, #tpu.memory_space<vmem>>, vector<1x16xf32>,
      %get3A_348 = arith.index_cast %scan3A_156 : i32 to index
      %get3A_349 = arith.constant 192 : index
      %get3A_350 = tpu.vector_load %arg6[%get3A_348, %get3A_349] {strides = array<i32>} : memref<16x1024xf32, #tpu.memory_space<vmem>>, vector<1x16xf32>,
      %get3A_351 = vector.shape_cast %get3A_350 : vector<1x16xf32> to vector<16xf32>
      %add3A_352 = arith.constant 0 : i32
      %add3A_353 = arith.addi %add3A_352, %scan3A_156 : i32
      %get3A_354 = arith.index_cast %add3A_353 : i32 to index
      %get3A_355 = arith.constant 192 : index
      %get3A_356 = tpu.vector_load %arg5[%get3A_354, %get3A_355] {strides = array<i32>} : memref<64x1024xf32, #tpu.memory_space<vmem>>, vector<1x16xf32>,
      %get3A_357 = vector.shape_cast %get3A_356 : vector<1x16xf32> to vector<16xf32>
      %add3A_358 = arith.addf %get3A_351, %get3A_357 : vector<16xf32>
      %swap3A_359 = arith.index_cast %scan3A_156 : i32 to index
      %swap3A_360 = arith.constant 192 : index
      %swap3A_361 = tpu.vector_load %arg6[%swap3A_359, %swap3A_360] {strides = array<i32>} : memref<16x1024xf32, #tpu.memory_space<vmem>>, vector<1x16xf32>,
      %swap3A_362 = vector.shape_cast %swap3A_361 : vector<1x16xf32> to vector<16xf32>
      %swap3A_363 = vector.shape_cast %add3A_358 : vector<16xf32> to vector<1x16xf32>
      tpu.vector_store %arg6[%swap3A_359, %swap3A_360], %swap3A_363 {strides = array<i32>} : memref<16x1024xf32, #tpu.memory_space<vmem>>, vector<1x16xf32>,
      %get3A_364 = arith.index_cast %scan3A_156 : i32 to index
      %get3A_365 = arith.constant 208 : index
      %get3A_366 = tpu.vector_load %arg6[%get3A_364, %get3A_365] {strides = array<i32>} : memref<16x1024xf32, #tpu.memory_space<vmem>>, vector<1x16xf32>,
      %get3A_367 = vector.shape_cast %get3A_366 : vector<1x16xf32> to vector<16xf32>
      %add3A_368 = arith.constant 0 : i32
      %add3A_369 = arith.addi %add3A_368, %scan3A_156 : i32
      %get3A_370 = arith.index_cast %add3A_369 : i32 to index
      %get3A_371 = arith.constant 208 : index
      %get3A_372 = tpu.vector_load %arg5[%get3A_370, %get3A_371] {strides = array<i32>} : memref<64x1024xf32, #tpu.memory_space<vmem>>, vector<1x16xf32>,
      %get3A_373 = vector.shape_cast %get3A_372 : vector<1x16xf32> to vector<16xf32>
      %add3A_374 = arith.addf %get3A_367, %get3A_373 : vector<16xf32>
      %swap3A_375 = arith.index_cast %scan3A_156 : i32 to index
      %swap3A_376 = arith.constant 208 : index
      %swap3A_377 = tpu.vector_load %arg6[%swap3A_375, %swap3A_376] {strides = array<i32>} : memref<16x1024xf32, #tpu.memory_space<vmem>>, vector<1x16xf32>,
      %swap3A_378 = vector.shape_cast %swap3A_377 : vector<1x16xf32> to vector<16xf32>
      %swap3A_379 = vector.shape_cast %add3A_374 : vector<16xf32> to vector<1x16xf32>
      tpu.vector_store %arg6[%swap3A_375, %swap3A_376], %swap3A_379 {strides = array<i32>} : memref<16x1024xf32, #tpu.memory_space<vmem>>, vector<1x16xf32>,
      %get3A_380 = arith.index_cast %scan3A_156 : i32 to index
      %get3A_381 = arith.constant 224 : index
      %get3A_382 = tpu.vector_load %arg6[%get3A_380, %get3A_381] {strides = array<i32>} : memref<16x1024xf32, #tpu.memory_space<vmem>>, vector<1x16xf32>,
      %get3A_383 = vector.shape_cast %get3A_382 : vector<1x16xf32> to vector<16xf32>
      %add3A_384 = arith.constant 0 : i32
      %add3A_385 = arith.addi %add3A_384, %scan3A_156 : i32
      %get3A_386 = arith.index_cast %add3A_385 : i32 to index
      %get3A_387 = arith.constant 224 : index
      %get3A_388 = tpu.vector_load %arg5[%get3A_386, %get3A_387] {strides = array<i32>} : memref<64x1024xf32, #tpu.memory_space<vmem>>, vector<1x16xf32>,
      %get3A_389 = vector.shape_cast %get3A_388 : vector<1x16xf32> to vector<16xf32>
      %add3A_390 = arith.addf %get3A_383, %get3A_389 : vector<16xf32>
      %swap3A_391 = arith.index_cast %scan3A_156 : i32 to index
      %swap3A_392 = arith.constant 224 : index
      %swap3A_393 = tpu.vector_load %arg6[%swap3A_391, %swap3A_392] {strides = array<i32>} : memref<16x1024xf32, #tpu.memory_space<vmem>>, vector<1x16xf32>,
      %swap3A_394 = vector.shape_cast %swap3A_393 : vector<1x16xf32> to vector<16xf32>
      %swap3A_395 = vector.shape_cast %add3A_390 : vector<16xf32> to vector<1x16xf32>
      tpu.vector_store %arg6[%swap3A_391, %swap3A_392], %swap3A_395 {strides = array<i32>} : memref<16x1024xf32, #tpu.memory_space<vmem>>, vector<1x16xf32>,
      %get3A_396 = arith.index_cast %scan3A_156 : i32 to index
      %get3A_397 = arith.constant 240 : index
      %get3A_398 = tpu.vector_load %arg6[%get3A_396, %get3A_397] {strides = array<i32>} : memref<16x1024xf32, #tpu.memory_space<vmem>>, vector<1x16xf32>,
      %get3A_399 = vector.shape_cast %get3A_398 : vector<1x16xf32> to vector<16xf32>
      %add3A_400 = arith.constant 0 : i32
      %add3A_401 = arith.addi %add3A_400, %scan3A_156 : i32
      %get3A_402 = arith.index_cast %add3A_401 : i32 to index
      %get3A_403 = arith.constant 240 : index
      %get3A_404 = tpu.vector_load %arg5[%get3A_402, %get3A_403] {strides = array<i32>} : memref<64x1024xf32, #tpu.memory_space<vmem>>, vector<1x16xf32>,
      %get3A_405 = vector.shape_cast %get3A_404 : vector<1x16xf32> to vector<16xf32>
      %add3A_406 = arith.addf %get3A_399, %get3A_405 : vector<16xf32>
      %swap3A_407 = arith.index_cast %scan3A_156 : i32 to index
      %swap3A_408 = arith.constant 240 : index
      %swap3A_409 = tpu.vector_load %arg6[%swap3A_407, %swap3A_408] {strides = array<i32>} : memref<16x1024xf32, #tpu.memory_space<vmem>>, vector<1x16xf32>,
      %swap3A_410 = vector.shape_cast %swap3A_409 : vector<1x16xf32> to vector<16xf32>
      %swap3A_411 = vector.shape_cast %add3A_406 : vector<16xf32> to vector<1x16xf32>
      tpu.vector_store %arg6[%swap3A_407, %swap3A_408], %swap3A_411 {strides = array<i32>} : memref<16x1024xf32, #tpu.memory_space<vmem>>, vector<1x16xf32>,
      %get3A_412 = arith.index_cast %scan3A_156 : i32 to index
      %get3A_413 = arith.constant 256 : index
      %get3A_414 = tpu.vector_load %arg6[%get3A_412, %get3A_413] {strides = array<i32>} : memref<16x1024xf32, #tpu.memory_space<vmem>>, vector<1x16xf32>,
      %get3A_415 = vector.shape_cast %get3A_414 : vector<1x16xf32> to vector<16xf32>
      %add3A_416 = arith.constant 0 : i32
      %add3A_417 = arith.addi %add3A_416, %scan3A_156 : i32
      %get3A_418 = arith.index_cast %add3A_417 : i32 to index
      %get3A_419 = arith.constant 256 : index
      %get3A_420 = tpu.vector_load %arg5[%get3A_418, %get3A_419] {strides = array<i32>} : memref<64x1024xf32, #tpu.memory_space<vmem>>, vector<1x16xf32>,
      %get3A_421 = vector.shape_cast %get3A_420 : vector<1x16xf32> to vector<16xf32>
      %add3A_422 = arith.addf %get3A_415, %get3A_421 : vector<16xf32>
      %swap3A_423 = arith.index_cast %scan3A_156 : i32 to index
      %swap3A_424 = arith.constant 256 : index
      %swap3A_425 = tpu.vector_load %arg6[%swap3A_423, %swap3A_424] {strides = array<i32>} : memref<16x1024xf32, #tpu.memory_space<vmem>>, vector<1x16xf32>,
      %swap3A_426 = vector.shape_cast %swap3A_425 : vector<1x16xf32> to vector<16xf32>
      %swap3A_427 = vector.shape_cast %add3A_422 : vector<16xf32> to vector<1x16xf32>
      tpu.vector_store %arg6[%swap3A_423, %swap3A_424], %swap3A_427 {strides = array<i32>} : memref<16x1024xf32, #tpu.memory_space<vmem>>, vector<1x16xf32>,
      %get3A_428 = arith.index_cast %scan3A_156 : i32 to index
      %get3A_429 = arith.constant 272 : index
      %get3A_430 = tpu.vector_load %arg6[%get3A_428, %get3A_429] {strides = array<i32>} : memref<16x1024xf32, #tpu.memory_space<vmem>>, vector<1x16xf32>,
      %get3A_431 = vector.shape_cast %get3A_430 : vector<1x16xf32> to vector<16xf32>
      %add3A_432 = arith.constant 0 : i32
      %add3A_433 = arith.addi %add3A_432, %scan3A_156 : i32
      %get3A_434 = arith.index_cast %add3A_433 : i32 to index
      %get3A_435 = arith.constant 272 : index
      %get3A_436 = tpu.vector_load %arg5[%get3A_434, %get3A_435] {strides = array<i32>} : memref<64x1024xf32, #tpu.memory_space<vmem>>, vector<1x16xf32>,
      %get3A_437 = vector.shape_cast %get3A_436 : vector<1x16xf32> to vector<16xf32>
      %add3A_438 = arith.addf %get3A_431, %get3A_437 : vector<16xf32>
      %swap3A_439 = arith.index_cast %scan3A_156 : i32 to index
      %swap3A_440 = arith.constant 272 : index
      %swap3A_441 = tpu.vector_load %arg6[%swap3A_439, %swap3A_440] {strides = array<i32>} : memref<16x1024xf32, #tpu.memory_space<vmem>>, vector<1x16xf32>,
      %swap3A_442 = vector.shape_cast %swap3A_441 : vector<1x16xf32> to vector<16xf32>
      %swap3A_443 = vector.shape_cast %add3A_438 : vector<16xf32> to vector<1x16xf32>
      tpu.vector_store %arg6[%swap3A_439, %swap3A_440], %swap3A_443 {strides = array<i32>} : memref<16x1024xf32, #tpu.memory_space<vmem>>, vector<1x16xf32>,
      %get3A_444 = arith.index_cast %scan3A_156 : i32 to index
      %get3A_445 = arith.constant 288 : index
      %get3A_446 = tpu.vector_load %arg6[%get3A_444, %get3A_445] {strides = array<i32>} : memref<16x1024xf32, #tpu.memory_space<vmem>>, vector<1x16xf32>,
      %get3A_447 = vector.shape_cast %get3A_446 : vector<1x16xf32> to vector<16xf32>
      %add3A_448 = arith.constant 0 : i32
      %add3A_449 = arith.addi %add3A_448, %scan3A_156 : i32
      %get3A_450 = arith.index_cast %add3A_449 : i32 to index
      %get3A_451 = arith.constant 288 : index
      %get3A_452 = tpu.vector_load %arg5[%get3A_450, %get3A_451] {strides = array<i32>} : memref<64x1024xf32, #tpu.memory_space<vmem>>, vector<1x16xf32>,
      %get3A_453 = vector.shape_cast %get3A_452 : vector<1x16xf32> to vector<16xf32>
      %add3A_454 = arith.addf %get3A_447, %get3A_453 : vector<16xf32>
      %swap3A_455 = arith.index_cast %scan3A_156 : i32 to index
      %swap3A_456 = arith.constant 288 : index
      %swap3A_457 = tpu.vector_load %arg6[%swap3A_455, %swap3A_456] {strides = array<i32>} : memref<16x1024xf32, #tpu.memory_space<vmem>>, vector<1x16xf32>,
      %swap3A_458 = vector.shape_cast %swap3A_457 : vector<1x16xf32> to vector<16xf32>
      %swap3A_459 = vector.shape_cast %add3A_454 : vector<16xf32> to vector<1x16xf32>
      tpu.vector_store %arg6[%swap3A_455, %swap3A_456], %swap3A_459 {strides = array<i32>} : memref<16x1024xf32, #tpu.memory_space<vmem>>, vector<1x16xf32>,
      %get3A_460 = arith.index_cast %scan3A_156 : i32 to index
      %get3A_461 = arith.constant 304 : index
      %get3A_462 = tpu.vector_load %arg6[%get3A_460, %get3A_461] {strides = array<i32>} : memref<16x1024xf32, #tpu.memory_space<vmem>>, vector<1x16xf32>,
      %get3A_463 = vector.shape_cast %get3A_462 : vector<1x16xf32> to vector<16xf32>
      %add3A_464 = arith.constant 0 : i32
      %add3A_465 = arith.addi %add3A_464, %scan3A_156 : i32
      %get3A_466 = arith.index_cast %add3A_465 : i32 to index
      %get3A_467 = arith.constant 304 : index
      %get3A_468 = tpu.vector_load %arg5[%get3A_466, %get3A_467] {strides = array<i32>} : memref<64x1024xf32, #tpu.memory_space<vmem>>, vector<1x16xf32>,
      %get3A_469 = vector.shape_cast %get3A_468 : vector<1x16xf32> to vector<16xf32>
      %add3A_470 = arith.addf %get3A_463, %get3A_469 : vector<16xf32>
      %swap3A_471 = arith.index_cast %scan3A_156 : i32 to index
      %swap3A_472 = arith.constant 304 : index
      %swap3A_473 = tpu.vector_load %arg6[%swap3A_471, %swap3A_472] {strides = array<i32>} : memref<16x1024xf32, #tpu.memory_space<vmem>>, vector<1x16xf32>,
      %swap3A_474 = vector.shape_cast %swap3A_473 : vector<1x16xf32> to vector<16xf32>
      %swap3A_475 = vector.shape_cast %add3A_470 : vector<16xf32> to vector<1x16xf32>
      tpu.vector_store %arg6[%swap3A_471, %swap3A_472], %swap3A_475 {strides = array<i32>} : memref<16x1024xf32, #tpu.memory_space<vmem>>, vector<1x16xf32>,
      %get3A_476 = arith.index_cast %scan3A_156 : i32 to index
      %get3A_477 = arith.constant 320 : index
      %get3A_478 = tpu.vector_load %arg6[%get3A_476, %get3A_477] {strides = array<i32>} : memref<16x1024xf32, #tpu.memory_space<vmem>>, vector<1x16xf32>,
      %get3A_479 = vector.shape_cast %get3A_478 : vector<1x16xf32> to vector<16xf32>
      %add3A_480 = arith.constant 0 : i32
      %add3A_481 = arith.addi %add3A_480, %scan3A_156 : i32
      %get3A_482 = arith.index_cast %add3A_481 : i32 to index
      %get3A_483 = arith.constant 320 : index
      %get3A_484 = tpu.vector_load %arg5[%get3A_482, %get3A_483] {strides = array<i32>} : memref<64x1024xf32, #tpu.memory_space<vmem>>, vector<1x16xf32>,
      %get3A_485 = vector.shape_cast %get3A_484 : vector<1x16xf32> to vector<16xf32>
      %add3A_486 = arith.addf %get3A_479, %get3A_485 : vector<16xf32>
      %swap3A_487 = arith.index_cast %scan3A_156 : i32 to index
      %swap3A_488 = arith.constant 320 : index
      %swap3A_489 = tpu.vector_load %arg6[%swap3A_487, %swap3A_488] {strides = array<i32>} : memref<16x1024xf32, #tpu.memory_space<vmem>>, vector<1x16xf32>,
      %swap3A_490 = vector.shape_cast %swap3A_489 : vector<1x16xf32> to vector<16xf32>
      %swap3A_491 = vector.shape_cast %add3A_486 : vector<16xf32> to vector<1x16xf32>
      tpu.vector_store %arg6[%swap3A_487, %swap3A_488], %swap3A_491 {strides = array<i32>} : memref<16x1024xf32, #tpu.memory_space<vmem>>, vector<1x16xf32>,
      %get3A_492 = arith.index_cast %scan3A_156 : i32 to index
      %get3A_493 = arith.constant 336 : index
      %get3A_494 = tpu.vector_load %arg6[%get3A_492, %get3A_493] {strides = array<i32>} : memref<16x1024xf32, #tpu.memory_space<vmem>>, vector<1x16xf32>,
      %get3A_495 = vector.shape_cast %get3A_494 : vector<1x16xf32> to vector<16xf32>
      %add3A_496 = arith.constant 0 : i32
      %add3A_497 = arith.addi %add3A_496, %scan3A_156 : i32
      %get3A_498 = arith.index_cast %add3A_497 : i32 to index
      %get3A_499 = arith.constant 336 : index
      %get3A_500 = tpu.vector_load %arg5[%get3A_498, %get3A_499] {strides = array<i32>} : memref<64x1024xf32, #tpu.memory_space<vmem>>, vector<1x16xf32>,
      %get3A_501 = vector.shape_cast %get3A_500 : vector<1x16xf32> to vector<16xf32>
      %add3A_502 = arith.addf %get3A_495, %get3A_501 : vector<16xf32>
      %swap3A_503 = arith.index_cast %scan3A_156 : i32 to index
      %swap3A_504 = arith.constant 336 : index
      %swap3A_505 = tpu.vector_load %arg6[%swap3A_503, %swap3A_504] {strides = array<i32>} : memref<16x1024xf32, #tpu.memory_space<vmem>>, vector<1x16xf32>,
      %swap3A_506 = vector.shape_cast %swap3A_505 : vector<1x16xf32> to vector<16xf32>
      %swap3A_507 = vector.shape_cast %add3A_502 : vector<16xf32> to vector<1x16xf32>
      tpu.vector_store %arg6[%swap3A_503, %swap3A_504], %swap3A_507 {strides = array<i32>} : memref<16x1024xf32, #tpu.memory_space<vmem>>, vector<1x16xf32>,
      %get3A_508 = arith.index_cast %scan3A_156 : i32 to index
      %get3A_509 = arith.constant 352 : index
      %get3A_510 = tpu.vector_load %arg6[%get3A_508, %get3A_509] {strides = array<i32>} : memref<16x1024xf32, #tpu.memory_space<vmem>>, vector<1x16xf32>,
      %get3A_511 = vector.shape_cast %get3A_510 : vector<1x16xf32> to vector<16xf32>
      %add3A_512 = arith.constant 0 : i32
      %add3A_513 = arith.addi %add3A_512, %scan3A_156 : i32
      %get3A_514 = arith.index_cast %add3A_513 : i32 to index
      %get3A_515 = arith.constant 352 : index
      %get3A_516 = tpu.vector_load %arg5[%get3A_514, %get3A_515] {strides = array<i32>} : memref<64x1024xf32, #tpu.memory_space<vmem>>, vector<1x16xf32>,
      %get3A_517 = vector.shape_cast %get3A_516 : vector<1x16xf32> to vector<16xf32>
      %add3A_518 = arith.addf %get3A_511, %get3A_517 : vector<16xf32>
      %swap3A_519 = arith.index_cast %scan3A_156 : i32 to index
      %swap3A_520 = arith.constant 352 : index
      %swap3A_521 = tpu.vector_load %arg6[%swap3A_519, %swap3A_520] {strides = array<i32>} : memref<16x1024xf32, #tpu.memory_space<vmem>>, vector<1x16xf32>,
      %swap3A_522 = vector.shape_cast %swap3A_521 : vector<1x16xf32> to vector<16xf32>
      %swap3A_523 = vector.shape_cast %add3A_518 : vector<16xf32> to vector<1x16xf32>
      tpu.vector_store %arg6[%swap3A_519, %swap3A_520], %swap3A_523 {strides = array<i32>} : memref<16x1024xf32, #tpu.memory_space<vmem>>, vector<1x16xf32>,
      %get3A_524 = arith.index_cast %scan3A_156 : i32 to index
      %get3A_525 = arith.constant 368 : index
      %get3A_526 = tpu.vector_load %arg6[%get3A_524, %get3A_525] {strides = array<i32>} : memref<16x1024xf32, #tpu.memory_space<vmem>>, vector<1x16xf32>,
      %get3A_527 = vector.shape_cast %get3A_526 : vector<1x16xf32> to vector<16xf32>
      %add3A_528 = arith.constant 0 : i32
      %add3A_529 = arith.addi %add3A_528, %scan3A_156 : i32
      %get3A_530 = arith.index_cast %add3A_529 : i32 to index
      %get3A_531 = arith.constant 368 : index
      %get3A_532 = tpu.vector_load %arg5[%get3A_530, %get3A_531] {strides = array<i32>} : memref<64x1024xf32, #tpu.memory_space<vmem>>, vector<1x16xf32>,
      %get3A_533 = vector.shape_cast %get3A_532 : vector<1x16xf32> to vector<16xf32>
      %add3A_534 = arith.addf %get3A_527, %get3A_533 : vector<16xf32>
      %swap3A_535 = arith.index_cast %scan3A_156 : i32 to index
      %swap3A_536 = arith.constant 368 : index
      %swap3A_537 = tpu.vector_load %arg6[%swap3A_535, %swap3A_536] {strides = array<i32>} : memref<16x1024xf32, #tpu.memory_space<vmem>>, vector<1x16xf32>,
      %swap3A_538 = vector.shape_cast %swap3A_537 : vector<1x16xf32> to vector<16xf32>
      %swap3A_539 = vector.shape_cast %add3A_534 : vector<16xf32> to vector<1x16xf32>
      tpu.vector_store %arg6[%swap3A_535, %swap3A_536], %swap3A_539 {strides = array<i32>} : memref<16x1024xf32, #tpu.memory_space<vmem>>, vector<1x16xf32>,
      %get3A_540 = arith.index_cast %scan3A_156 : i32 to index
      %get3A_541 = arith.constant 384 : index
      %get3A_542 = tpu.vector_load %arg6[%get3A_540, %get3A_541] {strides = array<i32>} : memref<16x1024xf32, #tpu.memory_space<vmem>>, vector<1x16xf32>,
      %get3A_543 = vector.shape_cast %get3A_542 : vector<1x16xf32> to vector<16xf32>
      %add3A_544 = arith.constant 0 : i32
      %add3A_545 = arith.addi %add3A_544, %scan3A_156 : i32
      %get3A_546 = arith.index_cast %add3A_545 : i32 to index
      %get3A_547 = arith.constant 384 : index
      %get3A_548 = tpu.vector_load %arg5[%get3A_546, %get3A_547] {strides = array<i32>} : memref<64x1024xf32, #tpu.memory_space<vmem>>, vector<1x16xf32>,
      %get3A_549 = vector.shape_cast %get3A_548 : vector<1x16xf32> to vector<16xf32>
      %add3A_550 = arith.addf %get3A_543, %get3A_549 : vector<16xf32>
      %swap3A_551 = arith.index_cast %scan3A_156 : i32 to index
      %swap3A_552 = arith.constant 384 : index
      %swap3A_553 = tpu.vector_load %arg6[%swap3A_551, %swap3A_552] {strides = array<i32>} : memref<16x1024xf32, #tpu.memory_space<vmem>>, vector<1x16xf32>,
      %swap3A_554 = vector.shape_cast %swap3A_553 : vector<1x16xf32> to vector<16xf32>
      %swap3A_555 = vector.shape_cast %add3A_550 : vector<16xf32> to vector<1x16xf32>
      tpu.vector_store %arg6[%swap3A_551, %swap3A_552], %swap3A_555 {strides = array<i32>} : memref<16x1024xf32, #tpu.memory_space<vmem>>, vector<1x16xf32>,
      %get3A_556 = arith.index_cast %scan3A_156 : i32 to index
      %get3A_557 = arith.constant 400 : index
      %get3A_558 = tpu.vector_load %arg6[%get3A_556, %get3A_557] {strides = array<i32>} : memref<16x1024xf32, #tpu.memory_space<vmem>>, vector<1x16xf32>,
      %get3A_559 = vector.shape_cast %get3A_558 : vector<1x16xf32> to vector<16xf32>
      %add3A_560 = arith.constant 0 : i32
      %add3A_561 = arith.addi %add3A_560, %scan3A_156 : i32
      %get3A_562 = arith.index_cast %add3A_561 : i32 to index
      %get3A_563 = arith.constant 400 : index
      %get3A_564 = tpu.vector_load %arg5[%get3A_562, %get3A_563] {strides = array<i32>} : memref<64x1024xf32, #tpu.memory_space<vmem>>, vector<1x16xf32>,
      %get3A_565 = vector.shape_cast %get3A_564 : vector<1x16xf32> to vector<16xf32>
      %add3A_566 = arith.addf %get3A_559, %get3A_565 : vector<16xf32>
      %swap3A_567 = arith.index_cast %scan3A_156 : i32 to index
      %swap3A_568 = arith.constant 400 : index
      %swap3A_569 = tpu.vector_load %arg6[%swap3A_567, %swap3A_568] {strides = array<i32>} : memref<16x1024xf32, #tpu.memory_space<vmem>>, vector<1x16xf32>,
      %swap3A_570 = vector.shape_cast %swap3A_569 : vector<1x16xf32> to vector<16xf32>
      %swap3A_571 = vector.shape_cast %add3A_566 : vector<16xf32> to vector<1x16xf32>
      tpu.vector_store %arg6[%swap3A_567, %swap3A_568], %swap3A_571 {strides = array<i32>} : memref<16x1024xf32, #tpu.memory_space<vmem>>, vector<1x16xf32>,
      %get3A_572 = arith.index_cast %scan3A_156 : i32 to index
      %get3A_573 = arith.constant 416 : index
      %get3A_574 = tpu.vector_load %arg6[%get3A_572, %get3A_573] {strides = array<i32>} : memref<16x1024xf32, #tpu.memory_space<vmem>>, vector<1x16xf32>,
      %get3A_575 = vector.shape_cast %get3A_574 : vector<1x16xf32> to vector<16xf32>
      %add3A_576 = arith.constant 0 : i32
      %add3A_577 = arith.addi %add3A_576, %scan3A_156 : i32
      %get3A_578 = arith.index_cast %add3A_577 : i32 to index
      %get3A_579 = arith.constant 416 : index
      %get3A_580 = tpu.vector_load %arg5[%get3A_578, %get3A_579] {strides = array<i32>} : memref<64x1024xf32, #tpu.memory_space<vmem>>, vector<1x16xf32>,
      %get3A_581 = vector.shape_cast %get3A_580 : vector<1x16xf32> to vector<16xf32>
      %add3A_582 = arith.addf %get3A_575, %get3A_581 : vector<16xf32>
      %swap3A_583 = arith.index_cast %scan3A_156 : i32 to index
      %swap3A_584 = arith.constant 416 : index
      %swap3A_585 = tpu.vector_load %arg6[%swap3A_583, %swap3A_584] {strides = array<i32>} : memref<16x1024xf32, #tpu.memory_space<vmem>>, vector<1x16xf32>,
      %swap3A_586 = vector.shape_cast %swap3A_585 : vector<1x16xf32> to vector<16xf32>
      %swap3A_587 = vector.shape_cast %add3A_582 : vector<16xf32> to vector<1x16xf32>
      tpu.vector_store %arg6[%swap3A_583, %swap3A_584], %swap3A_587 {strides = array<i32>} : memref<16x1024xf32, #tpu.memory_space<vmem>>, vector<1x16xf32>,
      %get3A_588 = arith.index_cast %scan3A_156 : i32 to index
      %get3A_589 = arith.constant 432 : index
      %get3A_590 = tpu.vector_load %arg6[%get3A_588, %get3A_589] {strides = array<i32>} : memref<16x1024xf32, #tpu.memory_space<vmem>>, vector<1x16xf32>,
      %get3A_591 = vector.shape_cast %get3A_590 : vector<1x16xf32> to vector<16xf32>
      %add3A_592 = arith.constant 0 : i32
      %add3A_593 = arith.addi %add3A_592, %scan3A_156 : i32
      %get3A_594 = arith.index_cast %add3A_593 : i32 to index
      %get3A_595 = arith.constant 432 : index
      %get3A_596 = tpu.vector_load %arg5[%get3A_594, %get3A_595] {strides = array<i32>} : memref<64x1024xf32, #tpu.memory_space<vmem>>, vector<1x16xf32>,
      %get3A_597 = vector.shape_cast %get3A_596 : vector<1x16xf32> to vector<16xf32>
      %add3A_598 = arith.addf %get3A_591, %get3A_597 : vector<16xf32>
      %swap3A_599 = arith.index_cast %scan3A_156 : i32 to index
      %swap3A_600 = arith.constant 432 : index
      %swap3A_601 = tpu.vector_load %arg6[%swap3A_599, %swap3A_600] {strides = array<i32>} : memref<16x1024xf32, #tpu.memory_space<vmem>>, vector<1x16xf32>,
      %swap3A_602 = vector.shape_cast %swap3A_601 : vector<1x16xf32> to vector<16xf32>
      %swap3A_603 = vector.shape_cast %add3A_598 : vector<16xf32> to vector<1x16xf32>
      tpu.vector_store %arg6[%swap3A_599, %swap3A_600], %swap3A_603 {strides = array<i32>} : memref<16x1024xf32, #tpu.memory_space<vmem>>, vector<1x16xf32>,
      %get3A_604 = arith.index_cast %scan3A_156 : i32 to index
      %get3A_605 = arith.constant 448 : index
      %get3A_606 = tpu.vector_load %arg6[%get3A_604, %get3A_605] {strides = array<i32>} : memref<16x1024xf32, #tpu.memory_space<vmem>>, vector<1x16xf32>,
      %get3A_607 = vector.shape_cast %get3A_606 : vector<1x16xf32> to vector<16xf32>
      %add3A_608 = arith.constant 0 : i32
      %add3A_609 = arith.addi %add3A_608, %scan3A_156 : i32
      %get3A_610 = arith.index_cast %add3A_609 : i32 to index
      %get3A_611 = arith.constant 448 : index
      %get3A_612 = tpu.vector_load %arg5[%get3A_610, %get3A_611] {strides = array<i32>} : memref<64x1024xf32, #tpu.memory_space<vmem>>, vector<1x16xf32>,
      %get3A_613 = vector.shape_cast %get3A_612 : vector<1x16xf32> to vector<16xf32>
      %add3A_614 = arith.addf %get3A_607, %get3A_613 : vector<16xf32>
      %swap3A_615 = arith.index_cast %scan3A_156 : i32 to index
      %swap3A_616 = arith.constant 448 : index
      %swap3A_617 = tpu.vector_load %arg6[%swap3A_615, %swap3A_616] {strides = array<i32>} : memref<16x1024xf32, #tpu.memory_space<vmem>>, vector<1x16xf32>,
      %swap3A_618 = vector.shape_cast %swap3A_617 : vector<1x16xf32> to vector<16xf32>
      %swap3A_619 = vector.shape_cast %add3A_614 : vector<16xf32> to vector<1x16xf32>
      tpu.vector_store %arg6[%swap3A_615, %swap3A_616], %swap3A_619 {strides = array<i32>} : memref<16x1024xf32, #tpu.memory_space<vmem>>, vector<1x16xf32>,
      %get3A_620 = arith.index_cast %scan3A_156 : i32 to index
      %get3A_621 = arith.constant 464 : index
      %get3A_622 = tpu.vector_load %arg6[%get3A_620, %get3A_621] {strides = array<i32>} : memref<16x1024xf32, #tpu.memory_space<vmem>>, vector<1x16xf32>,
      %get3A_623 = vector.shape_cast %get3A_622 : vector<1x16xf32> to vector<16xf32>
      %add3A_624 = arith.constant 0 : i32
      %add3A_625 = arith.addi %add3A_624, %scan3A_156 : i32
      %get3A_626 = arith.index_cast %add3A_625 : i32 to index
      %get3A_627 = arith.constant 464 : index
      %get3A_628 = tpu.vector_load %arg5[%get3A_626, %get3A_627] {strides = array<i32>} : memref<64x1024xf32, #tpu.memory_space<vmem>>, vector<1x16xf32>,
      %get3A_629 = vector.shape_cast %get3A_628 : vector<1x16xf32> to vector<16xf32>
      %add3A_630 = arith.addf %get3A_623, %get3A_629 : vector<16xf32>
      %swap3A_631 = arith.index_cast %scan3A_156 : i32 to index
      %swap3A_632 = arith.constant 464 : index
      %swap3A_633 = tpu.vector_load %arg6[%swap3A_631, %swap3A_632] {strides = array<i32>} : memref<16x1024xf32, #tpu.memory_space<vmem>>, vector<1x16xf32>,
      %swap3A_634 = vector.shape_cast %swap3A_633 : vector<1x16xf32> to vector<16xf32>
      %swap3A_635 = vector.shape_cast %add3A_630 : vector<16xf32> to vector<1x16xf32>
      tpu.vector_store %arg6[%swap3A_631, %swap3A_632], %swap3A_635 {strides = array<i32>} : memref<16x1024xf32, #tpu.memory_space<vmem>>, vector<1x16xf32>,
      %get3A_636 = arith.index_cast %scan3A_156 : i32 to index
      %get3A_637 = arith.constant 480 : index
      %get3A_638 = tpu.vector_load %arg6[%get3A_636, %get3A_637] {strides = array<i32>} : memref<16x1024xf32, #tpu.memory_space<vmem>>, vector<1x16xf32>,
      %get3A_639 = vector.shape_cast %get3A_638 : vector<1x16xf32> to vector<16xf32>
      %add3A_640 = arith.constant 0 : i32
      %add3A_641 = arith.addi %add3A_640, %scan3A_156 : i32
      %get3A_642 = arith.index_cast %add3A_641 : i32 to index
      %get3A_643 = arith.constant 480 : index
      %get3A_644 = tpu.vector_load %arg5[%get3A_642, %get3A_643] {strides = array<i32>} : memref<64x1024xf32, #tpu.memory_space<vmem>>, vector<1x16xf32>,
      %get3A_645 = vector.shape_cast %get3A_644 : vector<1x16xf32> to vector<16xf32>
      %add3A_646 = arith.addf %get3A_639, %get3A_645 : vector<16xf32>
      %swap3A_647 = arith.index_cast %scan3A_156 : i32 to index
      %swap3A_648 = arith.constant 480 : index
      %swap3A_649 = tpu.vector_load %arg6[%swap3A_647, %swap3A_648] {strides = array<i32>} : memref<16x1024xf32, #tpu.memory_space<vmem>>, vector<1x16xf32>,
      %swap3A_650 = vector.shape_cast %swap3A_649 : vector<1x16xf32> to vector<16xf32>
      %swap3A_651 = vector.shape_cast %add3A_646 : vector<16xf32> to vector<1x16xf32>
      tpu.vector_store %arg6[%swap3A_647, %swap3A_648], %swap3A_651 {strides = array<i32>} : memref<16x1024xf32, #tpu.memory_space<vmem>>, vector<1x16xf32>,
      %get3A_652 = arith.index_cast %scan3A_156 : i32 to index
      %get3A_653 = arith.constant 496 : index
      %get3A_654 = tpu.vector_load %arg6[%get3A_652, %get3A_653] {strides = array<i32>} : memref<16x1024xf32, #tpu.memory_space<vmem>>, vector<1x16xf32>,
      %get3A_655 = vector.shape_cast %get3A_654 : vector<1x16xf32> to vector<16xf32>
      %add3A_656 = arith.constant 0 : i32
      %add3A_657 = arith.addi %add3A_656, %scan3A_156 : i32
      %get3A_658 = arith.index_cast %add3A_657 : i32 to index
      %get3A_659 = arith.constant 496 : index
      %get3A_660 = tpu.vector_load %arg5[%get3A_658, %get3A_659] {strides = array<i32>} : memref<64x1024xf32, #tpu.memory_space<vmem>>, vector<1x16xf32>,
      %get3A_661 = vector.shape_cast %get3A_660 : vector<1x16xf32> to vector<16xf32>
      %add3A_662 = arith.addf %get3A_655, %get3A_661 : vector<16xf32>
      %swap3A_663 = arith.index_cast %scan3A_156 : i32 to index
      %swap3A_664 = arith.constant 496 : index
      %swap3A_665 = tpu.vector_load %arg6[%swap3A_663, %swap3A_664] {strides = array<i32>} : memref<16x1024xf32, #tpu.memory_space<vmem>>, vector<1x16xf32>,
      %swap3A_666 = vector.shape_cast %swap3A_665 : vector<1x16xf32> to vector<16xf32>
      %swap3A_667 = vector.shape_cast %add3A_662 : vector<16xf32> to vector<1x16xf32>
      tpu.vector_store %arg6[%swap3A_663, %swap3A_664], %swap3A_667 {strides = array<i32>} : memref<16x1024xf32, #tpu.memory_space<vmem>>, vector<1x16xf32>,
      %get3A_668 = arith.index_cast %scan3A_156 : i32 to index
      %get3A_669 = arith.constant 512 : index
      %get3A_670 = tpu.vector_load %arg6[%get3A_668, %get3A_669] {strides = array<i32>} : memref<16x1024xf32, #tpu.memory_space<vmem>>, vector<1x16xf32>,
      %get3A_671 = vector.shape_cast %get3A_670 : vector<1x16xf32> to vector<16xf32>
      %add3A_672 = arith.constant 0 : i32
      %add3A_673 = arith.addi %add3A_672, %scan3A_156 : i32
      %get3A_674 = arith.index_cast %add3A_673 : i32 to index
      %get3A_675 = arith.constant 512 : index
      %get3A_676 = tpu.vector_load %arg5[%get3A_674, %get3A_675] {strides = array<i32>} : memref<64x1024xf32, #tpu.memory_space<vmem>>, vector<1x16xf32>,
      %get3A_677 = vector.shape_cast %get3A_676 : vector<1x16xf32> to vector<16xf32>
      %add3A_678 = arith.addf %get3A_671, %get3A_677 : vector<16xf32>
      %swap3A_679 = arith.index_cast %scan3A_156 : i32 to index
      %swap3A_680 = arith.constant 512 : index
      %swap3A_681 = tpu.vector_load %arg6[%swap3A_679, %swap3A_680] {strides = array<i32>} : memref<16x1024xf32, #tpu.memory_space<vmem>>, vector<1x16xf32>,
      %swap3A_682 = vector.shape_cast %swap3A_681 : vector<1x16xf32> to vector<16xf32>
      %swap3A_683 = vector.shape_cast %add3A_678 : vector<16xf32> to vector<1x16xf32>
      tpu.vector_store %arg6[%swap3A_679, %swap3A_680], %swap3A_683 {strides = array<i32>} : memref<16x1024xf32, #tpu.memory_space<vmem>>, vector<1x16xf32>,
      %get3A_684 = arith.index_cast %scan3A_156 : i32 to index
      %get3A_685 = arith.constant 528 : index
      %get3A_686 = tpu.vector_load %arg6[%get3A_684, %get3A_685] {strides = array<i32>} : memref<16x1024xf32, #tpu.memory_space<vmem>>, vector<1x16xf32>,
      %get3A_687 = vector.shape_cast %get3A_686 : vector<1x16xf32> to vector<16xf32>
      %add3A_688 = arith.constant 0 : i32
      %add3A_689 = arith.addi %add3A_688, %scan3A_156 : i32
      %get3A_690 = arith.index_cast %add3A_689 : i32 to index
      %get3A_691 = arith.constant 528 : index
      %get3A_692 = tpu.vector_load %arg5[%get3A_690, %get3A_691] {strides = array<i32>} : memref<64x1024xf32, #tpu.memory_space<vmem>>, vector<1x16xf32>,
      %get3A_693 = vector.shape_cast %get3A_692 : vector<1x16xf32> to vector<16xf32>
      %add3A_694 = arith.addf %get3A_687, %get3A_693 : vector<16xf32>
      %swap3A_695 = arith.index_cast %scan3A_156 : i32 to index
      %swap3A_696 = arith.constant 528 : index
      %swap3A_697 = tpu.vector_load %arg6[%swap3A_695, %swap3A_696] {strides = array<i32>} : memref<16x1024xf32, #tpu.memory_space<vmem>>, vector<1x16xf32>,
      %swap3A_698 = vector.shape_cast %swap3A_697 : vector<1x16xf32> to vector<16xf32>
      %swap3A_699 = vector.shape_cast %add3A_694 : vector<16xf32> to vector<1x16xf32>
      tpu.vector_store %arg6[%swap3A_695, %swap3A_696], %swap3A_699 {strides = array<i32>} : memref<16x1024xf32, #tpu.memory_space<vmem>>, vector<1x16xf32>,
      %get3A_700 = arith.index_cast %scan3A_156 : i32 to index
      %get3A_701 = arith.constant 544 : index
      %get3A_702 = tpu.vector_load %arg6[%get3A_700, %get3A_701] {strides = array<i32>} : memref<16x1024xf32, #tpu.memory_space<vmem>>, vector<1x16xf32>,
      %get3A_703 = vector.shape_cast %get3A_702 : vector<1x16xf32> to vector<16xf32>
      %add3A_704 = arith.constant 0 : i32
      %add3A_705 = arith.addi %add3A_704, %scan3A_156 : i32
      %get3A_706 = arith.index_cast %add3A_705 : i32 to index
      %get3A_707 = arith.constant 544 : index
      %get3A_708 = tpu.vector_load %arg5[%get3A_706, %get3A_707] {strides = array<i32>} : memref<64x1024xf32, #tpu.memory_space<vmem>>, vector<1x16xf32>,
      %get3A_709 = vector.shape_cast %get3A_708 : vector<1x16xf32> to vector<16xf32>
      %add3A_710 = arith.addf %get3A_703, %get3A_709 : vector<16xf32>
      %swap3A_711 = arith.index_cast %scan3A_156 : i32 to index
      %swap3A_712 = arith.constant 544 : index
      %swap3A_713 = tpu.vector_load %arg6[%swap3A_711, %swap3A_712] {strides = array<i32>} : memref<16x1024xf32, #tpu.memory_space<vmem>>, vector<1x16xf32>,
      %swap3A_714 = vector.shape_cast %swap3A_713 : vector<1x16xf32> to vector<16xf32>
      %swap3A_715 = vector.shape_cast %add3A_710 : vector<16xf32> to vector<1x16xf32>
      tpu.vector_store %arg6[%swap3A_711, %swap3A_712], %swap3A_715 {strides = array<i32>} : memref<16x1024xf32, #tpu.memory_space<vmem>>, vector<1x16xf32>,
      %get3A_716 = arith.index_cast %scan3A_156 : i32 to index
      %get3A_717 = arith.constant 560 : index
      %get3A_718 = tpu.vector_load %arg6[%get3A_716, %get3A_717] {strides = array<i32>} : memref<16x1024xf32, #tpu.memory_space<vmem>>, vector<1x16xf32>,
      %get3A_719 = vector.shape_cast %get3A_718 : vector<1x16xf32> to vector<16xf32>
      %add3A_720 = arith.constant 0 : i32
      %add3A_721 = arith.addi %add3A_720, %scan3A_156 : i32
      %get3A_722 = arith.index_cast %add3A_721 : i32 to index
      %get3A_723 = arith.constant 560 : index
      %get3A_724 = tpu.vector_load %arg5[%get3A_722, %get3A_723] {strides = array<i32>} : memref<64x1024xf32, #tpu.memory_space<vmem>>, vector<1x16xf32>,
      %get3A_725 = vector.shape_cast %get3A_724 : vector<1x16xf32> to vector<16xf32>
      %add3A_726 = arith.addf %get3A_719, %get3A_725 : vector<16xf32>
      %swap3A_727 = arith.index_cast %scan3A_156 : i32 to index
      %swap3A_728 = arith.constant 560 : index
      %swap3A_729 = tpu.vector_load %arg6[%swap3A_727, %swap3A_728] {strides = array<i32>} : memref<16x1024xf32, #tpu.memory_space<vmem>>, vector<1x16xf32>,
      %swap3A_730 = vector.shape_cast %swap3A_729 : vector<1x16xf32> to vector<16xf32>
      %swap3A_731 = vector.shape_cast %add3A_726 : vector<16xf32> to vector<1x16xf32>
      tpu.vector_store %arg6[%swap3A_727, %swap3A_728], %swap3A_731 {strides = array<i32>} : memref<16x1024xf32, #tpu.memory_space<vmem>>, vector<1x16xf32>,
      %get3A_732 = arith.index_cast %scan3A_156 : i32 to index
      %get3A_733 = arith.constant 576 : index
      %get3A_734 = tpu.vector_load %arg6[%get3A_732, %get3A_733] {strides = array<i32>} : memref<16x1024xf32, #tpu.memory_space<vmem>>, vector<1x16xf32>,
      %get3A_735 = vector.shape_cast %get3A_734 : vector<1x16xf32> to vector<16xf32>
      %add3A_736 = arith.constant 0 : i32
      %add3A_737 = arith.addi %add3A_736, %scan3A_156 : i32
      %get3A_738 = arith.index_cast %add3A_737 : i32 to index
      %get3A_739 = arith.constant 576 : index
      %get3A_740 = tpu.vector_load %arg5[%get3A_738, %get3A_739] {strides = array<i32>} : memref<64x1024xf32, #tpu.memory_space<vmem>>, vector<1x16xf32>,
      %get3A_741 = vector.shape_cast %get3A_740 : vector<1x16xf32> to vector<16xf32>
      %add3A_742 = arith.addf %get3A_735, %get3A_741 : vector<16xf32>
      %swap3A_743 = arith.index_cast %scan3A_156 : i32 to index
      %swap3A_744 = arith.constant 576 : index
      %swap3A_745 = tpu.vector_load %arg6[%swap3A_743, %swap3A_744] {strides = array<i32>} : memref<16x1024xf32, #tpu.memory_space<vmem>>, vector<1x16xf32>,
      %swap3A_746 = vector.shape_cast %swap3A_745 : vector<1x16xf32> to vector<16xf32>
      %swap3A_747 = vector.shape_cast %add3A_742 : vector<16xf32> to vector<1x16xf32>
      tpu.vector_store %arg6[%swap3A_743, %swap3A_744], %swap3A_747 {strides = array<i32>} : memref<16x1024xf32, #tpu.memory_space<vmem>>, vector<1x16xf32>,
      %get3A_748 = arith.index_cast %scan3A_156 : i32 to index
      %get3A_749 = arith.constant 592 : index
      %get3A_750 = tpu.vector_load %arg6[%get3A_748, %get3A_749] {strides = array<i32>} : memref<16x1024xf32, #tpu.memory_space<vmem>>, vector<1x16xf32>,
      %get3A_751 = vector.shape_cast %get3A_750 : vector<1x16xf32> to vector<16xf32>
      %add3A_752 = arith.constant 0 : i32
      %add3A_753 = arith.addi %add3A_752, %scan3A_156 : i32
      %get3A_754 = arith.index_cast %add3A_753 : i32 to index
      %get3A_755 = arith.constant 592 : index
      %get3A_756 = tpu.vector_load %arg5[%get3A_754, %get3A_755] {strides = array<i32>} : memref<64x1024xf32, #tpu.memory_space<vmem>>, vector<1x16xf32>,
      %get3A_757 = vector.shape_cast %get3A_756 : vector<1x16xf32> to vector<16xf32>
      %add3A_758 = arith.addf %get3A_751, %get3A_757 : vector<16xf32>
      %swap3A_759 = arith.index_cast %scan3A_156 : i32 to index
      %swap3A_760 = arith.constant 592 : index
      %swap3A_761 = tpu.vector_load %arg6[%swap3A_759, %swap3A_760] {strides = array<i32>} : memref<16x1024xf32, #tpu.memory_space<vmem>>, vector<1x16xf32>,
      %swap3A_762 = vector.shape_cast %swap3A_761 : vector<1x16xf32> to vector<16xf32>
      %swap3A_763 = vector.shape_cast %add3A_758 : vector<16xf32> to vector<1x16xf32>
      tpu.vector_store %arg6[%swap3A_759, %swap3A_760], %swap3A_763 {strides = array<i32>} : memref<16x1024xf32, #tpu.memory_space<vmem>>, vector<1x16xf32>,
      %get3A_764 = arith.index_cast %scan3A_156 : i32 to index
      %get3A_765 = arith.constant 608 : index
      %get3A_766 = tpu.vector_load %arg6[%get3A_764, %get3A_765] {strides = array<i32>} : memref<16x1024xf32, #tpu.memory_space<vmem>>, vector<1x16xf32>,
      %get3A_767 = vector.shape_cast %get3A_766 : vector<1x16xf32> to vector<16xf32>
      %add3A_768 = arith.constant 0 : i32
      %add3A_769 = arith.addi %add3A_768, %scan3A_156 : i32
      %get3A_770 = arith.index_cast %add3A_769 : i32 to index
      %get3A_771 = arith.constant 608 : index
      %get3A_772 = tpu.vector_load %arg5[%get3A_770, %get3A_771] {strides = array<i32>} : memref<64x1024xf32, #tpu.memory_space<vmem>>, vector<1x16xf32>,
      %get3A_773 = vector.shape_cast %get3A_772 : vector<1x16xf32> to vector<16xf32>
      %add3A_774 = arith.addf %get3A_767, %get3A_773 : vector<16xf32>
      %swap3A_775 = arith.index_cast %scan3A_156 : i32 to index
      %swap3A_776 = arith.constant 608 : index
      %swap3A_777 = tpu.vector_load %arg6[%swap3A_775, %swap3A_776] {strides = array<i32>} : memref<16x1024xf32, #tpu.memory_space<vmem>>, vector<1x16xf32>,
      %swap3A_778 = vector.shape_cast %swap3A_777 : vector<1x16xf32> to vector<16xf32>
      %swap3A_779 = vector.shape_cast %add3A_774 : vector<16xf32> to vector<1x16xf32>
      tpu.vector_store %arg6[%swap3A_775, %swap3A_776], %swap3A_779 {strides = array<i32>} : memref<16x1024xf32, #tpu.memory_space<vmem>>, vector<1x16xf32>,
      %get3A_780 = arith.index_cast %scan3A_156 : i32 to index
      %get3A_781 = arith.constant 624 : index
      %get3A_782 = tpu.vector_load %arg6[%get3A_780, %get3A_781] {strides = array<i32>} : memref<16x1024xf32, #tpu.memory_space<vmem>>, vector<1x16xf32>,
      %get3A_783 = vector.shape_cast %get3A_782 : vector<1x16xf32> to vector<16xf32>
      %add3A_784 = arith.constant 0 : i32
      %add3A_785 = arith.addi %add3A_784, %scan3A_156 : i32
      %get3A_786 = arith.index_cast %add3A_785 : i32 to index
      %get3A_787 = arith.constant 624 : index
      %get3A_788 = tpu.vector_load %arg5[%get3A_786, %get3A_787] {strides = array<i32>} : memref<64x1024xf32, #tpu.memory_space<vmem>>, vector<1x16xf32>,
      %get3A_789 = vector.shape_cast %get3A_788 : vector<1x16xf32> to vector<16xf32>
      %add3A_790 = arith.addf %get3A_783, %get3A_789 : vector<16xf32>
      %swap3A_791 = arith.index_cast %scan3A_156 : i32 to index
      %swap3A_792 = arith.constant 624 : index
      %swap3A_793 = tpu.vector_load %arg6[%swap3A_791, %swap3A_792] {strides = array<i32>} : memref<16x1024xf32, #tpu.memory_space<vmem>>, vector<1x16xf32>,
      %swap3A_794 = vector.shape_cast %swap3A_793 : vector<1x16xf32> to vector<16xf32>
      %swap3A_795 = vector.shape_cast %add3A_790 : vector<16xf32> to vector<1x16xf32>
      tpu.vector_store %arg6[%swap3A_791, %swap3A_792], %swap3A_795 {strides = array<i32>} : memref<16x1024xf32, #tpu.memory_space<vmem>>, vector<1x16xf32>,
      %get3A_796 = arith.index_cast %scan3A_156 : i32 to index
      %get3A_797 = arith.constant 640 : index
      %get3A_798 = tpu.vector_load %arg6[%get3A_796, %get3A_797] {strides = array<i32>} : memref<16x1024xf32, #tpu.memory_space<vmem>>, vector<1x16xf32>,
      %get3A_799 = vector.shape_cast %get3A_798 : vector<1x16xf32> to vector<16xf32>
      %add3A_800 = arith.constant 0 : i32
      %add3A_801 = arith.addi %add3A_800, %scan3A_156 : i32
      %get3A_802 = arith.index_cast %add3A_801 : i32 to index
      %get3A_803 = arith.constant 640 : index
      %get3A_804 = tpu.vector_load %arg5[%get3A_802, %get3A_803] {strides = array<i32>} : memref<64x1024xf32, #tpu.memory_space<vmem>>, vector<1x16xf32>,
      %get3A_805 = vector.shape_cast %get3A_804 : vector<1x16xf32> to vector<16xf32>
      %add3A_806 = arith.addf %get3A_799, %get3A_805 : vector<16xf32>
      %swap3A_807 = arith.index_cast %scan3A_156 : i32 to index
      %swap3A_808 = arith.constant 640 : index
      %swap3A_809 = tpu.vector_load %arg6[%swap3A_807, %swap3A_808] {strides = array<i32>} : memref<16x1024xf32, #tpu.memory_space<vmem>>, vector<1x16xf32>,
      %swap3A_810 = vector.shape_cast %swap3A_809 : vector<1x16xf32> to vector<16xf32>
      %swap3A_811 = vector.shape_cast %add3A_806 : vector<16xf32> to vector<1x16xf32>
      tpu.vector_store %arg6[%swap3A_807, %swap3A_808], %swap3A_811 {strides = array<i32>} : memref<16x1024xf32, #tpu.memory_space<vmem>>, vector<1x16xf32>,
      %get3A_812 = arith.index_cast %scan3A_156 : i32 to index
      %get3A_813 = arith.constant 656 : index
      %get3A_814 = tpu.vector_load %arg6[%get3A_812, %get3A_813] {strides = array<i32>} : memref<16x1024xf32, #tpu.memory_space<vmem>>, vector<1x16xf32>,
      %get3A_815 = vector.shape_cast %get3A_814 : vector<1x16xf32> to vector<16xf32>
      %add3A_816 = arith.constant 0 : i32
      %add3A_817 = arith.addi %add3A_816, %scan3A_156 : i32
      %get3A_818 = arith.index_cast %add3A_817 : i32 to index
      %get3A_819 = arith.constant 656 : index
      %get3A_820 = tpu.vector_load %arg5[%get3A_818, %get3A_819] {strides = array<i32>} : memref<64x1024xf32, #tpu.memory_space<vmem>>, vector<1x16xf32>,
      %get3A_821 = vector.shape_cast %get3A_820 : vector<1x16xf32> to vector<16xf32>
      %add3A_822 = arith.addf %get3A_815, %get3A_821 : vector<16xf32>
      %swap3A_823 = arith.index_cast %scan3A_156 : i32 to index
      %swap3A_824 = arith.constant 656 : index
      %swap3A_825 = tpu.vector_load %arg6[%swap3A_823, %swap3A_824] {strides = array<i32>} : memref<16x1024xf32, #tpu.memory_space<vmem>>, vector<1x16xf32>,
      %swap3A_826 = vector.shape_cast %swap3A_825 : vector<1x16xf32> to vector<16xf32>
      %swap3A_827 = vector.shape_cast %add3A_822 : vector<16xf32> to vector<1x16xf32>
      tpu.vector_store %arg6[%swap3A_823, %swap3A_824], %swap3A_827 {strides = array<i32>} : memref<16x1024xf32, #tpu.memory_space<vmem>>, vector<1x16xf32>,
      %get3A_828 = arith.index_cast %scan3A_156 : i32 to index
      %get3A_829 = arith.constant 672 : index
      %get3A_830 = tpu.vector_load %arg6[%get3A_828, %get3A_829] {strides = array<i32>} : memref<16x1024xf32, #tpu.memory_space<vmem>>, vector<1x16xf32>,
      %get3A_831 = vector.shape_cast %get3A_830 : vector<1x16xf32> to vector<16xf32>
      %add3A_832 = arith.constant 0 : i32
      %add3A_833 = arith.addi %add3A_832, %scan3A_156 : i32
      %get3A_834 = arith.index_cast %add3A_833 : i32 to index
      %get3A_835 = arith.constant 672 : index
      %get3A_836 = tpu.vector_load %arg5[%get3A_834, %get3A_835] {strides = array<i32>} : memref<64x1024xf32, #tpu.memory_space<vmem>>, vector<1x16xf32>,
      %get3A_837 = vector.shape_cast %get3A_836 : vector<1x16xf32> to vector<16xf32>
      %add3A_838 = arith.addf %get3A_831, %get3A_837 : vector<16xf32>
      %swap3A_839 = arith.index_cast %scan3A_156 : i32 to index
      %swap3A_840 = arith.constant 672 : index
      %swap3A_841 = tpu.vector_load %arg6[%swap3A_839, %swap3A_840] {strides = array<i32>} : memref<16x1024xf32, #tpu.memory_space<vmem>>, vector<1x16xf32>,
      %swap3A_842 = vector.shape_cast %swap3A_841 : vector<1x16xf32> to vector<16xf32>
      %swap3A_843 = vector.shape_cast %add3A_838 : vector<16xf32> to vector<1x16xf32>
      tpu.vector_store %arg6[%swap3A_839, %swap3A_840], %swap3A_843 {strides = array<i32>} : memref<16x1024xf32, #tpu.memory_space<vmem>>, vector<1x16xf32>,
      %get3A_844 = arith.index_cast %scan3A_156 : i32 to index
      %get3A_845 = arith.constant 688 : index
      %get3A_846 = tpu.vector_load %arg6[%get3A_844, %get3A_845] {strides = array<i32>} : memref<16x1024xf32, #tpu.memory_space<vmem>>, vector<1x16xf32>,
      %get3A_847 = vector.shape_cast %get3A_846 : vector<1x16xf32> to vector<16xf32>
      %add3A_848 = arith.constant 0 : i32
      %add3A_849 = arith.addi %add3A_848, %scan3A_156 : i32
      %get3A_850 = arith.index_cast %add3A_849 : i32 to index
      %get3A_851 = arith.constant 688 : index
      %get3A_852 = tpu.vector_load %arg5[%get3A_850, %get3A_851] {strides = array<i32>} : memref<64x1024xf32, #tpu.memory_space<vmem>>, vector<1x16xf32>,
      %get3A_853 = vector.shape_cast %get3A_852 : vector<1x16xf32> to vector<16xf32>
      %add3A_854 = arith.addf %get3A_847, %get3A_853 : vector<16xf32>
      %swap3A_855 = arith.index_cast %scan3A_156 : i32 to index
      %swap3A_856 = arith.constant 688 : index
      %swap3A_857 = tpu.vector_load %arg6[%swap3A_855, %swap3A_856] {strides = array<i32>} : memref<16x1024xf32, #tpu.memory_space<vmem>>, vector<1x16xf32>,
      %swap3A_858 = vector.shape_cast %swap3A_857 : vector<1x16xf32> to vector<16xf32>
      %swap3A_859 = vector.shape_cast %add3A_854 : vector<16xf32> to vector<1x16xf32>
      tpu.vector_store %arg6[%swap3A_855, %swap3A_856], %swap3A_859 {strides = array<i32>} : memref<16x1024xf32, #tpu.memory_space<vmem>>, vector<1x16xf32>,
      %get3A_860 = arith.index_cast %scan3A_156 : i32 to index
      %get3A_861 = arith.constant 704 : index
      %get3A_862 = tpu.vector_load %arg6[%get3A_860, %get3A_861] {strides = array<i32>} : memref<16x1024xf32, #tpu.memory_space<vmem>>, vector<1x16xf32>,
      %get3A_863 = vector.shape_cast %get3A_862 : vector<1x16xf32> to vector<16xf32>
      %add3A_864 = arith.constant 0 : i32
      %add3A_865 = arith.addi %add3A_864, %scan3A_156 : i32
      %get3A_866 = arith.index_cast %add3A_865 : i32 to index
      %get3A_867 = arith.constant 704 : index
      %get3A_868 = tpu.vector_load %arg5[%get3A_866, %get3A_867] {strides = array<i32>} : memref<64x1024xf32, #tpu.memory_space<vmem>>, vector<1x16xf32>,
      %get3A_869 = vector.shape_cast %get3A_868 : vector<1x16xf32> to vector<16xf32>
      %add3A_870 = arith.addf %get3A_863, %get3A_869 : vector<16xf32>
      %swap3A_871 = arith.index_cast %scan3A_156 : i32 to index
      %swap3A_872 = arith.constant 704 : index
      %swap3A_873 = tpu.vector_load %arg6[%swap3A_871, %swap3A_872] {strides = array<i32>} : memref<16x1024xf32, #tpu.memory_space<vmem>>, vector<1x16xf32>,
      %swap3A_874 = vector.shape_cast %swap3A_873 : vector<1x16xf32> to vector<16xf32>
      %swap3A_875 = vector.shape_cast %add3A_870 : vector<16xf32> to vector<1x16xf32>
      tpu.vector_store %arg6[%swap3A_871, %swap3A_872], %swap3A_875 {strides = array<i32>} : memref<16x1024xf32, #tpu.memory_space<vmem>>, vector<1x16xf32>,
      %get3A_876 = arith.index_cast %scan3A_156 : i32 to index
      %get3A_877 = arith.constant 720 : index
      %get3A_878 = tpu.vector_load %arg6[%get3A_876, %get3A_877] {strides = array<i32>} : memref<16x1024xf32, #tpu.memory_space<vmem>>, vector<1x16xf32>,
      %get3A_879 = vector.shape_cast %get3A_878 : vector<1x16xf32> to vector<16xf32>
      %add3A_880 = arith.constant 0 : i32
      %add3A_881 = arith.addi %add3A_880, %scan3A_156 : i32
      %get3A_882 = arith.index_cast %add3A_881 : i32 to index
      %get3A_883 = arith.constant 720 : index
      %get3A_884 = tpu.vector_load %arg5[%get3A_882, %get3A_883] {strides = array<i32>} : memref<64x1024xf32, #tpu.memory_space<vmem>>, vector<1x16xf32>,
      %get3A_885 = vector.shape_cast %get3A_884 : vector<1x16xf32> to vector<16xf32>
      %add3A_886 = arith.addf %get3A_879, %get3A_885 : vector<16xf32>
      %swap3A_887 = arith.index_cast %scan3A_156 : i32 to index
      %swap3A_888 = arith.constant 720 : index
      %swap3A_889 = tpu.vector_load %arg6[%swap3A_887, %swap3A_888] {strides = array<i32>} : memref<16x1024xf32, #tpu.memory_space<vmem>>, vector<1x16xf32>,
      %swap3A_890 = vector.shape_cast %swap3A_889 : vector<1x16xf32> to vector<16xf32>
      %swap3A_891 = vector.shape_cast %add3A_886 : vector<16xf32> to vector<1x16xf32>
      tpu.vector_store %arg6[%swap3A_887, %swap3A_888], %swap3A_891 {strides = array<i32>} : memref<16x1024xf32, #tpu.memory_space<vmem>>, vector<1x16xf32>,
      %get3A_892 = arith.index_cast %scan3A_156 : i32 to index
      %get3A_893 = arith.constant 736 : index
      %get3A_894 = tpu.vector_load %arg6[%get3A_892, %get3A_893] {strides = array<i32>} : memref<16x1024xf32, #tpu.memory_space<vmem>>, vector<1x16xf32>,
      %get3A_895 = vector.shape_cast %get3A_894 : vector<1x16xf32> to vector<16xf32>
      %add3A_896 = arith.constant 0 : i32
      %add3A_897 = arith.addi %add3A_896, %scan3A_156 : i32
      %get3A_898 = arith.index_cast %add3A_897 : i32 to index
      %get3A_899 = arith.constant 736 : index
      %get3A_900 = tpu.vector_load %arg5[%get3A_898, %get3A_899] {strides = array<i32>} : memref<64x1024xf32, #tpu.memory_space<vmem>>, vector<1x16xf32>,
      %get3A_901 = vector.shape_cast %get3A_900 : vector<1x16xf32> to vector<16xf32>
      %add3A_902 = arith.addf %get3A_895, %get3A_901 : vector<16xf32>
      %swap3A_903 = arith.index_cast %scan3A_156 : i32 to index
      %swap3A_904 = arith.constant 736 : index
      %swap3A_905 = tpu.vector_load %arg6[%swap3A_903, %swap3A_904] {strides = array<i32>} : memref<16x1024xf32, #tpu.memory_space<vmem>>, vector<1x16xf32>,
      %swap3A_906 = vector.shape_cast %swap3A_905 : vector<1x16xf32> to vector<16xf32>
      %swap3A_907 = vector.shape_cast %add3A_902 : vector<16xf32> to vector<1x16xf32>
      tpu.vector_store %arg6[%swap3A_903, %swap3A_904], %swap3A_907 {strides = array<i32>} : memref<16x1024xf32, #tpu.memory_space<vmem>>, vector<1x16xf32>,
      %get3A_908 = arith.index_cast %scan3A_156 : i32 to index
      %get3A_909 = arith.constant 752 : index
      %get3A_910 = tpu.vector_load %arg6[%get3A_908, %get3A_909] {strides = array<i32>} : memref<16x1024xf32, #tpu.memory_space<vmem>>, vector<1x16xf32>,
      %get3A_911 = vector.shape_cast %get3A_910 : vector<1x16xf32> to vector<16xf32>
      %add3A_912 = arith.constant 0 : i32
      %add3A_913 = arith.addi %add3A_912, %scan3A_156 : i32
      %get3A_914 = arith.index_cast %add3A_913 : i32 to index
      %get3A_915 = arith.constant 752 : index
      %get3A_916 = tpu.vector_load %arg5[%get3A_914, %get3A_915] {strides = array<i32>} : memref<64x1024xf32, #tpu.memory_space<vmem>>, vector<1x16xf32>,
      %get3A_917 = vector.shape_cast %get3A_916 : vector<1x16xf32> to vector<16xf32>
      %add3A_918 = arith.addf %get3A_911, %get3A_917 : vector<16xf32>
      %swap3A_919 = arith.index_cast %scan3A_156 : i32 to index
      %swap3A_920 = arith.constant 752 : index
      %swap3A_921 = tpu.vector_load %arg6[%swap3A_919, %swap3A_920] {strides = array<i32>} : memref<16x1024xf32, #tpu.memory_space<vmem>>, vector<1x16xf32>,
      %swap3A_922 = vector.shape_cast %swap3A_921 : vector<1x16xf32> to vector<16xf32>
      %swap3A_923 = vector.shape_cast %add3A_918 : vector<16xf32> to vector<1x16xf32>
      tpu.vector_store %arg6[%swap3A_919, %swap3A_920], %swap3A_923 {strides = array<i32>} : memref<16x1024xf32, #tpu.memory_space<vmem>>, vector<1x16xf32>,
      %get3A_924 = arith.index_cast %scan3A_156 : i32 to index
      %get3A_925 = arith.constant 768 : index
      %get3A_926 = tpu.vector_load %arg6[%get3A_924, %get3A_925] {strides = array<i32>} : memref<16x1024xf32, #tpu.memory_space<vmem>>, vector<1x16xf32>,
      %get3A_927 = vector.shape_cast %get3A_926 : vector<1x16xf32> to vector<16xf32>
      %add3A_928 = arith.constant 0 : i32
      %add3A_929 = arith.addi %add3A_928, %scan3A_156 : i32
      %get3A_930 = arith.index_cast %add3A_929 : i32 to index
      %get3A_931 = arith.constant 768 : index
      %get3A_932 = tpu.vector_load %arg5[%get3A_930, %get3A_931] {strides = array<i32>} : memref<64x1024xf32, #tpu.memory_space<vmem>>, vector<1x16xf32>,
      %get3A_933 = vector.shape_cast %get3A_932 : vector<1x16xf32> to vector<16xf32>
      %add3A_934 = arith.addf %get3A_927, %get3A_933 : vector<16xf32>
      %swap3A_935 = arith.index_cast %scan3A_156 : i32 to index
      %swap3A_936 = arith.constant 768 : index
      %swap3A_937 = tpu.vector_load %arg6[%swap3A_935, %swap3A_936] {strides = array<i32>} : memref<16x1024xf32, #tpu.memory_space<vmem>>, vector<1x16xf32>,
      %swap3A_938 = vector.shape_cast %swap3A_937 : vector<1x16xf32> to vector<16xf32>
      %swap3A_939 = vector.shape_cast %add3A_934 : vector<16xf32> to vector<1x16xf32>
      tpu.vector_store %arg6[%swap3A_935, %swap3A_936], %swap3A_939 {strides = array<i32>} : memref<16x1024xf32, #tpu.memory_space<vmem>>, vector<1x16xf32>,
      %get3A_940 = arith.index_cast %scan3A_156 : i32 to index
      %get3A_941 = arith.constant 784 : index
      %get3A_942 = tpu.vector_load %arg6[%get3A_940, %get3A_941] {strides = array<i32>} : memref<16x1024xf32, #tpu.memory_space<vmem>>, vector<1x16xf32>,
      %get3A_943 = vector.shape_cast %get3A_942 : vector<1x16xf32> to vector<16xf32>
      %add3A_944 = arith.constant 0 : i32
      %add3A_945 = arith.addi %add3A_944, %scan3A_156 : i32
      %get3A_946 = arith.index_cast %add3A_945 : i32 to index
      %get3A_947 = arith.constant 784 : index
      %get3A_948 = tpu.vector_load %arg5[%get3A_946, %get3A_947] {strides = array<i32>} : memref<64x1024xf32, #tpu.memory_space<vmem>>, vector<1x16xf32>,
      %get3A_949 = vector.shape_cast %get3A_948 : vector<1x16xf32> to vector<16xf32>
      %add3A_950 = arith.addf %get3A_943, %get3A_949 : vector<16xf32>
      %swap3A_951 = arith.index_cast %scan3A_156 : i32 to index
      %swap3A_952 = arith.constant 784 : index
      %swap3A_953 = tpu.vector_load %arg6[%swap3A_951, %swap3A_952] {strides = array<i32>} : memref<16x1024xf32, #tpu.memory_space<vmem>>, vector<1x16xf32>,
      %swap3A_954 = vector.shape_cast %swap3A_953 : vector<1x16xf32> to vector<16xf32>
      %swap3A_955 = vector.shape_cast %add3A_950 : vector<16xf32> to vector<1x16xf32>
      tpu.vector_store %arg6[%swap3A_951, %swap3A_952], %swap3A_955 {strides = array<i32>} : memref<16x1024xf32, #tpu.memory_space<vmem>>, vector<1x16xf32>,
      %get3A_956 = arith.index_cast %scan3A_156 : i32 to index
      %get3A_957 = arith.constant 800 : index
      %get3A_958 = tpu.vector_load %arg6[%get3A_956, %get3A_957] {strides = array<i32>} : memref<16x1024xf32, #tpu.memory_space<vmem>>, vector<1x16xf32>,
      %get3A_959 = vector.shape_cast %get3A_958 : vector<1x16xf32> to vector<16xf32>
      %add3A_960 = arith.constant 0 : i32
      %add3A_961 = arith.addi %add3A_960, %scan3A_156 : i32
      %get3A_962 = arith.index_cast %add3A_961 : i32 to index
      %get3A_963 = arith.constant 800 : index
      %get3A_964 = tpu.vector_load %arg5[%get3A_962, %get3A_963] {strides = array<i32>} : memref<64x1024xf32, #tpu.memory_space<vmem>>, vector<1x16xf32>,
      %get3A_965 = vector.shape_cast %get3A_964 : vector<1x16xf32> to vector<16xf32>
      %add3A_966 = arith.addf %get3A_959, %get3A_965 : vector<16xf32>
      %swap3A_967 = arith.index_cast %scan3A_156 : i32 to index
      %swap3A_968 = arith.constant 800 : index
      %swap3A_969 = tpu.vector_load %arg6[%swap3A_967, %swap3A_968] {strides = array<i32>} : memref<16x1024xf32, #tpu.memory_space<vmem>>, vector<1x16xf32>,
      %swap3A_970 = vector.shape_cast %swap3A_969 : vector<1x16xf32> to vector<16xf32>
      %swap3A_971 = vector.shape_cast %add3A_966 : vector<16xf32> to vector<1x16xf32>
      tpu.vector_store %arg6[%swap3A_967, %swap3A_968], %swap3A_971 {strides = array<i32>} : memref<16x1024xf32, #tpu.memory_space<vmem>>, vector<1x16xf32>,
      %get3A_972 = arith.index_cast %scan3A_156 : i32 to index
      %get3A_973 = arith.constant 816 : index
      %get3A_974 = tpu.vector_load %arg6[%get3A_972, %get3A_973] {strides = array<i32>} : memref<16x1024xf32, #tpu.memory_space<vmem>>, vector<1x16xf32>,
      %get3A_975 = vector.shape_cast %get3A_974 : vector<1x16xf32> to vector<16xf32>
      %add3A_976 = arith.constant 0 : i32
      %add3A_977 = arith.addi %add3A_976, %scan3A_156 : i32
      %get3A_978 = arith.index_cast %add3A_977 : i32 to index
      %get3A_979 = arith.constant 816 : index
      %get3A_980 = tpu.vector_load %arg5[%get3A_978, %get3A_979] {strides = array<i32>} : memref<64x1024xf32, #tpu.memory_space<vmem>>, vector<1x16xf32>,
      %get3A_981 = vector.shape_cast %get3A_980 : vector<1x16xf32> to vector<16xf32>
      %add3A_982 = arith.addf %get3A_975, %get3A_981 : vector<16xf32>
      %swap3A_983 = arith.index_cast %scan3A_156 : i32 to index
      %swap3A_984 = arith.constant 816 : index
      %swap3A_985 = tpu.vector_load %arg6[%swap3A_983, %swap3A_984] {strides = array<i32>} : memref<16x1024xf32, #tpu.memory_space<vmem>>, vector<1x16xf32>,
      %swap3A_986 = vector.shape_cast %swap3A_985 : vector<1x16xf32> to vector<16xf32>
      %swap3A_987 = vector.shape_cast %add3A_982 : vector<16xf32> to vector<1x16xf32>
      tpu.vector_store %arg6[%swap3A_983, %swap3A_984], %swap3A_987 {strides = array<i32>} : memref<16x1024xf32, #tpu.memory_space<vmem>>, vector<1x16xf32>,
      %get3A_988 = arith.index_cast %scan3A_156 : i32 to index
      %get3A_989 = arith.constant 832 : index
      %get3A_990 = tpu.vector_load %arg6[%get3A_988, %get3A_989] {strides = array<i32>} : memref<16x1024xf32, #tpu.memory_space<vmem>>, vector<1x16xf32>,
      %get3A_991 = vector.shape_cast %get3A_990 : vector<1x16xf32> to vector<16xf32>
      %add3A_992 = arith.constant 0 : i32
      %add3A_993 = arith.addi %add3A_992, %scan3A_156 : i32
      %get3A_994 = arith.index_cast %add3A_993 : i32 to index
      %get3A_995 = arith.constant 832 : index
      %get3A_996 = tpu.vector_load %arg5[%get3A_994, %get3A_995] {strides = array<i32>} : memref<64x1024xf32, #tpu.memory_space<vmem>>, vector<1x16xf32>,
      %get3A_997 = vector.shape_cast %get3A_996 : vector<1x16xf32> to vector<16xf32>
      %add3A_998 = arith.addf %get3A_991, %get3A_997 : vector<16xf32>
      %swap3A_999 = arith.index_cast %scan3A_156 : i32 to index
      %swap3A_1000 = arith.constant 832 : index
      %swap3A_1001 = tpu.vector_load %arg6[%swap3A_999, %swap3A_1000] {strides = array<i32>} : memref<16x1024xf32, #tpu.memory_space<vmem>>, vector<1x16xf32>,
      %swap3A_1002 = vector.shape_cast %swap3A_1001 : vector<1x16xf32> to vector<16xf32>
      %swap3A_1003 = vector.shape_cast %add3A_998 : vector<16xf32> to vector<1x16xf32>
      tpu.vector_store %arg6[%swap3A_999, %swap3A_1000], %swap3A_1003 {strides = array<i32>} : memref<16x1024xf32, #tpu.memory_space<vmem>>, vector<1x16xf32>,
      %get3A_1004 = arith.index_cast %scan3A_156 : i32 to index
      %get3A_1005 = arith.constant 848 : index
      %get3A_1006 = tpu.vector_load %arg6[%get3A_1004, %get3A_1005] {strides = array<i32>} : memref<16x1024xf32, #tpu.memory_space<vmem>>, vector<1x16xf32>,
      %get3A_1007 = vector.shape_cast %get3A_1006 : vector<1x16xf32> to vector<16xf32>
      %add3A_1008 = arith.constant 0 : i32
      %add3A_1009 = arith.addi %add3A_1008, %scan3A_156 : i32
      %get3A_1010 = arith.index_cast %add3A_1009 : i32 to index
      %get3A_1011 = arith.constant 848 : index
      %get3A_1012 = tpu.vector_load %arg5[%get3A_1010, %get3A_1011] {strides = array<i32>} : memref<64x1024xf32, #tpu.memory_space<vmem>>, vector<1x16xf32>,
      %get3A_1013 = vector.shape_cast %get3A_1012 : vector<1x16xf32> to vector<16xf32>
      %add3A_1014 = arith.addf %get3A_1007, %get3A_1013 : vector<16xf32>
      %swap3A_1015 = arith.index_cast %scan3A_156 : i32 to index
      %swap3A_1016 = arith.constant 848 : index
      %swap3A_1017 = tpu.vector_load %arg6[%swap3A_1015, %swap3A_1016] {strides = array<i32>} : memref<16x1024xf32, #tpu.memory_space<vmem>>, vector<1x16xf32>,
      %swap3A_1018 = vector.shape_cast %swap3A_1017 : vector<1x16xf32> to vector<16xf32>
      %swap3A_1019 = vector.shape_cast %add3A_1014 : vector<16xf32> to vector<1x16xf32>
      tpu.vector_store %arg6[%swap3A_1015, %swap3A_1016], %swap3A_1019 {strides = array<i32>} : memref<16x1024xf32, #tpu.memory_space<vmem>>, vector<1x16xf32>,
      %get3A_1020 = arith.index_cast %scan3A_156 : i32 to index
      %get3A_1021 = arith.constant 864 : index
      %get3A_1022 = tpu.vector_load %arg6[%get3A_1020, %get3A_1021] {strides = array<i32>} : memref<16x1024xf32, #tpu.memory_space<vmem>>, vector<1x16xf32>,
      %get3A_1023 = vector.shape_cast %get3A_1022 : vector<1x16xf32> to vector<16xf32>
      %add3A_1024 = arith.constant 0 : i32
      %add3A_1025 = arith.addi %add3A_1024, %scan3A_156 : i32
      %get3A_1026 = arith.index_cast %add3A_1025 : i32 to index
      %get3A_1027 = arith.constant 864 : index
      %get3A_1028 = tpu.vector_load %arg5[%get3A_1026, %get3A_1027] {strides = array<i32>} : memref<64x1024xf32, #tpu.memory_space<vmem>>, vector<1x16xf32>,
      %get3A_1029 = vector.shape_cast %get3A_1028 : vector<1x16xf32> to vector<16xf32>
      %add3A_1030 = arith.addf %get3A_1023, %get3A_1029 : vector<16xf32>
      %swap3A_1031 = arith.index_cast %scan3A_156 : i32 to index
      %swap3A_1032 = arith.constant 864 : index
      %swap3A_1033 = tpu.vector_load %arg6[%swap3A_1031, %swap3A_1032] {strides = array<i32>} : memref<16x1024xf32, #tpu.memory_space<vmem>>, vector<1x16xf32>,
      %swap3A_1034 = vector.shape_cast %swap3A_1033 : vector<1x16xf32> to vector<16xf32>
      %swap3A_1035 = vector.shape_cast %add3A_1030 : vector<16xf32> to vector<1x16xf32>
      tpu.vector_store %arg6[%swap3A_1031, %swap3A_1032], %swap3A_1035 {strides = array<i32>} : memref<16x1024xf32, #tpu.memory_space<vmem>>, vector<1x16xf32>,
      %get3A_1036 = arith.index_cast %scan3A_156 : i32 to index
      %get3A_1037 = arith.constant 880 : index
      %get3A_1038 = tpu.vector_load %arg6[%get3A_1036, %get3A_1037] {strides = array<i32>} : memref<16x1024xf32, #tpu.memory_space<vmem>>, vector<1x16xf32>,
      %get3A_1039 = vector.shape_cast %get3A_1038 : vector<1x16xf32> to vector<16xf32>
      %add3A_1040 = arith.constant 0 : i32
      %add3A_1041 = arith.addi %add3A_1040, %scan3A_156 : i32
      %get3A_1042 = arith.index_cast %add3A_1041 : i32 to index
      %get3A_1043 = arith.constant 880 : index
      %get3A_1044 = tpu.vector_load %arg5[%get3A_1042, %get3A_1043] {strides = array<i32>} : memref<64x1024xf32, #tpu.memory_space<vmem>>, vector<1x16xf32>,
      %get3A_1045 = vector.shape_cast %get3A_1044 : vector<1x16xf32> to vector<16xf32>
      %add3A_1046 = arith.addf %get3A_1039, %get3A_1045 : vector<16xf32>
      %swap3A_1047 = arith.index_cast %scan3A_156 : i32 to index
      %swap3A_1048 = arith.constant 880 : index
      %swap3A_1049 = tpu.vector_load %arg6[%swap3A_1047, %swap3A_1048] {strides = array<i32>} : memref<16x1024xf32, #tpu.memory_space<vmem>>, vector<1x16xf32>,
      %swap3A_1050 = vector.shape_cast %swap3A_1049 : vector<1x16xf32> to vector<16xf32>
      %swap3A_1051 = vector.shape_cast %add3A_1046 : vector<16xf32> to vector<1x16xf32>
      tpu.vector_store %arg6[%swap3A_1047, %swap3A_1048], %swap3A_1051 {strides = array<i32>} : memref<16x1024xf32, #tpu.memory_space<vmem>>, vector<1x16xf32>,
      %get3A_1052 = arith.index_cast %scan3A_156 : i32 to index
      %get3A_1053 = arith.constant 896 : index
      %get3A_1054 = tpu.vector_load %arg6[%get3A_1052, %get3A_1053] {strides = array<i32>} : memref<16x1024xf32, #tpu.memory_space<vmem>>, vector<1x16xf32>,
      %get3A_1055 = vector.shape_cast %get3A_1054 : vector<1x16xf32> to vector<16xf32>
      %add3A_1056 = arith.constant 0 : i32
      %add3A_1057 = arith.addi %add3A_1056, %scan3A_156 : i32
      %get3A_1058 = arith.index_cast %add3A_1057 : i32 to index
      %get3A_1059 = arith.constant 896 : index
      %get3A_1060 = tpu.vector_load %arg5[%get3A_1058, %get3A_1059] {strides = array<i32>} : memref<64x1024xf32, #tpu.memory_space<vmem>>, vector<1x16xf32>,
      %get3A_1061 = vector.shape_cast %get3A_1060 : vector<1x16xf32> to vector<16xf32>
      %add3A_1062 = arith.addf %get3A_1055, %get3A_1061 : vector<16xf32>
      %swap3A_1063 = arith.index_cast %scan3A_156 : i32 to index
      %swap3A_1064 = arith.constant 896 : index
      %swap3A_1065 = tpu.vector_load %arg6[%swap3A_1063, %swap3A_1064] {strides = array<i32>} : memref<16x1024xf32, #tpu.memory_space<vmem>>, vector<1x16xf32>,
      %swap3A_1066 = vector.shape_cast %swap3A_1065 : vector<1x16xf32> to vector<16xf32>
      %swap3A_1067 = vector.shape_cast %add3A_1062 : vector<16xf32> to vector<1x16xf32>
      tpu.vector_store %arg6[%swap3A_1063, %swap3A_1064], %swap3A_1067 {strides = array<i32>} : memref<16x1024xf32, #tpu.memory_space<vmem>>, vector<1x16xf32>,
      %get3A_1068 = arith.index_cast %scan3A_156 : i32 to index
      %get3A_1069 = arith.constant 912 : index
      %get3A_1070 = tpu.vector_load %arg6[%get3A_1068, %get3A_1069] {strides = array<i32>} : memref<16x1024xf32, #tpu.memory_space<vmem>>, vector<1x16xf32>,
      %get3A_1071 = vector.shape_cast %get3A_1070 : vector<1x16xf32> to vector<16xf32>
      %add3A_1072 = arith.constant 0 : i32
      %add3A_1073 = arith.addi %add3A_1072, %scan3A_156 : i32
      %get3A_1074 = arith.index_cast %add3A_1073 : i32 to index
      %get3A_1075 = arith.constant 912 : index
      %get3A_1076 = tpu.vector_load %arg5[%get3A_1074, %get3A_1075] {strides = array<i32>} : memref<64x1024xf32, #tpu.memory_space<vmem>>, vector<1x16xf32>,
      %get3A_1077 = vector.shape_cast %get3A_1076 : vector<1x16xf32> to vector<16xf32>
      %add3A_1078 = arith.addf %get3A_1071, %get3A_1077 : vector<16xf32>
      %swap3A_1079 = arith.index_cast %scan3A_156 : i32 to index
      %swap3A_1080 = arith.constant 912 : index
      %swap3A_1081 = tpu.vector_load %arg6[%swap3A_1079, %swap3A_1080] {strides = array<i32>} : memref<16x1024xf32, #tpu.memory_space<vmem>>, vector<1x16xf32>,
      %swap3A_1082 = vector.shape_cast %swap3A_1081 : vector<1x16xf32> to vector<16xf32>
      %swap3A_1083 = vector.shape_cast %add3A_1078 : vector<16xf32> to vector<1x16xf32>
      tpu.vector_store %arg6[%swap3A_1079, %swap3A_1080], %swap3A_1083 {strides = array<i32>} : memref<16x1024xf32, #tpu.memory_space<vmem>>, vector<1x16xf32>,
      %get3A_1084 = arith.index_cast %scan3A_156 : i32 to index
      %get3A_1085 = arith.constant 928 : index
      %get3A_1086 = tpu.vector_load %arg6[%get3A_1084, %get3A_1085] {strides = array<i32>} : memref<16x1024xf32, #tpu.memory_space<vmem>>, vector<1x16xf32>,
      %get3A_1087 = vector.shape_cast %get3A_1086 : vector<1x16xf32> to vector<16xf32>
      %add3A_1088 = arith.constant 0 : i32
      %add3A_1089 = arith.addi %add3A_1088, %scan3A_156 : i32
      %get3A_1090 = arith.index_cast %add3A_1089 : i32 to index
      %get3A_1091 = arith.constant 928 : index
      %get3A_1092 = tpu.vector_load %arg5[%get3A_1090, %get3A_1091] {strides = array<i32>} : memref<64x1024xf32, #tpu.memory_space<vmem>>, vector<1x16xf32>,
      %get3A_1093 = vector.shape_cast %get3A_1092 : vector<1x16xf32> to vector<16xf32>
      %add3A_1094 = arith.addf %get3A_1087, %get3A_1093 : vector<16xf32>
      %swap3A_1095 = arith.index_cast %scan3A_156 : i32 to index
      %swap3A_1096 = arith.constant 928 : index
      %swap3A_1097 = tpu.vector_load %arg6[%swap3A_1095, %swap3A_1096] {strides = array<i32>} : memref<16x1024xf32, #tpu.memory_space<vmem>>, vector<1x16xf32>,
      %swap3A_1098 = vector.shape_cast %swap3A_1097 : vector<1x16xf32> to vector<16xf32>
      %swap3A_1099 = vector.shape_cast %add3A_1094 : vector<16xf32> to vector<1x16xf32>
      tpu.vector_store %arg6[%swap3A_1095, %swap3A_1096], %swap3A_1099 {strides = array<i32>} : memref<16x1024xf32, #tpu.memory_space<vmem>>, vector<1x16xf32>,
      %get3A_1100 = arith.index_cast %scan3A_156 : i32 to index
      %get3A_1101 = arith.constant 944 : index
      %get3A_1102 = tpu.vector_load %arg6[%get3A_1100, %get3A_1101] {strides = array<i32>} : memref<16x1024xf32, #tpu.memory_space<vmem>>, vector<1x16xf32>,
      %get3A_1103 = vector.shape_cast %get3A_1102 : vector<1x16xf32> to vector<16xf32>
      %add3A_1104 = arith.constant 0 : i32
      %add3A_1105 = arith.addi %add3A_1104, %scan3A_156 : i32
      %get3A_1106 = arith.index_cast %add3A_1105 : i32 to index
      %get3A_1107 = arith.constant 944 : index
      %get3A_1108 = tpu.vector_load %arg5[%get3A_1106, %get3A_1107] {strides = array<i32>} : memref<64x1024xf32, #tpu.memory_space<vmem>>, vector<1x16xf32>,
      %get3A_1109 = vector.shape_cast %get3A_1108 : vector<1x16xf32> to vector<16xf32>
      %add3A_1110 = arith.addf %get3A_1103, %get3A_1109 : vector<16xf32>
      %swap3A_1111 = arith.index_cast %scan3A_156 : i32 to index
      %swap3A_1112 = arith.constant 944 : index
      %swap3A_1113 = tpu.vector_load %arg6[%swap3A_1111, %swap3A_1112] {strides = array<i32>} : memref<16x1024xf32, #tpu.memory_space<vmem>>, vector<1x16xf32>,
      %swap3A_1114 = vector.shape_cast %swap3A_1113 : vector<1x16xf32> to vector<16xf32>
      %swap3A_1115 = vector.shape_cast %add3A_1110 : vector<16xf32> to vector<1x16xf32>
      tpu.vector_store %arg6[%swap3A_1111, %swap3A_1112], %swap3A_1115 {strides = array<i32>} : memref<16x1024xf32, #tpu.memory_space<vmem>>, vector<1x16xf32>,
      %get3A_1116 = arith.index_cast %scan3A_156 : i32 to index
      %get3A_1117 = arith.constant 960 : index
      %get3A_1118 = tpu.vector_load %arg6[%get3A_1116, %get3A_1117] {strides = array<i32>} : memref<16x1024xf32, #tpu.memory_space<vmem>>, vector<1x16xf32>,
      %get3A_1119 = vector.shape_cast %get3A_1118 : vector<1x16xf32> to vector<16xf32>
      %add3A_1120 = arith.constant 0 : i32
      %add3A_1121 = arith.addi %add3A_1120, %scan3A_156 : i32
      %get3A_1122 = arith.index_cast %add3A_1121 : i32 to index
      %get3A_1123 = arith.constant 960 : index
      %get3A_1124 = tpu.vector_load %arg5[%get3A_1122, %get3A_1123] {strides = array<i32>} : memref<64x1024xf32, #tpu.memory_space<vmem>>, vector<1x16xf32>,
      %get3A_1125 = vector.shape_cast %get3A_1124 : vector<1x16xf32> to vector<16xf32>
      %add3A_1126 = arith.addf %get3A_1119, %get3A_1125 : vector<16xf32>
      %swap3A_1127 = arith.index_cast %scan3A_156 : i32 to index
      %swap3A_1128 = arith.constant 960 : index
      %swap3A_1129 = tpu.vector_load %arg6[%swap3A_1127, %swap3A_1128] {strides = array<i32>} : memref<16x1024xf32, #tpu.memory_space<vmem>>, vector<1x16xf32>,
      %swap3A_1130 = vector.shape_cast %swap3A_1129 : vector<1x16xf32> to vector<16xf32>
      %swap3A_1131 = vector.shape_cast %add3A_1126 : vector<16xf32> to vector<1x16xf32>
      tpu.vector_store %arg6[%swap3A_1127, %swap3A_1128], %swap3A_1131 {strides = array<i32>} : memref<16x1024xf32, #tpu.memory_space<vmem>>, vector<1x16xf32>,
      %get3A_1132 = arith.index_cast %scan3A_156 : i32 to index
      %get3A_1133 = arith.constant 976 : index
      %get3A_1134 = tpu.vector_load %arg6[%get3A_1132, %get3A_1133] {strides = array<i32>} : memref<16x1024xf32, #tpu.memory_space<vmem>>, vector<1x16xf32>,
      %get3A_1135 = vector.shape_cast %get3A_1134 : vector<1x16xf32> to vector<16xf32>
      %add3A_1136 = arith.constant 0 : i32
      %add3A_1137 = arith.addi %add3A_1136, %scan3A_156 : i32
      %get3A_1138 = arith.index_cast %add3A_1137 : i32 to index
      %get3A_1139 = arith.constant 976 : index
      %get3A_1140 = tpu.vector_load %arg5[%get3A_1138, %get3A_1139] {strides = array<i32>} : memref<64x1024xf32, #tpu.memory_space<vmem>>, vector<1x16xf32>,
      %get3A_1141 = vector.shape_cast %get3A_1140 : vector<1x16xf32> to vector<16xf32>
      %add3A_1142 = arith.addf %get3A_1135, %get3A_1141 : vector<16xf32>
      %swap3A_1143 = arith.index_cast %scan3A_156 : i32 to index
      %swap3A_1144 = arith.constant 976 : index
      %swap3A_1145 = tpu.vector_load %arg6[%swap3A_1143, %swap3A_1144] {strides = array<i32>} : memref<16x1024xf32, #tpu.memory_space<vmem>>, vector<1x16xf32>,
      %swap3A_1146 = vector.shape_cast %swap3A_1145 : vector<1x16xf32> to vector<16xf32>
      %swap3A_1147 = vector.shape_cast %add3A_1142 : vector<16xf32> to vector<1x16xf32>
      tpu.vector_store %arg6[%swap3A_1143, %swap3A_1144], %swap3A_1147 {strides = array<i32>} : memref<16x1024xf32, #tpu.memory_space<vmem>>, vector<1x16xf32>,
      %get3A_1148 = arith.index_cast %scan3A_156 : i32 to index
      %get3A_1149 = arith.constant 992 : index
      %get3A_1150 = tpu.vector_load %arg6[%get3A_1148, %get3A_1149] {strides = array<i32>} : memref<16x1024xf32, #tpu.memory_space<vmem>>, vector<1x16xf32>,
      %get3A_1151 = vector.shape_cast %get3A_1150 : vector<1x16xf32> to vector<16xf32>
      %add3A_1152 = arith.constant 0 : i32
      %add3A_1153 = arith.addi %add3A_1152, %scan3A_156 : i32
      %get3A_1154 = arith.index_cast %add3A_1153 : i32 to index
      %get3A_1155 = arith.constant 992 : index
      %get3A_1156 = tpu.vector_load %arg5[%get3A_1154, %get3A_1155] {strides = array<i32>} : memref<64x1024xf32, #tpu.memory_space<vmem>>, vector<1x16xf32>,
      %get3A_1157 = vector.shape_cast %get3A_1156 : vector<1x16xf32> to vector<16xf32>
      %add3A_1158 = arith.addf %get3A_1151, %get3A_1157 : vector<16xf32>
      %swap3A_1159 = arith.index_cast %scan3A_156 : i32 to index
      %swap3A_1160 = arith.constant 992 : index
      %swap3A_1161 = tpu.vector_load %arg6[%swap3A_1159, %swap3A_1160] {strides = array<i32>} : memref<16x1024xf32, #tpu.memory_space<vmem>>, vector<1x16xf32>,
      %swap3A_1162 = vector.shape_cast %swap3A_1161 : vector<1x16xf32> to vector<16xf32>
      %swap3A_1163 = vector.shape_cast %add3A_1158 : vector<16xf32> to vector<1x16xf32>
      tpu.vector_store %arg6[%swap3A_1159, %swap3A_1160], %swap3A_1163 {strides = array<i32>} : memref<16x1024xf32, #tpu.memory_space<vmem>>, vector<1x16xf32>,
      %get3A_1164 = arith.index_cast %scan3A_156 : i32 to index
      %get3A_1165 = arith.constant 1008 : index
      %get3A_1166 = tpu.vector_load %arg6[%get3A_1164, %get3A_1165] {strides = array<i32>} : memref<16x1024xf32, #tpu.memory_space<vmem>>, vector<1x16xf32>,
      %get3A_1167 = vector.shape_cast %get3A_1166 : vector<1x16xf32> to vector<16xf32>
      %add3A_1168 = arith.constant 0 : i32
      %add3A_1169 = arith.addi %add3A_1168, %scan3A_156 : i32
      %get3A_1170 = arith.index_cast %add3A_1169 : i32 to index
      %get3A_1171 = arith.constant 1008 : index
      %get3A_1172 = tpu.vector_load %arg5[%get3A_1170, %get3A_1171] {strides = array<i32>} : memref<64x1024xf32, #tpu.memory_space<vmem>>, vector<1x16xf32>,
      %get3A_1173 = vector.shape_cast %get3A_1172 : vector<1x16xf32> to vector<16xf32>
      %add3A_1174 = arith.addf %get3A_1167, %get3A_1173 : vector<16xf32>
      %swap3A_1175 = arith.index_cast %scan3A_156 : i32 to index
      %swap3A_1176 = arith.constant 1008 : index
      %swap3A_1177 = tpu.vector_load %arg6[%swap3A_1175, %swap3A_1176] {strides = array<i32>} : memref<16x1024xf32, #tpu.memory_space<vmem>>, vector<1x16xf32>,
      %swap3A_1178 = vector.shape_cast %swap3A_1177 : vector<1x16xf32> to vector<16xf32>
      %swap3A_1179 = vector.shape_cast %add3A_1174 : vector<16xf32> to vector<1x16xf32>
      tpu.vector_store %arg6[%swap3A_1175, %swap3A_1176], %swap3A_1179 {strides = array<i32>} : memref<16x1024xf32, #tpu.memory_space<vmem>>, vector<1x16xf32>,
      %scan3A_1180 = arith.constant 0 : i32
      scf.yield %scan3A_1180 : i32
    }
    %scan3A_30 = arith.constant 16 : i32
    %add3A_31 = arith.constant 0 : i32
    %add3A_32 = arith.addi %add3A_31, %mul3A_2 : i32
    %add3A_33 = arith.constant 0 : i32
    %add3A_34 = arith.addi %add3A_32, %add3A_33 : i32
    %dma_start3A_35 = arith.constant 0 : i32
    %dma_start3A_36 = tpu.memref_slice %arg4[%add3A_34, %dma_start3A_35] : memref<2048x1024xf32, #tpu.memory_space<hbm>> -> memref<16x1024xf32, #tpu.memory_space<hbm>>
    %dma_start3A_37 = arith.constant 0 : i32
    %dma_start3A_38 = tpu.memref_slice %arg4[%add3A_34, %dma_start3A_37] : memref<2048x1024xf32, #tpu.memory_space<hbm>> -> memref<16x1024xf32, #tpu.memory_space<hbm>>
    tpu.enqueue_dma source(%arg6 : memref<16x1024xf32, #tpu.memory_space<vmem>>) target(%dma_start3A_38 : memref<16x1024xf32, #tpu.memory_space<hbm>>) target_semaphore(%arg12 : memref<!tpu.dma_semaphore, #tpu.memory_space<semaphore_mem>>)
    %add3A_39 = arith.constant 6144 : i32
    %add3A_40 = arith.addi %add3A_39, %mul3A_2 : i32
    %add3A_41 = arith.constant 32 : i32
    %add3A_42 = arith.addi %add3A_40, %add3A_41 : i32
    %dma_start3A_43 = arith.constant 0 : i32
    %dma_start3A_44 = tpu.memref_slice %arg2[%add3A_42, %dma_start3A_43] : memref<8192x1024xf32, #tpu.memory_space<hbm>> -> memref<16x1024xf32, #tpu.memory_space<hbm>>
    %dma_start3A_45 = arith.constant 0 : i32
    %dma_start3A_46 = tpu.memref_slice %arg2[%add3A_42, %dma_start3A_45] : memref<8192x1024xf32, #tpu.memory_space<hbm>> -> memref<16x1024xf32, #tpu.memory_space<hbm>>
    tpu.enqueue_dma source(%dma_start3A_46 : memref<16x1024xf32, #tpu.memory_space<hbm>>) target(%arg8 : memref<16x1024xf32, #tpu.memory_space<vmem>>) target_semaphore(%arg11 : memref<!tpu.dma_semaphore, #tpu.memory_space<semaphore_mem>>)
    %add3A_47 = arith.constant 6144 : i32
    %add3A_48 = arith.addi %add3A_47, %mul3A_2 : i32
    %add3A_49 = arith.constant 16 : i32
    %add3A_50 = arith.addi %add3A_48, %add3A_49 : i32
    %dma_wait3A_51 = arith.constant 0 : i32
    %dma_wait3A_52 = tpu.memref_slice %arg2[%add3A_50, %dma_wait3A_51] : memref<8192x1024xf32, #tpu.memory_space<hbm>> -> memref<16x1024xf32, #tpu.memory_space<hbm>>
    %dma_wait3A_53 = arith.constant 0 : i32
    %dma_wait3A_54 = tpu.memref_slice %arg2[%add3A_50, %dma_wait3A_53] : memref<8192x1024xf32, #tpu.memory_space<hbm>> -> memref<16x1024xf32, #tpu.memory_space<hbm>>
    tpu.wait_dma2 semaphore(%arg10 : memref<!tpu.dma_semaphore, #tpu.memory_space<semaphore_mem>>) src(%dma_wait3A_54 : memref<16x1024xf32, #tpu.memory_space<hbm>>) dst(%arg7 : memref<16x1024xf32, #tpu.memory_space<vmem>>)
    %scan3A_55 = arith.constant 0 : i32
    %scan3A_56 = arith.constant 0 : i32
    %scan3A_57 = arith.constant 16 : i32
    %scan3A_58 = arith.addi %scan3A_56, %scan3A_57 : i32
    %scan3A_59 = arith.constant 1 : i32
    %scan3A_60 = scf.for %scan3A_156 = %scan3A_56 to %scan3A_58 step %scan3A_59 iter_args(%scan3A_157 = %scan3A_55) -> (i32)  : i32 {
      %get3A = arith.index_cast %scan3A_156 : i32 to index
      %get3A_158 = arith.constant 0 : index
      %get3A_159 = tpu.vector_load %arg7[%get3A, %get3A_158] {strides = array<i32>} : memref<16x1024xf32, #tpu.memory_space<vmem>>, vector<1x16xf32>,
      %get3A_160 = vector.shape_cast %get3A_159 : vector<1x16xf32> to vector<16xf32>
      %add3A_161 = arith.constant 16 : i32
      %add3A_162 = arith.addi %add3A_161, %scan3A_156 : i32
      %get3A_163 = arith.index_cast %add3A_162 : i32 to index
      %get3A_164 = arith.constant 0 : index
      %get3A_165 = tpu.vector_load %arg5[%get3A_163, %get3A_164] {strides = array<i32>} : memref<64x1024xf32, #tpu.memory_space<vmem>>, vector<1x16xf32>,
      %get3A_166 = vector.shape_cast %get3A_165 : vector<1x16xf32> to vector<16xf32>
      %add3A_167 = arith.addf %get3A_160, %get3A_166 : vector<16xf32>
      %swap3A = arith.index_cast %scan3A_156 : i32 to index
      %swap3A_168 = arith.constant 0 : index
      %swap3A_169 = tpu.vector_load %arg7[%swap3A, %swap3A_168] {strides = array<i32>} : memref<16x1024xf32, #tpu.memory_space<vmem>>, vector<1x16xf32>,
      %swap3A_170 = vector.shape_cast %swap3A_169 : vector<1x16xf32> to vector<16xf32>
      %swap3A_171 = vector.shape_cast %add3A_167 : vector<16xf32> to vector<1x16xf32>
      tpu.vector_store %arg7[%swap3A, %swap3A_168], %swap3A_171 {strides = array<i32>} : memref<16x1024xf32, #tpu.memory_space<vmem>>, vector<1x16xf32>,
      %get3A_172 = arith.index_cast %scan3A_156 : i32 to index
      %get3A_173 = arith.constant 16 : index
      %get3A_174 = tpu.vector_load %arg7[%get3A_172, %get3A_173] {strides = array<i32>} : memref<16x1024xf32, #tpu.memory_space<vmem>>, vector<1x16xf32>,
      %get3A_175 = vector.shape_cast %get3A_174 : vector<1x16xf32> to vector<16xf32>
      %add3A_176 = arith.constant 16 : i32
      %add3A_177 = arith.addi %add3A_176, %scan3A_156 : i32
      %get3A_178 = arith.index_cast %add3A_177 : i32 to index
      %get3A_179 = arith.constant 16 : index
      %get3A_180 = tpu.vector_load %arg5[%get3A_178, %get3A_179] {strides = array<i32>} : memref<64x1024xf32, #tpu.memory_space<vmem>>, vector<1x16xf32>,
      %get3A_181 = vector.shape_cast %get3A_180 : vector<1x16xf32> to vector<16xf32>
      %add3A_182 = arith.addf %get3A_175, %get3A_181 : vector<16xf32>
      %swap3A_183 = arith.index_cast %scan3A_156 : i32 to index
      %swap3A_184 = arith.constant 16 : index
      %swap3A_185 = tpu.vector_load %arg7[%swap3A_183, %swap3A_184] {strides = array<i32>} : memref<16x1024xf32, #tpu.memory_space<vmem>>, vector<1x16xf32>,
      %swap3A_186 = vector.shape_cast %swap3A_185 : vector<1x16xf32> to vector<16xf32>
      %swap3A_187 = vector.shape_cast %add3A_182 : vector<16xf32> to vector<1x16xf32>
      tpu.vector_store %arg7[%swap3A_183, %swap3A_184], %swap3A_187 {strides = array<i32>} : memref<16x1024xf32, #tpu.memory_space<vmem>>, vector<1x16xf32>,
      %get3A_188 = arith.index_cast %scan3A_156 : i32 to index
      %get3A_189 = arith.constant 32 : index
      %get3A_190 = tpu.vector_load %arg7[%get3A_188, %get3A_189] {strides = array<i32>} : memref<16x1024xf32, #tpu.memory_space<vmem>>, vector<1x16xf32>,
      %get3A_191 = vector.shape_cast %get3A_190 : vector<1x16xf32> to vector<16xf32>
      %add3A_192 = arith.constant 16 : i32
      %add3A_193 = arith.addi %add3A_192, %scan3A_156 : i32
      %get3A_194 = arith.index_cast %add3A_193 : i32 to index
      %get3A_195 = arith.constant 32 : index
      %get3A_196 = tpu.vector_load %arg5[%get3A_194, %get3A_195] {strides = array<i32>} : memref<64x1024xf32, #tpu.memory_space<vmem>>, vector<1x16xf32>,
      %get3A_197 = vector.shape_cast %get3A_196 : vector<1x16xf32> to vector<16xf32>
      %add3A_198 = arith.addf %get3A_191, %get3A_197 : vector<16xf32>
      %swap3A_199 = arith.index_cast %scan3A_156 : i32 to index
      %swap3A_200 = arith.constant 32 : index
      %swap3A_201 = tpu.vector_load %arg7[%swap3A_199, %swap3A_200] {strides = array<i32>} : memref<16x1024xf32, #tpu.memory_space<vmem>>, vector<1x16xf32>,
      %swap3A_202 = vector.shape_cast %swap3A_201 : vector<1x16xf32> to vector<16xf32>
      %swap3A_203 = vector.shape_cast %add3A_198 : vector<16xf32> to vector<1x16xf32>
      tpu.vector_store %arg7[%swap3A_199, %swap3A_200], %swap3A_203 {strides = array<i32>} : memref<16x1024xf32, #tpu.memory_space<vmem>>, vector<1x16xf32>,
      %get3A_204 = arith.index_cast %scan3A_156 : i32 to index
      %get3A_205 = arith.constant 48 : index
      %get3A_206 = tpu.vector_load %arg7[%get3A_204, %get3A_205] {strides = array<i32>} : memref<16x1024xf32, #tpu.memory_space<vmem>>, vector<1x16xf32>,
      %get3A_207 = vector.shape_cast %get3A_206 : vector<1x16xf32> to vector<16xf32>
      %add3A_208 = arith.constant 16 : i32
      %add3A_209 = arith.addi %add3A_208, %scan3A_156 : i32
      %get3A_210 = arith.index_cast %add3A_209 : i32 to index
      %get3A_211 = arith.constant 48 : index
      %get3A_212 = tpu.vector_load %arg5[%get3A_210, %get3A_211] {strides = array<i32>} : memref<64x1024xf32, #tpu.memory_space<vmem>>, vector<1x16xf32>,
      %get3A_213 = vector.shape_cast %get3A_212 : vector<1x16xf32> to vector<16xf32>
      %add3A_214 = arith.addf %get3A_207, %get3A_213 : vector<16xf32>
      %swap3A_215 = arith.index_cast %scan3A_156 : i32 to index
      %swap3A_216 = arith.constant 48 : index
      %swap3A_217 = tpu.vector_load %arg7[%swap3A_215, %swap3A_216] {strides = array<i32>} : memref<16x1024xf32, #tpu.memory_space<vmem>>, vector<1x16xf32>,
      %swap3A_218 = vector.shape_cast %swap3A_217 : vector<1x16xf32> to vector<16xf32>
      %swap3A_219 = vector.shape_cast %add3A_214 : vector<16xf32> to vector<1x16xf32>
      tpu.vector_store %arg7[%swap3A_215, %swap3A_216], %swap3A_219 {strides = array<i32>} : memref<16x1024xf32, #tpu.memory_space<vmem>>, vector<1x16xf32>,
      %get3A_220 = arith.index_cast %scan3A_156 : i32 to index
      %get3A_221 = arith.constant 64 : index
      %get3A_222 = tpu.vector_load %arg7[%get3A_220, %get3A_221] {strides = array<i32>} : memref<16x1024xf32, #tpu.memory_space<vmem>>, vector<1x16xf32>,
      %get3A_223 = vector.shape_cast %get3A_222 : vector<1x16xf32> to vector<16xf32>
      %add3A_224 = arith.constant 16 : i32
      %add3A_225 = arith.addi %add3A_224, %scan3A_156 : i32
      %get3A_226 = arith.index_cast %add3A_225 : i32 to index
      %get3A_227 = arith.constant 64 : index
      %get3A_228 = tpu.vector_load %arg5[%get3A_226, %get3A_227] {strides = array<i32>} : memref<64x1024xf32, #tpu.memory_space<vmem>>, vector<1x16xf32>,
      %get3A_229 = vector.shape_cast %get3A_228 : vector<1x16xf32> to vector<16xf32>
      %add3A_230 = arith.addf %get3A_223, %get3A_229 : vector<16xf32>
      %swap3A_231 = arith.index_cast %scan3A_156 : i32 to index
      %swap3A_232 = arith.constant 64 : index
      %swap3A_233 = tpu.vector_load %arg7[%swap3A_231, %swap3A_232] {strides = array<i32>} : memref<16x1024xf32, #tpu.memory_space<vmem>>, vector<1x16xf32>,
      %swap3A_234 = vector.shape_cast %swap3A_233 : vector<1x16xf32> to vector<16xf32>
      %swap3A_235 = vector.shape_cast %add3A_230 : vector<16xf32> to vector<1x16xf32>
      tpu.vector_store %arg7[%swap3A_231, %swap3A_232], %swap3A_235 {strides = array<i32>} : memref<16x1024xf32, #tpu.memory_space<vmem>>, vector<1x16xf32>,
      %get3A_236 = arith.index_cast %scan3A_156 : i32 to index
      %get3A_237 = arith.constant 80 : index
      %get3A_238 = tpu.vector_load %arg7[%get3A_236, %get3A_237] {strides = array<i32>} : memref<16x1024xf32, #tpu.memory_space<vmem>>, vector<1x16xf32>,
      %get3A_239 = vector.shape_cast %get3A_238 : vector<1x16xf32> to vector<16xf32>
      %add3A_240 = arith.constant 16 : i32
      %add3A_241 = arith.addi %add3A_240, %scan3A_156 : i32
      %get3A_242 = arith.index_cast %add3A_241 : i32 to index
      %get3A_243 = arith.constant 80 : index
      %get3A_244 = tpu.vector_load %arg5[%get3A_242, %get3A_243] {strides = array<i32>} : memref<64x1024xf32, #tpu.memory_space<vmem>>, vector<1x16xf32>,
      %get3A_245 = vector.shape_cast %get3A_244 : vector<1x16xf32> to vector<16xf32>
      %add3A_246 = arith.addf %get3A_239, %get3A_245 : vector<16xf32>
      %swap3A_247 = arith.index_cast %scan3A_156 : i32 to index
      %swap3A_248 = arith.constant 80 : index
      %swap3A_249 = tpu.vector_load %arg7[%swap3A_247, %swap3A_248] {strides = array<i32>} : memref<16x1024xf32, #tpu.memory_space<vmem>>, vector<1x16xf32>,
      %swap3A_250 = vector.shape_cast %swap3A_249 : vector<1x16xf32> to vector<16xf32>
      %swap3A_251 = vector.shape_cast %add3A_246 : vector<16xf32> to vector<1x16xf32>
      tpu.vector_store %arg7[%swap3A_247, %swap3A_248], %swap3A_251 {strides = array<i32>} : memref<16x1024xf32, #tpu.memory_space<vmem>>, vector<1x16xf32>,
      %get3A_252 = arith.index_cast %scan3A_156 : i32 to index
      %get3A_253 = arith.constant 96 : index
      %get3A_254 = tpu.vector_load %arg7[%get3A_252, %get3A_253] {strides = array<i32>} : memref<16x1024xf32, #tpu.memory_space<vmem>>, vector<1x16xf32>,
      %get3A_255 = vector.shape_cast %get3A_254 : vector<1x16xf32> to vector<16xf32>
      %add3A_256 = arith.constant 16 : i32
      %add3A_257 = arith.addi %add3A_256, %scan3A_156 : i32
      %get3A_258 = arith.index_cast %add3A_257 : i32 to index
      %get3A_259 = arith.constant 96 : index
      %get3A_260 = tpu.vector_load %arg5[%get3A_258, %get3A_259] {strides = array<i32>} : memref<64x1024xf32, #tpu.memory_space<vmem>>, vector<1x16xf32>,
      %get3A_261 = vector.shape_cast %get3A_260 : vector<1x16xf32> to vector<16xf32>
      %add3A_262 = arith.addf %get3A_255, %get3A_261 : vector<16xf32>
      %swap3A_263 = arith.index_cast %scan3A_156 : i32 to index
      %swap3A_264 = arith.constant 96 : index
      %swap3A_265 = tpu.vector_load %arg7[%swap3A_263, %swap3A_264] {strides = array<i32>} : memref<16x1024xf32, #tpu.memory_space<vmem>>, vector<1x16xf32>,
      %swap3A_266 = vector.shape_cast %swap3A_265 : vector<1x16xf32> to vector<16xf32>
      %swap3A_267 = vector.shape_cast %add3A_262 : vector<16xf32> to vector<1x16xf32>
      tpu.vector_store %arg7[%swap3A_263, %swap3A_264], %swap3A_267 {strides = array<i32>} : memref<16x1024xf32, #tpu.memory_space<vmem>>, vector<1x16xf32>,
      %get3A_268 = arith.index_cast %scan3A_156 : i32 to index
      %get3A_269 = arith.constant 112 : index
      %get3A_270 = tpu.vector_load %arg7[%get3A_268, %get3A_269] {strides = array<i32>} : memref<16x1024xf32, #tpu.memory_space<vmem>>, vector<1x16xf32>,
      %get3A_271 = vector.shape_cast %get3A_270 : vector<1x16xf32> to vector<16xf32>
      %add3A_272 = arith.constant 16 : i32
      %add3A_273 = arith.addi %add3A_272, %scan3A_156 : i32
      %get3A_274 = arith.index_cast %add3A_273 : i32 to index
      %get3A_275 = arith.constant 112 : index
      %get3A_276 = tpu.vector_load %arg5[%get3A_274, %get3A_275] {strides = array<i32>} : memref<64x1024xf32, #tpu.memory_space<vmem>>, vector<1x16xf32>,
      %get3A_277 = vector.shape_cast %get3A_276 : vector<1x16xf32> to vector<16xf32>
      %add3A_278 = arith.addf %get3A_271, %get3A_277 : vector<16xf32>
      %swap3A_279 = arith.index_cast %scan3A_156 : i32 to index
      %swap3A_280 = arith.constant 112 : index
      %swap3A_281 = tpu.vector_load %arg7[%swap3A_279, %swap3A_280] {strides = array<i32>} : memref<16x1024xf32, #tpu.memory_space<vmem>>, vector<1x16xf32>,
      %swap3A_282 = vector.shape_cast %swap3A_281 : vector<1x16xf32> to vector<16xf32>
      %swap3A_283 = vector.shape_cast %add3A_278 : vector<16xf32> to vector<1x16xf32>
      tpu.vector_store %arg7[%swap3A_279, %swap3A_280], %swap3A_283 {strides = array<i32>} : memref<16x1024xf32, #tpu.memory_space<vmem>>, vector<1x16xf32>,
      %get3A_284 = arith.index_cast %scan3A_156 : i32 to index
      %get3A_285 = arith.constant 128 : index
      %get3A_286 = tpu.vector_load %arg7[%get3A_284, %get3A_285] {strides = array<i32>} : memref<16x1024xf32, #tpu.memory_space<vmem>>, vector<1x16xf32>,
      %get3A_287 = vector.shape_cast %get3A_286 : vector<1x16xf32> to vector<16xf32>
      %add3A_288 = arith.constant 16 : i32
      %add3A_289 = arith.addi %add3A_288, %scan3A_156 : i32
      %get3A_290 = arith.index_cast %add3A_289 : i32 to index
      %get3A_291 = arith.constant 128 : index
      %get3A_292 = tpu.vector_load %arg5[%get3A_290, %get3A_291] {strides = array<i32>} : memref<64x1024xf32, #tpu.memory_space<vmem>>, vector<1x16xf32>,
      %get3A_293 = vector.shape_cast %get3A_292 : vector<1x16xf32> to vector<16xf32>
      %add3A_294 = arith.addf %get3A_287, %get3A_293 : vector<16xf32>
      %swap3A_295 = arith.index_cast %scan3A_156 : i32 to index
      %swap3A_296 = arith.constant 128 : index
      %swap3A_297 = tpu.vector_load %arg7[%swap3A_295, %swap3A_296] {strides = array<i32>} : memref<16x1024xf32, #tpu.memory_space<vmem>>, vector<1x16xf32>,
      %swap3A_298 = vector.shape_cast %swap3A_297 : vector<1x16xf32> to vector<16xf32>
      %swap3A_299 = vector.shape_cast %add3A_294 : vector<16xf32> to vector<1x16xf32>
      tpu.vector_store %arg7[%swap3A_295, %swap3A_296], %swap3A_299 {strides = array<i32>} : memref<16x1024xf32, #tpu.memory_space<vmem>>, vector<1x16xf32>,
      %get3A_300 = arith.index_cast %scan3A_156 : i32 to index
      %get3A_301 = arith.constant 144 : index
      %get3A_302 = tpu.vector_load %arg7[%get3A_300, %get3A_301] {strides = array<i32>} : memref<16x1024xf32, #tpu.memory_space<vmem>>, vector<1x16xf32>,
      %get3A_303 = vector.shape_cast %get3A_302 : vector<1x16xf32> to vector<16xf32>
      %add3A_304 = arith.constant 16 : i32
      %add3A_305 = arith.addi %add3A_304, %scan3A_156 : i32
      %get3A_306 = arith.index_cast %add3A_305 : i32 to index
      %get3A_307 = arith.constant 144 : index
      %get3A_308 = tpu.vector_load %arg5[%get3A_306, %get3A_307] {strides = array<i32>} : memref<64x1024xf32, #tpu.memory_space<vmem>>, vector<1x16xf32>,
      %get3A_309 = vector.shape_cast %get3A_308 : vector<1x16xf32> to vector<16xf32>
      %add3A_310 = arith.addf %get3A_303, %get3A_309 : vector<16xf32>
      %swap3A_311 = arith.index_cast %scan3A_156 : i32 to index
      %swap3A_312 = arith.constant 144 : index
      %swap3A_313 = tpu.vector_load %arg7[%swap3A_311, %swap3A_312] {strides = array<i32>} : memref<16x1024xf32, #tpu.memory_space<vmem>>, vector<1x16xf32>,
      %swap3A_314 = vector.shape_cast %swap3A_313 : vector<1x16xf32> to vector<16xf32>
      %swap3A_315 = vector.shape_cast %add3A_310 : vector<16xf32> to vector<1x16xf32>
      tpu.vector_store %arg7[%swap3A_311, %swap3A_312], %swap3A_315 {strides = array<i32>} : memref<16x1024xf32, #tpu.memory_space<vmem>>, vector<1x16xf32>,
      %get3A_316 = arith.index_cast %scan3A_156 : i32 to index
      %get3A_317 = arith.constant 160 : index
      %get3A_318 = tpu.vector_load %arg7[%get3A_316, %get3A_317] {strides = array<i32>} : memref<16x1024xf32, #tpu.memory_space<vmem>>, vector<1x16xf32>,
      %get3A_319 = vector.shape_cast %get3A_318 : vector<1x16xf32> to vector<16xf32>
      %add3A_320 = arith.constant 16 : i32
      %add3A_321 = arith.addi %add3A_320, %scan3A_156 : i32
      %get3A_322 = arith.index_cast %add3A_321 : i32 to index
      %get3A_323 = arith.constant 160 : index
      %get3A_324 = tpu.vector_load %arg5[%get3A_322, %get3A_323] {strides = array<i32>} : memref<64x1024xf32, #tpu.memory_space<vmem>>, vector<1x16xf32>,
      %get3A_325 = vector.shape_cast %get3A_324 : vector<1x16xf32> to vector<16xf32>
      %add3A_326 = arith.addf %get3A_319, %get3A_325 : vector<16xf32>
      %swap3A_327 = arith.index_cast %scan3A_156 : i32 to index
      %swap3A_328 = arith.constant 160 : index
      %swap3A_329 = tpu.vector_load %arg7[%swap3A_327, %swap3A_328] {strides = array<i32>} : memref<16x1024xf32, #tpu.memory_space<vmem>>, vector<1x16xf32>,
      %swap3A_330 = vector.shape_cast %swap3A_329 : vector<1x16xf32> to vector<16xf32>
      %swap3A_331 = vector.shape_cast %add3A_326 : vector<16xf32> to vector<1x16xf32>
      tpu.vector_store %arg7[%swap3A_327, %swap3A_328], %swap3A_331 {strides = array<i32>} : memref<16x1024xf32, #tpu.memory_space<vmem>>, vector<1x16xf32>,
      %get3A_332 = arith.index_cast %scan3A_156 : i32 to index
      %get3A_333 = arith.constant 176 : index
      %get3A_334 = tpu.vector_load %arg7[%get3A_332, %get3A_333] {strides = array<i32>} : memref<16x1024xf32, #tpu.memory_space<vmem>>, vector<1x16xf32>,
      %get3A_335 = vector.shape_cast %get3A_334 : vector<1x16xf32> to vector<16xf32>
      %add3A_336 = arith.constant 16 : i32
      %add3A_337 = arith.addi %add3A_336, %scan3A_156 : i32
      %get3A_338 = arith.index_cast %add3A_337 : i32 to index
      %get3A_339 = arith.constant 176 : index
      %get3A_340 = tpu.vector_load %arg5[%get3A_338, %get3A_339] {strides = array<i32>} : memref<64x1024xf32, #tpu.memory_space<vmem>>, vector<1x16xf32>,
      %get3A_341 = vector.shape_cast %get3A_340 : vector<1x16xf32> to vector<16xf32>
      %add3A_342 = arith.addf %get3A_335, %get3A_341 : vector<16xf32>
      %swap3A_343 = arith.index_cast %scan3A_156 : i32 to index
      %swap3A_344 = arith.constant 176 : index
      %swap3A_345 = tpu.vector_load %arg7[%swap3A_343, %swap3A_344] {strides = array<i32>} : memref<16x1024xf32, #tpu.memory_space<vmem>>, vector<1x16xf32>,
      %swap3A_346 = vector.shape_cast %swap3A_345 : vector<1x16xf32> to vector<16xf32>
      %swap3A_347 = vector.shape_cast %add3A_342 : vector<16xf32> to vector<1x16xf32>
      tpu.vector_store %arg7[%swap3A_343, %swap3A_344], %swap3A_347 {strides = array<i32>} : memref<16x1024xf32, #tpu.memory_space<vmem>>, vector<1x16xf32>,
      %get3A_348 = arith.index_cast %scan3A_156 : i32 to index
      %get3A_349 = arith.constant 192 : index
      %get3A_350 = tpu.vector_load %arg7[%get3A_348, %get3A_349] {strides = array<i32>} : memref<16x1024xf32, #tpu.memory_space<vmem>>, vector<1x16xf32>,
      %get3A_351 = vector.shape_cast %get3A_350 : vector<1x16xf32> to vector<16xf32>
      %add3A_352 = arith.constant 16 : i32
      %add3A_353 = arith.addi %add3A_352, %scan3A_156 : i32
      %get3A_354 = arith.index_cast %add3A_353 : i32 to index
      %get3A_355 = arith.constant 192 : index
      %get3A_356 = tpu.vector_load %arg5[%get3A_354, %get3A_355] {strides = array<i32>} : memref<64x1024xf32, #tpu.memory_space<vmem>>, vector<1x16xf32>,
      %get3A_357 = vector.shape_cast %get3A_356 : vector<1x16xf32> to vector<16xf32>
      %add3A_358 = arith.addf %get3A_351, %get3A_357 : vector<16xf32>
      %swap3A_359 = arith.index_cast %scan3A_156 : i32 to index
      %swap3A_360 = arith.constant 192 : index
      %swap3A_361 = tpu.vector_load %arg7[%swap3A_359, %swap3A_360] {strides = array<i32>} : memref<16x1024xf32, #tpu.memory_space<vmem>>, vector<1x16xf32>,
      %swap3A_362 = vector.shape_cast %swap3A_361 : vector<1x16xf32> to vector<16xf32>
      %swap3A_363 = vector.shape_cast %add3A_358 : vector<16xf32> to vector<1x16xf32>
      tpu.vector_store %arg7[%swap3A_359, %swap3A_360], %swap3A_363 {strides = array<i32>} : memref<16x1024xf32, #tpu.memory_space<vmem>>, vector<1x16xf32>,
      %get3A_364 = arith.index_cast %scan3A_156 : i32 to index
      %get3A_365 = arith.constant 208 : index
      %get3A_366 = tpu.vector_load %arg7[%get3A_364, %get3A_365] {strides = array<i32>} : memref<16x1024xf32, #tpu.memory_space<vmem>>, vector<1x16xf32>,
      %get3A_367 = vector.shape_cast %get3A_366 : vector<1x16xf32> to vector<16xf32>
      %add3A_368 = arith.constant 16 : i32
      %add3A_369 = arith.addi %add3A_368, %scan3A_156 : i32
      %get3A_370 = arith.index_cast %add3A_369 : i32 to index
      %get3A_371 = arith.constant 208 : index
      %get3A_372 = tpu.vector_load %arg5[%get3A_370, %get3A_371] {strides = array<i32>} : memref<64x1024xf32, #tpu.memory_space<vmem>>, vector<1x16xf32>,
      %get3A_373 = vector.shape_cast %get3A_372 : vector<1x16xf32> to vector<16xf32>
      %add3A_374 = arith.addf %get3A_367, %get3A_373 : vector<16xf32>
      %swap3A_375 = arith.index_cast %scan3A_156 : i32 to index
      %swap3A_376 = arith.constant 208 : index
      %swap3A_377 = tpu.vector_load %arg7[%swap3A_375, %swap3A_376] {strides = array<i32>} : memref<16x1024xf32, #tpu.memory_space<vmem>>, vector<1x16xf32>,
      %swap3A_378 = vector.shape_cast %swap3A_377 : vector<1x16xf32> to vector<16xf32>
      %swap3A_379 = vector.shape_cast %add3A_374 : vector<16xf32> to vector<1x16xf32>
      tpu.vector_store %arg7[%swap3A_375, %swap3A_376], %swap3A_379 {strides = array<i32>} : memref<16x1024xf32, #tpu.memory_space<vmem>>, vector<1x16xf32>,
      %get3A_380 = arith.index_cast %scan3A_156 : i32 to index
      %get3A_381 = arith.constant 224 : index
      %get3A_382 = tpu.vector_load %arg7[%get3A_380, %get3A_381] {strides = array<i32>} : memref<16x1024xf32, #tpu.memory_space<vmem>>, vector<1x16xf32>,
      %get3A_383 = vector.shape_cast %get3A_382 : vector<1x16xf32> to vector<16xf32>
      %add3A_384 = arith.constant 16 : i32
      %add3A_385 = arith.addi %add3A_384, %scan3A_156 : i32
      %get3A_386 = arith.index_cast %add3A_385 : i32 to index
      %get3A_387 = arith.constant 224 : index
      %get3A_388 = tpu.vector_load %arg5[%get3A_386, %get3A_387] {strides = array<i32>} : memref<64x1024xf32, #tpu.memory_space<vmem>>, vector<1x16xf32>,
      %get3A_389 = vector.shape_cast %get3A_388 : vector<1x16xf32> to vector<16xf32>
      %add3A_390 = arith.addf %get3A_383, %get3A_389 : vector<16xf32>
      %swap3A_391 = arith.index_cast %scan3A_156 : i32 to index
      %swap3A_392 = arith.constant 224 : index
      %swap3A_393 = tpu.vector_load %arg7[%swap3A_391, %swap3A_392] {strides = array<i32>} : memref<16x1024xf32, #tpu.memory_space<vmem>>, vector<1x16xf32>,
      %swap3A_394 = vector.shape_cast %swap3A_393 : vector<1x16xf32> to vector<16xf32>
      %swap3A_395 = vector.shape_cast %add3A_390 : vector<16xf32> to vector<1x16xf32>
      tpu.vector_store %arg7[%swap3A_391, %swap3A_392], %swap3A_395 {strides = array<i32>} : memref<16x1024xf32, #tpu.memory_space<vmem>>, vector<1x16xf32>,
      %get3A_396 = arith.index_cast %scan3A_156 : i32 to index
      %get3A_397 = arith.constant 240 : index
      %get3A_398 = tpu.vector_load %arg7[%get3A_396, %get3A_397] {strides = array<i32>} : memref<16x1024xf32, #tpu.memory_space<vmem>>, vector<1x16xf32>,
      %get3A_399 = vector.shape_cast %get3A_398 : vector<1x16xf32> to vector<16xf32>
      %add3A_400 = arith.constant 16 : i32
      %add3A_401 = arith.addi %add3A_400, %scan3A_156 : i32
      %get3A_402 = arith.index_cast %add3A_401 : i32 to index
      %get3A_403 = arith.constant 240 : index
      %get3A_404 = tpu.vector_load %arg5[%get3A_402, %get3A_403] {strides = array<i32>} : memref<64x1024xf32, #tpu.memory_space<vmem>>, vector<1x16xf32>,
      %get3A_405 = vector.shape_cast %get3A_404 : vector<1x16xf32> to vector<16xf32>
      %add3A_406 = arith.addf %get3A_399, %get3A_405 : vector<16xf32>
      %swap3A_407 = arith.index_cast %scan3A_156 : i32 to index
      %swap3A_408 = arith.constant 240 : index
      %swap3A_409 = tpu.vector_load %arg7[%swap3A_407, %swap3A_408] {strides = array<i32>} : memref<16x1024xf32, #tpu.memory_space<vmem>>, vector<1x16xf32>,
      %swap3A_410 = vector.shape_cast %swap3A_409 : vector<1x16xf32> to vector<16xf32>
      %swap3A_411 = vector.shape_cast %add3A_406 : vector<16xf32> to vector<1x16xf32>
      tpu.vector_store %arg7[%swap3A_407, %swap3A_408], %swap3A_411 {strides = array<i32>} : memref<16x1024xf32, #tpu.memory_space<vmem>>, vector<1x16xf32>,
      %get3A_412 = arith.index_cast %scan3A_156 : i32 to index
      %get3A_413 = arith.constant 256 : index
      %get3A_414 = tpu.vector_load %arg7[%get3A_412, %get3A_413] {strides = array<i32>} : memref<16x1024xf32, #tpu.memory_space<vmem>>, vector<1x16xf32>,
      %get3A_415 = vector.shape_cast %get3A_414 : vector<1x16xf32> to vector<16xf32>
      %add3A_416 = arith.constant 16 : i32
      %add3A_417 = arith.addi %add3A_416, %scan3A_156 : i32
      %get3A_418 = arith.index_cast %add3A_417 : i32 to index
      %get3A_419 = arith.constant 256 : index
      %get3A_420 = tpu.vector_load %arg5[%get3A_418, %get3A_419] {strides = array<i32>} : memref<64x1024xf32, #tpu.memory_space<vmem>>, vector<1x16xf32>,
      %get3A_421 = vector.shape_cast %get3A_420 : vector<1x16xf32> to vector<16xf32>
      %add3A_422 = arith.addf %get3A_415, %get3A_421 : vector<16xf32>
      %swap3A_423 = arith.index_cast %scan3A_156 : i32 to index
      %swap3A_424 = arith.constant 256 : index
      %swap3A_425 = tpu.vector_load %arg7[%swap3A_423, %swap3A_424] {strides = array<i32>} : memref<16x1024xf32, #tpu.memory_space<vmem>>, vector<1x16xf32>,
      %swap3A_426 = vector.shape_cast %swap3A_425 : vector<1x16xf32> to vector<16xf32>
      %swap3A_427 = vector.shape_cast %add3A_422 : vector<16xf32> to vector<1x16xf32>
      tpu.vector_store %arg7[%swap3A_423, %swap3A_424], %swap3A_427 {strides = array<i32>} : memref<16x1024xf32, #tpu.memory_space<vmem>>, vector<1x16xf32>,
      %get3A_428 = arith.index_cast %scan3A_156 : i32 to index
      %get3A_429 = arith.constant 272 : index
      %get3A_430 = tpu.vector_load %arg7[%get3A_428, %get3A_429] {strides = array<i32>} : memref<16x1024xf32, #tpu.memory_space<vmem>>, vector<1x16xf32>,
      %get3A_431 = vector.shape_cast %get3A_430 : vector<1x16xf32> to vector<16xf32>
      %add3A_432 = arith.constant 16 : i32
      %add3A_433 = arith.addi %add3A_432, %scan3A_156 : i32
      %get3A_434 = arith.index_cast %add3A_433 : i32 to index
      %get3A_435 = arith.constant 272 : index
      %get3A_436 = tpu.vector_load %arg5[%get3A_434, %get3A_435] {strides = array<i32>} : memref<64x1024xf32, #tpu.memory_space<vmem>>, vector<1x16xf32>,
      %get3A_437 = vector.shape_cast %get3A_436 : vector<1x16xf32> to vector<16xf32>
      %add3A_438 = arith.addf %get3A_431, %get3A_437 : vector<16xf32>
      %swap3A_439 = arith.index_cast %scan3A_156 : i32 to index
      %swap3A_440 = arith.constant 272 : index
      %swap3A_441 = tpu.vector_load %arg7[%swap3A_439, %swap3A_440] {strides = array<i32>} : memref<16x1024xf32, #tpu.memory_space<vmem>>, vector<1x16xf32>,
      %swap3A_442 = vector.shape_cast %swap3A_441 : vector<1x16xf32> to vector<16xf32>
      %swap3A_443 = vector.shape_cast %add3A_438 : vector<16xf32> to vector<1x16xf32>
      tpu.vector_store %arg7[%swap3A_439, %swap3A_440], %swap3A_443 {strides = array<i32>} : memref<16x1024xf32, #tpu.memory_space<vmem>>, vector<1x16xf32>,
      %get3A_444 = arith.index_cast %scan3A_156 : i32 to index
      %get3A_445 = arith.constant 288 : index
      %get3A_446 = tpu.vector_load %arg7[%get3A_444, %get3A_445] {strides = array<i32>} : memref<16x1024xf32, #tpu.memory_space<vmem>>, vector<1x16xf32>,
      %get3A_447 = vector.shape_cast %get3A_446 : vector<1x16xf32> to vector<16xf32>
      %add3A_448 = arith.constant 16 : i32
      %add3A_449 = arith.addi %add3A_448, %scan3A_156 : i32
      %get3A_450 = arith.index_cast %add3A_449 : i32 to index
      %get3A_451 = arith.constant 288 : index
      %get3A_452 = tpu.vector_load %arg5[%get3A_450, %get3A_451] {strides = array<i32>} : memref<64x1024xf32, #tpu.memory_space<vmem>>, vector<1x16xf32>,
      %get3A_453 = vector.shape_cast %get3A_452 : vector<1x16xf32> to vector<16xf32>
      %add3A_454 = arith.addf %get3A_447, %get3A_453 : vector<16xf32>
      %swap3A_455 = arith.index_cast %scan3A_156 : i32 to index
      %swap3A_456 = arith.constant 288 : index
      %swap3A_457 = tpu.vector_load %arg7[%swap3A_455, %swap3A_456] {strides = array<i32>} : memref<16x1024xf32, #tpu.memory_space<vmem>>, vector<1x16xf32>,
      %swap3A_458 = vector.shape_cast %swap3A_457 : vector<1x16xf32> to vector<16xf32>
      %swap3A_459 = vector.shape_cast %add3A_454 : vector<16xf32> to vector<1x16xf32>
      tpu.vector_store %arg7[%swap3A_455, %swap3A_456], %swap3A_459 {strides = array<i32>} : memref<16x1024xf32, #tpu.memory_space<vmem>>, vector<1x16xf32>,
      %get3A_460 = arith.index_cast %scan3A_156 : i32 to index
      %get3A_461 = arith.constant 304 : index
      %get3A_462 = tpu.vector_load %arg7[%get3A_460, %get3A_461] {strides = array<i32>} : memref<16x1024xf32, #tpu.memory_space<vmem>>, vector<1x16xf32>,
      %get3A_463 = vector.shape_cast %get3A_462 : vector<1x16xf32> to vector<16xf32>
      %add3A_464 = arith.constant 16 : i32
      %add3A_465 = arith.addi %add3A_464, %scan3A_156 : i32
      %get3A_466 = arith.index_cast %add3A_465 : i32 to index
      %get3A_467 = arith.constant 304 : index
      %get3A_468 = tpu.vector_load %arg5[%get3A_466, %get3A_467] {strides = array<i32>} : memref<64x1024xf32, #tpu.memory_space<vmem>>, vector<1x16xf32>,
      %get3A_469 = vector.shape_cast %get3A_468 : vector<1x16xf32> to vector<16xf32>
      %add3A_470 = arith.addf %get3A_463, %get3A_469 : vector<16xf32>
      %swap3A_471 = arith.index_cast %scan3A_156 : i32 to index
      %swap3A_472 = arith.constant 304 : index
      %swap3A_473 = tpu.vector_load %arg7[%swap3A_471, %swap3A_472] {strides = array<i32>} : memref<16x1024xf32, #tpu.memory_space<vmem>>, vector<1x16xf32>,
      %swap3A_474 = vector.shape_cast %swap3A_473 : vector<1x16xf32> to vector<16xf32>
      %swap3A_475 = vector.shape_cast %add3A_470 : vector<16xf32> to vector<1x16xf32>
      tpu.vector_store %arg7[%swap3A_471, %swap3A_472], %swap3A_475 {strides = array<i32>} : memref<16x1024xf32, #tpu.memory_space<vmem>>, vector<1x16xf32>,
      %get3A_476 = arith.index_cast %scan3A_156 : i32 to index
      %get3A_477 = arith.constant 320 : index
      %get3A_478 = tpu.vector_load %arg7[%get3A_476, %get3A_477] {strides = array<i32>} : memref<16x1024xf32, #tpu.memory_space<vmem>>, vector<1x16xf32>,
      %get3A_479 = vector.shape_cast %get3A_478 : vector<1x16xf32> to vector<16xf32>
      %add3A_480 = arith.constant 16 : i32
      %add3A_481 = arith.addi %add3A_480, %scan3A_156 : i32
      %get3A_482 = arith.index_cast %add3A_481 : i32 to index
      %get3A_483 = arith.constant 320 : index
      %get3A_484 = tpu.vector_load %arg5[%get3A_482, %get3A_483] {strides = array<i32>} : memref<64x1024xf32, #tpu.memory_space<vmem>>, vector<1x16xf32>,
      %get3A_485 = vector.shape_cast %get3A_484 : vector<1x16xf32> to vector<16xf32>
      %add3A_486 = arith.addf %get3A_479, %get3A_485 : vector<16xf32>
      %swap3A_487 = arith.index_cast %scan3A_156 : i32 to index
      %swap3A_488 = arith.constant 320 : index
      %swap3A_489 = tpu.vector_load %arg7[%swap3A_487, %swap3A_488] {strides = array<i32>} : memref<16x1024xf32, #tpu.memory_space<vmem>>, vector<1x16xf32>,
      %swap3A_490 = vector.shape_cast %swap3A_489 : vector<1x16xf32> to vector<16xf32>
      %swap3A_491 = vector.shape_cast %add3A_486 : vector<16xf32> to vector<1x16xf32>
      tpu.vector_store %arg7[%swap3A_487, %swap3A_488], %swap3A_491 {strides = array<i32>} : memref<16x1024xf32, #tpu.memory_space<vmem>>, vector<1x16xf32>,
      %get3A_492 = arith.index_cast %scan3A_156 : i32 to index
      %get3A_493 = arith.constant 336 : index
      %get3A_494 = tpu.vector_load %arg7[%get3A_492, %get3A_493] {strides = array<i32>} : memref<16x1024xf32, #tpu.memory_space<vmem>>, vector<1x16xf32>,
      %get3A_495 = vector.shape_cast %get3A_494 : vector<1x16xf32> to vector<16xf32>
      %add3A_496 = arith.constant 16 : i32
      %add3A_497 = arith.addi %add3A_496, %scan3A_156 : i32
      %get3A_498 = arith.index_cast %add3A_497 : i32 to index
      %get3A_499 = arith.constant 336 : index
      %get3A_500 = tpu.vector_load %arg5[%get3A_498, %get3A_499] {strides = array<i32>} : memref<64x1024xf32, #tpu.memory_space<vmem>>, vector<1x16xf32>,
      %get3A_501 = vector.shape_cast %get3A_500 : vector<1x16xf32> to vector<16xf32>
      %add3A_502 = arith.addf %get3A_495, %get3A_501 : vector<16xf32>
      %swap3A_503 = arith.index_cast %scan3A_156 : i32 to index
      %swap3A_504 = arith.constant 336 : index
      %swap3A_505 = tpu.vector_load %arg7[%swap3A_503, %swap3A_504] {strides = array<i32>} : memref<16x1024xf32, #tpu.memory_space<vmem>>, vector<1x16xf32>,
      %swap3A_506 = vector.shape_cast %swap3A_505 : vector<1x16xf32> to vector<16xf32>
      %swap3A_507 = vector.shape_cast %add3A_502 : vector<16xf32> to vector<1x16xf32>
      tpu.vector_store %arg7[%swap3A_503, %swap3A_504], %swap3A_507 {strides = array<i32>} : memref<16x1024xf32, #tpu.memory_space<vmem>>, vector<1x16xf32>,
      %get3A_508 = arith.index_cast %scan3A_156 : i32 to index
      %get3A_509 = arith.constant 352 : index
      %get3A_510 = tpu.vector_load %arg7[%get3A_508, %get3A_509] {strides = array<i32>} : memref<16x1024xf32, #tpu.memory_space<vmem>>, vector<1x16xf32>,
      %get3A_511 = vector.shape_cast %get3A_510 : vector<1x16xf32> to vector<16xf32>
      %add3A_512 = arith.constant 16 : i32
      %add3A_513 = arith.addi %add3A_512, %scan3A_156 : i32
      %get3A_514 = arith.index_cast %add3A_513 : i32 to index
      %get3A_515 = arith.constant 352 : index
      %get3A_516 = tpu.vector_load %arg5[%get3A_514, %get3A_515] {strides = array<i32>} : memref<64x1024xf32, #tpu.memory_space<vmem>>, vector<1x16xf32>,
      %get3A_517 = vector.shape_cast %get3A_516 : vector<1x16xf32> to vector<16xf32>
      %add3A_518 = arith.addf %get3A_511, %get3A_517 : vector<16xf32>
      %swap3A_519 = arith.index_cast %scan3A_156 : i32 to index
      %swap3A_520 = arith.constant 352 : index
      %swap3A_521 = tpu.vector_load %arg7[%swap3A_519, %swap3A_520] {strides = array<i32>} : memref<16x1024xf32, #tpu.memory_space<vmem>>, vector<1x16xf32>,
      %swap3A_522 = vector.shape_cast %swap3A_521 : vector<1x16xf32> to vector<16xf32>
      %swap3A_523 = vector.shape_cast %add3A_518 : vector<16xf32> to vector<1x16xf32>
      tpu.vector_store %arg7[%swap3A_519, %swap3A_520], %swap3A_523 {strides = array<i32>} : memref<16x1024xf32, #tpu.memory_space<vmem>>, vector<1x16xf32>,
      %get3A_524 = arith.index_cast %scan3A_156 : i32 to index
      %get3A_525 = arith.constant 368 : index
      %get3A_526 = tpu.vector_load %arg7[%get3A_524, %get3A_525] {strides = array<i32>} : memref<16x1024xf32, #tpu.memory_space<vmem>>, vector<1x16xf32>,
      %get3A_527 = vector.shape_cast %get3A_526 : vector<1x16xf32> to vector<16xf32>
      %add3A_528 = arith.constant 16 : i32
      %add3A_529 = arith.addi %add3A_528, %scan3A_156 : i32
      %get3A_530 = arith.index_cast %add3A_529 : i32 to index
      %get3A_531 = arith.constant 368 : index
      %get3A_532 = tpu.vector_load %arg5[%get3A_530, %get3A_531] {strides = array<i32>} : memref<64x1024xf32, #tpu.memory_space<vmem>>, vector<1x16xf32>,
      %get3A_533 = vector.shape_cast %get3A_532 : vector<1x16xf32> to vector<16xf32>
      %add3A_534 = arith.addf %get3A_527, %get3A_533 : vector<16xf32>
      %swap3A_535 = arith.index_cast %scan3A_156 : i32 to index
      %swap3A_536 = arith.constant 368 : index
      %swap3A_537 = tpu.vector_load %arg7[%swap3A_535, %swap3A_536] {strides = array<i32>} : memref<16x1024xf32, #tpu.memory_space<vmem>>, vector<1x16xf32>,
      %swap3A_538 = vector.shape_cast %swap3A_537 : vector<1x16xf32> to vector<16xf32>
      %swap3A_539 = vector.shape_cast %add3A_534 : vector<16xf32> to vector<1x16xf32>
      tpu.vector_store %arg7[%swap3A_535, %swap3A_536], %swap3A_539 {strides = array<i32>} : memref<16x1024xf32, #tpu.memory_space<vmem>>, vector<1x16xf32>,
      %get3A_540 = arith.index_cast %scan3A_156 : i32 to index
      %get3A_541 = arith.constant 384 : index
      %get3A_542 = tpu.vector_load %arg7[%get3A_540, %get3A_541] {strides = array<i32>} : memref<16x1024xf32, #tpu.memory_space<vmem>>, vector<1x16xf32>,
      %get3A_543 = vector.shape_cast %get3A_542 : vector<1x16xf32> to vector<16xf32>
      %add3A_544 = arith.constant 16 : i32
      %add3A_545 = arith.addi %add3A_544, %scan3A_156 : i32
      %get3A_546 = arith.index_cast %add3A_545 : i32 to index
      %get3A_547 = arith.constant 384 : index
      %get3A_548 = tpu.vector_load %arg5[%get3A_546, %get3A_547] {strides = array<i32>} : memref<64x1024xf32, #tpu.memory_space<vmem>>, vector<1x16xf32>,
      %get3A_549 = vector.shape_cast %get3A_548 : vector<1x16xf32> to vector<16xf32>
      %add3A_550 = arith.addf %get3A_543, %get3A_549 : vector<16xf32>
      %swap3A_551 = arith.index_cast %scan3A_156 : i32 to index
      %swap3A_552 = arith.constant 384 : index
      %swap3A_553 = tpu.vector_load %arg7[%swap3A_551, %swap3A_552] {strides = array<i32>} : memref<16x1024xf32, #tpu.memory_space<vmem>>, vector<1x16xf32>,
      %swap3A_554 = vector.shape_cast %swap3A_553 : vector<1x16xf32> to vector<16xf32>
      %swap3A_555 = vector.shape_cast %add3A_550 : vector<16xf32> to vector<1x16xf32>
      tpu.vector_store %arg7[%swap3A_551, %swap3A_552], %swap3A_555 {strides = array<i32>} : memref<16x1024xf32, #tpu.memory_space<vmem>>, vector<1x16xf32>,
      %get3A_556 = arith.index_cast %scan3A_156 : i32 to index
      %get3A_557 = arith.constant 400 : index
      %get3A_558 = tpu.vector_load %arg7[%get3A_556, %get3A_557] {strides = array<i32>} : memref<16x1024xf32, #tpu.memory_space<vmem>>, vector<1x16xf32>,
      %get3A_559 = vector.shape_cast %get3A_558 : vector<1x16xf32> to vector<16xf32>
      %add3A_560 = arith.constant 16 : i32
      %add3A_561 = arith.addi %add3A_560, %scan3A_156 : i32
      %get3A_562 = arith.index_cast %add3A_561 : i32 to index
      %get3A_563 = arith.constant 400 : index
      %get3A_564 = tpu.vector_load %arg5[%get3A_562, %get3A_563] {strides = array<i32>} : memref<64x1024xf32, #tpu.memory_space<vmem>>, vector<1x16xf32>,
      %get3A_565 = vector.shape_cast %get3A_564 : vector<1x16xf32> to vector<16xf32>
      %add3A_566 = arith.addf %get3A_559, %get3A_565 : vector<16xf32>
      %swap3A_567 = arith.index_cast %scan3A_156 : i32 to index
      %swap3A_568 = arith.constant 400 : index
      %swap3A_569 = tpu.vector_load %arg7[%swap3A_567, %swap3A_568] {strides = array<i32>} : memref<16x1024xf32, #tpu.memory_space<vmem>>, vector<1x16xf32>,
      %swap3A_570 = vector.shape_cast %swap3A_569 : vector<1x16xf32> to vector<16xf32>
      %swap3A_571 = vector.shape_cast %add3A_566 : vector<16xf32> to vector<1x16xf32>
      tpu.vector_store %arg7[%swap3A_567, %swap3A_568], %swap3A_571 {strides = array<i32>} : memref<16x1024xf32, #tpu.memory_space<vmem>>, vector<1x16xf32>,
      %get3A_572 = arith.index_cast %scan3A_156 : i32 to index
      %get3A_573 = arith.constant 416 : index
      %get3A_574 = tpu.vector_load %arg7[%get3A_572, %get3A_573] {strides = array<i32>} : memref<16x1024xf32, #tpu.memory_space<vmem>>, vector<1x16xf32>,
      %get3A_575 = vector.shape_cast %get3A_574 : vector<1x16xf32> to vector<16xf32>
      %add3A_576 = arith.constant 16 : i32
      %add3A_577 = arith.addi %add3A_576, %scan3A_156 : i32
      %get3A_578 = arith.index_cast %add3A_577 : i32 to index
      %get3A_579 = arith.constant 416 : index
      %get3A_580 = tpu.vector_load %arg5[%get3A_578, %get3A_579] {strides = array<i32>} : memref<64x1024xf32, #tpu.memory_space<vmem>>, vector<1x16xf32>,
      %get3A_581 = vector.shape_cast %get3A_580 : vector<1x16xf32> to vector<16xf32>
      %add3A_582 = arith.addf %get3A_575, %get3A_581 : vector<16xf32>
      %swap3A_583 = arith.index_cast %scan3A_156 : i32 to index
      %swap3A_584 = arith.constant 416 : index
      %swap3A_585 = tpu.vector_load %arg7[%swap3A_583, %swap3A_584] {strides = array<i32>} : memref<16x1024xf32, #tpu.memory_space<vmem>>, vector<1x16xf32>,
      %swap3A_586 = vector.shape_cast %swap3A_585 : vector<1x16xf32> to vector<16xf32>
      %swap3A_587 = vector.shape_cast %add3A_582 : vector<16xf32> to vector<1x16xf32>
      tpu.vector_store %arg7[%swap3A_583, %swap3A_584], %swap3A_587 {strides = array<i32>} : memref<16x1024xf32, #tpu.memory_space<vmem>>, vector<1x16xf32>,
      %get3A_588 = arith.index_cast %scan3A_156 : i32 to index
      %get3A_589 = arith.constant 432 : index
      %get3A_590 = tpu.vector_load %arg7[%get3A_588, %get3A_589] {strides = array<i32>} : memref<16x1024xf32, #tpu.memory_space<vmem>>, vector<1x16xf32>,
      %get3A_591 = vector.shape_cast %get3A_590 : vector<1x16xf32> to vector<16xf32>
      %add3A_592 = arith.constant 16 : i32
      %add3A_593 = arith.addi %add3A_592, %scan3A_156 : i32
      %get3A_594 = arith.index_cast %add3A_593 : i32 to index
      %get3A_595 = arith.constant 432 : index
      %get3A_596 = tpu.vector_load %arg5[%get3A_594, %get3A_595] {strides = array<i32>} : memref<64x1024xf32, #tpu.memory_space<vmem>>, vector<1x16xf32>,
      %get3A_597 = vector.shape_cast %get3A_596 : vector<1x16xf32> to vector<16xf32>
      %add3A_598 = arith.addf %get3A_591, %get3A_597 : vector<16xf32>
      %swap3A_599 = arith.index_cast %scan3A_156 : i32 to index
      %swap3A_600 = arith.constant 432 : index
      %swap3A_601 = tpu.vector_load %arg7[%swap3A_599, %swap3A_600] {strides = array<i32>} : memref<16x1024xf32, #tpu.memory_space<vmem>>, vector<1x16xf32>,
      %swap3A_602 = vector.shape_cast %swap3A_601 : vector<1x16xf32> to vector<16xf32>
      %swap3A_603 = vector.shape_cast %add3A_598 : vector<16xf32> to vector<1x16xf32>
      tpu.vector_store %arg7[%swap3A_599, %swap3A_600], %swap3A_603 {strides = array<i32>} : memref<16x1024xf32, #tpu.memory_space<vmem>>, vector<1x16xf32>,
      %get3A_604 = arith.index_cast %scan3A_156 : i32 to index
      %get3A_605 = arith.constant 448 : index
      %get3A_606 = tpu.vector_load %arg7[%get3A_604, %get3A_605] {strides = array<i32>} : memref<16x1024xf32, #tpu.memory_space<vmem>>, vector<1x16xf32>,
      %get3A_607 = vector.shape_cast %get3A_606 : vector<1x16xf32> to vector<16xf32>
      %add3A_608 = arith.constant 16 : i32
      %add3A_609 = arith.addi %add3A_608, %scan3A_156 : i32
      %get3A_610 = arith.index_cast %add3A_609 : i32 to index
      %get3A_611 = arith.constant 448 : index
      %get3A_612 = tpu.vector_load %arg5[%get3A_610, %get3A_611] {strides = array<i32>} : memref<64x1024xf32, #tpu.memory_space<vmem>>, vector<1x16xf32>,
      %get3A_613 = vector.shape_cast %get3A_612 : vector<1x16xf32> to vector<16xf32>
      %add3A_614 = arith.addf %get3A_607, %get3A_613 : vector<16xf32>
      %swap3A_615 = arith.index_cast %scan3A_156 : i32 to index
      %swap3A_616 = arith.constant 448 : index
      %swap3A_617 = tpu.vector_load %arg7[%swap3A_615, %swap3A_616] {strides = array<i32>} : memref<16x1024xf32, #tpu.memory_space<vmem>>, vector<1x16xf32>,
      %swap3A_618 = vector.shape_cast %swap3A_617 : vector<1x16xf32> to vector<16xf32>
      %swap3A_619 = vector.shape_cast %add3A_614 : vector<16xf32> to vector<1x16xf32>
      tpu.vector_store %arg7[%swap3A_615, %swap3A_616], %swap3A_619 {strides = array<i32>} : memref<16x1024xf32, #tpu.memory_space<vmem>>, vector<1x16xf32>,
      %get3A_620 = arith.index_cast %scan3A_156 : i32 to index
      %get3A_621 = arith.constant 464 : index
      %get3A_622 = tpu.vector_load %arg7[%get3A_620, %get3A_621] {strides = array<i32>} : memref<16x1024xf32, #tpu.memory_space<vmem>>, vector<1x16xf32>,
      %get3A_623 = vector.shape_cast %get3A_622 : vector<1x16xf32> to vector<16xf32>
      %add3A_624 = arith.constant 16 : i32
      %add3A_625 = arith.addi %add3A_624, %scan3A_156 : i32
      %get3A_626 = arith.index_cast %add3A_625 : i32 to index
      %get3A_627 = arith.constant 464 : index
      %get3A_628 = tpu.vector_load %arg5[%get3A_626, %get3A_627] {strides = array<i32>} : memref<64x1024xf32, #tpu.memory_space<vmem>>, vector<1x16xf32>,
      %get3A_629 = vector.shape_cast %get3A_628 : vector<1x16xf32> to vector<16xf32>
      %add3A_630 = arith.addf %get3A_623, %get3A_629 : vector<16xf32>
      %swap3A_631 = arith.index_cast %scan3A_156 : i32 to index
      %swap3A_632 = arith.constant 464 : index
      %swap3A_633 = tpu.vector_load %arg7[%swap3A_631, %swap3A_632] {strides = array<i32>} : memref<16x1024xf32, #tpu.memory_space<vmem>>, vector<1x16xf32>,
      %swap3A_634 = vector.shape_cast %swap3A_633 : vector<1x16xf32> to vector<16xf32>
      %swap3A_635 = vector.shape_cast %add3A_630 : vector<16xf32> to vector<1x16xf32>
      tpu.vector_store %arg7[%swap3A_631, %swap3A_632], %swap3A_635 {strides = array<i32>} : memref<16x1024xf32, #tpu.memory_space<vmem>>, vector<1x16xf32>,
      %get3A_636 = arith.index_cast %scan3A_156 : i32 to index
      %get3A_637 = arith.constant 480 : index
      %get3A_638 = tpu.vector_load %arg7[%get3A_636, %get3A_637] {strides = array<i32>} : memref<16x1024xf32, #tpu.memory_space<vmem>>, vector<1x16xf32>,
      %get3A_639 = vector.shape_cast %get3A_638 : vector<1x16xf32> to vector<16xf32>
      %add3A_640 = arith.constant 16 : i32
      %add3A_641 = arith.addi %add3A_640, %scan3A_156 : i32
      %get3A_642 = arith.index_cast %add3A_641 : i32 to index
      %get3A_643 = arith.constant 480 : index
      %get3A_644 = tpu.vector_load %arg5[%get3A_642, %get3A_643] {strides = array<i32>} : memref<64x1024xf32, #tpu.memory_space<vmem>>, vector<1x16xf32>,
      %get3A_645 = vector.shape_cast %get3A_644 : vector<1x16xf32> to vector<16xf32>
      %add3A_646 = arith.addf %get3A_639, %get3A_645 : vector<16xf32>
      %swap3A_647 = arith.index_cast %scan3A_156 : i32 to index
      %swap3A_648 = arith.constant 480 : index
      %swap3A_649 = tpu.vector_load %arg7[%swap3A_647, %swap3A_648] {strides = array<i32>} : memref<16x1024xf32, #tpu.memory_space<vmem>>, vector<1x16xf32>,
      %swap3A_650 = vector.shape_cast %swap3A_649 : vector<1x16xf32> to vector<16xf32>
      %swap3A_651 = vector.shape_cast %add3A_646 : vector<16xf32> to vector<1x16xf32>
      tpu.vector_store %arg7[%swap3A_647, %swap3A_648], %swap3A_651 {strides = array<i32>} : memref<16x1024xf32, #tpu.memory_space<vmem>>, vector<1x16xf32>,
      %get3A_652 = arith.index_cast %scan3A_156 : i32 to index
      %get3A_653 = arith.constant 496 : index
      %get3A_654 = tpu.vector_load %arg7[%get3A_652, %get3A_653] {strides = array<i32>} : memref<16x1024xf32, #tpu.memory_space<vmem>>, vector<1x16xf32>,
      %get3A_655 = vector.shape_cast %get3A_654 : vector<1x16xf32> to vector<16xf32>
      %add3A_656 = arith.constant 16 : i32
      %add3A_657 = arith.addi %add3A_656, %scan3A_156 : i32
      %get3A_658 = arith.index_cast %add3A_657 : i32 to index
      %get3A_659 = arith.constant 496 : index
      %get3A_660 = tpu.vector_load %arg5[%get3A_658, %get3A_659] {strides = array<i32>} : memref<64x1024xf32, #tpu.memory_space<vmem>>, vector<1x16xf32>,
      %get3A_661 = vector.shape_cast %get3A_660 : vector<1x16xf32> to vector<16xf32>
      %add3A_662 = arith.addf %get3A_655, %get3A_661 : vector<16xf32>
      %swap3A_663 = arith.index_cast %scan3A_156 : i32 to index
      %swap3A_664 = arith.constant 496 : index
      %swap3A_665 = tpu.vector_load %arg7[%swap3A_663, %swap3A_664] {strides = array<i32>} : memref<16x1024xf32, #tpu.memory_space<vmem>>, vector<1x16xf32>,
      %swap3A_666 = vector.shape_cast %swap3A_665 : vector<1x16xf32> to vector<16xf32>
      %swap3A_667 = vector.shape_cast %add3A_662 : vector<16xf32> to vector<1x16xf32>
      tpu.vector_store %arg7[%swap3A_663, %swap3A_664], %swap3A_667 {strides = array<i32>} : memref<16x1024xf32, #tpu.memory_space<vmem>>, vector<1x16xf32>,
      %get3A_668 = arith.index_cast %scan3A_156 : i32 to index
      %get3A_669 = arith.constant 512 : index
      %get3A_670 = tpu.vector_load %arg7[%get3A_668, %get3A_669] {strides = array<i32>} : memref<16x1024xf32, #tpu.memory_space<vmem>>, vector<1x16xf32>,
      %get3A_671 = vector.shape_cast %get3A_670 : vector<1x16xf32> to vector<16xf32>
      %add3A_672 = arith.constant 16 : i32
      %add3A_673 = arith.addi %add3A_672, %scan3A_156 : i32
      %get3A_674 = arith.index_cast %add3A_673 : i32 to index
      %get3A_675 = arith.constant 512 : index
      %get3A_676 = tpu.vector_load %arg5[%get3A_674, %get3A_675] {strides = array<i32>} : memref<64x1024xf32, #tpu.memory_space<vmem>>, vector<1x16xf32>,
      %get3A_677 = vector.shape_cast %get3A_676 : vector<1x16xf32> to vector<16xf32>
      %add3A_678 = arith.addf %get3A_671, %get3A_677 : vector<16xf32>
      %swap3A_679 = arith.index_cast %scan3A_156 : i32 to index
      %swap3A_680 = arith.constant 512 : index
      %swap3A_681 = tpu.vector_load %arg7[%swap3A_679, %swap3A_680] {strides = array<i32>} : memref<16x1024xf32, #tpu.memory_space<vmem>>, vector<1x16xf32>,
      %swap3A_682 = vector.shape_cast %swap3A_681 : vector<1x16xf32> to vector<16xf32>
      %swap3A_683 = vector.shape_cast %add3A_678 : vector<16xf32> to vector<1x16xf32>
      tpu.vector_store %arg7[%swap3A_679, %swap3A_680], %swap3A_683 {strides = array<i32>} : memref<16x1024xf32, #tpu.memory_space<vmem>>, vector<1x16xf32>,
      %get3A_684 = arith.index_cast %scan3A_156 : i32 to index
      %get3A_685 = arith.constant 528 : index
      %get3A_686 = tpu.vector_load %arg7[%get3A_684, %get3A_685] {strides = array<i32>} : memref<16x1024xf32, #tpu.memory_space<vmem>>, vector<1x16xf32>,
      %get3A_687 = vector.shape_cast %get3A_686 : vector<1x16xf32> to vector<16xf32>
      %add3A_688 = arith.constant 16 : i32
      %add3A_689 = arith.addi %add3A_688, %scan3A_156 : i32
      %get3A_690 = arith.index_cast %add3A_689 : i32 to index
      %get3A_691 = arith.constant 528 : index
      %get3A_692 = tpu.vector_load %arg5[%get3A_690, %get3A_691] {strides = array<i32>} : memref<64x1024xf32, #tpu.memory_space<vmem>>, vector<1x16xf32>,
      %get3A_693 = vector.shape_cast %get3A_692 : vector<1x16xf32> to vector<16xf32>
      %add3A_694 = arith.addf %get3A_687, %get3A_693 : vector<16xf32>
      %swap3A_695 = arith.index_cast %scan3A_156 : i32 to index
      %swap3A_696 = arith.constant 528 : index
      %swap3A_697 = tpu.vector_load %arg7[%swap3A_695, %swap3A_696] {strides = array<i32>} : memref<16x1024xf32, #tpu.memory_space<vmem>>, vector<1x16xf32>,
      %swap3A_698 = vector.shape_cast %swap3A_697 : vector<1x16xf32> to vector<16xf32>
      %swap3A_699 = vector.shape_cast %add3A_694 : vector<16xf32> to vector<1x16xf32>
      tpu.vector_store %arg7[%swap3A_695, %swap3A_696], %swap3A_699 {strides = array<i32>} : memref<16x1024xf32, #tpu.memory_space<vmem>>, vector<1x16xf32>,
      %get3A_700 = arith.index_cast %scan3A_156 : i32 to index
      %get3A_701 = arith.constant 544 : index
      %get3A_702 = tpu.vector_load %arg7[%get3A_700, %get3A_701] {strides = array<i32>} : memref<16x1024xf32, #tpu.memory_space<vmem>>, vector<1x16xf32>,
      %get3A_703 = vector.shape_cast %get3A_702 : vector<1x16xf32> to vector<16xf32>
      %add3A_704 = arith.constant 16 : i32
      %add3A_705 = arith.addi %add3A_704, %scan3A_156 : i32
      %get3A_706 = arith.index_cast %add3A_705 : i32 to index
      %get3A_707 = arith.constant 544 : index
      %get3A_708 = tpu.vector_load %arg5[%get3A_706, %get3A_707] {strides = array<i32>} : memref<64x1024xf32, #tpu.memory_space<vmem>>, vector<1x16xf32>,
      %get3A_709 = vector.shape_cast %get3A_708 : vector<1x16xf32> to vector<16xf32>
      %add3A_710 = arith.addf %get3A_703, %get3A_709 : vector<16xf32>
      %swap3A_711 = arith.index_cast %scan3A_156 : i32 to index
      %swap3A_712 = arith.constant 544 : index
      %swap3A_713 = tpu.vector_load %arg7[%swap3A_711, %swap3A_712] {strides = array<i32>} : memref<16x1024xf32, #tpu.memory_space<vmem>>, vector<1x16xf32>,
      %swap3A_714 = vector.shape_cast %swap3A_713 : vector<1x16xf32> to vector<16xf32>
      %swap3A_715 = vector.shape_cast %add3A_710 : vector<16xf32> to vector<1x16xf32>
      tpu.vector_store %arg7[%swap3A_711, %swap3A_712], %swap3A_715 {strides = array<i32>} : memref<16x1024xf32, #tpu.memory_space<vmem>>, vector<1x16xf32>,
      %get3A_716 = arith.index_cast %scan3A_156 : i32 to index
      %get3A_717 = arith.constant 560 : index
      %get3A_718 = tpu.vector_load %arg7[%get3A_716, %get3A_717] {strides = array<i32>} : memref<16x1024xf32, #tpu.memory_space<vmem>>, vector<1x16xf32>,
      %get3A_719 = vector.shape_cast %get3A_718 : vector<1x16xf32> to vector<16xf32>
      %add3A_720 = arith.constant 16 : i32
      %add3A_721 = arith.addi %add3A_720, %scan3A_156 : i32
      %get3A_722 = arith.index_cast %add3A_721 : i32 to index
      %get3A_723 = arith.constant 560 : index
      %get3A_724 = tpu.vector_load %arg5[%get3A_722, %get3A_723] {strides = array<i32>} : memref<64x1024xf32, #tpu.memory_space<vmem>>, vector<1x16xf32>,
      %get3A_725 = vector.shape_cast %get3A_724 : vector<1x16xf32> to vector<16xf32>
      %add3A_726 = arith.addf %get3A_719, %get3A_725 : vector<16xf32>
      %swap3A_727 = arith.index_cast %scan3A_156 : i32 to index
      %swap3A_728 = arith.constant 560 : index
      %swap3A_729 = tpu.vector_load %arg7[%swap3A_727, %swap3A_728] {strides = array<i32>} : memref<16x1024xf32, #tpu.memory_space<vmem>>, vector<1x16xf32>,
      %swap3A_730 = vector.shape_cast %swap3A_729 : vector<1x16xf32> to vector<16xf32>
      %swap3A_731 = vector.shape_cast %add3A_726 : vector<16xf32> to vector<1x16xf32>
      tpu.vector_store %arg7[%swap3A_727, %swap3A_728], %swap3A_731 {strides = array<i32>} : memref<16x1024xf32, #tpu.memory_space<vmem>>, vector<1x16xf32>,
      %get3A_732 = arith.index_cast %scan3A_156 : i32 to index
      %get3A_733 = arith.constant 576 : index
      %get3A_734 = tpu.vector_load %arg7[%get3A_732, %get3A_733] {strides = array<i32>} : memref<16x1024xf32, #tpu.memory_space<vmem>>, vector<1x16xf32>,
      %get3A_735 = vector.shape_cast %get3A_734 : vector<1x16xf32> to vector<16xf32>
      %add3A_736 = arith.constant 16 : i32
      %add3A_737 = arith.addi %add3A_736, %scan3A_156 : i32
      %get3A_738 = arith.index_cast %add3A_737 : i32 to index
      %get3A_739 = arith.constant 576 : index
      %get3A_740 = tpu.vector_load %arg5[%get3A_738, %get3A_739] {strides = array<i32>} : memref<64x1024xf32, #tpu.memory_space<vmem>>, vector<1x16xf32>,
      %get3A_741 = vector.shape_cast %get3A_740 : vector<1x16xf32> to vector<16xf32>
      %add3A_742 = arith.addf %get3A_735, %get3A_741 : vector<16xf32>
      %swap3A_743 = arith.index_cast %scan3A_156 : i32 to index
      %swap3A_744 = arith.constant 576 : index
      %swap3A_745 = tpu.vector_load %arg7[%swap3A_743, %swap3A_744] {strides = array<i32>} : memref<16x1024xf32, #tpu.memory_space<vmem>>, vector<1x16xf32>,
      %swap3A_746 = vector.shape_cast %swap3A_745 : vector<1x16xf32> to vector<16xf32>
      %swap3A_747 = vector.shape_cast %add3A_742 : vector<16xf32> to vector<1x16xf32>
      tpu.vector_store %arg7[%swap3A_743, %swap3A_744], %swap3A_747 {strides = array<i32>} : memref<16x1024xf32, #tpu.memory_space<vmem>>, vector<1x16xf32>,
      %get3A_748 = arith.index_cast %scan3A_156 : i32 to index
      %get3A_749 = arith.constant 592 : index
      %get3A_750 = tpu.vector_load %arg7[%get3A_748, %get3A_749] {strides = array<i32>} : memref<16x1024xf32, #tpu.memory_space<vmem>>, vector<1x16xf32>,
      %get3A_751 = vector.shape_cast %get3A_750 : vector<1x16xf32> to vector<16xf32>
      %add3A_752 = arith.constant 16 : i32
      %add3A_753 = arith.addi %add3A_752, %scan3A_156 : i32
      %get3A_754 = arith.index_cast %add3A_753 : i32 to index
      %get3A_755 = arith.constant 592 : index
      %get3A_756 = tpu.vector_load %arg5[%get3A_754, %get3A_755] {strides = array<i32>} : memref<64x1024xf32, #tpu.memory_space<vmem>>, vector<1x16xf32>,
      %get3A_757 = vector.shape_cast %get3A_756 : vector<1x16xf32> to vector<16xf32>
      %add3A_758 = arith.addf %get3A_751, %get3A_757 : vector<16xf32>
      %swap3A_759 = arith.index_cast %scan3A_156 : i32 to index
      %swap3A_760 = arith.constant 592 : index
      %swap3A_761 = tpu.vector_load %arg7[%swap3A_759, %swap3A_760] {strides = array<i32>} : memref<16x1024xf32, #tpu.memory_space<vmem>>, vector<1x16xf32>,
      %swap3A_762 = vector.shape_cast %swap3A_761 : vector<1x16xf32> to vector<16xf32>
      %swap3A_763 = vector.shape_cast %add3A_758 : vector<16xf32> to vector<1x16xf32>
      tpu.vector_store %arg7[%swap3A_759, %swap3A_760], %swap3A_763 {strides = array<i32>} : memref<16x1024xf32, #tpu.memory_space<vmem>>, vector<1x16xf32>,
      %get3A_764 = arith.index_cast %scan3A_156 : i32 to index
      %get3A_765 = arith.constant 608 : index
      %get3A_766 = tpu.vector_load %arg7[%get3A_764, %get3A_765] {strides = array<i32>} : memref<16x1024xf32, #tpu.memory_space<vmem>>, vector<1x16xf32>,
      %get3A_767 = vector.shape_cast %get3A_766 : vector<1x16xf32> to vector<16xf32>
      %add3A_768 = arith.constant 16 : i32
      %add3A_769 = arith.addi %add3A_768, %scan3A_156 : i32
      %get3A_770 = arith.index_cast %add3A_769 : i32 to index
      %get3A_771 = arith.constant 608 : index
      %get3A_772 = tpu.vector_load %arg5[%get3A_770, %get3A_771] {strides = array<i32>} : memref<64x1024xf32, #tpu.memory_space<vmem>>, vector<1x16xf32>,
      %get3A_773 = vector.shape_cast %get3A_772 : vector<1x16xf32> to vector<16xf32>
      %add3A_774 = arith.addf %get3A_767, %get3A_773 : vector<16xf32>
      %swap3A_775 = arith.index_cast %scan3A_156 : i32 to index
      %swap3A_776 = arith.constant 608 : index
      %swap3A_777 = tpu.vector_load %arg7[%swap3A_775, %swap3A_776] {strides = array<i32>} : memref<16x1024xf32, #tpu.memory_space<vmem>>, vector<1x16xf32>,
      %swap3A_778 = vector.shape_cast %swap3A_777 : vector<1x16xf32> to vector<16xf32>
      %swap3A_779 = vector.shape_cast %add3A_774 : vector<16xf32> to vector<1x16xf32>
      tpu.vector_store %arg7[%swap3A_775, %swap3A_776], %swap3A_779 {strides = array<i32>} : memref<16x1024xf32, #tpu.memory_space<vmem>>, vector<1x16xf32>,
      %get3A_780 = arith.index_cast %scan3A_156 : i32 to index
      %get3A_781 = arith.constant 624 : index
      %get3A_782 = tpu.vector_load %arg7[%get3A_780, %get3A_781] {strides = array<i32>} : memref<16x1024xf32, #tpu.memory_space<vmem>>, vector<1x16xf32>,
      %get3A_783 = vector.shape_cast %get3A_782 : vector<1x16xf32> to vector<16xf32>
      %add3A_784 = arith.constant 16 : i32
      %add3A_785 = arith.addi %add3A_784, %scan3A_156 : i32
      %get3A_786 = arith.index_cast %add3A_785 : i32 to index
      %get3A_787 = arith.constant 624 : index
      %get3A_788 = tpu.vector_load %arg5[%get3A_786, %get3A_787] {strides = array<i32>} : memref<64x1024xf32, #tpu.memory_space<vmem>>, vector<1x16xf32>,
      %get3A_789 = vector.shape_cast %get3A_788 : vector<1x16xf32> to vector<16xf32>
      %add3A_790 = arith.addf %get3A_783, %get3A_789 : vector<16xf32>
      %swap3A_791 = arith.index_cast %scan3A_156 : i32 to index
      %swap3A_792 = arith.constant 624 : index
      %swap3A_793 = tpu.vector_load %arg7[%swap3A_791, %swap3A_792] {strides = array<i32>} : memref<16x1024xf32, #tpu.memory_space<vmem>>, vector<1x16xf32>,
      %swap3A_794 = vector.shape_cast %swap3A_793 : vector<1x16xf32> to vector<16xf32>
      %swap3A_795 = vector.shape_cast %add3A_790 : vector<16xf32> to vector<1x16xf32>
      tpu.vector_store %arg7[%swap3A_791, %swap3A_792], %swap3A_795 {strides = array<i32>} : memref<16x1024xf32, #tpu.memory_space<vmem>>, vector<1x16xf32>,
      %get3A_796 = arith.index_cast %scan3A_156 : i32 to index
      %get3A_797 = arith.constant 640 : index
      %get3A_798 = tpu.vector_load %arg7[%get3A_796, %get3A_797] {strides = array<i32>} : memref<16x1024xf32, #tpu.memory_space<vmem>>, vector<1x16xf32>,
      %get3A_799 = vector.shape_cast %get3A_798 : vector<1x16xf32> to vector<16xf32>
      %add3A_800 = arith.constant 16 : i32
      %add3A_801 = arith.addi %add3A_800, %scan3A_156 : i32
      %get3A_802 = arith.index_cast %add3A_801 : i32 to index
      %get3A_803 = arith.constant 640 : index
      %get3A_804 = tpu.vector_load %arg5[%get3A_802, %get3A_803] {strides = array<i32>} : memref<64x1024xf32, #tpu.memory_space<vmem>>, vector<1x16xf32>,
      %get3A_805 = vector.shape_cast %get3A_804 : vector<1x16xf32> to vector<16xf32>
      %add3A_806 = arith.addf %get3A_799, %get3A_805 : vector<16xf32>
      %swap3A_807 = arith.index_cast %scan3A_156 : i32 to index
      %swap3A_808 = arith.constant 640 : index
      %swap3A_809 = tpu.vector_load %arg7[%swap3A_807, %swap3A_808] {strides = array<i32>} : memref<16x1024xf32, #tpu.memory_space<vmem>>, vector<1x16xf32>,
      %swap3A_810 = vector.shape_cast %swap3A_809 : vector<1x16xf32> to vector<16xf32>
      %swap3A_811 = vector.shape_cast %add3A_806 : vector<16xf32> to vector<1x16xf32>
      tpu.vector_store %arg7[%swap3A_807, %swap3A_808], %swap3A_811 {strides = array<i32>} : memref<16x1024xf32, #tpu.memory_space<vmem>>, vector<1x16xf32>,
      %get3A_812 = arith.index_cast %scan3A_156 : i32 to index
      %get3A_813 = arith.constant 656 : index
      %get3A_814 = tpu.vector_load %arg7[%get3A_812, %get3A_813] {strides = array<i32>} : memref<16x1024xf32, #tpu.memory_space<vmem>>, vector<1x16xf32>,
      %get3A_815 = vector.shape_cast %get3A_814 : vector<1x16xf32> to vector<16xf32>
      %add3A_816 = arith.constant 16 : i32
      %add3A_817 = arith.addi %add3A_816, %scan3A_156 : i32
      %get3A_818 = arith.index_cast %add3A_817 : i32 to index
      %get3A_819 = arith.constant 656 : index
      %get3A_820 = tpu.vector_load %arg5[%get3A_818, %get3A_819] {strides = array<i32>} : memref<64x1024xf32, #tpu.memory_space<vmem>>, vector<1x16xf32>,
      %get3A_821 = vector.shape_cast %get3A_820 : vector<1x16xf32> to vector<16xf32>
      %add3A_822 = arith.addf %get3A_815, %get3A_821 : vector<16xf32>
      %swap3A_823 = arith.index_cast %scan3A_156 : i32 to index
      %swap3A_824 = arith.constant 656 : index
      %swap3A_825 = tpu.vector_load %arg7[%swap3A_823, %swap3A_824] {strides = array<i32>} : memref<16x1024xf32, #tpu.memory_space<vmem>>, vector<1x16xf32>,
      %swap3A_826 = vector.shape_cast %swap3A_825 : vector<1x16xf32> to vector<16xf32>
      %swap3A_827 = vector.shape_cast %add3A_822 : vector<16xf32> to vector<1x16xf32>
      tpu.vector_store %arg7[%swap3A_823, %swap3A_824], %swap3A_827 {strides = array<i32>} : memref<16x1024xf32, #tpu.memory_space<vmem>>, vector<1x16xf32>,
      %get3A_828 = arith.index_cast %scan3A_156 : i32 to index
      %get3A_829 = arith.constant 672 : index
      %get3A_830 = tpu.vector_load %arg7[%get3A_828, %get3A_829] {strides = array<i32>} : memref<16x1024xf32, #tpu.memory_space<vmem>>, vector<1x16xf32>,
      %get3A_831 = vector.shape_cast %get3A_830 : vector<1x16xf32> to vector<16xf32>
      %add3A_832 = arith.constant 16 : i32
      %add3A_833 = arith.addi %add3A_832, %scan3A_156 : i32
      %get3A_834 = arith.index_cast %add3A_833 : i32 to index
      %get3A_835 = arith.constant 672 : index
      %get3A_836 = tpu.vector_load %arg5[%get3A_834, %get3A_835] {strides = array<i32>} : memref<64x1024xf32, #tpu.memory_space<vmem>>, vector<1x16xf32>,
      %get3A_837 = vector.shape_cast %get3A_836 : vector<1x16xf32> to vector<16xf32>
      %add3A_838 = arith.addf %get3A_831, %get3A_837 : vector<16xf32>
      %swap3A_839 = arith.index_cast %scan3A_156 : i32 to index
      %swap3A_840 = arith.constant 672 : index
      %swap3A_841 = tpu.vector_load %arg7[%swap3A_839, %swap3A_840] {strides = array<i32>} : memref<16x1024xf32, #tpu.memory_space<vmem>>, vector<1x16xf32>,
      %swap3A_842 = vector.shape_cast %swap3A_841 : vector<1x16xf32> to vector<16xf32>
      %swap3A_843 = vector.shape_cast %add3A_838 : vector<16xf32> to vector<1x16xf32>
      tpu.vector_store %arg7[%swap3A_839, %swap3A_840], %swap3A_843 {strides = array<i32>} : memref<16x1024xf32, #tpu.memory_space<vmem>>, vector<1x16xf32>,
      %get3A_844 = arith.index_cast %scan3A_156 : i32 to index
      %get3A_845 = arith.constant 688 : index
      %get3A_846 = tpu.vector_load %arg7[%get3A_844, %get3A_845] {strides = array<i32>} : memref<16x1024xf32, #tpu.memory_space<vmem>>, vector<1x16xf32>,
      %get3A_847 = vector.shape_cast %get3A_846 : vector<1x16xf32> to vector<16xf32>
      %add3A_848 = arith.constant 16 : i32
      %add3A_849 = arith.addi %add3A_848, %scan3A_156 : i32
      %get3A_850 = arith.index_cast %add3A_849 : i32 to index
      %get3A_851 = arith.constant 688 : index
      %get3A_852 = tpu.vector_load %arg5[%get3A_850, %get3A_851] {strides = array<i32>} : memref<64x1024xf32, #tpu.memory_space<vmem>>, vector<1x16xf32>,
      %get3A_853 = vector.shape_cast %get3A_852 : vector<1x16xf32> to vector<16xf32>
      %add3A_854 = arith.addf %get3A_847, %get3A_853 : vector<16xf32>
      %swap3A_855 = arith.index_cast %scan3A_156 : i32 to index
      %swap3A_856 = arith.constant 688 : index
      %swap3A_857 = tpu.vector_load %arg7[%swap3A_855, %swap3A_856] {strides = array<i32>} : memref<16x1024xf32, #tpu.memory_space<vmem>>, vector<1x16xf32>,
      %swap3A_858 = vector.shape_cast %swap3A_857 : vector<1x16xf32> to vector<16xf32>
      %swap3A_859 = vector.shape_cast %add3A_854 : vector<16xf32> to vector<1x16xf32>
      tpu.vector_store %arg7[%swap3A_855, %swap3A_856], %swap3A_859 {strides = array<i32>} : memref<16x1024xf32, #tpu.memory_space<vmem>>, vector<1x16xf32>,
      %get3A_860 = arith.index_cast %scan3A_156 : i32 to index
      %get3A_861 = arith.constant 704 : index
      %get3A_862 = tpu.vector_load %arg7[%get3A_860, %get3A_861] {strides = array<i32>} : memref<16x1024xf32, #tpu.memory_space<vmem>>, vector<1x16xf32>,
      %get3A_863 = vector.shape_cast %get3A_862 : vector<1x16xf32> to vector<16xf32>
      %add3A_864 = arith.constant 16 : i32
      %add3A_865 = arith.addi %add3A_864, %scan3A_156 : i32
      %get3A_866 = arith.index_cast %add3A_865 : i32 to index
      %get3A_867 = arith.constant 704 : index
      %get3A_868 = tpu.vector_load %arg5[%get3A_866, %get3A_867] {strides = array<i32>} : memref<64x1024xf32, #tpu.memory_space<vmem>>, vector<1x16xf32>,
      %get3A_869 = vector.shape_cast %get3A_868 : vector<1x16xf32> to vector<16xf32>
      %add3A_870 = arith.addf %get3A_863, %get3A_869 : vector<16xf32>
      %swap3A_871 = arith.index_cast %scan3A_156 : i32 to index
      %swap3A_872 = arith.constant 704 : index
      %swap3A_873 = tpu.vector_load %arg7[%swap3A_871, %swap3A_872] {strides = array<i32>} : memref<16x1024xf32, #tpu.memory_space<vmem>>, vector<1x16xf32>,
      %swap3A_874 = vector.shape_cast %swap3A_873 : vector<1x16xf32> to vector<16xf32>
      %swap3A_875 = vector.shape_cast %add3A_870 : vector<16xf32> to vector<1x16xf32>
      tpu.vector_store %arg7[%swap3A_871, %swap3A_872], %swap3A_875 {strides = array<i32>} : memref<16x1024xf32, #tpu.memory_space<vmem>>, vector<1x16xf32>,
      %get3A_876 = arith.index_cast %scan3A_156 : i32 to index
      %get3A_877 = arith.constant 720 : index
      %get3A_878 = tpu.vector_load %arg7[%get3A_876, %get3A_877] {strides = array<i32>} : memref<16x1024xf32, #tpu.memory_space<vmem>>, vector<1x16xf32>,
      %get3A_879 = vector.shape_cast %get3A_878 : vector<1x16xf32> to vector<16xf32>
      %add3A_880 = arith.constant 16 : i32
      %add3A_881 = arith.addi %add3A_880, %scan3A_156 : i32
      %get3A_882 = arith.index_cast %add3A_881 : i32 to index
      %get3A_883 = arith.constant 720 : index
      %get3A_884 = tpu.vector_load %arg5[%get3A_882, %get3A_883] {strides = array<i32>} : memref<64x1024xf32, #tpu.memory_space<vmem>>, vector<1x16xf32>,
      %get3A_885 = vector.shape_cast %get3A_884 : vector<1x16xf32> to vector<16xf32>
      %add3A_886 = arith.addf %get3A_879, %get3A_885 : vector<16xf32>
      %swap3A_887 = arith.index_cast %scan3A_156 : i32 to index
      %swap3A_888 = arith.constant 720 : index
      %swap3A_889 = tpu.vector_load %arg7[%swap3A_887, %swap3A_888] {strides = array<i32>} : memref<16x1024xf32, #tpu.memory_space<vmem>>, vector<1x16xf32>,
      %swap3A_890 = vector.shape_cast %swap3A_889 : vector<1x16xf32> to vector<16xf32>
      %swap3A_891 = vector.shape_cast %add3A_886 : vector<16xf32> to vector<1x16xf32>
      tpu.vector_store %arg7[%swap3A_887, %swap3A_888], %swap3A_891 {strides = array<i32>} : memref<16x1024xf32, #tpu.memory_space<vmem>>, vector<1x16xf32>,
      %get3A_892 = arith.index_cast %scan3A_156 : i32 to index
      %get3A_893 = arith.constant 736 : index
      %get3A_894 = tpu.vector_load %arg7[%get3A_892, %get3A_893] {strides = array<i32>} : memref<16x1024xf32, #tpu.memory_space<vmem>>, vector<1x16xf32>,
      %get3A_895 = vector.shape_cast %get3A_894 : vector<1x16xf32> to vector<16xf32>
      %add3A_896 = arith.constant 16 : i32
      %add3A_897 = arith.addi %add3A_896, %scan3A_156 : i32
      %get3A_898 = arith.index_cast %add3A_897 : i32 to index
      %get3A_899 = arith.constant 736 : index
      %get3A_900 = tpu.vector_load %arg5[%get3A_898, %get3A_899] {strides = array<i32>} : memref<64x1024xf32, #tpu.memory_space<vmem>>, vector<1x16xf32>,
      %get3A_901 = vector.shape_cast %get3A_900 : vector<1x16xf32> to vector<16xf32>
      %add3A_902 = arith.addf %get3A_895, %get3A_901 : vector<16xf32>
      %swap3A_903 = arith.index_cast %scan3A_156 : i32 to index
      %swap3A_904 = arith.constant 736 : index
      %swap3A_905 = tpu.vector_load %arg7[%swap3A_903, %swap3A_904] {strides = array<i32>} : memref<16x1024xf32, #tpu.memory_space<vmem>>, vector<1x16xf32>,
      %swap3A_906 = vector.shape_cast %swap3A_905 : vector<1x16xf32> to vector<16xf32>
      %swap3A_907 = vector.shape_cast %add3A_902 : vector<16xf32> to vector<1x16xf32>
      tpu.vector_store %arg7[%swap3A_903, %swap3A_904], %swap3A_907 {strides = array<i32>} : memref<16x1024xf32, #tpu.memory_space<vmem>>, vector<1x16xf32>,
      %get3A_908 = arith.index_cast %scan3A_156 : i32 to index
      %get3A_909 = arith.constant 752 : index
      %get3A_910 = tpu.vector_load %arg7[%get3A_908, %get3A_909] {strides = array<i32>} : memref<16x1024xf32, #tpu.memory_space<vmem>>, vector<1x16xf32>,
      %get3A_911 = vector.shape_cast %get3A_910 : vector<1x16xf32> to vector<16xf32>
      %add3A_912 = arith.constant 16 : i32
      %add3A_913 = arith.addi %add3A_912, %scan3A_156 : i32
      %get3A_914 = arith.index_cast %add3A_913 : i32 to index
      %get3A_915 = arith.constant 752 : index
      %get3A_916 = tpu.vector_load %arg5[%get3A_914, %get3A_915] {strides = array<i32>} : memref<64x1024xf32, #tpu.memory_space<vmem>>, vector<1x16xf32>,
      %get3A_917 = vector.shape_cast %get3A_916 : vector<1x16xf32> to vector<16xf32>
      %add3A_918 = arith.addf %get3A_911, %get3A_917 : vector<16xf32>
      %swap3A_919 = arith.index_cast %scan3A_156 : i32 to index
      %swap3A_920 = arith.constant 752 : index
      %swap3A_921 = tpu.vector_load %arg7[%swap3A_919, %swap3A_920] {strides = array<i32>} : memref<16x1024xf32, #tpu.memory_space<vmem>>, vector<1x16xf32>,
      %swap3A_922 = vector.shape_cast %swap3A_921 : vector<1x16xf32> to vector<16xf32>
      %swap3A_923 = vector.shape_cast %add3A_918 : vector<16xf32> to vector<1x16xf32>
      tpu.vector_store %arg7[%swap3A_919, %swap3A_920], %swap3A_923 {strides = array<i32>} : memref<16x1024xf32, #tpu.memory_space<vmem>>, vector<1x16xf32>,
      %get3A_924 = arith.index_cast %scan3A_156 : i32 to index
      %get3A_925 = arith.constant 768 : index
      %get3A_926 = tpu.vector_load %arg7[%get3A_924, %get3A_925] {strides = array<i32>} : memref<16x1024xf32, #tpu.memory_space<vmem>>, vector<1x16xf32>,
      %get3A_927 = vector.shape_cast %get3A_926 : vector<1x16xf32> to vector<16xf32>
      %add3A_928 = arith.constant 16 : i32
      %add3A_929 = arith.addi %add3A_928, %scan3A_156 : i32
      %get3A_930 = arith.index_cast %add3A_929 : i32 to index
      %get3A_931 = arith.constant 768 : index
      %get3A_932 = tpu.vector_load %arg5[%get3A_930, %get3A_931] {strides = array<i32>} : memref<64x1024xf32, #tpu.memory_space<vmem>>, vector<1x16xf32>,
      %get3A_933 = vector.shape_cast %get3A_932 : vector<1x16xf32> to vector<16xf32>
      %add3A_934 = arith.addf %get3A_927, %get3A_933 : vector<16xf32>
      %swap3A_935 = arith.index_cast %scan3A_156 : i32 to index
      %swap3A_936 = arith.constant 768 : index
      %swap3A_937 = tpu.vector_load %arg7[%swap3A_935, %swap3A_936] {strides = array<i32>} : memref<16x1024xf32, #tpu.memory_space<vmem>>, vector<1x16xf32>,
      %swap3A_938 = vector.shape_cast %swap3A_937 : vector<1x16xf32> to vector<16xf32>
      %swap3A_939 = vector.shape_cast %add3A_934 : vector<16xf32> to vector<1x16xf32>
      tpu.vector_store %arg7[%swap3A_935, %swap3A_936], %swap3A_939 {strides = array<i32>} : memref<16x1024xf32, #tpu.memory_space<vmem>>, vector<1x16xf32>,
      %get3A_940 = arith.index_cast %scan3A_156 : i32 to index
      %get3A_941 = arith.constant 784 : index
      %get3A_942 = tpu.vector_load %arg7[%get3A_940, %get3A_941] {strides = array<i32>} : memref<16x1024xf32, #tpu.memory_space<vmem>>, vector<1x16xf32>,
      %get3A_943 = vector.shape_cast %get3A_942 : vector<1x16xf32> to vector<16xf32>
      %add3A_944 = arith.constant 16 : i32
      %add3A_945 = arith.addi %add3A_944, %scan3A_156 : i32
      %get3A_946 = arith.index_cast %add3A_945 : i32 to index
      %get3A_947 = arith.constant 784 : index
      %get3A_948 = tpu.vector_load %arg5[%get3A_946, %get3A_947] {strides = array<i32>} : memref<64x1024xf32, #tpu.memory_space<vmem>>, vector<1x16xf32>,
      %get3A_949 = vector.shape_cast %get3A_948 : vector<1x16xf32> to vector<16xf32>
      %add3A_950 = arith.addf %get3A_943, %get3A_949 : vector<16xf32>
      %swap3A_951 = arith.index_cast %scan3A_156 : i32 to index
      %swap3A_952 = arith.constant 784 : index
      %swap3A_953 = tpu.vector_load %arg7[%swap3A_951, %swap3A_952] {strides = array<i32>} : memref<16x1024xf32, #tpu.memory_space<vmem>>, vector<1x16xf32>,
      %swap3A_954 = vector.shape_cast %swap3A_953 : vector<1x16xf32> to vector<16xf32>
      %swap3A_955 = vector.shape_cast %add3A_950 : vector<16xf32> to vector<1x16xf32>
      tpu.vector_store %arg7[%swap3A_951, %swap3A_952], %swap3A_955 {strides = array<i32>} : memref<16x1024xf32, #tpu.memory_space<vmem>>, vector<1x16xf32>,
      %get3A_956 = arith.index_cast %scan3A_156 : i32 to index
      %get3A_957 = arith.constant 800 : index
      %get3A_958 = tpu.vector_load %arg7[%get3A_956, %get3A_957] {strides = array<i32>} : memref<16x1024xf32, #tpu.memory_space<vmem>>, vector<1x16xf32>,
      %get3A_959 = vector.shape_cast %get3A_958 : vector<1x16xf32> to vector<16xf32>
      %add3A_960 = arith.constant 16 : i32
      %add3A_961 = arith.addi %add3A_960, %scan3A_156 : i32
      %get3A_962 = arith.index_cast %add3A_961 : i32 to index
      %get3A_963 = arith.constant 800 : index
      %get3A_964 = tpu.vector_load %arg5[%get3A_962, %get3A_963] {strides = array<i32>} : memref<64x1024xf32, #tpu.memory_space<vmem>>, vector<1x16xf32>,
      %get3A_965 = vector.shape_cast %get3A_964 : vector<1x16xf32> to vector<16xf32>
      %add3A_966 = arith.addf %get3A_959, %get3A_965 : vector<16xf32>
      %swap3A_967 = arith.index_cast %scan3A_156 : i32 to index
      %swap3A_968 = arith.constant 800 : index
      %swap3A_969 = tpu.vector_load %arg7[%swap3A_967, %swap3A_968] {strides = array<i32>} : memref<16x1024xf32, #tpu.memory_space<vmem>>, vector<1x16xf32>,
      %swap3A_970 = vector.shape_cast %swap3A_969 : vector<1x16xf32> to vector<16xf32>
      %swap3A_971 = vector.shape_cast %add3A_966 : vector<16xf32> to vector<1x16xf32>
      tpu.vector_store %arg7[%swap3A_967, %swap3A_968], %swap3A_971 {strides = array<i32>} : memref<16x1024xf32, #tpu.memory_space<vmem>>, vector<1x16xf32>,
      %get3A_972 = arith.index_cast %scan3A_156 : i32 to index
      %get3A_973 = arith.constant 816 : index
      %get3A_974 = tpu.vector_load %arg7[%get3A_972, %get3A_973] {strides = array<i32>} : memref<16x1024xf32, #tpu.memory_space<vmem>>, vector<1x16xf32>,
      %get3A_975 = vector.shape_cast %get3A_974 : vector<1x16xf32> to vector<16xf32>
      %add3A_976 = arith.constant 16 : i32
      %add3A_977 = arith.addi %add3A_976, %scan3A_156 : i32
      %get3A_978 = arith.index_cast %add3A_977 : i32 to index
      %get3A_979 = arith.constant 816 : index
      %get3A_980 = tpu.vector_load %arg5[%get3A_978, %get3A_979] {strides = array<i32>} : memref<64x1024xf32, #tpu.memory_space<vmem>>, vector<1x16xf32>,
      %get3A_981 = vector.shape_cast %get3A_980 : vector<1x16xf32> to vector<16xf32>
      %add3A_982 = arith.addf %get3A_975, %get3A_981 : vector<16xf32>
      %swap3A_983 = arith.index_cast %scan3A_156 : i32 to index
      %swap3A_984 = arith.constant 816 : index
      %swap3A_985 = tpu.vector_load %arg7[%swap3A_983, %swap3A_984] {strides = array<i32>} : memref<16x1024xf32, #tpu.memory_space<vmem>>, vector<1x16xf32>,
      %swap3A_986 = vector.shape_cast %swap3A_985 : vector<1x16xf32> to vector<16xf32>
      %swap3A_987 = vector.shape_cast %add3A_982 : vector<16xf32> to vector<1x16xf32>
      tpu.vector_store %arg7[%swap3A_983, %swap3A_984], %swap3A_987 {strides = array<i32>} : memref<16x1024xf32, #tpu.memory_space<vmem>>, vector<1x16xf32>,
      %get3A_988 = arith.index_cast %scan3A_156 : i32 to index
      %get3A_989 = arith.constant 832 : index
      %get3A_990 = tpu.vector_load %arg7[%get3A_988, %get3A_989] {strides = array<i32>} : memref<16x1024xf32, #tpu.memory_space<vmem>>, vector<1x16xf32>,
      %get3A_991 = vector.shape_cast %get3A_990 : vector<1x16xf32> to vector<16xf32>
      %add3A_992 = arith.constant 16 : i32
      %add3A_993 = arith.addi %add3A_992, %scan3A_156 : i32
      %get3A_994 = arith.index_cast %add3A_993 : i32 to index
      %get3A_995 = arith.constant 832 : index
      %get3A_996 = tpu.vector_load %arg5[%get3A_994, %get3A_995] {strides = array<i32>} : memref<64x1024xf32, #tpu.memory_space<vmem>>, vector<1x16xf32>,
      %get3A_997 = vector.shape_cast %get3A_996 : vector<1x16xf32> to vector<16xf32>
      %add3A_998 = arith.addf %get3A_991, %get3A_997 : vector<16xf32>
      %swap3A_999 = arith.index_cast %scan3A_156 : i32 to index
      %swap3A_1000 = arith.constant 832 : index
      %swap3A_1001 = tpu.vector_load %arg7[%swap3A_999, %swap3A_1000] {strides = array<i32>} : memref<16x1024xf32, #tpu.memory_space<vmem>>, vector<1x16xf32>,
      %swap3A_1002 = vector.shape_cast %swap3A_1001 : vector<1x16xf32> to vector<16xf32>
      %swap3A_1003 = vector.shape_cast %add3A_998 : vector<16xf32> to vector<1x16xf32>
      tpu.vector_store %arg7[%swap3A_999, %swap3A_1000], %swap3A_1003 {strides = array<i32>} : memref<16x1024xf32, #tpu.memory_space<vmem>>, vector<1x16xf32>,
      %get3A_1004 = arith.index_cast %scan3A_156 : i32 to index
      %get3A_1005 = arith.constant 848 : index
      %get3A_1006 = tpu.vector_load %arg7[%get3A_1004, %get3A_1005] {strides = array<i32>} : memref<16x1024xf32, #tpu.memory_space<vmem>>, vector<1x16xf32>,
      %get3A_1007 = vector.shape_cast %get3A_1006 : vector<1x16xf32> to vector<16xf32>
      %add3A_1008 = arith.constant 16 : i32
      %add3A_1009 = arith.addi %add3A_1008, %scan3A_156 : i32
      %get3A_1010 = arith.index_cast %add3A_1009 : i32 to index
      %get3A_1011 = arith.constant 848 : index
      %get3A_1012 = tpu.vector_load %arg5[%get3A_1010, %get3A_1011] {strides = array<i32>} : memref<64x1024xf32, #tpu.memory_space<vmem>>, vector<1x16xf32>,
      %get3A_1013 = vector.shape_cast %get3A_1012 : vector<1x16xf32> to vector<16xf32>
      %add3A_1014 = arith.addf %get3A_1007, %get3A_1013 : vector<16xf32>
      %swap3A_1015 = arith.index_cast %scan3A_156 : i32 to index
      %swap3A_1016 = arith.constant 848 : index
      %swap3A_1017 = tpu.vector_load %arg7[%swap3A_1015, %swap3A_1016] {strides = array<i32>} : memref<16x1024xf32, #tpu.memory_space<vmem>>, vector<1x16xf32>,
      %swap3A_1018 = vector.shape_cast %swap3A_1017 : vector<1x16xf32> to vector<16xf32>
      %swap3A_1019 = vector.shape_cast %add3A_1014 : vector<16xf32> to vector<1x16xf32>
      tpu.vector_store %arg7[%swap3A_1015, %swap3A_1016], %swap3A_1019 {strides = array<i32>} : memref<16x1024xf32, #tpu.memory_space<vmem>>, vector<1x16xf32>,
      %get3A_1020 = arith.index_cast %scan3A_156 : i32 to index
      %get3A_1021 = arith.constant 864 : index
      %get3A_1022 = tpu.vector_load %arg7[%get3A_1020, %get3A_1021] {strides = array<i32>} : memref<16x1024xf32, #tpu.memory_space<vmem>>, vector<1x16xf32>,
      %get3A_1023 = vector.shape_cast %get3A_1022 : vector<1x16xf32> to vector<16xf32>
      %add3A_1024 = arith.constant 16 : i32
      %add3A_1025 = arith.addi %add3A_1024, %scan3A_156 : i32
      %get3A_1026 = arith.index_cast %add3A_1025 : i32 to index
      %get3A_1027 = arith.constant 864 : index
      %get3A_1028 = tpu.vector_load %arg5[%get3A_1026, %get3A_1027] {strides = array<i32>} : memref<64x1024xf32, #tpu.memory_space<vmem>>, vector<1x16xf32>,
      %get3A_1029 = vector.shape_cast %get3A_1028 : vector<1x16xf32> to vector<16xf32>
      %add3A_1030 = arith.addf %get3A_1023, %get3A_1029 : vector<16xf32>
      %swap3A_1031 = arith.index_cast %scan3A_156 : i32 to index
      %swap3A_1032 = arith.constant 864 : index
      %swap3A_1033 = tpu.vector_load %arg7[%swap3A_1031, %swap3A_1032] {strides = array<i32>} : memref<16x1024xf32, #tpu.memory_space<vmem>>, vector<1x16xf32>,
      %swap3A_1034 = vector.shape_cast %swap3A_1033 : vector<1x16xf32> to vector<16xf32>
      %swap3A_1035 = vector.shape_cast %add3A_1030 : vector<16xf32> to vector<1x16xf32>
      tpu.vector_store %arg7[%swap3A_1031, %swap3A_1032], %swap3A_1035 {strides = array<i32>} : memref<16x1024xf32, #tpu.memory_space<vmem>>, vector<1x16xf32>,
      %get3A_1036 = arith.index_cast %scan3A_156 : i32 to index
      %get3A_1037 = arith.constant 880 : index
      %get3A_1038 = tpu.vector_load %arg7[%get3A_1036, %get3A_1037] {strides = array<i32>} : memref<16x1024xf32, #tpu.memory_space<vmem>>, vector<1x16xf32>,
      %get3A_1039 = vector.shape_cast %get3A_1038 : vector<1x16xf32> to vector<16xf32>
      %add3A_1040 = arith.constant 16 : i32
      %add3A_1041 = arith.addi %add3A_1040, %scan3A_156 : i32
      %get3A_1042 = arith.index_cast %add3A_1041 : i32 to index
      %get3A_1043 = arith.constant 880 : index
      %get3A_1044 = tpu.vector_load %arg5[%get3A_1042, %get3A_1043] {strides = array<i32>} : memref<64x1024xf32, #tpu.memory_space<vmem>>, vector<1x16xf32>,
      %get3A_1045 = vector.shape_cast %get3A_1044 : vector<1x16xf32> to vector<16xf32>
      %add3A_1046 = arith.addf %get3A_1039, %get3A_1045 : vector<16xf32>
      %swap3A_1047 = arith.index_cast %scan3A_156 : i32 to index
      %swap3A_1048 = arith.constant 880 : index
      %swap3A_1049 = tpu.vector_load %arg7[%swap3A_1047, %swap3A_1048] {strides = array<i32>} : memref<16x1024xf32, #tpu.memory_space<vmem>>, vector<1x16xf32>,
      %swap3A_1050 = vector.shape_cast %swap3A_1049 : vector<1x16xf32> to vector<16xf32>
      %swap3A_1051 = vector.shape_cast %add3A_1046 : vector<16xf32> to vector<1x16xf32>
      tpu.vector_store %arg7[%swap3A_1047, %swap3A_1048], %swap3A_1051 {strides = array<i32>} : memref<16x1024xf32, #tpu.memory_space<vmem>>, vector<1x16xf32>,
      %get3A_1052 = arith.index_cast %scan3A_156 : i32 to index
      %get3A_1053 = arith.constant 896 : index
      %get3A_1054 = tpu.vector_load %arg7[%get3A_1052, %get3A_1053] {strides = array<i32>} : memref<16x1024xf32, #tpu.memory_space<vmem>>, vector<1x16xf32>,
      %get3A_1055 = vector.shape_cast %get3A_1054 : vector<1x16xf32> to vector<16xf32>
      %add3A_1056 = arith.constant 16 : i32
      %add3A_1057 = arith.addi %add3A_1056, %scan3A_156 : i32
      %get3A_1058 = arith.index_cast %add3A_1057 : i32 to index
      %get3A_1059 = arith.constant 896 : index
      %get3A_1060 = tpu.vector_load %arg5[%get3A_1058, %get3A_1059] {strides = array<i32>} : memref<64x1024xf32, #tpu.memory_space<vmem>>, vector<1x16xf32>,
      %get3A_1061 = vector.shape_cast %get3A_1060 : vector<1x16xf32> to vector<16xf32>
      %add3A_1062 = arith.addf %get3A_1055, %get3A_1061 : vector<16xf32>
      %swap3A_1063 = arith.index_cast %scan3A_156 : i32 to index
      %swap3A_1064 = arith.constant 896 : index
      %swap3A_1065 = tpu.vector_load %arg7[%swap3A_1063, %swap3A_1064] {strides = array<i32>} : memref<16x1024xf32, #tpu.memory_space<vmem>>, vector<1x16xf32>,
      %swap3A_1066 = vector.shape_cast %swap3A_1065 : vector<1x16xf32> to vector<16xf32>
      %swap3A_1067 = vector.shape_cast %add3A_1062 : vector<16xf32> to vector<1x16xf32>
      tpu.vector_store %arg7[%swap3A_1063, %swap3A_1064], %swap3A_1067 {strides = array<i32>} : memref<16x1024xf32, #tpu.memory_space<vmem>>, vector<1x16xf32>,
      %get3A_1068 = arith.index_cast %scan3A_156 : i32 to index
      %get3A_1069 = arith.constant 912 : index
      %get3A_1070 = tpu.vector_load %arg7[%get3A_1068, %get3A_1069] {strides = array<i32>} : memref<16x1024xf32, #tpu.memory_space<vmem>>, vector<1x16xf32>,
      %get3A_1071 = vector.shape_cast %get3A_1070 : vector<1x16xf32> to vector<16xf32>
      %add3A_1072 = arith.constant 16 : i32
      %add3A_1073 = arith.addi %add3A_1072, %scan3A_156 : i32
      %get3A_1074 = arith.index_cast %add3A_1073 : i32 to index
      %get3A_1075 = arith.constant 912 : index
      %get3A_1076 = tpu.vector_load %arg5[%get3A_1074, %get3A_1075] {strides = array<i32>} : memref<64x1024xf32, #tpu.memory_space<vmem>>, vector<1x16xf32>,
      %get3A_1077 = vector.shape_cast %get3A_1076 : vector<1x16xf32> to vector<16xf32>
      %add3A_1078 = arith.addf %get3A_1071, %get3A_1077 : vector<16xf32>
      %swap3A_1079 = arith.index_cast %scan3A_156 : i32 to index
      %swap3A_1080 = arith.constant 912 : index
      %swap3A_1081 = tpu.vector_load %arg7[%swap3A_1079, %swap3A_1080] {strides = array<i32>} : memref<16x1024xf32, #tpu.memory_space<vmem>>, vector<1x16xf32>,
      %swap3A_1082 = vector.shape_cast %swap3A_1081 : vector<1x16xf32> to vector<16xf32>
      %swap3A_1083 = vector.shape_cast %add3A_1078 : vector<16xf32> to vector<1x16xf32>
      tpu.vector_store %arg7[%swap3A_1079, %swap3A_1080], %swap3A_1083 {strides = array<i32>} : memref<16x1024xf32, #tpu.memory_space<vmem>>, vector<1x16xf32>,
      %get3A_1084 = arith.index_cast %scan3A_156 : i32 to index
      %get3A_1085 = arith.constant 928 : index
      %get3A_1086 = tpu.vector_load %arg7[%get3A_1084, %get3A_1085] {strides = array<i32>} : memref<16x1024xf32, #tpu.memory_space<vmem>>, vector<1x16xf32>,
      %get3A_1087 = vector.shape_cast %get3A_1086 : vector<1x16xf32> to vector<16xf32>
      %add3A_1088 = arith.constant 16 : i32
      %add3A_1089 = arith.addi %add3A_1088, %scan3A_156 : i32
      %get3A_1090 = arith.index_cast %add3A_1089 : i32 to index
      %get3A_1091 = arith.constant 928 : index
      %get3A_1092 = tpu.vector_load %arg5[%get3A_1090, %get3A_1091] {strides = array<i32>} : memref<64x1024xf32, #tpu.memory_space<vmem>>, vector<1x16xf32>,
      %get3A_1093 = vector.shape_cast %get3A_1092 : vector<1x16xf32> to vector<16xf32>
      %add3A_1094 = arith.addf %get3A_1087, %get3A_1093 : vector<16xf32>
      %swap3A_1095 = arith.index_cast %scan3A_156 : i32 to index
      %swap3A_1096 = arith.constant 928 : index
      %swap3A_1097 = tpu.vector_load %arg7[%swap3A_1095, %swap3A_1096] {strides = array<i32>} : memref<16x1024xf32, #tpu.memory_space<vmem>>, vector<1x16xf32>,
      %swap3A_1098 = vector.shape_cast %swap3A_1097 : vector<1x16xf32> to vector<16xf32>
      %swap3A_1099 = vector.shape_cast %add3A_1094 : vector<16xf32> to vector<1x16xf32>
      tpu.vector_store %arg7[%swap3A_1095, %swap3A_1096], %swap3A_1099 {strides = array<i32>} : memref<16x1024xf32, #tpu.memory_space<vmem>>, vector<1x16xf32>,
      %get3A_1100 = arith.index_cast %scan3A_156 : i32 to index
      %get3A_1101 = arith.constant 944 : index
      %get3A_1102 = tpu.vector_load %arg7[%get3A_1100, %get3A_1101] {strides = array<i32>} : memref<16x1024xf32, #tpu.memory_space<vmem>>, vector<1x16xf32>,
      %get3A_1103 = vector.shape_cast %get3A_1102 : vector<1x16xf32> to vector<16xf32>
      %add3A_1104 = arith.constant 16 : i32
      %add3A_1105 = arith.addi %add3A_1104, %scan3A_156 : i32
      %get3A_1106 = arith.index_cast %add3A_1105 : i32 to index
      %get3A_1107 = arith.constant 944 : index
      %get3A_1108 = tpu.vector_load %arg5[%get3A_1106, %get3A_1107] {strides = array<i32>} : memref<64x1024xf32, #tpu.memory_space<vmem>>, vector<1x16xf32>,
      %get3A_1109 = vector.shape_cast %get3A_1108 : vector<1x16xf32> to vector<16xf32>
      %add3A_1110 = arith.addf %get3A_1103, %get3A_1109 : vector<16xf32>
      %swap3A_1111 = arith.index_cast %scan3A_156 : i32 to index
      %swap3A_1112 = arith.constant 944 : index
      %swap3A_1113 = tpu.vector_load %arg7[%swap3A_1111, %swap3A_1112] {strides = array<i32>} : memref<16x1024xf32, #tpu.memory_space<vmem>>, vector<1x16xf32>,
      %swap3A_1114 = vector.shape_cast %swap3A_1113 : vector<1x16xf32> to vector<16xf32>
      %swap3A_1115 = vector.shape_cast %add3A_1110 : vector<16xf32> to vector<1x16xf32>
      tpu.vector_store %arg7[%swap3A_1111, %swap3A_1112], %swap3A_1115 {strides = array<i32>} : memref<16x1024xf32, #tpu.memory_space<vmem>>, vector<1x16xf32>,
      %get3A_1116 = arith.index_cast %scan3A_156 : i32 to index
      %get3A_1117 = arith.constant 960 : index
      %get3A_1118 = tpu.vector_load %arg7[%get3A_1116, %get3A_1117] {strides = array<i32>} : memref<16x1024xf32, #tpu.memory_space<vmem>>, vector<1x16xf32>,
      %get3A_1119 = vector.shape_cast %get3A_1118 : vector<1x16xf32> to vector<16xf32>
      %add3A_1120 = arith.constant 16 : i32
      %add3A_1121 = arith.addi %add3A_1120, %scan3A_156 : i32
      %get3A_1122 = arith.index_cast %add3A_1121 : i32 to index
      %get3A_1123 = arith.constant 960 : index
      %get3A_1124 = tpu.vector_load %arg5[%get3A_1122, %get3A_1123] {strides = array<i32>} : memref<64x1024xf32, #tpu.memory_space<vmem>>, vector<1x16xf32>,
      %get3A_1125 = vector.shape_cast %get3A_1124 : vector<1x16xf32> to vector<16xf32>
      %add3A_1126 = arith.addf %get3A_1119, %get3A_1125 : vector<16xf32>
      %swap3A_1127 = arith.index_cast %scan3A_156 : i32 to index
      %swap3A_1128 = arith.constant 960 : index
      %swap3A_1129 = tpu.vector_load %arg7[%swap3A_1127, %swap3A_1128] {strides = array<i32>} : memref<16x1024xf32, #tpu.memory_space<vmem>>, vector<1x16xf32>,
      %swap3A_1130 = vector.shape_cast %swap3A_1129 : vector<1x16xf32> to vector<16xf32>
      %swap3A_1131 = vector.shape_cast %add3A_1126 : vector<16xf32> to vector<1x16xf32>
      tpu.vector_store %arg7[%swap3A_1127, %swap3A_1128], %swap3A_1131 {strides = array<i32>} : memref<16x1024xf32, #tpu.memory_space<vmem>>, vector<1x16xf32>,
      %get3A_1132 = arith.index_cast %scan3A_156 : i32 to index
      %get3A_1133 = arith.constant 976 : index
      %get3A_1134 = tpu.vector_load %arg7[%get3A_1132, %get3A_1133] {strides = array<i32>} : memref<16x1024xf32, #tpu.memory_space<vmem>>, vector<1x16xf32>,
      %get3A_1135 = vector.shape_cast %get3A_1134 : vector<1x16xf32> to vector<16xf32>
      %add3A_1136 = arith.constant 16 : i32
      %add3A_1137 = arith.addi %add3A_1136, %scan3A_156 : i32
      %get3A_1138 = arith.index_cast %add3A_1137 : i32 to index
      %get3A_1139 = arith.constant 976 : index
      %get3A_1140 = tpu.vector_load %arg5[%get3A_1138, %get3A_1139] {strides = array<i32>} : memref<64x1024xf32, #tpu.memory_space<vmem>>, vector<1x16xf32>,
      %get3A_1141 = vector.shape_cast %get3A_1140 : vector<1x16xf32> to vector<16xf32>
      %add3A_1142 = arith.addf %get3A_1135, %get3A_1141 : vector<16xf32>
      %swap3A_1143 = arith.index_cast %scan3A_156 : i32 to index
      %swap3A_1144 = arith.constant 976 : index
      %swap3A_1145 = tpu.vector_load %arg7[%swap3A_1143, %swap3A_1144] {strides = array<i32>} : memref<16x1024xf32, #tpu.memory_space<vmem>>, vector<1x16xf32>,
      %swap3A_1146 = vector.shape_cast %swap3A_1145 : vector<1x16xf32> to vector<16xf32>
      %swap3A_1147 = vector.shape_cast %add3A_1142 : vector<16xf32> to vector<1x16xf32>
      tpu.vector_store %arg7[%swap3A_1143, %swap3A_1144], %swap3A_1147 {strides = array<i32>} : memref<16x1024xf32, #tpu.memory_space<vmem>>, vector<1x16xf32>,
      %get3A_1148 = arith.index_cast %scan3A_156 : i32 to index
      %get3A_1149 = arith.constant 992 : index
      %get3A_1150 = tpu.vector_load %arg7[%get3A_1148, %get3A_1149] {strides = array<i32>} : memref<16x1024xf32, #tpu.memory_space<vmem>>, vector<1x16xf32>,
      %get3A_1151 = vector.shape_cast %get3A_1150 : vector<1x16xf32> to vector<16xf32>
      %add3A_1152 = arith.constant 16 : i32
      %add3A_1153 = arith.addi %add3A_1152, %scan3A_156 : i32
      %get3A_1154 = arith.index_cast %add3A_1153 : i32 to index
      %get3A_1155 = arith.constant 992 : index
      %get3A_1156 = tpu.vector_load %arg5[%get3A_1154, %get3A_1155] {strides = array<i32>} : memref<64x1024xf32, #tpu.memory_space<vmem>>, vector<1x16xf32>,
      %get3A_1157 = vector.shape_cast %get3A_1156 : vector<1x16xf32> to vector<16xf32>
      %add3A_1158 = arith.addf %get3A_1151, %get3A_1157 : vector<16xf32>
      %swap3A_1159 = arith.index_cast %scan3A_156 : i32 to index
      %swap3A_1160 = arith.constant 992 : index
      %swap3A_1161 = tpu.vector_load %arg7[%swap3A_1159, %swap3A_1160] {strides = array<i32>} : memref<16x1024xf32, #tpu.memory_space<vmem>>, vector<1x16xf32>,
      %swap3A_1162 = vector.shape_cast %swap3A_1161 : vector<1x16xf32> to vector<16xf32>
      %swap3A_1163 = vector.shape_cast %add3A_1158 : vector<16xf32> to vector<1x16xf32>
      tpu.vector_store %arg7[%swap3A_1159, %swap3A_1160], %swap3A_1163 {strides = array<i32>} : memref<16x1024xf32, #tpu.memory_space<vmem>>, vector<1x16xf32>,
      %get3A_1164 = arith.index_cast %scan3A_156 : i32 to index
      %get3A_1165 = arith.constant 1008 : index
      %get3A_1166 = tpu.vector_load %arg7[%get3A_1164, %get3A_1165] {strides = array<i32>} : memref<16x1024xf32, #tpu.memory_space<vmem>>, vector<1x16xf32>,
      %get3A_1167 = vector.shape_cast %get3A_1166 : vector<1x16xf32> to vector<16xf32>
      %add3A_1168 = arith.constant 16 : i32
      %add3A_1169 = arith.addi %add3A_1168, %scan3A_156 : i32
      %get3A_1170 = arith.index_cast %add3A_1169 : i32 to index
      %get3A_1171 = arith.constant 1008 : index
      %get3A_1172 = tpu.vector_load %arg5[%get3A_1170, %get3A_1171] {strides = array<i32>} : memref<64x1024xf32, #tpu.memory_space<vmem>>, vector<1x16xf32>,
      %get3A_1173 = vector.shape_cast %get3A_1172 : vector<1x16xf32> to vector<16xf32>
      %add3A_1174 = arith.addf %get3A_1167, %get3A_1173 : vector<16xf32>
      %swap3A_1175 = arith.index_cast %scan3A_156 : i32 to index
      %swap3A_1176 = arith.constant 1008 : index
      %swap3A_1177 = tpu.vector_load %arg7[%swap3A_1175, %swap3A_1176] {strides = array<i32>} : memref<16x1024xf32, #tpu.memory_space<vmem>>, vector<1x16xf32>,
      %swap3A_1178 = vector.shape_cast %swap3A_1177 : vector<1x16xf32> to vector<16xf32>
      %swap3A_1179 = vector.shape_cast %add3A_1174 : vector<16xf32> to vector<1x16xf32>
      tpu.vector_store %arg7[%swap3A_1175, %swap3A_1176], %swap3A_1179 {strides = array<i32>} : memref<16x1024xf32, #tpu.memory_space<vmem>>, vector<1x16xf32>,
      %scan3A_1180 = arith.constant 0 : i32
      scf.yield %scan3A_1180 : i32
    }
    %scan3A_61 = arith.constant 16 : i32
    %add3A_62 = arith.constant 0 : i32
    %add3A_63 = arith.addi %add3A_62, %mul3A_2 : i32
    %add3A_64 = arith.constant 16 : i32
    %add3A_65 = arith.addi %add3A_63, %add3A_64 : i32
    %dma_start3A_66 = arith.constant 0 : i32
    %dma_start3A_67 = tpu.memref_slice %arg4[%add3A_65, %dma_start3A_66] : memref<2048x1024xf32, #tpu.memory_space<hbm>> -> memref<16x1024xf32, #tpu.memory_space<hbm>>
    %dma_start3A_68 = arith.constant 0 : i32
    %dma_start3A_69 = tpu.memref_slice %arg4[%add3A_65, %dma_start3A_68] : memref<2048x1024xf32, #tpu.memory_space<hbm>> -> memref<16x1024xf32, #tpu.memory_space<hbm>>
    tpu.enqueue_dma source(%arg7 : memref<16x1024xf32, #tpu.memory_space<vmem>>) target(%dma_start3A_69 : memref<16x1024xf32, #tpu.memory_space<hbm>>) target_semaphore(%arg13 : memref<!tpu.dma_semaphore, #tpu.memory_space<semaphore_mem>>)
    %add3A_70 = arith.constant 0 : i32
    %add3A_71 = arith.addi %add3A_70, %mul3A_2 : i32
    %add3A_72 = arith.constant 0 : i32
    %add3A_73 = arith.addi %add3A_71, %add3A_72 : i32
    %dma_wait3A_74 = arith.constant 0 : i32
    %dma_wait3A_75 = tpu.memref_slice %arg4[%add3A_73, %dma_wait3A_74] : memref<2048x1024xf32, #tpu.memory_space<hbm>> -> memref<16x1024xf32, #tpu.memory_space<hbm>>
    %dma_wait3A_76 = arith.constant 0 : i32
    %dma_wait3A_77 = tpu.memref_slice %arg4[%add3A_73, %dma_wait3A_76] : memref<2048x1024xf32, #tpu.memory_space<hbm>> -> memref<16x1024xf32, #tpu.memory_space<hbm>>
    tpu.wait_dma2 semaphore(%arg12 : memref<!tpu.dma_semaphore, #tpu.memory_space<semaphore_mem>>) src(%arg6 : memref<16x1024xf32, #tpu.memory_space<vmem>>) dst(%dma_wait3A_77 : memref<16x1024xf32, #tpu.memory_space<hbm>>)
    %add3A_78 = arith.constant 6144 : i32
    %add3A_79 = arith.addi %add3A_78, %mul3A_2 : i32
    %add3A_80 = arith.constant 48 : i32
    %add3A_81 = arith.addi %add3A_79, %add3A_80 : i32
    %dma_start3A_82 = arith.constant 0 : i32
    %dma_start3A_83 = tpu.memref_slice %arg2[%add3A_81, %dma_start3A_82] : memref<8192x1024xf32, #tpu.memory_space<hbm>> -> memref<16x1024xf32, #tpu.memory_space<hbm>>
    %dma_start3A_84 = arith.constant 0 : i32
    %dma_start3A_85 = tpu.memref_slice %arg2[%add3A_81, %dma_start3A_84] : memref<8192x1024xf32, #tpu.memory_space<hbm>> -> memref<16x1024xf32, #tpu.memory_space<hbm>>
    tpu.enqueue_dma source(%dma_start3A_85 : memref<16x1024xf32, #tpu.memory_space<hbm>>) target(%arg6 : memref<16x1024xf32, #tpu.memory_space<vmem>>) target_semaphore(%arg9 : memref<!tpu.dma_semaphore, #tpu.memory_space<semaphore_mem>>)
    %add3A_86 = arith.constant 6144 : i32
    %add3A_87 = arith.addi %add3A_86, %mul3A_2 : i32
    %add3A_88 = arith.constant 32 : i32
    %add3A_89 = arith.addi %add3A_87, %add3A_88 : i32
    %dma_wait3A_90 = arith.constant 0 : i32
    %dma_wait3A_91 = tpu.memref_slice %arg2[%add3A_89, %dma_wait3A_90] : memref<8192x1024xf32, #tpu.memory_space<hbm>> -> memref<16x1024xf32, #tpu.memory_space<hbm>>
    %dma_wait3A_92 = arith.constant 0 : i32
    %dma_wait3A_93 = tpu.memref_slice %arg2[%add3A_89, %dma_wait3A_92] : memref<8192x1024xf32, #tpu.memory_space<hbm>> -> memref<16x1024xf32, #tpu.memory_space<hbm>>
    tpu.wait_dma2 semaphore(%arg11 : memref<!tpu.dma_semaphore, #tpu.memory_space<semaphore_mem>>) src(%dma_wait3A_93 : memref<16x1024xf32, #tpu.memory_space<hbm>>) dst(%arg8 : memref<16x1024xf32, #tpu.memory_space<vmem>>)
    %scan3A_94 = arith.constant 0 : i32
    %scan3A_95 = arith.constant 0 : i32
    %scan3A_96 = arith.constant 16 : i32
    %scan3A_97 = arith.addi %scan3A_95, %scan3A_96 : i32
    %scan3A_98 = arith.constant 1 : i32
    %scan3A_99 = scf.for %scan3A_156 = %scan3A_95 to %scan3A_97 step %scan3A_98 iter_args(%scan3A_157 = %scan3A_94) -> (i32)  : i32 {
      %get3A = arith.index_cast %scan3A_156 : i32 to index
      %get3A_158 = arith.constant 0 : index
      %get3A_159 = tpu.vector_load %arg8[%get3A, %get3A_158] {strides = array<i32>} : memref<16x1024xf32, #tpu.memory_space<vmem>>, vector<1x16xf32>,
      %get3A_160 = vector.shape_cast %get3A_159 : vector<1x16xf32> to vector<16xf32>
      %add3A_161 = arith.constant 32 : i32
      %add3A_162 = arith.addi %add3A_161, %scan3A_156 : i32
      %get3A_163 = arith.index_cast %add3A_162 : i32 to index
      %get3A_164 = arith.constant 0 : index
      %get3A_165 = tpu.vector_load %arg5[%get3A_163, %get3A_164] {strides = array<i32>} : memref<64x1024xf32, #tpu.memory_space<vmem>>, vector<1x16xf32>,
      %get3A_166 = vector.shape_cast %get3A_165 : vector<1x16xf32> to vector<16xf32>
      %add3A_167 = arith.addf %get3A_160, %get3A_166 : vector<16xf32>
      %swap3A = arith.index_cast %scan3A_156 : i32 to index
      %swap3A_168 = arith.constant 0 : index
      %swap3A_169 = tpu.vector_load %arg8[%swap3A, %swap3A_168] {strides = array<i32>} : memref<16x1024xf32, #tpu.memory_space<vmem>>, vector<1x16xf32>,
      %swap3A_170 = vector.shape_cast %swap3A_169 : vector<1x16xf32> to vector<16xf32>
      %swap3A_171 = vector.shape_cast %add3A_167 : vector<16xf32> to vector<1x16xf32>
      tpu.vector_store %arg8[%swap3A, %swap3A_168], %swap3A_171 {strides = array<i32>} : memref<16x1024xf32, #tpu.memory_space<vmem>>, vector<1x16xf32>,
      %get3A_172 = arith.index_cast %scan3A_156 : i32 to index
      %get3A_173 = arith.constant 16 : index
      %get3A_174 = tpu.vector_load %arg8[%get3A_172, %get3A_173] {strides = array<i32>} : memref<16x1024xf32, #tpu.memory_space<vmem>>, vector<1x16xf32>,
      %get3A_175 = vector.shape_cast %get3A_174 : vector<1x16xf32> to vector<16xf32>
      %add3A_176 = arith.constant 32 : i32
      %add3A_177 = arith.addi %add3A_176, %scan3A_156 : i32
      %get3A_178 = arith.index_cast %add3A_177 : i32 to index
      %get3A_179 = arith.constant 16 : index
      %get3A_180 = tpu.vector_load %arg5[%get3A_178, %get3A_179] {strides = array<i32>} : memref<64x1024xf32, #tpu.memory_space<vmem>>, vector<1x16xf32>,
      %get3A_181 = vector.shape_cast %get3A_180 : vector<1x16xf32> to vector<16xf32>
      %add3A_182 = arith.addf %get3A_175, %get3A_181 : vector<16xf32>
      %swap3A_183 = arith.index_cast %scan3A_156 : i32 to index
      %swap3A_184 = arith.constant 16 : index
      %swap3A_185 = tpu.vector_load %arg8[%swap3A_183, %swap3A_184] {strides = array<i32>} : memref<16x1024xf32, #tpu.memory_space<vmem>>, vector<1x16xf32>,
      %swap3A_186 = vector.shape_cast %swap3A_185 : vector<1x16xf32> to vector<16xf32>
      %swap3A_187 = vector.shape_cast %add3A_182 : vector<16xf32> to vector<1x16xf32>
      tpu.vector_store %arg8[%swap3A_183, %swap3A_184], %swap3A_187 {strides = array<i32>} : memref<16x1024xf32, #tpu.memory_space<vmem>>, vector<1x16xf32>,
      %get3A_188 = arith.index_cast %scan3A_156 : i32 to index
      %get3A_189 = arith.constant 32 : index
      %get3A_190 = tpu.vector_load %arg8[%get3A_188, %get3A_189] {strides = array<i32>} : memref<16x1024xf32, #tpu.memory_space<vmem>>, vector<1x16xf32>,
      %get3A_191 = vector.shape_cast %get3A_190 : vector<1x16xf32> to vector<16xf32>
      %add3A_192 = arith.constant 32 : i32
      %add3A_193 = arith.addi %add3A_192, %scan3A_156 : i32
      %get3A_194 = arith.index_cast %add3A_193 : i32 to index
      %get3A_195 = arith.constant 32 : index
      %get3A_196 = tpu.vector_load %arg5[%get3A_194, %get3A_195] {strides = array<i32>} : memref<64x1024xf32, #tpu.memory_space<vmem>>, vector<1x16xf32>,
      %get3A_197 = vector.shape_cast %get3A_196 : vector<1x16xf32> to vector<16xf32>
      %add3A_198 = arith.addf %get3A_191, %get3A_197 : vector<16xf32>
      %swap3A_199 = arith.index_cast %scan3A_156 : i32 to index
      %swap3A_200 = arith.constant 32 : index
      %swap3A_201 = tpu.vector_load %arg8[%swap3A_199, %swap3A_200] {strides = array<i32>} : memref<16x1024xf32, #tpu.memory_space<vmem>>, vector<1x16xf32>,
      %swap3A_202 = vector.shape_cast %swap3A_201 : vector<1x16xf32> to vector<16xf32>
      %swap3A_203 = vector.shape_cast %add3A_198 : vector<16xf32> to vector<1x16xf32>
      tpu.vector_store %arg8[%swap3A_199, %swap3A_200], %swap3A_203 {strides = array<i32>} : memref<16x1024xf32, #tpu.memory_space<vmem>>, vector<1x16xf32>,
      %get3A_204 = arith.index_cast %scan3A_156 : i32 to index
      %get3A_205 = arith.constant 48 : index
      %get3A_206 = tpu.vector_load %arg8[%get3A_204, %get3A_205] {strides = array<i32>} : memref<16x1024xf32, #tpu.memory_space<vmem>>, vector<1x16xf32>,
      %get3A_207 = vector.shape_cast %get3A_206 : vector<1x16xf32> to vector<16xf32>
      %add3A_208 = arith.constant 32 : i32
      %add3A_209 = arith.addi %add3A_208, %scan3A_156 : i32
      %get3A_210 = arith.index_cast %add3A_209 : i32 to index
      %get3A_211 = arith.constant 48 : index
      %get3A_212 = tpu.vector_load %arg5[%get3A_210, %get3A_211] {strides = array<i32>} : memref<64x1024xf32, #tpu.memory_space<vmem>>, vector<1x16xf32>,
      %get3A_213 = vector.shape_cast %get3A_212 : vector<1x16xf32> to vector<16xf32>
      %add3A_214 = arith.addf %get3A_207, %get3A_213 : vector<16xf32>
      %swap3A_215 = arith.index_cast %scan3A_156 : i32 to index
      %swap3A_216 = arith.constant 48 : index
      %swap3A_217 = tpu.vector_load %arg8[%swap3A_215, %swap3A_216] {strides = array<i32>} : memref<16x1024xf32, #tpu.memory_space<vmem>>, vector<1x16xf32>,
      %swap3A_218 = vector.shape_cast %swap3A_217 : vector<1x16xf32> to vector<16xf32>
      %swap3A_219 = vector.shape_cast %add3A_214 : vector<16xf32> to vector<1x16xf32>
      tpu.vector_store %arg8[%swap3A_215, %swap3A_216], %swap3A_219 {strides = array<i32>} : memref<16x1024xf32, #tpu.memory_space<vmem>>, vector<1x16xf32>,
      %get3A_220 = arith.index_cast %scan3A_156 : i32 to index
      %get3A_221 = arith.constant 64 : index
      %get3A_222 = tpu.vector_load %arg8[%get3A_220, %get3A_221] {strides = array<i32>} : memref<16x1024xf32, #tpu.memory_space<vmem>>, vector<1x16xf32>,
      %get3A_223 = vector.shape_cast %get3A_222 : vector<1x16xf32> to vector<16xf32>
      %add3A_224 = arith.constant 32 : i32
      %add3A_225 = arith.addi %add3A_224, %scan3A_156 : i32
      %get3A_226 = arith.index_cast %add3A_225 : i32 to index
      %get3A_227 = arith.constant 64 : index
      %get3A_228 = tpu.vector_load %arg5[%get3A_226, %get3A_227] {strides = array<i32>} : memref<64x1024xf32, #tpu.memory_space<vmem>>, vector<1x16xf32>,
      %get3A_229 = vector.shape_cast %get3A_228 : vector<1x16xf32> to vector<16xf32>
      %add3A_230 = arith.addf %get3A_223, %get3A_229 : vector<16xf32>
      %swap3A_231 = arith.index_cast %scan3A_156 : i32 to index
      %swap3A_232 = arith.constant 64 : index
      %swap3A_233 = tpu.vector_load %arg8[%swap3A_231, %swap3A_232] {strides = array<i32>} : memref<16x1024xf32, #tpu.memory_space<vmem>>, vector<1x16xf32>,
      %swap3A_234 = vector.shape_cast %swap3A_233 : vector<1x16xf32> to vector<16xf32>
      %swap3A_235 = vector.shape_cast %add3A_230 : vector<16xf32> to vector<1x16xf32>
      tpu.vector_store %arg8[%swap3A_231, %swap3A_232], %swap3A_235 {strides = array<i32>} : memref<16x1024xf32, #tpu.memory_space<vmem>>, vector<1x16xf32>,
      %get3A_236 = arith.index_cast %scan3A_156 : i32 to index
      %get3A_237 = arith.constant 80 : index
      %get3A_238 = tpu.vector_load %arg8[%get3A_236, %get3A_237] {strides = array<i32>} : memref<16x1024xf32, #tpu.memory_space<vmem>>, vector<1x16xf32>,
      %get3A_239 = vector.shape_cast %get3A_238 : vector<1x16xf32> to vector<16xf32>
      %add3A_240 = arith.constant 32 : i32
      %add3A_241 = arith.addi %add3A_240, %scan3A_156 : i32
      %get3A_242 = arith.index_cast %add3A_241 : i32 to index
      %get3A_243 = arith.constant 80 : index
      %get3A_244 = tpu.vector_load %arg5[%get3A_242, %get3A_243] {strides = array<i32>} : memref<64x1024xf32, #tpu.memory_space<vmem>>, vector<1x16xf32>,
      %get3A_245 = vector.shape_cast %get3A_244 : vector<1x16xf32> to vector<16xf32>
      %add3A_246 = arith.addf %get3A_239, %get3A_245 : vector<16xf32>
      %swap3A_247 = arith.index_cast %scan3A_156 : i32 to index
      %swap3A_248 = arith.constant 80 : index
      %swap3A_249 = tpu.vector_load %arg8[%swap3A_247, %swap3A_248] {strides = array<i32>} : memref<16x1024xf32, #tpu.memory_space<vmem>>, vector<1x16xf32>,
      %swap3A_250 = vector.shape_cast %swap3A_249 : vector<1x16xf32> to vector<16xf32>
      %swap3A_251 = vector.shape_cast %add3A_246 : vector<16xf32> to vector<1x16xf32>
      tpu.vector_store %arg8[%swap3A_247, %swap3A_248], %swap3A_251 {strides = array<i32>} : memref<16x1024xf32, #tpu.memory_space<vmem>>, vector<1x16xf32>,
      %get3A_252 = arith.index_cast %scan3A_156 : i32 to index
      %get3A_253 = arith.constant 96 : index
      %get3A_254 = tpu.vector_load %arg8[%get3A_252, %get3A_253] {strides = array<i32>} : memref<16x1024xf32, #tpu.memory_space<vmem>>, vector<1x16xf32>,
      %get3A_255 = vector.shape_cast %get3A_254 : vector<1x16xf32> to vector<16xf32>
      %add3A_256 = arith.constant 32 : i32
      %add3A_257 = arith.addi %add3A_256, %scan3A_156 : i32
      %get3A_258 = arith.index_cast %add3A_257 : i32 to index
      %get3A_259 = arith.constant 96 : index
      %get3A_260 = tpu.vector_load %arg5[%get3A_258, %get3A_259] {strides = array<i32>} : memref<64x1024xf32, #tpu.memory_space<vmem>>, vector<1x16xf32>,
      %get3A_261 = vector.shape_cast %get3A_260 : vector<1x16xf32> to vector<16xf32>
      %add3A_262 = arith.addf %get3A_255, %get3A_261 : vector<16xf32>
      %swap3A_263 = arith.index_cast %scan3A_156 : i32 to index
      %swap3A_264 = arith.constant 96 : index
      %swap3A_265 = tpu.vector_load %arg8[%swap3A_263, %swap3A_264] {strides = array<i32>} : memref<16x1024xf32, #tpu.memory_space<vmem>>, vector<1x16xf32>,
      %swap3A_266 = vector.shape_cast %swap3A_265 : vector<1x16xf32> to vector<16xf32>
      %swap3A_267 = vector.shape_cast %add3A_262 : vector<16xf32> to vector<1x16xf32>
      tpu.vector_store %arg8[%swap3A_263, %swap3A_264], %swap3A_267 {strides = array<i32>} : memref<16x1024xf32, #tpu.memory_space<vmem>>, vector<1x16xf32>,
      %get3A_268 = arith.index_cast %scan3A_156 : i32 to index
      %get3A_269 = arith.constant 112 : index
      %get3A_270 = tpu.vector_load %arg8[%get3A_268, %get3A_269] {strides = array<i32>} : memref<16x1024xf32, #tpu.memory_space<vmem>>, vector<1x16xf32>,
      %get3A_271 = vector.shape_cast %get3A_270 : vector<1x16xf32> to vector<16xf32>
      %add3A_272 = arith.constant 32 : i32
      %add3A_273 = arith.addi %add3A_272, %scan3A_156 : i32
      %get3A_274 = arith.index_cast %add3A_273 : i32 to index
      %get3A_275 = arith.constant 112 : index
      %get3A_276 = tpu.vector_load %arg5[%get3A_274, %get3A_275] {strides = array<i32>} : memref<64x1024xf32, #tpu.memory_space<vmem>>, vector<1x16xf32>,
      %get3A_277 = vector.shape_cast %get3A_276 : vector<1x16xf32> to vector<16xf32>
      %add3A_278 = arith.addf %get3A_271, %get3A_277 : vector<16xf32>
      %swap3A_279 = arith.index_cast %scan3A_156 : i32 to index
      %swap3A_280 = arith.constant 112 : index
      %swap3A_281 = tpu.vector_load %arg8[%swap3A_279, %swap3A_280] {strides = array<i32>} : memref<16x1024xf32, #tpu.memory_space<vmem>>, vector<1x16xf32>,
      %swap3A_282 = vector.shape_cast %swap3A_281 : vector<1x16xf32> to vector<16xf32>
      %swap3A_283 = vector.shape_cast %add3A_278 : vector<16xf32> to vector<1x16xf32>
      tpu.vector_store %arg8[%swap3A_279, %swap3A_280], %swap3A_283 {strides = array<i32>} : memref<16x1024xf32, #tpu.memory_space<vmem>>, vector<1x16xf32>,
      %get3A_284 = arith.index_cast %scan3A_156 : i32 to index
      %get3A_285 = arith.constant 128 : index
      %get3A_286 = tpu.vector_load %arg8[%get3A_284, %get3A_285] {strides = array<i32>} : memref<16x1024xf32, #tpu.memory_space<vmem>>, vector<1x16xf32>,
      %get3A_287 = vector.shape_cast %get3A_286 : vector<1x16xf32> to vector<16xf32>
      %add3A_288 = arith.constant 32 : i32
      %add3A_289 = arith.addi %add3A_288, %scan3A_156 : i32
      %get3A_290 = arith.index_cast %add3A_289 : i32 to index
      %get3A_291 = arith.constant 128 : index
      %get3A_292 = tpu.vector_load %arg5[%get3A_290, %get3A_291] {strides = array<i32>} : memref<64x1024xf32, #tpu.memory_space<vmem>>, vector<1x16xf32>,
      %get3A_293 = vector.shape_cast %get3A_292 : vector<1x16xf32> to vector<16xf32>
      %add3A_294 = arith.addf %get3A_287, %get3A_293 : vector<16xf32>
      %swap3A_295 = arith.index_cast %scan3A_156 : i32 to index
      %swap3A_296 = arith.constant 128 : index
      %swap3A_297 = tpu.vector_load %arg8[%swap3A_295, %swap3A_296] {strides = array<i32>} : memref<16x1024xf32, #tpu.memory_space<vmem>>, vector<1x16xf32>,
      %swap3A_298 = vector.shape_cast %swap3A_297 : vector<1x16xf32> to vector<16xf32>
      %swap3A_299 = vector.shape_cast %add3A_294 : vector<16xf32> to vector<1x16xf32>
      tpu.vector_store %arg8[%swap3A_295, %swap3A_296], %swap3A_299 {strides = array<i32>} : memref<16x1024xf32, #tpu.memory_space<vmem>>, vector<1x16xf32>,
      %get3A_300 = arith.index_cast %scan3A_156 : i32 to index
      %get3A_301 = arith.constant 144 : index
      %get3A_302 = tpu.vector_load %arg8[%get3A_300, %get3A_301] {strides = array<i32>} : memref<16x1024xf32, #tpu.memory_space<vmem>>, vector<1x16xf32>,
      %get3A_303 = vector.shape_cast %get3A_302 : vector<1x16xf32> to vector<16xf32>
      %add3A_304 = arith.constant 32 : i32
      %add3A_305 = arith.addi %add3A_304, %scan3A_156 : i32
      %get3A_306 = arith.index_cast %add3A_305 : i32 to index
      %get3A_307 = arith.constant 144 : index
      %get3A_308 = tpu.vector_load %arg5[%get3A_306, %get3A_307] {strides = array<i32>} : memref<64x1024xf32, #tpu.memory_space<vmem>>, vector<1x16xf32>,
      %get3A_309 = vector.shape_cast %get3A_308 : vector<1x16xf32> to vector<16xf32>
      %add3A_310 = arith.addf %get3A_303, %get3A_309 : vector<16xf32>
      %swap3A_311 = arith.index_cast %scan3A_156 : i32 to index
      %swap3A_312 = arith.constant 144 : index
      %swap3A_313 = tpu.vector_load %arg8[%swap3A_311, %swap3A_312] {strides = array<i32>} : memref<16x1024xf32, #tpu.memory_space<vmem>>, vector<1x16xf32>,
      %swap3A_314 = vector.shape_cast %swap3A_313 : vector<1x16xf32> to vector<16xf32>
      %swap3A_315 = vector.shape_cast %add3A_310 : vector<16xf32> to vector<1x16xf32>
      tpu.vector_store %arg8[%swap3A_311, %swap3A_312], %swap3A_315 {strides = array<i32>} : memref<16x1024xf32, #tpu.memory_space<vmem>>, vector<1x16xf32>,
      %get3A_316 = arith.index_cast %scan3A_156 : i32 to index
      %get3A_317 = arith.constant 160 : index
      %get3A_318 = tpu.vector_load %arg8[%get3A_316, %get3A_317] {strides = array<i32>} : memref<16x1024xf32, #tpu.memory_space<vmem>>, vector<1x16xf32>,
      %get3A_319 = vector.shape_cast %get3A_318 : vector<1x16xf32> to vector<16xf32>
      %add3A_320 = arith.constant 32 : i32
      %add3A_321 = arith.addi %add3A_320, %scan3A_156 : i32
      %get3A_322 = arith.index_cast %add3A_321 : i32 to index
      %get3A_323 = arith.constant 160 : index
      %get3A_324 = tpu.vector_load %arg5[%get3A_322, %get3A_323] {strides = array<i32>} : memref<64x1024xf32, #tpu.memory_space<vmem>>, vector<1x16xf32>,
      %get3A_325 = vector.shape_cast %get3A_324 : vector<1x16xf32> to vector<16xf32>
      %add3A_326 = arith.addf %get3A_319, %get3A_325 : vector<16xf32>
      %swap3A_327 = arith.index_cast %scan3A_156 : i32 to index
      %swap3A_328 = arith.constant 160 : index
      %swap3A_329 = tpu.vector_load %arg8[%swap3A_327, %swap3A_328] {strides = array<i32>} : memref<16x1024xf32, #tpu.memory_space<vmem>>, vector<1x16xf32>,
      %swap3A_330 = vector.shape_cast %swap3A_329 : vector<1x16xf32> to vector<16xf32>
      %swap3A_331 = vector.shape_cast %add3A_326 : vector<16xf32> to vector<1x16xf32>
      tpu.vector_store %arg8[%swap3A_327, %swap3A_328], %swap3A_331 {strides = array<i32>} : memref<16x1024xf32, #tpu.memory_space<vmem>>, vector<1x16xf32>,
      %get3A_332 = arith.index_cast %scan3A_156 : i32 to index
      %get3A_333 = arith.constant 176 : index
      %get3A_334 = tpu.vector_load %arg8[%get3A_332, %get3A_333] {strides = array<i32>} : memref<16x1024xf32, #tpu.memory_space<vmem>>, vector<1x16xf32>,
      %get3A_335 = vector.shape_cast %get3A_334 : vector<1x16xf32> to vector<16xf32>
      %add3A_336 = arith.constant 32 : i32
      %add3A_337 = arith.addi %add3A_336, %scan3A_156 : i32
      %get3A_338 = arith.index_cast %add3A_337 : i32 to index
      %get3A_339 = arith.constant 176 : index
      %get3A_340 = tpu.vector_load %arg5[%get3A_338, %get3A_339] {strides = array<i32>} : memref<64x1024xf32, #tpu.memory_space<vmem>>, vector<1x16xf32>,
      %get3A_341 = vector.shape_cast %get3A_340 : vector<1x16xf32> to vector<16xf32>
      %add3A_342 = arith.addf %get3A_335, %get3A_341 : vector<16xf32>
      %swap3A_343 = arith.index_cast %scan3A_156 : i32 to index
      %swap3A_344 = arith.constant 176 : index
      %swap3A_345 = tpu.vector_load %arg8[%swap3A_343, %swap3A_344] {strides = array<i32>} : memref<16x1024xf32, #tpu.memory_space<vmem>>, vector<1x16xf32>,
      %swap3A_346 = vector.shape_cast %swap3A_345 : vector<1x16xf32> to vector<16xf32>
      %swap3A_347 = vector.shape_cast %add3A_342 : vector<16xf32> to vector<1x16xf32>
      tpu.vector_store %arg8[%swap3A_343, %swap3A_344], %swap3A_347 {strides = array<i32>} : memref<16x1024xf32, #tpu.memory_space<vmem>>, vector<1x16xf32>,
      %get3A_348 = arith.index_cast %scan3A_156 : i32 to index
      %get3A_349 = arith.constant 192 : index
      %get3A_350 = tpu.vector_load %arg8[%get3A_348, %get3A_349] {strides = array<i32>} : memref<16x1024xf32, #tpu.memory_space<vmem>>, vector<1x16xf32>,
      %get3A_351 = vector.shape_cast %get3A_350 : vector<1x16xf32> to vector<16xf32>
      %add3A_352 = arith.constant 32 : i32
      %add3A_353 = arith.addi %add3A_352, %scan3A_156 : i32
      %get3A_354 = arith.index_cast %add3A_353 : i32 to index
      %get3A_355 = arith.constant 192 : index
      %get3A_356 = tpu.vector_load %arg5[%get3A_354, %get3A_355] {strides = array<i32>} : memref<64x1024xf32, #tpu.memory_space<vmem>>, vector<1x16xf32>,
      %get3A_357 = vector.shape_cast %get3A_356 : vector<1x16xf32> to vector<16xf32>
      %add3A_358 = arith.addf %get3A_351, %get3A_357 : vector<16xf32>
      %swap3A_359 = arith.index_cast %scan3A_156 : i32 to index
      %swap3A_360 = arith.constant 192 : index
      %swap3A_361 = tpu.vector_load %arg8[%swap3A_359, %swap3A_360] {strides = array<i32>} : memref<16x1024xf32, #tpu.memory_space<vmem>>, vector<1x16xf32>,
      %swap3A_362 = vector.shape_cast %swap3A_361 : vector<1x16xf32> to vector<16xf32>
      %swap3A_363 = vector.shape_cast %add3A_358 : vector<16xf32> to vector<1x16xf32>
      tpu.vector_store %arg8[%swap3A_359, %swap3A_360], %swap3A_363 {strides = array<i32>} : memref<16x1024xf32, #tpu.memory_space<vmem>>, vector<1x16xf32>,
      %get3A_364 = arith.index_cast %scan3A_156 : i32 to index
      %get3A_365 = arith.constant 208 : index
      %get3A_366 = tpu.vector_load %arg8[%get3A_364, %get3A_365] {strides = array<i32>} : memref<16x1024xf32, #tpu.memory_space<vmem>>, vector<1x16xf32>,
      %get3A_367 = vector.shape_cast %get3A_366 : vector<1x16xf32> to vector<16xf32>
      %add3A_368 = arith.constant 32 : i32
      %add3A_369 = arith.addi %add3A_368, %scan3A_156 : i32
      %get3A_370 = arith.index_cast %add3A_369 : i32 to index
      %get3A_371 = arith.constant 208 : index
      %get3A_372 = tpu.vector_load %arg5[%get3A_370, %get3A_371] {strides = array<i32>} : memref<64x1024xf32, #tpu.memory_space<vmem>>, vector<1x16xf32>,
      %get3A_373 = vector.shape_cast %get3A_372 : vector<1x16xf32> to vector<16xf32>
      %add3A_374 = arith.addf %get3A_367, %get3A_373 : vector<16xf32>
      %swap3A_375 = arith.index_cast %scan3A_156 : i32 to index
      %swap3A_376 = arith.constant 208 : index
      %swap3A_377 = tpu.vector_load %arg8[%swap3A_375, %swap3A_376] {strides = array<i32>} : memref<16x1024xf32, #tpu.memory_space<vmem>>, vector<1x16xf32>,
      %swap3A_378 = vector.shape_cast %swap3A_377 : vector<1x16xf32> to vector<16xf32>
      %swap3A_379 = vector.shape_cast %add3A_374 : vector<16xf32> to vector<1x16xf32>
      tpu.vector_store %arg8[%swap3A_375, %swap3A_376], %swap3A_379 {strides = array<i32>} : memref<16x1024xf32, #tpu.memory_space<vmem>>, vector<1x16xf32>,
      %get3A_380 = arith.index_cast %scan3A_156 : i32 to index
      %get3A_381 = arith.constant 224 : index
      %get3A_382 = tpu.vector_load %arg8[%get3A_380, %get3A_381] {strides = array<i32>} : memref<16x1024xf32, #tpu.memory_space<vmem>>, vector<1x16xf32>,
      %get3A_383 = vector.shape_cast %get3A_382 : vector<1x16xf32> to vector<16xf32>
      %add3A_384 = arith.constant 32 : i32
      %add3A_385 = arith.addi %add3A_384, %scan3A_156 : i32
      %get3A_386 = arith.index_cast %add3A_385 : i32 to index
      %get3A_387 = arith.constant 224 : index
      %get3A_388 = tpu.vector_load %arg5[%get3A_386, %get3A_387] {strides = array<i32>} : memref<64x1024xf32, #tpu.memory_space<vmem>>, vector<1x16xf32>,
      %get3A_389 = vector.shape_cast %get3A_388 : vector<1x16xf32> to vector<16xf32>
      %add3A_390 = arith.addf %get3A_383, %get3A_389 : vector<16xf32>
      %swap3A_391 = arith.index_cast %scan3A_156 : i32 to index
      %swap3A_392 = arith.constant 224 : index
      %swap3A_393 = tpu.vector_load %arg8[%swap3A_391, %swap3A_392] {strides = array<i32>} : memref<16x1024xf32, #tpu.memory_space<vmem>>, vector<1x16xf32>,
      %swap3A_394 = vector.shape_cast %swap3A_393 : vector<1x16xf32> to vector<16xf32>
      %swap3A_395 = vector.shape_cast %add3A_390 : vector<16xf32> to vector<1x16xf32>
      tpu.vector_store %arg8[%swap3A_391, %swap3A_392], %swap3A_395 {strides = array<i32>} : memref<16x1024xf32, #tpu.memory_space<vmem>>, vector<1x16xf32>,
      %get3A_396 = arith.index_cast %scan3A_156 : i32 to index
      %get3A_397 = arith.constant 240 : index
      %get3A_398 = tpu.vector_load %arg8[%get3A_396, %get3A_397] {strides = array<i32>} : memref<16x1024xf32, #tpu.memory_space<vmem>>, vector<1x16xf32>,
      %get3A_399 = vector.shape_cast %get3A_398 : vector<1x16xf32> to vector<16xf32>
      %add3A_400 = arith.constant 32 : i32
      %add3A_401 = arith.addi %add3A_400, %scan3A_156 : i32
      %get3A_402 = arith.index_cast %add3A_401 : i32 to index
      %get3A_403 = arith.constant 240 : index
      %get3A_404 = tpu.vector_load %arg5[%get3A_402, %get3A_403] {strides = array<i32>} : memref<64x1024xf32, #tpu.memory_space<vmem>>, vector<1x16xf32>,
      %get3A_405 = vector.shape_cast %get3A_404 : vector<1x16xf32> to vector<16xf32>
      %add3A_406 = arith.addf %get3A_399, %get3A_405 : vector<16xf32>
      %swap3A_407 = arith.index_cast %scan3A_156 : i32 to index
      %swap3A_408 = arith.constant 240 : index
      %swap3A_409 = tpu.vector_load %arg8[%swap3A_407, %swap3A_408] {strides = array<i32>} : memref<16x1024xf32, #tpu.memory_space<vmem>>, vector<1x16xf32>,
      %swap3A_410 = vector.shape_cast %swap3A_409 : vector<1x16xf32> to vector<16xf32>
      %swap3A_411 = vector.shape_cast %add3A_406 : vector<16xf32> to vector<1x16xf32>
      tpu.vector_store %arg8[%swap3A_407, %swap3A_408], %swap3A_411 {strides = array<i32>} : memref<16x1024xf32, #tpu.memory_space<vmem>>, vector<1x16xf32>,
      %get3A_412 = arith.index_cast %scan3A_156 : i32 to index
      %get3A_413 = arith.constant 256 : index
      %get3A_414 = tpu.vector_load %arg8[%get3A_412, %get3A_413] {strides = array<i32>} : memref<16x1024xf32, #tpu.memory_space<vmem>>, vector<1x16xf32>,
      %get3A_415 = vector.shape_cast %get3A_414 : vector<1x16xf32> to vector<16xf32>
      %add3A_416 = arith.constant 32 : i32
      %add3A_417 = arith.addi %add3A_416, %scan3A_156 : i32
      %get3A_418 = arith.index_cast %add3A_417 : i32 to index
      %get3A_419 = arith.constant 256 : index
      %get3A_420 = tpu.vector_load %arg5[%get3A_418, %get3A_419] {strides = array<i32>} : memref<64x1024xf32, #tpu.memory_space<vmem>>, vector<1x16xf32>,
      %get3A_421 = vector.shape_cast %get3A_420 : vector<1x16xf32> to vector<16xf32>
      %add3A_422 = arith.addf %get3A_415, %get3A_421 : vector<16xf32>
      %swap3A_423 = arith.index_cast %scan3A_156 : i32 to index
      %swap3A_424 = arith.constant 256 : index
      %swap3A_425 = tpu.vector_load %arg8[%swap3A_423, %swap3A_424] {strides = array<i32>} : memref<16x1024xf32, #tpu.memory_space<vmem>>, vector<1x16xf32>,
      %swap3A_426 = vector.shape_cast %swap3A_425 : vector<1x16xf32> to vector<16xf32>
      %swap3A_427 = vector.shape_cast %add3A_422 : vector<16xf32> to vector<1x16xf32>
      tpu.vector_store %arg8[%swap3A_423, %swap3A_424], %swap3A_427 {strides = array<i32>} : memref<16x1024xf32, #tpu.memory_space<vmem>>, vector<1x16xf32>,
      %get3A_428 = arith.index_cast %scan3A_156 : i32 to index
      %get3A_429 = arith.constant 272 : index
      %get3A_430 = tpu.vector_load %arg8[%get3A_428, %get3A_429] {strides = array<i32>} : memref<16x1024xf32, #tpu.memory_space<vmem>>, vector<1x16xf32>,
      %get3A_431 = vector.shape_cast %get3A_430 : vector<1x16xf32> to vector<16xf32>
      %add3A_432 = arith.constant 32 : i32
      %add3A_433 = arith.addi %add3A_432, %scan3A_156 : i32
      %get3A_434 = arith.index_cast %add3A_433 : i32 to index
      %get3A_435 = arith.constant 272 : index
      %get3A_436 = tpu.vector_load %arg5[%get3A_434, %get3A_435] {strides = array<i32>} : memref<64x1024xf32, #tpu.memory_space<vmem>>, vector<1x16xf32>,
      %get3A_437 = vector.shape_cast %get3A_436 : vector<1x16xf32> to vector<16xf32>
      %add3A_438 = arith.addf %get3A_431, %get3A_437 : vector<16xf32>
      %swap3A_439 = arith.index_cast %scan3A_156 : i32 to index
      %swap3A_440 = arith.constant 272 : index
      %swap3A_441 = tpu.vector_load %arg8[%swap3A_439, %swap3A_440] {strides = array<i32>} : memref<16x1024xf32, #tpu.memory_space<vmem>>, vector<1x16xf32>,
      %swap3A_442 = vector.shape_cast %swap3A_441 : vector<1x16xf32> to vector<16xf32>
      %swap3A_443 = vector.shape_cast %add3A_438 : vector<16xf32> to vector<1x16xf32>
      tpu.vector_store %arg8[%swap3A_439, %swap3A_440], %swap3A_443 {strides = array<i32>} : memref<16x1024xf32, #tpu.memory_space<vmem>>, vector<1x16xf32>,
      %get3A_444 = arith.index_cast %scan3A_156 : i32 to index
      %get3A_445 = arith.constant 288 : index
      %get3A_446 = tpu.vector_load %arg8[%get3A_444, %get3A_445] {strides = array<i32>} : memref<16x1024xf32, #tpu.memory_space<vmem>>, vector<1x16xf32>,
      %get3A_447 = vector.shape_cast %get3A_446 : vector<1x16xf32> to vector<16xf32>
      %add3A_448 = arith.constant 32 : i32
      %add3A_449 = arith.addi %add3A_448, %scan3A_156 : i32
      %get3A_450 = arith.index_cast %add3A_449 : i32 to index
      %get3A_451 = arith.constant 288 : index
      %get3A_452 = tpu.vector_load %arg5[%get3A_450, %get3A_451] {strides = array<i32>} : memref<64x1024xf32, #tpu.memory_space<vmem>>, vector<1x16xf32>,
      %get3A_453 = vector.shape_cast %get3A_452 : vector<1x16xf32> to vector<16xf32>
      %add3A_454 = arith.addf %get3A_447, %get3A_453 : vector<16xf32>
      %swap3A_455 = arith.index_cast %scan3A_156 : i32 to index
      %swap3A_456 = arith.constant 288 : index
      %swap3A_457 = tpu.vector_load %arg8[%swap3A_455, %swap3A_456] {strides = array<i32>} : memref<16x1024xf32, #tpu.memory_space<vmem>>, vector<1x16xf32>,
      %swap3A_458 = vector.shape_cast %swap3A_457 : vector<1x16xf32> to vector<16xf32>
      %swap3A_459 = vector.shape_cast %add3A_454 : vector<16xf32> to vector<1x16xf32>
      tpu.vector_store %arg8[%swap3A_455, %swap3A_456], %swap3A_459 {strides = array<i32>} : memref<16x1024xf32, #tpu.memory_space<vmem>>, vector<1x16xf32>,
      %get3A_460 = arith.index_cast %scan3A_156 : i32 to index
      %get3A_461 = arith.constant 304 : index
      %get3A_462 = tpu.vector_load %arg8[%get3A_460, %get3A_461] {strides = array<i32>} : memref<16x1024xf32, #tpu.memory_space<vmem>>, vector<1x16xf32>,
      %get3A_463 = vector.shape_cast %get3A_462 : vector<1x16xf32> to vector<16xf32>
      %add3A_464 = arith.constant 32 : i32
      %add3A_465 = arith.addi %add3A_464, %scan3A_156 : i32
      %get3A_466 = arith.index_cast %add3A_465 : i32 to index
      %get3A_467 = arith.constant 304 : index
      %get3A_468 = tpu.vector_load %arg5[%get3A_466, %get3A_467] {strides = array<i32>} : memref<64x1024xf32, #tpu.memory_space<vmem>>, vector<1x16xf32>,
      %get3A_469 = vector.shape_cast %get3A_468 : vector<1x16xf32> to vector<16xf32>
      %add3A_470 = arith.addf %get3A_463, %get3A_469 : vector<16xf32>
      %swap3A_471 = arith.index_cast %scan3A_156 : i32 to index
      %swap3A_472 = arith.constant 304 : index
      %swap3A_473 = tpu.vector_load %arg8[%swap3A_471, %swap3A_472] {strides = array<i32>} : memref<16x1024xf32, #tpu.memory_space<vmem>>, vector<1x16xf32>,
      %swap3A_474 = vector.shape_cast %swap3A_473 : vector<1x16xf32> to vector<16xf32>
      %swap3A_475 = vector.shape_cast %add3A_470 : vector<16xf32> to vector<1x16xf32>
      tpu.vector_store %arg8[%swap3A_471, %swap3A_472], %swap3A_475 {strides = array<i32>} : memref<16x1024xf32, #tpu.memory_space<vmem>>, vector<1x16xf32>,
      %get3A_476 = arith.index_cast %scan3A_156 : i32 to index
      %get3A_477 = arith.constant 320 : index
      %get3A_478 = tpu.vector_load %arg8[%get3A_476, %get3A_477] {strides = array<i32>} : memref<16x1024xf32, #tpu.memory_space<vmem>>, vector<1x16xf32>,
      %get3A_479 = vector.shape_cast %get3A_478 : vector<1x16xf32> to vector<16xf32>
      %add3A_480 = arith.constant 32 : i32
      %add3A_481 = arith.addi %add3A_480, %scan3A_156 : i32
      %get3A_482 = arith.index_cast %add3A_481 : i32 to index
      %get3A_483 = arith.constant 320 : index
      %get3A_484 = tpu.vector_load %arg5[%get3A_482, %get3A_483] {strides = array<i32>} : memref<64x1024xf32, #tpu.memory_space<vmem>>, vector<1x16xf32>,
      %get3A_485 = vector.shape_cast %get3A_484 : vector<1x16xf32> to vector<16xf32>
      %add3A_486 = arith.addf %get3A_479, %get3A_485 : vector<16xf32>
      %swap3A_487 = arith.index_cast %scan3A_156 : i32 to index
      %swap3A_488 = arith.constant 320 : index
      %swap3A_489 = tpu.vector_load %arg8[%swap3A_487, %swap3A_488] {strides = array<i32>} : memref<16x1024xf32, #tpu.memory_space<vmem>>, vector<1x16xf32>,
      %swap3A_490 = vector.shape_cast %swap3A_489 : vector<1x16xf32> to vector<16xf32>
      %swap3A_491 = vector.shape_cast %add3A_486 : vector<16xf32> to vector<1x16xf32>
      tpu.vector_store %arg8[%swap3A_487, %swap3A_488], %swap3A_491 {strides = array<i32>} : memref<16x1024xf32, #tpu.memory_space<vmem>>, vector<1x16xf32>,
      %get3A_492 = arith.index_cast %scan3A_156 : i32 to index
      %get3A_493 = arith.constant 336 : index
      %get3A_494 = tpu.vector_load %arg8[%get3A_492, %get3A_493] {strides = array<i32>} : memref<16x1024xf32, #tpu.memory_space<vmem>>, vector<1x16xf32>,
      %get3A_495 = vector.shape_cast %get3A_494 : vector<1x16xf32> to vector<16xf32>
      %add3A_496 = arith.constant 32 : i32
      %add3A_497 = arith.addi %add3A_496, %scan3A_156 : i32
      %get3A_498 = arith.index_cast %add3A_497 : i32 to index
      %get3A_499 = arith.constant 336 : index
      %get3A_500 = tpu.vector_load %arg5[%get3A_498, %get3A_499] {strides = array<i32>} : memref<64x1024xf32, #tpu.memory_space<vmem>>, vector<1x16xf32>,
      %get3A_501 = vector.shape_cast %get3A_500 : vector<1x16xf32> to vector<16xf32>
      %add3A_502 = arith.addf %get3A_495, %get3A_501 : vector<16xf32>
      %swap3A_503 = arith.index_cast %scan3A_156 : i32 to index
      %swap3A_504 = arith.constant 336 : index
      %swap3A_505 = tpu.vector_load %arg8[%swap3A_503, %swap3A_504] {strides = array<i32>} : memref<16x1024xf32, #tpu.memory_space<vmem>>, vector<1x16xf32>,
      %swap3A_506 = vector.shape_cast %swap3A_505 : vector<1x16xf32> to vector<16xf32>
      %swap3A_507 = vector.shape_cast %add3A_502 : vector<16xf32> to vector<1x16xf32>
      tpu.vector_store %arg8[%swap3A_503, %swap3A_504], %swap3A_507 {strides = array<i32>} : memref<16x1024xf32, #tpu.memory_space<vmem>>, vector<1x16xf32>,
      %get3A_508 = arith.index_cast %scan3A_156 : i32 to index
      %get3A_509 = arith.constant 352 : index
      %get3A_510 = tpu.vector_load %arg8[%get3A_508, %get3A_509] {strides = array<i32>} : memref<16x1024xf32, #tpu.memory_space<vmem>>, vector<1x16xf32>,
      %get3A_511 = vector.shape_cast %get3A_510 : vector<1x16xf32> to vector<16xf32>
      %add3A_512 = arith.constant 32 : i32
      %add3A_513 = arith.addi %add3A_512, %scan3A_156 : i32
      %get3A_514 = arith.index_cast %add3A_513 : i32 to index
      %get3A_515 = arith.constant 352 : index
      %get3A_516 = tpu.vector_load %arg5[%get3A_514, %get3A_515] {strides = array<i32>} : memref<64x1024xf32, #tpu.memory_space<vmem>>, vector<1x16xf32>,
      %get3A_517 = vector.shape_cast %get3A_516 : vector<1x16xf32> to vector<16xf32>
      %add3A_518 = arith.addf %get3A_511, %get3A_517 : vector<16xf32>
      %swap3A_519 = arith.index_cast %scan3A_156 : i32 to index
      %swap3A_520 = arith.constant 352 : index
      %swap3A_521 = tpu.vector_load %arg8[%swap3A_519, %swap3A_520] {strides = array<i32>} : memref<16x1024xf32, #tpu.memory_space<vmem>>, vector<1x16xf32>,
      %swap3A_522 = vector.shape_cast %swap3A_521 : vector<1x16xf32> to vector<16xf32>
      %swap3A_523 = vector.shape_cast %add3A_518 : vector<16xf32> to vector<1x16xf32>
      tpu.vector_store %arg8[%swap3A_519, %swap3A_520], %swap3A_523 {strides = array<i32>} : memref<16x1024xf32, #tpu.memory_space<vmem>>, vector<1x16xf32>,
      %get3A_524 = arith.index_cast %scan3A_156 : i32 to index
      %get3A_525 = arith.constant 368 : index
      %get3A_526 = tpu.vector_load %arg8[%get3A_524, %get3A_525] {strides = array<i32>} : memref<16x1024xf32, #tpu.memory_space<vmem>>, vector<1x16xf32>,
      %get3A_527 = vector.shape_cast %get3A_526 : vector<1x16xf32> to vector<16xf32>
      %add3A_528 = arith.constant 32 : i32
      %add3A_529 = arith.addi %add3A_528, %scan3A_156 : i32
      %get3A_530 = arith.index_cast %add3A_529 : i32 to index
      %get3A_531 = arith.constant 368 : index
      %get3A_532 = tpu.vector_load %arg5[%get3A_530, %get3A_531] {strides = array<i32>} : memref<64x1024xf32, #tpu.memory_space<vmem>>, vector<1x16xf32>,
      %get3A_533 = vector.shape_cast %get3A_532 : vector<1x16xf32> to vector<16xf32>
      %add3A_534 = arith.addf %get3A_527, %get3A_533 : vector<16xf32>
      %swap3A_535 = arith.index_cast %scan3A_156 : i32 to index
      %swap3A_536 = arith.constant 368 : index
      %swap3A_537 = tpu.vector_load %arg8[%swap3A_535, %swap3A_536] {strides = array<i32>} : memref<16x1024xf32, #tpu.memory_space<vmem>>, vector<1x16xf32>,
      %swap3A_538 = vector.shape_cast %swap3A_537 : vector<1x16xf32> to vector<16xf32>
      %swap3A_539 = vector.shape_cast %add3A_534 : vector<16xf32> to vector<1x16xf32>
      tpu.vector_store %arg8[%swap3A_535, %swap3A_536], %swap3A_539 {strides = array<i32>} : memref<16x1024xf32, #tpu.memory_space<vmem>>, vector<1x16xf32>,
      %get3A_540 = arith.index_cast %scan3A_156 : i32 to index
      %get3A_541 = arith.constant 384 : index
      %get3A_542 = tpu.vector_load %arg8[%get3A_540, %get3A_541] {strides = array<i32>} : memref<16x1024xf32, #tpu.memory_space<vmem>>, vector<1x16xf32>,
      %get3A_543 = vector.shape_cast %get3A_542 : vector<1x16xf32> to vector<16xf32>
      %add3A_544 = arith.constant 32 : i32
      %add3A_545 = arith.addi %add3A_544, %scan3A_156 : i32
      %get3A_546 = arith.index_cast %add3A_545 : i32 to index
      %get3A_547 = arith.constant 384 : index
      %get3A_548 = tpu.vector_load %arg5[%get3A_546, %get3A_547] {strides = array<i32>} : memref<64x1024xf32, #tpu.memory_space<vmem>>, vector<1x16xf32>,
      %get3A_549 = vector.shape_cast %get3A_548 : vector<1x16xf32> to vector<16xf32>
      %add3A_550 = arith.addf %get3A_543, %get3A_549 : vector<16xf32>
      %swap3A_551 = arith.index_cast %scan3A_156 : i32 to index
      %swap3A_552 = arith.constant 384 : index
      %swap3A_553 = tpu.vector_load %arg8[%swap3A_551, %swap3A_552] {strides = array<i32>} : memref<16x1024xf32, #tpu.memory_space<vmem>>, vector<1x16xf32>,
      %swap3A_554 = vector.shape_cast %swap3A_553 : vector<1x16xf32> to vector<16xf32>
      %swap3A_555 = vector.shape_cast %add3A_550 : vector<16xf32> to vector<1x16xf32>
      tpu.vector_store %arg8[%swap3A_551, %swap3A_552], %swap3A_555 {strides = array<i32>} : memref<16x1024xf32, #tpu.memory_space<vmem>>, vector<1x16xf32>,
      %get3A_556 = arith.index_cast %scan3A_156 : i32 to index
      %get3A_557 = arith.constant 400 : index
      %get3A_558 = tpu.vector_load %arg8[%get3A_556, %get3A_557] {strides = array<i32>} : memref<16x1024xf32, #tpu.memory_space<vmem>>, vector<1x16xf32>,
      %get3A_559 = vector.shape_cast %get3A_558 : vector<1x16xf32> to vector<16xf32>
      %add3A_560 = arith.constant 32 : i32
      %add3A_561 = arith.addi %add3A_560, %scan3A_156 : i32
      %get3A_562 = arith.index_cast %add3A_561 : i32 to index
      %get3A_563 = arith.constant 400 : index
      %get3A_564 = tpu.vector_load %arg5[%get3A_562, %get3A_563] {strides = array<i32>} : memref<64x1024xf32, #tpu.memory_space<vmem>>, vector<1x16xf32>,
      %get3A_565 = vector.shape_cast %get3A_564 : vector<1x16xf32> to vector<16xf32>
      %add3A_566 = arith.addf %get3A_559, %get3A_565 : vector<16xf32>
      %swap3A_567 = arith.index_cast %scan3A_156 : i32 to index
      %swap3A_568 = arith.constant 400 : index
      %swap3A_569 = tpu.vector_load %arg8[%swap3A_567, %swap3A_568] {strides = array<i32>} : memref<16x1024xf32, #tpu.memory_space<vmem>>, vector<1x16xf32>,
      %swap3A_570 = vector.shape_cast %swap3A_569 : vector<1x16xf32> to vector<16xf32>
      %swap3A_571 = vector.shape_cast %add3A_566 : vector<16xf32> to vector<1x16xf32>
      tpu.vector_store %arg8[%swap3A_567, %swap3A_568], %swap3A_571 {strides = array<i32>} : memref<16x1024xf32, #tpu.memory_space<vmem>>, vector<1x16xf32>,
      %get3A_572 = arith.index_cast %scan3A_156 : i32 to index
      %get3A_573 = arith.constant 416 : index
      %get3A_574 = tpu.vector_load %arg8[%get3A_572, %get3A_573] {strides = array<i32>} : memref<16x1024xf32, #tpu.memory_space<vmem>>, vector<1x16xf32>,
      %get3A_575 = vector.shape_cast %get3A_574 : vector<1x16xf32> to vector<16xf32>
      %add3A_576 = arith.constant 32 : i32
      %add3A_577 = arith.addi %add3A_576, %scan3A_156 : i32
      %get3A_578 = arith.index_cast %add3A_577 : i32 to index
      %get3A_579 = arith.constant 416 : index
      %get3A_580 = tpu.vector_load %arg5[%get3A_578, %get3A_579] {strides = array<i32>} : memref<64x1024xf32, #tpu.memory_space<vmem>>, vector<1x16xf32>,
      %get3A_581 = vector.shape_cast %get3A_580 : vector<1x16xf32> to vector<16xf32>
      %add3A_582 = arith.addf %get3A_575, %get3A_581 : vector<16xf32>
      %swap3A_583 = arith.index_cast %scan3A_156 : i32 to index
      %swap3A_584 = arith.constant 416 : index
      %swap3A_585 = tpu.vector_load %arg8[%swap3A_583, %swap3A_584] {strides = array<i32>} : memref<16x1024xf32, #tpu.memory_space<vmem>>, vector<1x16xf32>,
      %swap3A_586 = vector.shape_cast %swap3A_585 : vector<1x16xf32> to vector<16xf32>
      %swap3A_587 = vector.shape_cast %add3A_582 : vector<16xf32> to vector<1x16xf32>
      tpu.vector_store %arg8[%swap3A_583, %swap3A_584], %swap3A_587 {strides = array<i32>} : memref<16x1024xf32, #tpu.memory_space<vmem>>, vector<1x16xf32>,
      %get3A_588 = arith.index_cast %scan3A_156 : i32 to index
      %get3A_589 = arith.constant 432 : index
      %get3A_590 = tpu.vector_load %arg8[%get3A_588, %get3A_589] {strides = array<i32>} : memref<16x1024xf32, #tpu.memory_space<vmem>>, vector<1x16xf32>,
      %get3A_591 = vector.shape_cast %get3A_590 : vector<1x16xf32> to vector<16xf32>
      %add3A_592 = arith.constant 32 : i32
      %add3A_593 = arith.addi %add3A_592, %scan3A_156 : i32
      %get3A_594 = arith.index_cast %add3A_593 : i32 to index
      %get3A_595 = arith.constant 432 : index
      %get3A_596 = tpu.vector_load %arg5[%get3A_594, %get3A_595] {strides = array<i32>} : memref<64x1024xf32, #tpu.memory_space<vmem>>, vector<1x16xf32>,
      %get3A_597 = vector.shape_cast %get3A_596 : vector<1x16xf32> to vector<16xf32>
      %add3A_598 = arith.addf %get3A_591, %get3A_597 : vector<16xf32>
      %swap3A_599 = arith.index_cast %scan3A_156 : i32 to index
      %swap3A_600 = arith.constant 432 : index
      %swap3A_601 = tpu.vector_load %arg8[%swap3A_599, %swap3A_600] {strides = array<i32>} : memref<16x1024xf32, #tpu.memory_space<vmem>>, vector<1x16xf32>,
      %swap3A_602 = vector.shape_cast %swap3A_601 : vector<1x16xf32> to vector<16xf32>
      %swap3A_603 = vector.shape_cast %add3A_598 : vector<16xf32> to vector<1x16xf32>
      tpu.vector_store %arg8[%swap3A_599, %swap3A_600], %swap3A_603 {strides = array<i32>} : memref<16x1024xf32, #tpu.memory_space<vmem>>, vector<1x16xf32>,
      %get3A_604 = arith.index_cast %scan3A_156 : i32 to index
      %get3A_605 = arith.constant 448 : index
      %get3A_606 = tpu.vector_load %arg8[%get3A_604, %get3A_605] {strides = array<i32>} : memref<16x1024xf32, #tpu.memory_space<vmem>>, vector<1x16xf32>,
      %get3A_607 = vector.shape_cast %get3A_606 : vector<1x16xf32> to vector<16xf32>
      %add3A_608 = arith.constant 32 : i32
      %add3A_609 = arith.addi %add3A_608, %scan3A_156 : i32
      %get3A_610 = arith.index_cast %add3A_609 : i32 to index
      %get3A_611 = arith.constant 448 : index
      %get3A_612 = tpu.vector_load %arg5[%get3A_610, %get3A_611] {strides = array<i32>} : memref<64x1024xf32, #tpu.memory_space<vmem>>, vector<1x16xf32>,
      %get3A_613 = vector.shape_cast %get3A_612 : vector<1x16xf32> to vector<16xf32>
      %add3A_614 = arith.addf %get3A_607, %get3A_613 : vector<16xf32>
      %swap3A_615 = arith.index_cast %scan3A_156 : i32 to index
      %swap3A_616 = arith.constant 448 : index
      %swap3A_617 = tpu.vector_load %arg8[%swap3A_615, %swap3A_616] {strides = array<i32>} : memref<16x1024xf32, #tpu.memory_space<vmem>>, vector<1x16xf32>,
      %swap3A_618 = vector.shape_cast %swap3A_617 : vector<1x16xf32> to vector<16xf32>
      %swap3A_619 = vector.shape_cast %add3A_614 : vector<16xf32> to vector<1x16xf32>
      tpu.vector_store %arg8[%swap3A_615, %swap3A_616], %swap3A_619 {strides = array<i32>} : memref<16x1024xf32, #tpu.memory_space<vmem>>, vector<1x16xf32>,
      %get3A_620 = arith.index_cast %scan3A_156 : i32 to index
      %get3A_621 = arith.constant 464 : index
      %get3A_622 = tpu.vector_load %arg8[%get3A_620, %get3A_621] {strides = array<i32>} : memref<16x1024xf32, #tpu.memory_space<vmem>>, vector<1x16xf32>,
      %get3A_623 = vector.shape_cast %get3A_622 : vector<1x16xf32> to vector<16xf32>
      %add3A_624 = arith.constant 32 : i32
      %add3A_625 = arith.addi %add3A_624, %scan3A_156 : i32
      %get3A_626 = arith.index_cast %add3A_625 : i32 to index
      %get3A_627 = arith.constant 464 : index
      %get3A_628 = tpu.vector_load %arg5[%get3A_626, %get3A_627] {strides = array<i32>} : memref<64x1024xf32, #tpu.memory_space<vmem>>, vector<1x16xf32>,
      %get3A_629 = vector.shape_cast %get3A_628 : vector<1x16xf32> to vector<16xf32>
      %add3A_630 = arith.addf %get3A_623, %get3A_629 : vector<16xf32>
      %swap3A_631 = arith.index_cast %scan3A_156 : i32 to index
      %swap3A_632 = arith.constant 464 : index
      %swap3A_633 = tpu.vector_load %arg8[%swap3A_631, %swap3A_632] {strides = array<i32>} : memref<16x1024xf32, #tpu.memory_space<vmem>>, vector<1x16xf32>,
      %swap3A_634 = vector.shape_cast %swap3A_633 : vector<1x16xf32> to vector<16xf32>
      %swap3A_635 = vector.shape_cast %add3A_630 : vector<16xf32> to vector<1x16xf32>
      tpu.vector_store %arg8[%swap3A_631, %swap3A_632], %swap3A_635 {strides = array<i32>} : memref<16x1024xf32, #tpu.memory_space<vmem>>, vector<1x16xf32>,
      %get3A_636 = arith.index_cast %scan3A_156 : i32 to index
      %get3A_637 = arith.constant 480 : index
      %get3A_638 = tpu.vector_load %arg8[%get3A_636, %get3A_637] {strides = array<i32>} : memref<16x1024xf32, #tpu.memory_space<vmem>>, vector<1x16xf32>,
      %get3A_639 = vector.shape_cast %get3A_638 : vector<1x16xf32> to vector<16xf32>
      %add3A_640 = arith.constant 32 : i32
      %add3A_641 = arith.addi %add3A_640, %scan3A_156 : i32
      %get3A_642 = arith.index_cast %add3A_641 : i32 to index
      %get3A_643 = arith.constant 480 : index
      %get3A_644 = tpu.vector_load %arg5[%get3A_642, %get3A_643] {strides = array<i32>} : memref<64x1024xf32, #tpu.memory_space<vmem>>, vector<1x16xf32>,
      %get3A_645 = vector.shape_cast %get3A_644 : vector<1x16xf32> to vector<16xf32>
      %add3A_646 = arith.addf %get3A_639, %get3A_645 : vector<16xf32>
      %swap3A_647 = arith.index_cast %scan3A_156 : i32 to index
      %swap3A_648 = arith.constant 480 : index
      %swap3A_649 = tpu.vector_load %arg8[%swap3A_647, %swap3A_648] {strides = array<i32>} : memref<16x1024xf32, #tpu.memory_space<vmem>>, vector<1x16xf32>,
      %swap3A_650 = vector.shape_cast %swap3A_649 : vector<1x16xf32> to vector<16xf32>
      %swap3A_651 = vector.shape_cast %add3A_646 : vector<16xf32> to vector<1x16xf32>
      tpu.vector_store %arg8[%swap3A_647, %swap3A_648], %swap3A_651 {strides = array<i32>} : memref<16x1024xf32, #tpu.memory_space<vmem>>, vector<1x16xf32>,
      %get3A_652 = arith.index_cast %scan3A_156 : i32 to index
      %get3A_653 = arith.constant 496 : index
      %get3A_654 = tpu.vector_load %arg8[%get3A_652, %get3A_653] {strides = array<i32>} : memref<16x1024xf32, #tpu.memory_space<vmem>>, vector<1x16xf32>,
      %get3A_655 = vector.shape_cast %get3A_654 : vector<1x16xf32> to vector<16xf32>
      %add3A_656 = arith.constant 32 : i32
      %add3A_657 = arith.addi %add3A_656, %scan3A_156 : i32
      %get3A_658 = arith.index_cast %add3A_657 : i32 to index
      %get3A_659 = arith.constant 496 : index
      %get3A_660 = tpu.vector_load %arg5[%get3A_658, %get3A_659] {strides = array<i32>} : memref<64x1024xf32, #tpu.memory_space<vmem>>, vector<1x16xf32>,
      %get3A_661 = vector.shape_cast %get3A_660 : vector<1x16xf32> to vector<16xf32>
      %add3A_662 = arith.addf %get3A_655, %get3A_661 : vector<16xf32>
      %swap3A_663 = arith.index_cast %scan3A_156 : i32 to index
      %swap3A_664 = arith.constant 496 : index
      %swap3A_665 = tpu.vector_load %arg8[%swap3A_663, %swap3A_664] {strides = array<i32>} : memref<16x1024xf32, #tpu.memory_space<vmem>>, vector<1x16xf32>,
      %swap3A_666 = vector.shape_cast %swap3A_665 : vector<1x16xf32> to vector<16xf32>
      %swap3A_667 = vector.shape_cast %add3A_662 : vector<16xf32> to vector<1x16xf32>
      tpu.vector_store %arg8[%swap3A_663, %swap3A_664], %swap3A_667 {strides = array<i32>} : memref<16x1024xf32, #tpu.memory_space<vmem>>, vector<1x16xf32>,
      %get3A_668 = arith.index_cast %scan3A_156 : i32 to index
      %get3A_669 = arith.constant 512 : index
      %get3A_670 = tpu.vector_load %arg8[%get3A_668, %get3A_669] {strides = array<i32>} : memref<16x1024xf32, #tpu.memory_space<vmem>>, vector<1x16xf32>,
      %get3A_671 = vector.shape_cast %get3A_670 : vector<1x16xf32> to vector<16xf32>
      %add3A_672 = arith.constant 32 : i32
      %add3A_673 = arith.addi %add3A_672, %scan3A_156 : i32
      %get3A_674 = arith.index_cast %add3A_673 : i32 to index
      %get3A_675 = arith.constant 512 : index
      %get3A_676 = tpu.vector_load %arg5[%get3A_674, %get3A_675] {strides = array<i32>} : memref<64x1024xf32, #tpu.memory_space<vmem>>, vector<1x16xf32>,
      %get3A_677 = vector.shape_cast %get3A_676 : vector<1x16xf32> to vector<16xf32>
      %add3A_678 = arith.addf %get3A_671, %get3A_677 : vector<16xf32>
      %swap3A_679 = arith.index_cast %scan3A_156 : i32 to index
      %swap3A_680 = arith.constant 512 : index
      %swap3A_681 = tpu.vector_load %arg8[%swap3A_679, %swap3A_680] {strides = array<i32>} : memref<16x1024xf32, #tpu.memory_space<vmem>>, vector<1x16xf32>,
      %swap3A_682 = vector.shape_cast %swap3A_681 : vector<1x16xf32> to vector<16xf32>
      %swap3A_683 = vector.shape_cast %add3A_678 : vector<16xf32> to vector<1x16xf32>
      tpu.vector_store %arg8[%swap3A_679, %swap3A_680], %swap3A_683 {strides = array<i32>} : memref<16x1024xf32, #tpu.memory_space<vmem>>, vector<1x16xf32>,
      %get3A_684 = arith.index_cast %scan3A_156 : i32 to index
      %get3A_685 = arith.constant 528 : index
      %get3A_686 = tpu.vector_load %arg8[%get3A_684, %get3A_685] {strides = array<i32>} : memref<16x1024xf32, #tpu.memory_space<vmem>>, vector<1x16xf32>,
      %get3A_687 = vector.shape_cast %get3A_686 : vector<1x16xf32> to vector<16xf32>
      %add3A_688 = arith.constant 32 : i32
      %add3A_689 = arith.addi %add3A_688, %scan3A_156 : i32
      %get3A_690 = arith.index_cast %add3A_689 : i32 to index
      %get3A_691 = arith.constant 528 : index
      %get3A_692 = tpu.vector_load %arg5[%get3A_690, %get3A_691] {strides = array<i32>} : memref<64x1024xf32, #tpu.memory_space<vmem>>, vector<1x16xf32>,
      %get3A_693 = vector.shape_cast %get3A_692 : vector<1x16xf32> to vector<16xf32>
      %add3A_694 = arith.addf %get3A_687, %get3A_693 : vector<16xf32>
      %swap3A_695 = arith.index_cast %scan3A_156 : i32 to index
      %swap3A_696 = arith.constant 528 : index
      %swap3A_697 = tpu.vector_load %arg8[%swap3A_695, %swap3A_696] {strides = array<i32>} : memref<16x1024xf32, #tpu.memory_space<vmem>>, vector<1x16xf32>,
      %swap3A_698 = vector.shape_cast %swap3A_697 : vector<1x16xf32> to vector<16xf32>
      %swap3A_699 = vector.shape_cast %add3A_694 : vector<16xf32> to vector<1x16xf32>
      tpu.vector_store %arg8[%swap3A_695, %swap3A_696], %swap3A_699 {strides = array<i32>} : memref<16x1024xf32, #tpu.memory_space<vmem>>, vector<1x16xf32>,
      %get3A_700 = arith.index_cast %scan3A_156 : i32 to index
      %get3A_701 = arith.constant 544 : index
      %get3A_702 = tpu.vector_load %arg8[%get3A_700, %get3A_701] {strides = array<i32>} : memref<16x1024xf32, #tpu.memory_space<vmem>>, vector<1x16xf32>,
      %get3A_703 = vector.shape_cast %get3A_702 : vector<1x16xf32> to vector<16xf32>
      %add3A_704 = arith.constant 32 : i32
      %add3A_705 = arith.addi %add3A_704, %scan3A_156 : i32
      %get3A_706 = arith.index_cast %add3A_705 : i32 to index
      %get3A_707 = arith.constant 544 : index
      %get3A_708 = tpu.vector_load %arg5[%get3A_706, %get3A_707] {strides = array<i32>} : memref<64x1024xf32, #tpu.memory_space<vmem>>, vector<1x16xf32>,
      %get3A_709 = vector.shape_cast %get3A_708 : vector<1x16xf32> to vector<16xf32>
      %add3A_710 = arith.addf %get3A_703, %get3A_709 : vector<16xf32>
      %swap3A_711 = arith.index_cast %scan3A_156 : i32 to index
      %swap3A_712 = arith.constant 544 : index
      %swap3A_713 = tpu.vector_load %arg8[%swap3A_711, %swap3A_712] {strides = array<i32>} : memref<16x1024xf32, #tpu.memory_space<vmem>>, vector<1x16xf32>,
      %swap3A_714 = vector.shape_cast %swap3A_713 : vector<1x16xf32> to vector<16xf32>
      %swap3A_715 = vector.shape_cast %add3A_710 : vector<16xf32> to vector<1x16xf32>
      tpu.vector_store %arg8[%swap3A_711, %swap3A_712], %swap3A_715 {strides = array<i32>} : memref<16x1024xf32, #tpu.memory_space<vmem>>, vector<1x16xf32>,
      %get3A_716 = arith.index_cast %scan3A_156 : i32 to index
      %get3A_717 = arith.constant 560 : index
      %get3A_718 = tpu.vector_load %arg8[%get3A_716, %get3A_717] {strides = array<i32>} : memref<16x1024xf32, #tpu.memory_space<vmem>>, vector<1x16xf32>,
      %get3A_719 = vector.shape_cast %get3A_718 : vector<1x16xf32> to vector<16xf32>
      %add3A_720 = arith.constant 32 : i32
      %add3A_721 = arith.addi %add3A_720, %scan3A_156 : i32
      %get3A_722 = arith.index_cast %add3A_721 : i32 to index
      %get3A_723 = arith.constant 560 : index
      %get3A_724 = tpu.vector_load %arg5[%get3A_722, %get3A_723] {strides = array<i32>} : memref<64x1024xf32, #tpu.memory_space<vmem>>, vector<1x16xf32>,
      %get3A_725 = vector.shape_cast %get3A_724 : vector<1x16xf32> to vector<16xf32>
      %add3A_726 = arith.addf %get3A_719, %get3A_725 : vector<16xf32>
      %swap3A_727 = arith.index_cast %scan3A_156 : i32 to index
      %swap3A_728 = arith.constant 560 : index
      %swap3A_729 = tpu.vector_load %arg8[%swap3A_727, %swap3A_728] {strides = array<i32>} : memref<16x1024xf32, #tpu.memory_space<vmem>>, vector<1x16xf32>,
      %swap3A_730 = vector.shape_cast %swap3A_729 : vector<1x16xf32> to vector<16xf32>
      %swap3A_731 = vector.shape_cast %add3A_726 : vector<16xf32> to vector<1x16xf32>
      tpu.vector_store %arg8[%swap3A_727, %swap3A_728], %swap3A_731 {strides = array<i32>} : memref<16x1024xf32, #tpu.memory_space<vmem>>, vector<1x16xf32>,
      %get3A_732 = arith.index_cast %scan3A_156 : i32 to index
      %get3A_733 = arith.constant 576 : index
      %get3A_734 = tpu.vector_load %arg8[%get3A_732, %get3A_733] {strides = array<i32>} : memref<16x1024xf32, #tpu.memory_space<vmem>>, vector<1x16xf32>,
      %get3A_735 = vector.shape_cast %get3A_734 : vector<1x16xf32> to vector<16xf32>
      %add3A_736 = arith.constant 32 : i32
      %add3A_737 = arith.addi %add3A_736, %scan3A_156 : i32
      %get3A_738 = arith.index_cast %add3A_737 : i32 to index
      %get3A_739 = arith.constant 576 : index
      %get3A_740 = tpu.vector_load %arg5[%get3A_738, %get3A_739] {strides = array<i32>} : memref<64x1024xf32, #tpu.memory_space<vmem>>, vector<1x16xf32>,
      %get3A_741 = vector.shape_cast %get3A_740 : vector<1x16xf32> to vector<16xf32>
      %add3A_742 = arith.addf %get3A_735, %get3A_741 : vector<16xf32>
      %swap3A_743 = arith.index_cast %scan3A_156 : i32 to index
      %swap3A_744 = arith.constant 576 : index
      %swap3A_745 = tpu.vector_load %arg8[%swap3A_743, %swap3A_744] {strides = array<i32>} : memref<16x1024xf32, #tpu.memory_space<vmem>>, vector<1x16xf32>,
      %swap3A_746 = vector.shape_cast %swap3A_745 : vector<1x16xf32> to vector<16xf32>
      %swap3A_747 = vector.shape_cast %add3A_742 : vector<16xf32> to vector<1x16xf32>
      tpu.vector_store %arg8[%swap3A_743, %swap3A_744], %swap3A_747 {strides = array<i32>} : memref<16x1024xf32, #tpu.memory_space<vmem>>, vector<1x16xf32>,
      %get3A_748 = arith.index_cast %scan3A_156 : i32 to index
      %get3A_749 = arith.constant 592 : index
      %get3A_750 = tpu.vector_load %arg8[%get3A_748, %get3A_749] {strides = array<i32>} : memref<16x1024xf32, #tpu.memory_space<vmem>>, vector<1x16xf32>,
      %get3A_751 = vector.shape_cast %get3A_750 : vector<1x16xf32> to vector<16xf32>
      %add3A_752 = arith.constant 32 : i32
      %add3A_753 = arith.addi %add3A_752, %scan3A_156 : i32
      %get3A_754 = arith.index_cast %add3A_753 : i32 to index
      %get3A_755 = arith.constant 592 : index
      %get3A_756 = tpu.vector_load %arg5[%get3A_754, %get3A_755] {strides = array<i32>} : memref<64x1024xf32, #tpu.memory_space<vmem>>, vector<1x16xf32>,
      %get3A_757 = vector.shape_cast %get3A_756 : vector<1x16xf32> to vector<16xf32>
      %add3A_758 = arith.addf %get3A_751, %get3A_757 : vector<16xf32>
      %swap3A_759 = arith.index_cast %scan3A_156 : i32 to index
      %swap3A_760 = arith.constant 592 : index
      %swap3A_761 = tpu.vector_load %arg8[%swap3A_759, %swap3A_760] {strides = array<i32>} : memref<16x1024xf32, #tpu.memory_space<vmem>>, vector<1x16xf32>,
      %swap3A_762 = vector.shape_cast %swap3A_761 : vector<1x16xf32> to vector<16xf32>
      %swap3A_763 = vector.shape_cast %add3A_758 : vector<16xf32> to vector<1x16xf32>
      tpu.vector_store %arg8[%swap3A_759, %swap3A_760], %swap3A_763 {strides = array<i32>} : memref<16x1024xf32, #tpu.memory_space<vmem>>, vector<1x16xf32>,
      %get3A_764 = arith.index_cast %scan3A_156 : i32 to index
      %get3A_765 = arith.constant 608 : index
      %get3A_766 = tpu.vector_load %arg8[%get3A_764, %get3A_765] {strides = array<i32>} : memref<16x1024xf32, #tpu.memory_space<vmem>>, vector<1x16xf32>,
      %get3A_767 = vector.shape_cast %get3A_766 : vector<1x16xf32> to vector<16xf32>
      %add3A_768 = arith.constant 32 : i32
      %add3A_769 = arith.addi %add3A_768, %scan3A_156 : i32
      %get3A_770 = arith.index_cast %add3A_769 : i32 to index
      %get3A_771 = arith.constant 608 : index
      %get3A_772 = tpu.vector_load %arg5[%get3A_770, %get3A_771] {strides = array<i32>} : memref<64x1024xf32, #tpu.memory_space<vmem>>, vector<1x16xf32>,
      %get3A_773 = vector.shape_cast %get3A_772 : vector<1x16xf32> to vector<16xf32>
      %add3A_774 = arith.addf %get3A_767, %get3A_773 : vector<16xf32>
      %swap3A_775 = arith.index_cast %scan3A_156 : i32 to index
      %swap3A_776 = arith.constant 608 : index
      %swap3A_777 = tpu.vector_load %arg8[%swap3A_775, %swap3A_776] {strides = array<i32>} : memref<16x1024xf32, #tpu.memory_space<vmem>>, vector<1x16xf32>,
      %swap3A_778 = vector.shape_cast %swap3A_777 : vector<1x16xf32> to vector<16xf32>
      %swap3A_779 = vector.shape_cast %add3A_774 : vector<16xf32> to vector<1x16xf32>
      tpu.vector_store %arg8[%swap3A_775, %swap3A_776], %swap3A_779 {strides = array<i32>} : memref<16x1024xf32, #tpu.memory_space<vmem>>, vector<1x16xf32>,
      %get3A_780 = arith.index_cast %scan3A_156 : i32 to index
      %get3A_781 = arith.constant 624 : index
      %get3A_782 = tpu.vector_load %arg8[%get3A_780, %get3A_781] {strides = array<i32>} : memref<16x1024xf32, #tpu.memory_space<vmem>>, vector<1x16xf32>,
      %get3A_783 = vector.shape_cast %get3A_782 : vector<1x16xf32> to vector<16xf32>
      %add3A_784 = arith.constant 32 : i32
      %add3A_785 = arith.addi %add3A_784, %scan3A_156 : i32
      %get3A_786 = arith.index_cast %add3A_785 : i32 to index
      %get3A_787 = arith.constant 624 : index
      %get3A_788 = tpu.vector_load %arg5[%get3A_786, %get3A_787] {strides = array<i32>} : memref<64x1024xf32, #tpu.memory_space<vmem>>, vector<1x16xf32>,
      %get3A_789 = vector.shape_cast %get3A_788 : vector<1x16xf32> to vector<16xf32>
      %add3A_790 = arith.addf %get3A_783, %get3A_789 : vector<16xf32>
      %swap3A_791 = arith.index_cast %scan3A_156 : i32 to index
      %swap3A_792 = arith.constant 624 : index
      %swap3A_793 = tpu.vector_load %arg8[%swap3A_791, %swap3A_792] {strides = array<i32>} : memref<16x1024xf32, #tpu.memory_space<vmem>>, vector<1x16xf32>,
      %swap3A_794 = vector.shape_cast %swap3A_793 : vector<1x16xf32> to vector<16xf32>
      %swap3A_795 = vector.shape_cast %add3A_790 : vector<16xf32> to vector<1x16xf32>
      tpu.vector_store %arg8[%swap3A_791, %swap3A_792], %swap3A_795 {strides = array<i32>} : memref<16x1024xf32, #tpu.memory_space<vmem>>, vector<1x16xf32>,
      %get3A_796 = arith.index_cast %scan3A_156 : i32 to index
      %get3A_797 = arith.constant 640 : index
      %get3A_798 = tpu.vector_load %arg8[%get3A_796, %get3A_797] {strides = array<i32>} : memref<16x1024xf32, #tpu.memory_space<vmem>>, vector<1x16xf32>,
      %get3A_799 = vector.shape_cast %get3A_798 : vector<1x16xf32> to vector<16xf32>
      %add3A_800 = arith.constant 32 : i32
      %add3A_801 = arith.addi %add3A_800, %scan3A_156 : i32
      %get3A_802 = arith.index_cast %add3A_801 : i32 to index
      %get3A_803 = arith.constant 640 : index
      %get3A_804 = tpu.vector_load %arg5[%get3A_802, %get3A_803] {strides = array<i32>} : memref<64x1024xf32, #tpu.memory_space<vmem>>, vector<1x16xf32>,
      %get3A_805 = vector.shape_cast %get3A_804 : vector<1x16xf32> to vector<16xf32>
      %add3A_806 = arith.addf %get3A_799, %get3A_805 : vector<16xf32>
      %swap3A_807 = arith.index_cast %scan3A_156 : i32 to index
      %swap3A_808 = arith.constant 640 : index
      %swap3A_809 = tpu.vector_load %arg8[%swap3A_807, %swap3A_808] {strides = array<i32>} : memref<16x1024xf32, #tpu.memory_space<vmem>>, vector<1x16xf32>,
      %swap3A_810 = vector.shape_cast %swap3A_809 : vector<1x16xf32> to vector<16xf32>
      %swap3A_811 = vector.shape_cast %add3A_806 : vector<16xf32> to vector<1x16xf32>
      tpu.vector_store %arg8[%swap3A_807, %swap3A_808], %swap3A_811 {strides = array<i32>} : memref<16x1024xf32, #tpu.memory_space<vmem>>, vector<1x16xf32>,
      %get3A_812 = arith.index_cast %scan3A_156 : i32 to index
      %get3A_813 = arith.constant 656 : index
      %get3A_814 = tpu.vector_load %arg8[%get3A_812, %get3A_813] {strides = array<i32>} : memref<16x1024xf32, #tpu.memory_space<vmem>>, vector<1x16xf32>,
      %get3A_815 = vector.shape_cast %get3A_814 : vector<1x16xf32> to vector<16xf32>
      %add3A_816 = arith.constant 32 : i32
      %add3A_817 = arith.addi %add3A_816, %scan3A_156 : i32
      %get3A_818 = arith.index_cast %add3A_817 : i32 to index
      %get3A_819 = arith.constant 656 : index
      %get3A_820 = tpu.vector_load %arg5[%get3A_818, %get3A_819] {strides = array<i32>} : memref<64x1024xf32, #tpu.memory_space<vmem>>, vector<1x16xf32>,
      %get3A_821 = vector.shape_cast %get3A_820 : vector<1x16xf32> to vector<16xf32>
      %add3A_822 = arith.addf %get3A_815, %get3A_821 : vector<16xf32>
      %swap3A_823 = arith.index_cast %scan3A_156 : i32 to index
      %swap3A_824 = arith.constant 656 : index
      %swap3A_825 = tpu.vector_load %arg8[%swap3A_823, %swap3A_824] {strides = array<i32>} : memref<16x1024xf32, #tpu.memory_space<vmem>>, vector<1x16xf32>,
      %swap3A_826 = vector.shape_cast %swap3A_825 : vector<1x16xf32> to vector<16xf32>
      %swap3A_827 = vector.shape_cast %add3A_822 : vector<16xf32> to vector<1x16xf32>
      tpu.vector_store %arg8[%swap3A_823, %swap3A_824], %swap3A_827 {strides = array<i32>} : memref<16x1024xf32, #tpu.memory_space<vmem>>, vector<1x16xf32>,
      %get3A_828 = arith.index_cast %scan3A_156 : i32 to index
      %get3A_829 = arith.constant 672 : index
      %get3A_830 = tpu.vector_load %arg8[%get3A_828, %get3A_829] {strides = array<i32>} : memref<16x1024xf32, #tpu.memory_space<vmem>>, vector<1x16xf32>,
      %get3A_831 = vector.shape_cast %get3A_830 : vector<1x16xf32> to vector<16xf32>
      %add3A_832 = arith.constant 32 : i32
      %add3A_833 = arith.addi %add3A_832, %scan3A_156 : i32
      %get3A_834 = arith.index_cast %add3A_833 : i32 to index
      %get3A_835 = arith.constant 672 : index
      %get3A_836 = tpu.vector_load %arg5[%get3A_834, %get3A_835] {strides = array<i32>} : memref<64x1024xf32, #tpu.memory_space<vmem>>, vector<1x16xf32>,
      %get3A_837 = vector.shape_cast %get3A_836 : vector<1x16xf32> to vector<16xf32>
      %add3A_838 = arith.addf %get3A_831, %get3A_837 : vector<16xf32>
      %swap3A_839 = arith.index_cast %scan3A_156 : i32 to index
      %swap3A_840 = arith.constant 672 : index
      %swap3A_841 = tpu.vector_load %arg8[%swap3A_839, %swap3A_840] {strides = array<i32>} : memref<16x1024xf32, #tpu.memory_space<vmem>>, vector<1x16xf32>,
      %swap3A_842 = vector.shape_cast %swap3A_841 : vector<1x16xf32> to vector<16xf32>
      %swap3A_843 = vector.shape_cast %add3A_838 : vector<16xf32> to vector<1x16xf32>
      tpu.vector_store %arg8[%swap3A_839, %swap3A_840], %swap3A_843 {strides = array<i32>} : memref<16x1024xf32, #tpu.memory_space<vmem>>, vector<1x16xf32>,
      %get3A_844 = arith.index_cast %scan3A_156 : i32 to index
      %get3A_845 = arith.constant 688 : index
      %get3A_846 = tpu.vector_load %arg8[%get3A_844, %get3A_845] {strides = array<i32>} : memref<16x1024xf32, #tpu.memory_space<vmem>>, vector<1x16xf32>,
      %get3A_847 = vector.shape_cast %get3A_846 : vector<1x16xf32> to vector<16xf32>
      %add3A_848 = arith.constant 32 : i32
      %add3A_849 = arith.addi %add3A_848, %scan3A_156 : i32
      %get3A_850 = arith.index_cast %add3A_849 : i32 to index
      %get3A_851 = arith.constant 688 : index
      %get3A_852 = tpu.vector_load %arg5[%get3A_850, %get3A_851] {strides = array<i32>} : memref<64x1024xf32, #tpu.memory_space<vmem>>, vector<1x16xf32>,
      %get3A_853 = vector.shape_cast %get3A_852 : vector<1x16xf32> to vector<16xf32>
      %add3A_854 = arith.addf %get3A_847, %get3A_853 : vector<16xf32>
      %swap3A_855 = arith.index_cast %scan3A_156 : i32 to index
      %swap3A_856 = arith.constant 688 : index
      %swap3A_857 = tpu.vector_load %arg8[%swap3A_855, %swap3A_856] {strides = array<i32>} : memref<16x1024xf32, #tpu.memory_space<vmem>>, vector<1x16xf32>,
      %swap3A_858 = vector.shape_cast %swap3A_857 : vector<1x16xf32> to vector<16xf32>
      %swap3A_859 = vector.shape_cast %add3A_854 : vector<16xf32> to vector<1x16xf32>
      tpu.vector_store %arg8[%swap3A_855, %swap3A_856], %swap3A_859 {strides = array<i32>} : memref<16x1024xf32, #tpu.memory_space<vmem>>, vector<1x16xf32>,
      %get3A_860 = arith.index_cast %scan3A_156 : i32 to index
      %get3A_861 = arith.constant 704 : index
      %get3A_862 = tpu.vector_load %arg8[%get3A_860, %get3A_861] {strides = array<i32>} : memref<16x1024xf32, #tpu.memory_space<vmem>>, vector<1x16xf32>,
      %get3A_863 = vector.shape_cast %get3A_862 : vector<1x16xf32> to vector<16xf32>
      %add3A_864 = arith.constant 32 : i32
      %add3A_865 = arith.addi %add3A_864, %scan3A_156 : i32
      %get3A_866 = arith.index_cast %add3A_865 : i32 to index
      %get3A_867 = arith.constant 704 : index
      %get3A_868 = tpu.vector_load %arg5[%get3A_866, %get3A_867] {strides = array<i32>} : memref<64x1024xf32, #tpu.memory_space<vmem>>, vector<1x16xf32>,
      %get3A_869 = vector.shape_cast %get3A_868 : vector<1x16xf32> to vector<16xf32>
      %add3A_870 = arith.addf %get3A_863, %get3A_869 : vector<16xf32>
      %swap3A_871 = arith.index_cast %scan3A_156 : i32 to index
      %swap3A_872 = arith.constant 704 : index
      %swap3A_873 = tpu.vector_load %arg8[%swap3A_871, %swap3A_872] {strides = array<i32>} : memref<16x1024xf32, #tpu.memory_space<vmem>>, vector<1x16xf32>,
      %swap3A_874 = vector.shape_cast %swap3A_873 : vector<1x16xf32> to vector<16xf32>
      %swap3A_875 = vector.shape_cast %add3A_870 : vector<16xf32> to vector<1x16xf32>
      tpu.vector_store %arg8[%swap3A_871, %swap3A_872], %swap3A_875 {strides = array<i32>} : memref<16x1024xf32, #tpu.memory_space<vmem>>, vector<1x16xf32>,
      %get3A_876 = arith.index_cast %scan3A_156 : i32 to index
      %get3A_877 = arith.constant 720 : index
      %get3A_878 = tpu.vector_load %arg8[%get3A_876, %get3A_877] {strides = array<i32>} : memref<16x1024xf32, #tpu.memory_space<vmem>>, vector<1x16xf32>,
      %get3A_879 = vector.shape_cast %get3A_878 : vector<1x16xf32> to vector<16xf32>
      %add3A_880 = arith.constant 32 : i32
      %add3A_881 = arith.addi %add3A_880, %scan3A_156 : i32
      %get3A_882 = arith.index_cast %add3A_881 : i32 to index
      %get3A_883 = arith.constant 720 : index
      %get3A_884 = tpu.vector_load %arg5[%get3A_882, %get3A_883] {strides = array<i32>} : memref<64x1024xf32, #tpu.memory_space<vmem>>, vector<1x16xf32>,
      %get3A_885 = vector.shape_cast %get3A_884 : vector<1x16xf32> to vector<16xf32>
      %add3A_886 = arith.addf %get3A_879, %get3A_885 : vector<16xf32>
      %swap3A_887 = arith.index_cast %scan3A_156 : i32 to index
      %swap3A_888 = arith.constant 720 : index
      %swap3A_889 = tpu.vector_load %arg8[%swap3A_887, %swap3A_888] {strides = array<i32>} : memref<16x1024xf32, #tpu.memory_space<vmem>>, vector<1x16xf32>,
      %swap3A_890 = vector.shape_cast %swap3A_889 : vector<1x16xf32> to vector<16xf32>
      %swap3A_891 = vector.shape_cast %add3A_886 : vector<16xf32> to vector<1x16xf32>
      tpu.vector_store %arg8[%swap3A_887, %swap3A_888], %swap3A_891 {strides = array<i32>} : memref<16x1024xf32, #tpu.memory_space<vmem>>, vector<1x16xf32>,
      %get3A_892 = arith.index_cast %scan3A_156 : i32 to index
      %get3A_893 = arith.constant 736 : index
      %get3A_894 = tpu.vector_load %arg8[%get3A_892, %get3A_893] {strides = array<i32>} : memref<16x1024xf32, #tpu.memory_space<vmem>>, vector<1x16xf32>,
      %get3A_895 = vector.shape_cast %get3A_894 : vector<1x16xf32> to vector<16xf32>
      %add3A_896 = arith.constant 32 : i32
      %add3A_897 = arith.addi %add3A_896, %scan3A_156 : i32
      %get3A_898 = arith.index_cast %add3A_897 : i32 to index
      %get3A_899 = arith.constant 736 : index
      %get3A_900 = tpu.vector_load %arg5[%get3A_898, %get3A_899] {strides = array<i32>} : memref<64x1024xf32, #tpu.memory_space<vmem>>, vector<1x16xf32>,
      %get3A_901 = vector.shape_cast %get3A_900 : vector<1x16xf32> to vector<16xf32>
      %add3A_902 = arith.addf %get3A_895, %get3A_901 : vector<16xf32>
      %swap3A_903 = arith.index_cast %scan3A_156 : i32 to index
      %swap3A_904 = arith.constant 736 : index
      %swap3A_905 = tpu.vector_load %arg8[%swap3A_903, %swap3A_904] {strides = array<i32>} : memref<16x1024xf32, #tpu.memory_space<vmem>>, vector<1x16xf32>,
      %swap3A_906 = vector.shape_cast %swap3A_905 : vector<1x16xf32> to vector<16xf32>
      %swap3A_907 = vector.shape_cast %add3A_902 : vector<16xf32> to vector<1x16xf32>
      tpu.vector_store %arg8[%swap3A_903, %swap3A_904], %swap3A_907 {strides = array<i32>} : memref<16x1024xf32, #tpu.memory_space<vmem>>, vector<1x16xf32>,
      %get3A_908 = arith.index_cast %scan3A_156 : i32 to index
      %get3A_909 = arith.constant 752 : index
      %get3A_910 = tpu.vector_load %arg8[%get3A_908, %get3A_909] {strides = array<i32>} : memref<16x1024xf32, #tpu.memory_space<vmem>>, vector<1x16xf32>,
      %get3A_911 = vector.shape_cast %get3A_910 : vector<1x16xf32> to vector<16xf32>
      %add3A_912 = arith.constant 32 : i32
      %add3A_913 = arith.addi %add3A_912, %scan3A_156 : i32
      %get3A_914 = arith.index_cast %add3A_913 : i32 to index
      %get3A_915 = arith.constant 752 : index
      %get3A_916 = tpu.vector_load %arg5[%get3A_914, %get3A_915] {strides = array<i32>} : memref<64x1024xf32, #tpu.memory_space<vmem>>, vector<1x16xf32>,
      %get3A_917 = vector.shape_cast %get3A_916 : vector<1x16xf32> to vector<16xf32>
      %add3A_918 = arith.addf %get3A_911, %get3A_917 : vector<16xf32>
      %swap3A_919 = arith.index_cast %scan3A_156 : i32 to index
      %swap3A_920 = arith.constant 752 : index
      %swap3A_921 = tpu.vector_load %arg8[%swap3A_919, %swap3A_920] {strides = array<i32>} : memref<16x1024xf32, #tpu.memory_space<vmem>>, vector<1x16xf32>,
      %swap3A_922 = vector.shape_cast %swap3A_921 : vector<1x16xf32> to vector<16xf32>
      %swap3A_923 = vector.shape_cast %add3A_918 : vector<16xf32> to vector<1x16xf32>
      tpu.vector_store %arg8[%swap3A_919, %swap3A_920], %swap3A_923 {strides = array<i32>} : memref<16x1024xf32, #tpu.memory_space<vmem>>, vector<1x16xf32>,
      %get3A_924 = arith.index_cast %scan3A_156 : i32 to index
      %get3A_925 = arith.constant 768 : index
      %get3A_926 = tpu.vector_load %arg8[%get3A_924, %get3A_925] {strides = array<i32>} : memref<16x1024xf32, #tpu.memory_space<vmem>>, vector<1x16xf32>,
      %get3A_927 = vector.shape_cast %get3A_926 : vector<1x16xf32> to vector<16xf32>
      %add3A_928 = arith.constant 32 : i32
      %add3A_929 = arith.addi %add3A_928, %scan3A_156 : i32
      %get3A_930 = arith.index_cast %add3A_929 : i32 to index
      %get3A_931 = arith.constant 768 : index
      %get3A_932 = tpu.vector_load %arg5[%get3A_930, %get3A_931] {strides = array<i32>} : memref<64x1024xf32, #tpu.memory_space<vmem>>, vector<1x16xf32>,
      %get3A_933 = vector.shape_cast %get3A_932 : vector<1x16xf32> to vector<16xf32>
      %add3A_934 = arith.addf %get3A_927, %get3A_933 : vector<16xf32>
      %swap3A_935 = arith.index_cast %scan3A_156 : i32 to index
      %swap3A_936 = arith.constant 768 : index
      %swap3A_937 = tpu.vector_load %arg8[%swap3A_935, %swap3A_936] {strides = array<i32>} : memref<16x1024xf32, #tpu.memory_space<vmem>>, vector<1x16xf32>,
      %swap3A_938 = vector.shape_cast %swap3A_937 : vector<1x16xf32> to vector<16xf32>
      %swap3A_939 = vector.shape_cast %add3A_934 : vector<16xf32> to vector<1x16xf32>
      tpu.vector_store %arg8[%swap3A_935, %swap3A_936], %swap3A_939 {strides = array<i32>} : memref<16x1024xf32, #tpu.memory_space<vmem>>, vector<1x16xf32>,
      %get3A_940 = arith.index_cast %scan3A_156 : i32 to index
      %get3A_941 = arith.constant 784 : index
      %get3A_942 = tpu.vector_load %arg8[%get3A_940, %get3A_941] {strides = array<i32>} : memref<16x1024xf32, #tpu.memory_space<vmem>>, vector<1x16xf32>,
      %get3A_943 = vector.shape_cast %get3A_942 : vector<1x16xf32> to vector<16xf32>
      %add3A_944 = arith.constant 32 : i32
      %add3A_945 = arith.addi %add3A_944, %scan3A_156 : i32
      %get3A_946 = arith.index_cast %add3A_945 : i32 to index
      %get3A_947 = arith.constant 784 : index
      %get3A_948 = tpu.vector_load %arg5[%get3A_946, %get3A_947] {strides = array<i32>} : memref<64x1024xf32, #tpu.memory_space<vmem>>, vector<1x16xf32>,
      %get3A_949 = vector.shape_cast %get3A_948 : vector<1x16xf32> to vector<16xf32>
      %add3A_950 = arith.addf %get3A_943, %get3A_949 : vector<16xf32>
      %swap3A_951 = arith.index_cast %scan3A_156 : i32 to index
      %swap3A_952 = arith.constant 784 : index
      %swap3A_953 = tpu.vector_load %arg8[%swap3A_951, %swap3A_952] {strides = array<i32>} : memref<16x1024xf32, #tpu.memory_space<vmem>>, vector<1x16xf32>,
      %swap3A_954 = vector.shape_cast %swap3A_953 : vector<1x16xf32> to vector<16xf32>
      %swap3A_955 = vector.shape_cast %add3A_950 : vector<16xf32> to vector<1x16xf32>
      tpu.vector_store %arg8[%swap3A_951, %swap3A_952], %swap3A_955 {strides = array<i32>} : memref<16x1024xf32, #tpu.memory_space<vmem>>, vector<1x16xf32>,
      %get3A_956 = arith.index_cast %scan3A_156 : i32 to index
      %get3A_957 = arith.constant 800 : index
      %get3A_958 = tpu.vector_load %arg8[%get3A_956, %get3A_957] {strides = array<i32>} : memref<16x1024xf32, #tpu.memory_space<vmem>>, vector<1x16xf32>,
      %get3A_959 = vector.shape_cast %get3A_958 : vector<1x16xf32> to vector<16xf32>
      %add3A_960 = arith.constant 32 : i32
      %add3A_961 = arith.addi %add3A_960, %scan3A_156 : i32
      %get3A_962 = arith.index_cast %add3A_961 : i32 to index
      %get3A_963 = arith.constant 800 : index
      %get3A_964 = tpu.vector_load %arg5[%get3A_962, %get3A_963] {strides = array<i32>} : memref<64x1024xf32, #tpu.memory_space<vmem>>, vector<1x16xf32>,
      %get3A_965 = vector.shape_cast %get3A_964 : vector<1x16xf32> to vector<16xf32>
      %add3A_966 = arith.addf %get3A_959, %get3A_965 : vector<16xf32>
      %swap3A_967 = arith.index_cast %scan3A_156 : i32 to index
      %swap3A_968 = arith.constant 800 : index
      %swap3A_969 = tpu.vector_load %arg8[%swap3A_967, %swap3A_968] {strides = array<i32>} : memref<16x1024xf32, #tpu.memory_space<vmem>>, vector<1x16xf32>,
      %swap3A_970 = vector.shape_cast %swap3A_969 : vector<1x16xf32> to vector<16xf32>
      %swap3A_971 = vector.shape_cast %add3A_966 : vector<16xf32> to vector<1x16xf32>
      tpu.vector_store %arg8[%swap3A_967, %swap3A_968], %swap3A_971 {strides = array<i32>} : memref<16x1024xf32, #tpu.memory_space<vmem>>, vector<1x16xf32>,
      %get3A_972 = arith.index_cast %scan3A_156 : i32 to index
      %get3A_973 = arith.constant 816 : index
      %get3A_974 = tpu.vector_load %arg8[%get3A_972, %get3A_973] {strides = array<i32>} : memref<16x1024xf32, #tpu.memory_space<vmem>>, vector<1x16xf32>,
      %get3A_975 = vector.shape_cast %get3A_974 : vector<1x16xf32> to vector<16xf32>
      %add3A_976 = arith.constant 32 : i32
      %add3A_977 = arith.addi %add3A_976, %scan3A_156 : i32
      %get3A_978 = arith.index_cast %add3A_977 : i32 to index
      %get3A_979 = arith.constant 816 : index
      %get3A_980 = tpu.vector_load %arg5[%get3A_978, %get3A_979] {strides = array<i32>} : memref<64x1024xf32, #tpu.memory_space<vmem>>, vector<1x16xf32>,
      %get3A_981 = vector.shape_cast %get3A_980 : vector<1x16xf32> to vector<16xf32>
      %add3A_982 = arith.addf %get3A_975, %get3A_981 : vector<16xf32>
      %swap3A_983 = arith.index_cast %scan3A_156 : i32 to index
      %swap3A_984 = arith.constant 816 : index
      %swap3A_985 = tpu.vector_load %arg8[%swap3A_983, %swap3A_984] {strides = array<i32>} : memref<16x1024xf32, #tpu.memory_space<vmem>>, vector<1x16xf32>,
      %swap3A_986 = vector.shape_cast %swap3A_985 : vector<1x16xf32> to vector<16xf32>
      %swap3A_987 = vector.shape_cast %add3A_982 : vector<16xf32> to vector<1x16xf32>
      tpu.vector_store %arg8[%swap3A_983, %swap3A_984], %swap3A_987 {strides = array<i32>} : memref<16x1024xf32, #tpu.memory_space<vmem>>, vector<1x16xf32>,
      %get3A_988 = arith.index_cast %scan3A_156 : i32 to index
      %get3A_989 = arith.constant 832 : index
      %get3A_990 = tpu.vector_load %arg8[%get3A_988, %get3A_989] {strides = array<i32>} : memref<16x1024xf32, #tpu.memory_space<vmem>>, vector<1x16xf32>,
      %get3A_991 = vector.shape_cast %get3A_990 : vector<1x16xf32> to vector<16xf32>
      %add3A_992 = arith.constant 32 : i32
      %add3A_993 = arith.addi %add3A_992, %scan3A_156 : i32
      %get3A_994 = arith.index_cast %add3A_993 : i32 to index
      %get3A_995 = arith.constant 832 : index
      %get3A_996 = tpu.vector_load %arg5[%get3A_994, %get3A_995] {strides = array<i32>} : memref<64x1024xf32, #tpu.memory_space<vmem>>, vector<1x16xf32>,
      %get3A_997 = vector.shape_cast %get3A_996 : vector<1x16xf32> to vector<16xf32>
      %add3A_998 = arith.addf %get3A_991, %get3A_997 : vector<16xf32>
      %swap3A_999 = arith.index_cast %scan3A_156 : i32 to index
      %swap3A_1000 = arith.constant 832 : index
      %swap3A_1001 = tpu.vector_load %arg8[%swap3A_999, %swap3A_1000] {strides = array<i32>} : memref<16x1024xf32, #tpu.memory_space<vmem>>, vector<1x16xf32>,
      %swap3A_1002 = vector.shape_cast %swap3A_1001 : vector<1x16xf32> to vector<16xf32>
      %swap3A_1003 = vector.shape_cast %add3A_998 : vector<16xf32> to vector<1x16xf32>
      tpu.vector_store %arg8[%swap3A_999, %swap3A_1000], %swap3A_1003 {strides = array<i32>} : memref<16x1024xf32, #tpu.memory_space<vmem>>, vector<1x16xf32>,
      %get3A_1004 = arith.index_cast %scan3A_156 : i32 to index
      %get3A_1005 = arith.constant 848 : index
      %get3A_1006 = tpu.vector_load %arg8[%get3A_1004, %get3A_1005] {strides = array<i32>} : memref<16x1024xf32, #tpu.memory_space<vmem>>, vector<1x16xf32>,
      %get3A_1007 = vector.shape_cast %get3A_1006 : vector<1x16xf32> to vector<16xf32>
      %add3A_1008 = arith.constant 32 : i32
      %add3A_1009 = arith.addi %add3A_1008, %scan3A_156 : i32
      %get3A_1010 = arith.index_cast %add3A_1009 : i32 to index
      %get3A_1011 = arith.constant 848 : index
      %get3A_1012 = tpu.vector_load %arg5[%get3A_1010, %get3A_1011] {strides = array<i32>} : memref<64x1024xf32, #tpu.memory_space<vmem>>, vector<1x16xf32>,
      %get3A_1013 = vector.shape_cast %get3A_1012 : vector<1x16xf32> to vector<16xf32>
      %add3A_1014 = arith.addf %get3A_1007, %get3A_1013 : vector<16xf32>
      %swap3A_1015 = arith.index_cast %scan3A_156 : i32 to index
      %swap3A_1016 = arith.constant 848 : index
      %swap3A_1017 = tpu.vector_load %arg8[%swap3A_1015, %swap3A_1016] {strides = array<i32>} : memref<16x1024xf32, #tpu.memory_space<vmem>>, vector<1x16xf32>,
      %swap3A_1018 = vector.shape_cast %swap3A_1017 : vector<1x16xf32> to vector<16xf32>
      %swap3A_1019 = vector.shape_cast %add3A_1014 : vector<16xf32> to vector<1x16xf32>
      tpu.vector_store %arg8[%swap3A_1015, %swap3A_1016], %swap3A_1019 {strides = array<i32>} : memref<16x1024xf32, #tpu.memory_space<vmem>>, vector<1x16xf32>,
      %get3A_1020 = arith.index_cast %scan3A_156 : i32 to index
      %get3A_1021 = arith.constant 864 : index
      %get3A_1022 = tpu.vector_load %arg8[%get3A_1020, %get3A_1021] {strides = array<i32>} : memref<16x1024xf32, #tpu.memory_space<vmem>>, vector<1x16xf32>,
      %get3A_1023 = vector.shape_cast %get3A_1022 : vector<1x16xf32> to vector<16xf32>
      %add3A_1024 = arith.constant 32 : i32
      %add3A_1025 = arith.addi %add3A_1024, %scan3A_156 : i32
      %get3A_1026 = arith.index_cast %add3A_1025 : i32 to index
      %get3A_1027 = arith.constant 864 : index
      %get3A_1028 = tpu.vector_load %arg5[%get3A_1026, %get3A_1027] {strides = array<i32>} : memref<64x1024xf32, #tpu.memory_space<vmem>>, vector<1x16xf32>,
      %get3A_1029 = vector.shape_cast %get3A_1028 : vector<1x16xf32> to vector<16xf32>
      %add3A_1030 = arith.addf %get3A_1023, %get3A_1029 : vector<16xf32>
      %swap3A_1031 = arith.index_cast %scan3A_156 : i32 to index
      %swap3A_1032 = arith.constant 864 : index
      %swap3A_1033 = tpu.vector_load %arg8[%swap3A_1031, %swap3A_1032] {strides = array<i32>} : memref<16x1024xf32, #tpu.memory_space<vmem>>, vector<1x16xf32>,
      %swap3A_1034 = vector.shape_cast %swap3A_1033 : vector<1x16xf32> to vector<16xf32>
      %swap3A_1035 = vector.shape_cast %add3A_1030 : vector<16xf32> to vector<1x16xf32>
      tpu.vector_store %arg8[%swap3A_1031, %swap3A_1032], %swap3A_1035 {strides = array<i32>} : memref<16x1024xf32, #tpu.memory_space<vmem>>, vector<1x16xf32>,
      %get3A_1036 = arith.index_cast %scan3A_156 : i32 to index
      %get3A_1037 = arith.constant 880 : index
      %get3A_1038 = tpu.vector_load %arg8[%get3A_1036, %get3A_1037] {strides = array<i32>} : memref<16x1024xf32, #tpu.memory_space<vmem>>, vector<1x16xf32>,
      %get3A_1039 = vector.shape_cast %get3A_1038 : vector<1x16xf32> to vector<16xf32>
      %add3A_1040 = arith.constant 32 : i32
      %add3A_1041 = arith.addi %add3A_1040, %scan3A_156 : i32
      %get3A_1042 = arith.index_cast %add3A_1041 : i32 to index
      %get3A_1043 = arith.constant 880 : index
      %get3A_1044 = tpu.vector_load %arg5[%get3A_1042, %get3A_1043] {strides = array<i32>} : memref<64x1024xf32, #tpu.memory_space<vmem>>, vector<1x16xf32>,
      %get3A_1045 = vector.shape_cast %get3A_1044 : vector<1x16xf32> to vector<16xf32>
      %add3A_1046 = arith.addf %get3A_1039, %get3A_1045 : vector<16xf32>
      %swap3A_1047 = arith.index_cast %scan3A_156 : i32 to index
      %swap3A_1048 = arith.constant 880 : index
      %swap3A_1049 = tpu.vector_load %arg8[%swap3A_1047, %swap3A_1048] {strides = array<i32>} : memref<16x1024xf32, #tpu.memory_space<vmem>>, vector<1x16xf32>,
      %swap3A_1050 = vector.shape_cast %swap3A_1049 : vector<1x16xf32> to vector<16xf32>
      %swap3A_1051 = vector.shape_cast %add3A_1046 : vector<16xf32> to vector<1x16xf32>
      tpu.vector_store %arg8[%swap3A_1047, %swap3A_1048], %swap3A_1051 {strides = array<i32>} : memref<16x1024xf32, #tpu.memory_space<vmem>>, vector<1x16xf32>,
      %get3A_1052 = arith.index_cast %scan3A_156 : i32 to index
      %get3A_1053 = arith.constant 896 : index
      %get3A_1054 = tpu.vector_load %arg8[%get3A_1052, %get3A_1053] {strides = array<i32>} : memref<16x1024xf32, #tpu.memory_space<vmem>>, vector<1x16xf32>,
      %get3A_1055 = vector.shape_cast %get3A_1054 : vector<1x16xf32> to vector<16xf32>
      %add3A_1056 = arith.constant 32 : i32
      %add3A_1057 = arith.addi %add3A_1056, %scan3A_156 : i32
      %get3A_1058 = arith.index_cast %add3A_1057 : i32 to index
      %get3A_1059 = arith.constant 896 : index
      %get3A_1060 = tpu.vector_load %arg5[%get3A_1058, %get3A_1059] {strides = array<i32>} : memref<64x1024xf32, #tpu.memory_space<vmem>>, vector<1x16xf32>,
      %get3A_1061 = vector.shape_cast %get3A_1060 : vector<1x16xf32> to vector<16xf32>
      %add3A_1062 = arith.addf %get3A_1055, %get3A_1061 : vector<16xf32>
      %swap3A_1063 = arith.index_cast %scan3A_156 : i32 to index
      %swap3A_1064 = arith.constant 896 : index
      %swap3A_1065 = tpu.vector_load %arg8[%swap3A_1063, %swap3A_1064] {strides = array<i32>} : memref<16x1024xf32, #tpu.memory_space<vmem>>, vector<1x16xf32>,
      %swap3A_1066 = vector.shape_cast %swap3A_1065 : vector<1x16xf32> to vector<16xf32>
      %swap3A_1067 = vector.shape_cast %add3A_1062 : vector<16xf32> to vector<1x16xf32>
      tpu.vector_store %arg8[%swap3A_1063, %swap3A_1064], %swap3A_1067 {strides = array<i32>} : memref<16x1024xf32, #tpu.memory_space<vmem>>, vector<1x16xf32>,
      %get3A_1068 = arith.index_cast %scan3A_156 : i32 to index
      %get3A_1069 = arith.constant 912 : index
      %get3A_1070 = tpu.vector_load %arg8[%get3A_1068, %get3A_1069] {strides = array<i32>} : memref<16x1024xf32, #tpu.memory_space<vmem>>, vector<1x16xf32>,
      %get3A_1071 = vector.shape_cast %get3A_1070 : vector<1x16xf32> to vector<16xf32>
      %add3A_1072 = arith.constant 32 : i32
      %add3A_1073 = arith.addi %add3A_1072, %scan3A_156 : i32
      %get3A_1074 = arith.index_cast %add3A_1073 : i32 to index
      %get3A_1075 = arith.constant 912 : index
      %get3A_1076 = tpu.vector_load %arg5[%get3A_1074, %get3A_1075] {strides = array<i32>} : memref<64x1024xf32, #tpu.memory_space<vmem>>, vector<1x16xf32>,
      %get3A_1077 = vector.shape_cast %get3A_1076 : vector<1x16xf32> to vector<16xf32>
      %add3A_1078 = arith.addf %get3A_1071, %get3A_1077 : vector<16xf32>
      %swap3A_1079 = arith.index_cast %scan3A_156 : i32 to index
      %swap3A_1080 = arith.constant 912 : index
      %swap3A_1081 = tpu.vector_load %arg8[%swap3A_1079, %swap3A_1080] {strides = array<i32>} : memref<16x1024xf32, #tpu.memory_space<vmem>>, vector<1x16xf32>,
      %swap3A_1082 = vector.shape_cast %swap3A_1081 : vector<1x16xf32> to vector<16xf32>
      %swap3A_1083 = vector.shape_cast %add3A_1078 : vector<16xf32> to vector<1x16xf32>
      tpu.vector_store %arg8[%swap3A_1079, %swap3A_1080], %swap3A_1083 {strides = array<i32>} : memref<16x1024xf32, #tpu.memory_space<vmem>>, vector<1x16xf32>,
      %get3A_1084 = arith.index_cast %scan3A_156 : i32 to index
      %get3A_1085 = arith.constant 928 : index
      %get3A_1086 = tpu.vector_load %arg8[%get3A_1084, %get3A_1085] {strides = array<i32>} : memref<16x1024xf32, #tpu.memory_space<vmem>>, vector<1x16xf32>,
      %get3A_1087 = vector.shape_cast %get3A_1086 : vector<1x16xf32> to vector<16xf32>
      %add3A_1088 = arith.constant 32 : i32
      %add3A_1089 = arith.addi %add3A_1088, %scan3A_156 : i32
      %get3A_1090 = arith.index_cast %add3A_1089 : i32 to index
      %get3A_1091 = arith.constant 928 : index
      %get3A_1092 = tpu.vector_load %arg5[%get3A_1090, %get3A_1091] {strides = array<i32>} : memref<64x1024xf32, #tpu.memory_space<vmem>>, vector<1x16xf32>,
      %get3A_1093 = vector.shape_cast %get3A_1092 : vector<1x16xf32> to vector<16xf32>
      %add3A_1094 = arith.addf %get3A_1087, %get3A_1093 : vector<16xf32>
      %swap3A_1095 = arith.index_cast %scan3A_156 : i32 to index
      %swap3A_1096 = arith.constant 928 : index
      %swap3A_1097 = tpu.vector_load %arg8[%swap3A_1095, %swap3A_1096] {strides = array<i32>} : memref<16x1024xf32, #tpu.memory_space<vmem>>, vector<1x16xf32>,
      %swap3A_1098 = vector.shape_cast %swap3A_1097 : vector<1x16xf32> to vector<16xf32>
      %swap3A_1099 = vector.shape_cast %add3A_1094 : vector<16xf32> to vector<1x16xf32>
      tpu.vector_store %arg8[%swap3A_1095, %swap3A_1096], %swap3A_1099 {strides = array<i32>} : memref<16x1024xf32, #tpu.memory_space<vmem>>, vector<1x16xf32>,
      %get3A_1100 = arith.index_cast %scan3A_156 : i32 to index
      %get3A_1101 = arith.constant 944 : index
      %get3A_1102 = tpu.vector_load %arg8[%get3A_1100, %get3A_1101] {strides = array<i32>} : memref<16x1024xf32, #tpu.memory_space<vmem>>, vector<1x16xf32>,
      %get3A_1103 = vector.shape_cast %get3A_1102 : vector<1x16xf32> to vector<16xf32>
      %add3A_1104 = arith.constant 32 : i32
      %add3A_1105 = arith.addi %add3A_1104, %scan3A_156 : i32
      %get3A_1106 = arith.index_cast %add3A_1105 : i32 to index
      %get3A_1107 = arith.constant 944 : index
      %get3A_1108 = tpu.vector_load %arg5[%get3A_1106, %get3A_1107] {strides = array<i32>} : memref<64x1024xf32, #tpu.memory_space<vmem>>, vector<1x16xf32>,
      %get3A_1109 = vector.shape_cast %get3A_1108 : vector<1x16xf32> to vector<16xf32>
      %add3A_1110 = arith.addf %get3A_1103, %get3A_1109 : vector<16xf32>
      %swap3A_1111 = arith.index_cast %scan3A_156 : i32 to index
      %swap3A_1112 = arith.constant 944 : index
      %swap3A_1113 = tpu.vector_load %arg8[%swap3A_1111, %swap3A_1112] {strides = array<i32>} : memref<16x1024xf32, #tpu.memory_space<vmem>>, vector<1x16xf32>,
      %swap3A_1114 = vector.shape_cast %swap3A_1113 : vector<1x16xf32> to vector<16xf32>
      %swap3A_1115 = vector.shape_cast %add3A_1110 : vector<16xf32> to vector<1x16xf32>
      tpu.vector_store %arg8[%swap3A_1111, %swap3A_1112], %swap3A_1115 {strides = array<i32>} : memref<16x1024xf32, #tpu.memory_space<vmem>>, vector<1x16xf32>,
      %get3A_1116 = arith.index_cast %scan3A_156 : i32 to index
      %get3A_1117 = arith.constant 960 : index
      %get3A_1118 = tpu.vector_load %arg8[%get3A_1116, %get3A_1117] {strides = array<i32>} : memref<16x1024xf32, #tpu.memory_space<vmem>>, vector<1x16xf32>,
      %get3A_1119 = vector.shape_cast %get3A_1118 : vector<1x16xf32> to vector<16xf32>
      %add3A_1120 = arith.constant 32 : i32
      %add3A_1121 = arith.addi %add3A_1120, %scan3A_156 : i32
      %get3A_1122 = arith.index_cast %add3A_1121 : i32 to index
      %get3A_1123 = arith.constant 960 : index
      %get3A_1124 = tpu.vector_load %arg5[%get3A_1122, %get3A_1123] {strides = array<i32>} : memref<64x1024xf32, #tpu.memory_space<vmem>>, vector<1x16xf32>,
      %get3A_1125 = vector.shape_cast %get3A_1124 : vector<1x16xf32> to vector<16xf32>
      %add3A_1126 = arith.addf %get3A_1119, %get3A_1125 : vector<16xf32>
      %swap3A_1127 = arith.index_cast %scan3A_156 : i32 to index
      %swap3A_1128 = arith.constant 960 : index
      %swap3A_1129 = tpu.vector_load %arg8[%swap3A_1127, %swap3A_1128] {strides = array<i32>} : memref<16x1024xf32, #tpu.memory_space<vmem>>, vector<1x16xf32>,
      %swap3A_1130 = vector.shape_cast %swap3A_1129 : vector<1x16xf32> to vector<16xf32>
      %swap3A_1131 = vector.shape_cast %add3A_1126 : vector<16xf32> to vector<1x16xf32>
      tpu.vector_store %arg8[%swap3A_1127, %swap3A_1128], %swap3A_1131 {strides = array<i32>} : memref<16x1024xf32, #tpu.memory_space<vmem>>, vector<1x16xf32>,
      %get3A_1132 = arith.index_cast %scan3A_156 : i32 to index
      %get3A_1133 = arith.constant 976 : index
      %get3A_1134 = tpu.vector_load %arg8[%get3A_1132, %get3A_1133] {strides = array<i32>} : memref<16x1024xf32, #tpu.memory_space<vmem>>, vector<1x16xf32>,
      %get3A_1135 = vector.shape_cast %get3A_1134 : vector<1x16xf32> to vector<16xf32>
      %add3A_1136 = arith.constant 32 : i32
      %add3A_1137 = arith.addi %add3A_1136, %scan3A_156 : i32
      %get3A_1138 = arith.index_cast %add3A_1137 : i32 to index
      %get3A_1139 = arith.constant 976 : index
      %get3A_1140 = tpu.vector_load %arg5[%get3A_1138, %get3A_1139] {strides = array<i32>} : memref<64x1024xf32, #tpu.memory_space<vmem>>, vector<1x16xf32>,
      %get3A_1141 = vector.shape_cast %get3A_1140 : vector<1x16xf32> to vector<16xf32>
      %add3A_1142 = arith.addf %get3A_1135, %get3A_1141 : vector<16xf32>
      %swap3A_1143 = arith.index_cast %scan3A_156 : i32 to index
      %swap3A_1144 = arith.constant 976 : index
      %swap3A_1145 = tpu.vector_load %arg8[%swap3A_1143, %swap3A_1144] {strides = array<i32>} : memref<16x1024xf32, #tpu.memory_space<vmem>>, vector<1x16xf32>,
      %swap3A_1146 = vector.shape_cast %swap3A_1145 : vector<1x16xf32> to vector<16xf32>
      %swap3A_1147 = vector.shape_cast %add3A_1142 : vector<16xf32> to vector<1x16xf32>
      tpu.vector_store %arg8[%swap3A_1143, %swap3A_1144], %swap3A_1147 {strides = array<i32>} : memref<16x1024xf32, #tpu.memory_space<vmem>>, vector<1x16xf32>,
      %get3A_1148 = arith.index_cast %scan3A_156 : i32 to index
      %get3A_1149 = arith.constant 992 : index
      %get3A_1150 = tpu.vector_load %arg8[%get3A_1148, %get3A_1149] {strides = array<i32>} : memref<16x1024xf32, #tpu.memory_space<vmem>>, vector<1x16xf32>,
      %get3A_1151 = vector.shape_cast %get3A_1150 : vector<1x16xf32> to vector<16xf32>
      %add3A_1152 = arith.constant 32 : i32
      %add3A_1153 = arith.addi %add3A_1152, %scan3A_156 : i32
      %get3A_1154 = arith.index_cast %add3A_1153 : i32 to index
      %get3A_1155 = arith.constant 992 : index
      %get3A_1156 = tpu.vector_load %arg5[%get3A_1154, %get3A_1155] {strides = array<i32>} : memref<64x1024xf32, #tpu.memory_space<vmem>>, vector<1x16xf32>,
      %get3A_1157 = vector.shape_cast %get3A_1156 : vector<1x16xf32> to vector<16xf32>
      %add3A_1158 = arith.addf %get3A_1151, %get3A_1157 : vector<16xf32>
      %swap3A_1159 = arith.index_cast %scan3A_156 : i32 to index
      %swap3A_1160 = arith.constant 992 : index
      %swap3A_1161 = tpu.vector_load %arg8[%swap3A_1159, %swap3A_1160] {strides = array<i32>} : memref<16x1024xf32, #tpu.memory_space<vmem>>, vector<1x16xf32>,
      %swap3A_1162 = vector.shape_cast %swap3A_1161 : vector<1x16xf32> to vector<16xf32>
      %swap3A_1163 = vector.shape_cast %add3A_1158 : vector<16xf32> to vector<1x16xf32>
      tpu.vector_store %arg8[%swap3A_1159, %swap3A_1160], %swap3A_1163 {strides = array<i32>} : memref<16x1024xf32, #tpu.memory_space<vmem>>, vector<1x16xf32>,
      %get3A_1164 = arith.index_cast %scan3A_156 : i32 to index
      %get3A_1165 = arith.constant 1008 : index
      %get3A_1166 = tpu.vector_load %arg8[%get3A_1164, %get3A_1165] {strides = array<i32>} : memref<16x1024xf32, #tpu.memory_space<vmem>>, vector<1x16xf32>,
      %get3A_1167 = vector.shape_cast %get3A_1166 : vector<1x16xf32> to vector<16xf32>
      %add3A_1168 = arith.constant 32 : i32
      %add3A_1169 = arith.addi %add3A_1168, %scan3A_156 : i32
      %get3A_1170 = arith.index_cast %add3A_1169 : i32 to index
      %get3A_1171 = arith.constant 1008 : index
      %get3A_1172 = tpu.vector_load %arg5[%get3A_1170, %get3A_1171] {strides = array<i32>} : memref<64x1024xf32, #tpu.memory_space<vmem>>, vector<1x16xf32>,
      %get3A_1173 = vector.shape_cast %get3A_1172 : vector<1x16xf32> to vector<16xf32>
      %add3A_1174 = arith.addf %get3A_1167, %get3A_1173 : vector<16xf32>
      %swap3A_1175 = arith.index_cast %scan3A_156 : i32 to index
      %swap3A_1176 = arith.constant 1008 : index
      %swap3A_1177 = tpu.vector_load %arg8[%swap3A_1175, %swap3A_1176] {strides = array<i32>} : memref<16x1024xf32, #tpu.memory_space<vmem>>, vector<1x16xf32>,
      %swap3A_1178 = vector.shape_cast %swap3A_1177 : vector<1x16xf32> to vector<16xf32>
      %swap3A_1179 = vector.shape_cast %add3A_1174 : vector<16xf32> to vector<1x16xf32>
      tpu.vector_store %arg8[%swap3A_1175, %swap3A_1176], %swap3A_1179 {strides = array<i32>} : memref<16x1024xf32, #tpu.memory_space<vmem>>, vector<1x16xf32>,
      %scan3A_1180 = arith.constant 0 : i32
      scf.yield %scan3A_1180 : i32
    }
    %scan3A_100 = arith.constant 16 : i32
    %add3A_101 = arith.constant 0 : i32
    %add3A_102 = arith.addi %add3A_101, %mul3A_2 : i32
    %add3A_103 = arith.constant 32 : i32
    %add3A_104 = arith.addi %add3A_102, %add3A_103 : i32
    %dma_start3A_105 = arith.constant 0 : i32
    %dma_start3A_106 = tpu.memref_slice %arg4[%add3A_104, %dma_start3A_105] : memref<2048x1024xf32, #tpu.memory_space<hbm>> -> memref<16x1024xf32, #tpu.memory_space<hbm>>
    %dma_start3A_107 = arith.constant 0 : i32
    %dma_start3A_108 = tpu.memref_slice %arg4[%add3A_104, %dma_start3A_107] : memref<2048x1024xf32, #tpu.memory_space<hbm>> -> memref<16x1024xf32, #tpu.memory_space<hbm>>
    tpu.enqueue_dma source(%arg8 : memref<16x1024xf32, #tpu.memory_space<vmem>>) target(%dma_start3A_108 : memref<16x1024xf32, #tpu.memory_space<hbm>>) target_semaphore(%arg14 : memref<!tpu.dma_semaphore, #tpu.memory_space<semaphore_mem>>)
    %add3A_109 = arith.constant 6144 : i32
    %add3A_110 = arith.addi %add3A_109, %mul3A_2 : i32
    %add3A_111 = arith.constant 48 : i32
    %add3A_112 = arith.addi %add3A_110, %add3A_111 : i32
    %dma_wait3A_113 = arith.constant 0 : i32
    %dma_wait3A_114 = tpu.memref_slice %arg2[%add3A_112, %dma_wait3A_113] : memref<8192x1024xf32, #tpu.memory_space<hbm>> -> memref<16x1024xf32, #tpu.memory_space<hbm>>
    %dma_wait3A_115 = arith.constant 0 : i32
    %dma_wait3A_116 = tpu.memref_slice %arg2[%add3A_112, %dma_wait3A_115] : memref<8192x1024xf32, #tpu.memory_space<hbm>> -> memref<16x1024xf32, #tpu.memory_space<hbm>>
    tpu.wait_dma2 semaphore(%arg9 : memref<!tpu.dma_semaphore, #tpu.memory_space<semaphore_mem>>) src(%dma_wait3A_116 : memref<16x1024xf32, #tpu.memory_space<hbm>>) dst(%arg6 : memref<16x1024xf32, #tpu.memory_space<vmem>>)
    %scan3A_117 = arith.constant 0 : i32
    %scan3A_118 = arith.constant 0 : i32
    %scan3A_119 = arith.constant 16 : i32
    %scan3A_120 = arith.addi %scan3A_118, %scan3A_119 : i32
    %scan3A_121 = arith.constant 1 : i32
    %scan3A_122 = scf.for %scan3A_156 = %scan3A_118 to %scan3A_120 step %scan3A_121 iter_args(%scan3A_157 = %scan3A_117) -> (i32)  : i32 {
      %get3A = arith.index_cast %scan3A_156 : i32 to index
      %get3A_158 = arith.constant 0 : index
      %get3A_159 = tpu.vector_load %arg6[%get3A, %get3A_158] {strides = array<i32>} : memref<16x1024xf32, #tpu.memory_space<vmem>>, vector<1x16xf32>,
      %get3A_160 = vector.shape_cast %get3A_159 : vector<1x16xf32> to vector<16xf32>
      %add3A_161 = arith.constant 48 : i32
      %add3A_162 = arith.addi %add3A_161, %scan3A_156 : i32
      %get3A_163 = arith.index_cast %add3A_162 : i32 to index
      %get3A_164 = arith.constant 0 : index
      %get3A_165 = tpu.vector_load %arg5[%get3A_163, %get3A_164] {strides = array<i32>} : memref<64x1024xf32, #tpu.memory_space<vmem>>, vector<1x16xf32>,
      %get3A_166 = vector.shape_cast %get3A_165 : vector<1x16xf32> to vector<16xf32>
      %add3A_167 = arith.addf %get3A_160, %get3A_166 : vector<16xf32>
      %swap3A = arith.index_cast %scan3A_156 : i32 to index
      %swap3A_168 = arith.constant 0 : index
      %swap3A_169 = tpu.vector_load %arg6[%swap3A, %swap3A_168] {strides = array<i32>} : memref<16x1024xf32, #tpu.memory_space<vmem>>, vector<1x16xf32>,
      %swap3A_170 = vector.shape_cast %swap3A_169 : vector<1x16xf32> to vector<16xf32>
      %swap3A_171 = vector.shape_cast %add3A_167 : vector<16xf32> to vector<1x16xf32>
      tpu.vector_store %arg6[%swap3A, %swap3A_168], %swap3A_171 {strides = array<i32>} : memref<16x1024xf32, #tpu.memory_space<vmem>>, vector<1x16xf32>,
      %get3A_172 = arith.index_cast %scan3A_156 : i32 to index
      %get3A_173 = arith.constant 16 : index
      %get3A_174 = tpu.vector_load %arg6[%get3A_172, %get3A_173] {strides = array<i32>} : memref<16x1024xf32, #tpu.memory_space<vmem>>, vector<1x16xf32>,
      %get3A_175 = vector.shape_cast %get3A_174 : vector<1x16xf32> to vector<16xf32>
      %add3A_176 = arith.constant 48 : i32
      %add3A_177 = arith.addi %add3A_176, %scan3A_156 : i32
      %get3A_178 = arith.index_cast %add3A_177 : i32 to index
      %get3A_179 = arith.constant 16 : index
      %get3A_180 = tpu.vector_load %arg5[%get3A_178, %get3A_179] {strides = array<i32>} : memref<64x1024xf32, #tpu.memory_space<vmem>>, vector<1x16xf32>,
      %get3A_181 = vector.shape_cast %get3A_180 : vector<1x16xf32> to vector<16xf32>
      %add3A_182 = arith.addf %get3A_175, %get3A_181 : vector<16xf32>
      %swap3A_183 = arith.index_cast %scan3A_156 : i32 to index
      %swap3A_184 = arith.constant 16 : index
      %swap3A_185 = tpu.vector_load %arg6[%swap3A_183, %swap3A_184] {strides = array<i32>} : memref<16x1024xf32, #tpu.memory_space<vmem>>, vector<1x16xf32>,
      %swap3A_186 = vector.shape_cast %swap3A_185 : vector<1x16xf32> to vector<16xf32>
      %swap3A_187 = vector.shape_cast %add3A_182 : vector<16xf32> to vector<1x16xf32>
      tpu.vector_store %arg6[%swap3A_183, %swap3A_184], %swap3A_187 {strides = array<i32>} : memref<16x1024xf32, #tpu.memory_space<vmem>>, vector<1x16xf32>,
      %get3A_188 = arith.index_cast %scan3A_156 : i32 to index
      %get3A_189 = arith.constant 32 : index
      %get3A_190 = tpu.vector_load %arg6[%get3A_188, %get3A_189] {strides = array<i32>} : memref<16x1024xf32, #tpu.memory_space<vmem>>, vector<1x16xf32>,
      %get3A_191 = vector.shape_cast %get3A_190 : vector<1x16xf32> to vector<16xf32>
      %add3A_192 = arith.constant 48 : i32
      %add3A_193 = arith.addi %add3A_192, %scan3A_156 : i32
      %get3A_194 = arith.index_cast %add3A_193 : i32 to index
      %get3A_195 = arith.constant 32 : index
      %get3A_196 = tpu.vector_load %arg5[%get3A_194, %get3A_195] {strides = array<i32>} : memref<64x1024xf32, #tpu.memory_space<vmem>>, vector<1x16xf32>,
      %get3A_197 = vector.shape_cast %get3A_196 : vector<1x16xf32> to vector<16xf32>
      %add3A_198 = arith.addf %get3A_191, %get3A_197 : vector<16xf32>
      %swap3A_199 = arith.index_cast %scan3A_156 : i32 to index
      %swap3A_200 = arith.constant 32 : index
      %swap3A_201 = tpu.vector_load %arg6[%swap3A_199, %swap3A_200] {strides = array<i32>} : memref<16x1024xf32, #tpu.memory_space<vmem>>, vector<1x16xf32>,
      %swap3A_202 = vector.shape_cast %swap3A_201 : vector<1x16xf32> to vector<16xf32>
      %swap3A_203 = vector.shape_cast %add3A_198 : vector<16xf32> to vector<1x16xf32>
      tpu.vector_store %arg6[%swap3A_199, %swap3A_200], %swap3A_203 {strides = array<i32>} : memref<16x1024xf32, #tpu.memory_space<vmem>>, vector<1x16xf32>,
      %get3A_204 = arith.index_cast %scan3A_156 : i32 to index
      %get3A_205 = arith.constant 48 : index
      %get3A_206 = tpu.vector_load %arg6[%get3A_204, %get3A_205] {strides = array<i32>} : memref<16x1024xf32, #tpu.memory_space<vmem>>, vector<1x16xf32>,
      %get3A_207 = vector.shape_cast %get3A_206 : vector<1x16xf32> to vector<16xf32>
      %add3A_208 = arith.constant 48 : i32
      %add3A_209 = arith.addi %add3A_208, %scan3A_156 : i32
      %get3A_210 = arith.index_cast %add3A_209 : i32 to index
      %get3A_211 = arith.constant 48 : index
      %get3A_212 = tpu.vector_load %arg5[%get3A_210, %get3A_211] {strides = array<i32>} : memref<64x1024xf32, #tpu.memory_space<vmem>>, vector<1x16xf32>,
      %get3A_213 = vector.shape_cast %get3A_212 : vector<1x16xf32> to vector<16xf32>
      %add3A_214 = arith.addf %get3A_207, %get3A_213 : vector<16xf32>
      %swap3A_215 = arith.index_cast %scan3A_156 : i32 to index
      %swap3A_216 = arith.constant 48 : index
      %swap3A_217 = tpu.vector_load %arg6[%swap3A_215, %swap3A_216] {strides = array<i32>} : memref<16x1024xf32, #tpu.memory_space<vmem>>, vector<1x16xf32>,
      %swap3A_218 = vector.shape_cast %swap3A_217 : vector<1x16xf32> to vector<16xf32>
      %swap3A_219 = vector.shape_cast %add3A_214 : vector<16xf32> to vector<1x16xf32>
      tpu.vector_store %arg6[%swap3A_215, %swap3A_216], %swap3A_219 {strides = array<i32>} : memref<16x1024xf32, #tpu.memory_space<vmem>>, vector<1x16xf32>,
      %get3A_220 = arith.index_cast %scan3A_156 : i32 to index
      %get3A_221 = arith.constant 64 : index
      %get3A_222 = tpu.vector_load %arg6[%get3A_220, %get3A_221] {strides = array<i32>} : memref<16x1024xf32, #tpu.memory_space<vmem>>, vector<1x16xf32>,
      %get3A_223 = vector.shape_cast %get3A_222 : vector<1x16xf32> to vector<16xf32>
      %add3A_224 = arith.constant 48 : i32
      %add3A_225 = arith.addi %add3A_224, %scan3A_156 : i32
      %get3A_226 = arith.index_cast %add3A_225 : i32 to index
      %get3A_227 = arith.constant 64 : index
      %get3A_228 = tpu.vector_load %arg5[%get3A_226, %get3A_227] {strides = array<i32>} : memref<64x1024xf32, #tpu.memory_space<vmem>>, vector<1x16xf32>,
      %get3A_229 = vector.shape_cast %get3A_228 : vector<1x16xf32> to vector<16xf32>
      %add3A_230 = arith.addf %get3A_223, %get3A_229 : vector<16xf32>
      %swap3A_231 = arith.index_cast %scan3A_156 : i32 to index
      %swap3A_232 = arith.constant 64 : index
      %swap3A_233 = tpu.vector_load %arg6[%swap3A_231, %swap3A_232] {strides = array<i32>} : memref<16x1024xf32, #tpu.memory_space<vmem>>, vector<1x16xf32>,
      %swap3A_234 = vector.shape_cast %swap3A_233 : vector<1x16xf32> to vector<16xf32>
      %swap3A_235 = vector.shape_cast %add3A_230 : vector<16xf32> to vector<1x16xf32>
      tpu.vector_store %arg6[%swap3A_231, %swap3A_232], %swap3A_235 {strides = array<i32>} : memref<16x1024xf32, #tpu.memory_space<vmem>>, vector<1x16xf32>,
      %get3A_236 = arith.index_cast %scan3A_156 : i32 to index
      %get3A_237 = arith.constant 80 : index
      %get3A_238 = tpu.vector_load %arg6[%get3A_236, %get3A_237] {strides = array<i32>} : memref<16x1024xf32, #tpu.memory_space<vmem>>, vector<1x16xf32>,
      %get3A_239 = vector.shape_cast %get3A_238 : vector<1x16xf32> to vector<16xf32>
      %add3A_240 = arith.constant 48 : i32
      %add3A_241 = arith.addi %add3A_240, %scan3A_156 : i32
      %get3A_242 = arith.index_cast %add3A_241 : i32 to index
      %get3A_243 = arith.constant 80 : index
      %get3A_244 = tpu.vector_load %arg5[%get3A_242, %get3A_243] {strides = array<i32>} : memref<64x1024xf32, #tpu.memory_space<vmem>>, vector<1x16xf32>,
      %get3A_245 = vector.shape_cast %get3A_244 : vector<1x16xf32> to vector<16xf32>
      %add3A_246 = arith.addf %get3A_239, %get3A_245 : vector<16xf32>
      %swap3A_247 = arith.index_cast %scan3A_156 : i32 to index
      %swap3A_248 = arith.constant 80 : index
      %swap3A_249 = tpu.vector_load %arg6[%swap3A_247, %swap3A_248] {strides = array<i32>} : memref<16x1024xf32, #tpu.memory_space<vmem>>, vector<1x16xf32>,
      %swap3A_250 = vector.shape_cast %swap3A_249 : vector<1x16xf32> to vector<16xf32>
      %swap3A_251 = vector.shape_cast %add3A_246 : vector<16xf32> to vector<1x16xf32>
      tpu.vector_store %arg6[%swap3A_247, %swap3A_248], %swap3A_251 {strides = array<i32>} : memref<16x1024xf32, #tpu.memory_space<vmem>>, vector<1x16xf32>,
      %get3A_252 = arith.index_cast %scan3A_156 : i32 to index
      %get3A_253 = arith.constant 96 : index
      %get3A_254 = tpu.vector_load %arg6[%get3A_252, %get3A_253] {strides = array<i32>} : memref<16x1024xf32, #tpu.memory_space<vmem>>, vector<1x16xf32>,
      %get3A_255 = vector.shape_cast %get3A_254 : vector<1x16xf32> to vector<16xf32>
      %add3A_256 = arith.constant 48 : i32
      %add3A_257 = arith.addi %add3A_256, %scan3A_156 : i32
      %get3A_258 = arith.index_cast %add3A_257 : i32 to index
      %get3A_259 = arith.constant 96 : index
      %get3A_260 = tpu.vector_load %arg5[%get3A_258, %get3A_259] {strides = array<i32>} : memref<64x1024xf32, #tpu.memory_space<vmem>>, vector<1x16xf32>,
      %get3A_261 = vector.shape_cast %get3A_260 : vector<1x16xf32> to vector<16xf32>
      %add3A_262 = arith.addf %get3A_255, %get3A_261 : vector<16xf32>
      %swap3A_263 = arith.index_cast %scan3A_156 : i32 to index
      %swap3A_264 = arith.constant 96 : index
      %swap3A_265 = tpu.vector_load %arg6[%swap3A_263, %swap3A_264] {strides = array<i32>} : memref<16x1024xf32, #tpu.memory_space<vmem>>, vector<1x16xf32>,
      %swap3A_266 = vector.shape_cast %swap3A_265 : vector<1x16xf32> to vector<16xf32>
      %swap3A_267 = vector.shape_cast %add3A_262 : vector<16xf32> to vector<1x16xf32>
      tpu.vector_store %arg6[%swap3A_263, %swap3A_264], %swap3A_267 {strides = array<i32>} : memref<16x1024xf32, #tpu.memory_space<vmem>>, vector<1x16xf32>,
      %get3A_268 = arith.index_cast %scan3A_156 : i32 to index
      %get3A_269 = arith.constant 112 : index
      %get3A_270 = tpu.vector_load %arg6[%get3A_268, %get3A_269] {strides = array<i32>} : memref<16x1024xf32, #tpu.memory_space<vmem>>, vector<1x16xf32>,
      %get3A_271 = vector.shape_cast %get3A_270 : vector<1x16xf32> to vector<16xf32>
      %add3A_272 = arith.constant 48 : i32
      %add3A_273 = arith.addi %add3A_272, %scan3A_156 : i32
      %get3A_274 = arith.index_cast %add3A_273 : i32 to index
      %get3A_275 = arith.constant 112 : index
      %get3A_276 = tpu.vector_load %arg5[%get3A_274, %get3A_275] {strides = array<i32>} : memref<64x1024xf32, #tpu.memory_space<vmem>>, vector<1x16xf32>,
      %get3A_277 = vector.shape_cast %get3A_276 : vector<1x16xf32> to vector<16xf32>
      %add3A_278 = arith.addf %get3A_271, %get3A_277 : vector<16xf32>
      %swap3A_279 = arith.index_cast %scan3A_156 : i32 to index
      %swap3A_280 = arith.constant 112 : index
      %swap3A_281 = tpu.vector_load %arg6[%swap3A_279, %swap3A_280] {strides = array<i32>} : memref<16x1024xf32, #tpu.memory_space<vmem>>, vector<1x16xf32>,
      %swap3A_282 = vector.shape_cast %swap3A_281 : vector<1x16xf32> to vector<16xf32>
      %swap3A_283 = vector.shape_cast %add3A_278 : vector<16xf32> to vector<1x16xf32>
      tpu.vector_store %arg6[%swap3A_279, %swap3A_280], %swap3A_283 {strides = array<i32>} : memref<16x1024xf32, #tpu.memory_space<vmem>>, vector<1x16xf32>,
      %get3A_284 = arith.index_cast %scan3A_156 : i32 to index
      %get3A_285 = arith.constant 128 : index
      %get3A_286 = tpu.vector_load %arg6[%get3A_284, %get3A_285] {strides = array<i32>} : memref<16x1024xf32, #tpu.memory_space<vmem>>, vector<1x16xf32>,
      %get3A_287 = vector.shape_cast %get3A_286 : vector<1x16xf32> to vector<16xf32>
      %add3A_288 = arith.constant 48 : i32
      %add3A_289 = arith.addi %add3A_288, %scan3A_156 : i32
      %get3A_290 = arith.index_cast %add3A_289 : i32 to index
      %get3A_291 = arith.constant 128 : index
      %get3A_292 = tpu.vector_load %arg5[%get3A_290, %get3A_291] {strides = array<i32>} : memref<64x1024xf32, #tpu.memory_space<vmem>>, vector<1x16xf32>,
      %get3A_293 = vector.shape_cast %get3A_292 : vector<1x16xf32> to vector<16xf32>
      %add3A_294 = arith.addf %get3A_287, %get3A_293 : vector<16xf32>
      %swap3A_295 = arith.index_cast %scan3A_156 : i32 to index
      %swap3A_296 = arith.constant 128 : index
      %swap3A_297 = tpu.vector_load %arg6[%swap3A_295, %swap3A_296] {strides = array<i32>} : memref<16x1024xf32, #tpu.memory_space<vmem>>, vector<1x16xf32>,
      %swap3A_298 = vector.shape_cast %swap3A_297 : vector<1x16xf32> to vector<16xf32>
      %swap3A_299 = vector.shape_cast %add3A_294 : vector<16xf32> to vector<1x16xf32>
      tpu.vector_store %arg6[%swap3A_295, %swap3A_296], %swap3A_299 {strides = array<i32>} : memref<16x1024xf32, #tpu.memory_space<vmem>>, vector<1x16xf32>,
      %get3A_300 = arith.index_cast %scan3A_156 : i32 to index
      %get3A_301 = arith.constant 144 : index
      %get3A_302 = tpu.vector_load %arg6[%get3A_300, %get3A_301] {strides = array<i32>} : memref<16x1024xf32, #tpu.memory_space<vmem>>, vector<1x16xf32>,
      %get3A_303 = vector.shape_cast %get3A_302 : vector<1x16xf32> to vector<16xf32>
      %add3A_304 = arith.constant 48 : i32
      %add3A_305 = arith.addi %add3A_304, %scan3A_156 : i32
      %get3A_306 = arith.index_cast %add3A_305 : i32 to index
      %get3A_307 = arith.constant 144 : index
      %get3A_308 = tpu.vector_load %arg5[%get3A_306, %get3A_307] {strides = array<i32>} : memref<64x1024xf32, #tpu.memory_space<vmem>>, vector<1x16xf32>,
      %get3A_309 = vector.shape_cast %get3A_308 : vector<1x16xf32> to vector<16xf32>
      %add3A_310 = arith.addf %get3A_303, %get3A_309 : vector<16xf32>
      %swap3A_311 = arith.index_cast %scan3A_156 : i32 to index
      %swap3A_312 = arith.constant 144 : index
      %swap3A_313 = tpu.vector_load %arg6[%swap3A_311, %swap3A_312] {strides = array<i32>} : memref<16x1024xf32, #tpu.memory_space<vmem>>, vector<1x16xf32>,
      %swap3A_314 = vector.shape_cast %swap3A_313 : vector<1x16xf32> to vector<16xf32>
      %swap3A_315 = vector.shape_cast %add3A_310 : vector<16xf32> to vector<1x16xf32>
      tpu.vector_store %arg6[%swap3A_311, %swap3A_312], %swap3A_315 {strides = array<i32>} : memref<16x1024xf32, #tpu.memory_space<vmem>>, vector<1x16xf32>,
      %get3A_316 = arith.index_cast %scan3A_156 : i32 to index
      %get3A_317 = arith.constant 160 : index
      %get3A_318 = tpu.vector_load %arg6[%get3A_316, %get3A_317] {strides = array<i32>} : memref<16x1024xf32, #tpu.memory_space<vmem>>, vector<1x16xf32>,
      %get3A_319 = vector.shape_cast %get3A_318 : vector<1x16xf32> to vector<16xf32>
      %add3A_320 = arith.constant 48 : i32
      %add3A_321 = arith.addi %add3A_320, %scan3A_156 : i32
      %get3A_322 = arith.index_cast %add3A_321 : i32 to index
      %get3A_323 = arith.constant 160 : index
      %get3A_324 = tpu.vector_load %arg5[%get3A_322, %get3A_323] {strides = array<i32>} : memref<64x1024xf32, #tpu.memory_space<vmem>>, vector<1x16xf32>,
      %get3A_325 = vector.shape_cast %get3A_324 : vector<1x16xf32> to vector<16xf32>
      %add3A_326 = arith.addf %get3A_319, %get3A_325 : vector<16xf32>
      %swap3A_327 = arith.index_cast %scan3A_156 : i32 to index
      %swap3A_328 = arith.constant 160 : index
      %swap3A_329 = tpu.vector_load %arg6[%swap3A_327, %swap3A_328] {strides = array<i32>} : memref<16x1024xf32, #tpu.memory_space<vmem>>, vector<1x16xf32>,
      %swap3A_330 = vector.shape_cast %swap3A_329 : vector<1x16xf32> to vector<16xf32>
      %swap3A_331 = vector.shape_cast %add3A_326 : vector<16xf32> to vector<1x16xf32>
      tpu.vector_store %arg6[%swap3A_327, %swap3A_328], %swap3A_331 {strides = array<i32>} : memref<16x1024xf32, #tpu.memory_space<vmem>>, vector<1x16xf32>,
      %get3A_332 = arith.index_cast %scan3A_156 : i32 to index
      %get3A_333 = arith.constant 176 : index
      %get3A_334 = tpu.vector_load %arg6[%get3A_332, %get3A_333] {strides = array<i32>} : memref<16x1024xf32, #tpu.memory_space<vmem>>, vector<1x16xf32>,
      %get3A_335 = vector.shape_cast %get3A_334 : vector<1x16xf32> to vector<16xf32>
      %add3A_336 = arith.constant 48 : i32
      %add3A_337 = arith.addi %add3A_336, %scan3A_156 : i32
      %get3A_338 = arith.index_cast %add3A_337 : i32 to index
      %get3A_339 = arith.constant 176 : index
      %get3A_340 = tpu.vector_load %arg5[%get3A_338, %get3A_339] {strides = array<i32>} : memref<64x1024xf32, #tpu.memory_space<vmem>>, vector<1x16xf32>,
      %get3A_341 = vector.shape_cast %get3A_340 : vector<1x16xf32> to vector<16xf32>
      %add3A_342 = arith.addf %get3A_335, %get3A_341 : vector<16xf32>
      %swap3A_343 = arith.index_cast %scan3A_156 : i32 to index
      %swap3A_344 = arith.constant 176 : index
      %swap3A_345 = tpu.vector_load %arg6[%swap3A_343, %swap3A_344] {strides = array<i32>} : memref<16x1024xf32, #tpu.memory_space<vmem>>, vector<1x16xf32>,
      %swap3A_346 = vector.shape_cast %swap3A_345 : vector<1x16xf32> to vector<16xf32>
      %swap3A_347 = vector.shape_cast %add3A_342 : vector<16xf32> to vector<1x16xf32>
      tpu.vector_store %arg6[%swap3A_343, %swap3A_344], %swap3A_347 {strides = array<i32>} : memref<16x1024xf32, #tpu.memory_space<vmem>>, vector<1x16xf32>,
      %get3A_348 = arith.index_cast %scan3A_156 : i32 to index
      %get3A_349 = arith.constant 192 : index
      %get3A_350 = tpu.vector_load %arg6[%get3A_348, %get3A_349] {strides = array<i32>} : memref<16x1024xf32, #tpu.memory_space<vmem>>, vector<1x16xf32>,
      %get3A_351 = vector.shape_cast %get3A_350 : vector<1x16xf32> to vector<16xf32>
      %add3A_352 = arith.constant 48 : i32
      %add3A_353 = arith.addi %add3A_352, %scan3A_156 : i32
      %get3A_354 = arith.index_cast %add3A_353 : i32 to index
      %get3A_355 = arith.constant 192 : index
      %get3A_356 = tpu.vector_load %arg5[%get3A_354, %get3A_355] {strides = array<i32>} : memref<64x1024xf32, #tpu.memory_space<vmem>>, vector<1x16xf32>,
      %get3A_357 = vector.shape_cast %get3A_356 : vector<1x16xf32> to vector<16xf32>
      %add3A_358 = arith.addf %get3A_351, %get3A_357 : vector<16xf32>
      %swap3A_359 = arith.index_cast %scan3A_156 : i32 to index
      %swap3A_360 = arith.constant 192 : index
      %swap3A_361 = tpu.vector_load %arg6[%swap3A_359, %swap3A_360] {strides = array<i32>} : memref<16x1024xf32, #tpu.memory_space<vmem>>, vector<1x16xf32>,
      %swap3A_362 = vector.shape_cast %swap3A_361 : vector<1x16xf32> to vector<16xf32>
      %swap3A_363 = vector.shape_cast %add3A_358 : vector<16xf32> to vector<1x16xf32>
      tpu.vector_store %arg6[%swap3A_359, %swap3A_360], %swap3A_363 {strides = array<i32>} : memref<16x1024xf32, #tpu.memory_space<vmem>>, vector<1x16xf32>,
      %get3A_364 = arith.index_cast %scan3A_156 : i32 to index
      %get3A_365 = arith.constant 208 : index
      %get3A_366 = tpu.vector_load %arg6[%get3A_364, %get3A_365] {strides = array<i32>} : memref<16x1024xf32, #tpu.memory_space<vmem>>, vector<1x16xf32>,
      %get3A_367 = vector.shape_cast %get3A_366 : vector<1x16xf32> to vector<16xf32>
      %add3A_368 = arith.constant 48 : i32
      %add3A_369 = arith.addi %add3A_368, %scan3A_156 : i32
      %get3A_370 = arith.index_cast %add3A_369 : i32 to index
      %get3A_371 = arith.constant 208 : index
      %get3A_372 = tpu.vector_load %arg5[%get3A_370, %get3A_371] {strides = array<i32>} : memref<64x1024xf32, #tpu.memory_space<vmem>>, vector<1x16xf32>,
      %get3A_373 = vector.shape_cast %get3A_372 : vector<1x16xf32> to vector<16xf32>
      %add3A_374 = arith.addf %get3A_367, %get3A_373 : vector<16xf32>
      %swap3A_375 = arith.index_cast %scan3A_156 : i32 to index
      %swap3A_376 = arith.constant 208 : index
      %swap3A_377 = tpu.vector_load %arg6[%swap3A_375, %swap3A_376] {strides = array<i32>} : memref<16x1024xf32, #tpu.memory_space<vmem>>, vector<1x16xf32>,
      %swap3A_378 = vector.shape_cast %swap3A_377 : vector<1x16xf32> to vector<16xf32>
      %swap3A_379 = vector.shape_cast %add3A_374 : vector<16xf32> to vector<1x16xf32>
      tpu.vector_store %arg6[%swap3A_375, %swap3A_376], %swap3A_379 {strides = array<i32>} : memref<16x1024xf32, #tpu.memory_space<vmem>>, vector<1x16xf32>,
      %get3A_380 = arith.index_cast %scan3A_156 : i32 to index
      %get3A_381 = arith.constant 224 : index
      %get3A_382 = tpu.vector_load %arg6[%get3A_380, %get3A_381] {strides = array<i32>} : memref<16x1024xf32, #tpu.memory_space<vmem>>, vector<1x16xf32>,
      %get3A_383 = vector.shape_cast %get3A_382 : vector<1x16xf32> to vector<16xf32>
      %add3A_384 = arith.constant 48 : i32
      %add3A_385 = arith.addi %add3A_384, %scan3A_156 : i32
      %get3A_386 = arith.index_cast %add3A_385 : i32 to index
      %get3A_387 = arith.constant 224 : index
      %get3A_388 = tpu.vector_load %arg5[%get3A_386, %get3A_387] {strides = array<i32>} : memref<64x1024xf32, #tpu.memory_space<vmem>>, vector<1x16xf32>,
      %get3A_389 = vector.shape_cast %get3A_388 : vector<1x16xf32> to vector<16xf32>
      %add3A_390 = arith.addf %get3A_383, %get3A_389 : vector<16xf32>
      %swap3A_391 = arith.index_cast %scan3A_156 : i32 to index
      %swap3A_392 = arith.constant 224 : index
      %swap3A_393 = tpu.vector_load %arg6[%swap3A_391, %swap3A_392] {strides = array<i32>} : memref<16x1024xf32, #tpu.memory_space<vmem>>, vector<1x16xf32>,
      %swap3A_394 = vector.shape_cast %swap3A_393 : vector<1x16xf32> to vector<16xf32>
      %swap3A_395 = vector.shape_cast %add3A_390 : vector<16xf32> to vector<1x16xf32>
      tpu.vector_store %arg6[%swap3A_391, %swap3A_392], %swap3A_395 {strides = array<i32>} : memref<16x1024xf32, #tpu.memory_space<vmem>>, vector<1x16xf32>,
      %get3A_396 = arith.index_cast %scan3A_156 : i32 to index
      %get3A_397 = arith.constant 240 : index
      %get3A_398 = tpu.vector_load %arg6[%get3A_396, %get3A_397] {strides = array<i32>} : memref<16x1024xf32, #tpu.memory_space<vmem>>, vector<1x16xf32>,
      %get3A_399 = vector.shape_cast %get3A_398 : vector<1x16xf32> to vector<16xf32>
      %add3A_400 = arith.constant 48 : i32
      %add3A_401 = arith.addi %add3A_400, %scan3A_156 : i32
      %get3A_402 = arith.index_cast %add3A_401 : i32 to index
      %get3A_403 = arith.constant 240 : index
      %get3A_404 = tpu.vector_load %arg5[%get3A_402, %get3A_403] {strides = array<i32>} : memref<64x1024xf32, #tpu.memory_space<vmem>>, vector<1x16xf32>,
      %get3A_405 = vector.shape_cast %get3A_404 : vector<1x16xf32> to vector<16xf32>
      %add3A_406 = arith.addf %get3A_399, %get3A_405 : vector<16xf32>
      %swap3A_407 = arith.index_cast %scan3A_156 : i32 to index
      %swap3A_408 = arith.constant 240 : index
      %swap3A_409 = tpu.vector_load %arg6[%swap3A_407, %swap3A_408] {strides = array<i32>} : memref<16x1024xf32, #tpu.memory_space<vmem>>, vector<1x16xf32>,
      %swap3A_410 = vector.shape_cast %swap3A_409 : vector<1x16xf32> to vector<16xf32>
      %swap3A_411 = vector.shape_cast %add3A_406 : vector<16xf32> to vector<1x16xf32>
      tpu.vector_store %arg6[%swap3A_407, %swap3A_408], %swap3A_411 {strides = array<i32>} : memref<16x1024xf32, #tpu.memory_space<vmem>>, vector<1x16xf32>,
      %get3A_412 = arith.index_cast %scan3A_156 : i32 to index
      %get3A_413 = arith.constant 256 : index
      %get3A_414 = tpu.vector_load %arg6[%get3A_412, %get3A_413] {strides = array<i32>} : memref<16x1024xf32, #tpu.memory_space<vmem>>, vector<1x16xf32>,
      %get3A_415 = vector.shape_cast %get3A_414 : vector<1x16xf32> to vector<16xf32>
      %add3A_416 = arith.constant 48 : i32
      %add3A_417 = arith.addi %add3A_416, %scan3A_156 : i32
      %get3A_418 = arith.index_cast %add3A_417 : i32 to index
      %get3A_419 = arith.constant 256 : index
      %get3A_420 = tpu.vector_load %arg5[%get3A_418, %get3A_419] {strides = array<i32>} : memref<64x1024xf32, #tpu.memory_space<vmem>>, vector<1x16xf32>,
      %get3A_421 = vector.shape_cast %get3A_420 : vector<1x16xf32> to vector<16xf32>
      %add3A_422 = arith.addf %get3A_415, %get3A_421 : vector<16xf32>
      %swap3A_423 = arith.index_cast %scan3A_156 : i32 to index
      %swap3A_424 = arith.constant 256 : index
      %swap3A_425 = tpu.vector_load %arg6[%swap3A_423, %swap3A_424] {strides = array<i32>} : memref<16x1024xf32, #tpu.memory_space<vmem>>, vector<1x16xf32>,
      %swap3A_426 = vector.shape_cast %swap3A_425 : vector<1x16xf32> to vector<16xf32>
      %swap3A_427 = vector.shape_cast %add3A_422 : vector<16xf32> to vector<1x16xf32>
      tpu.vector_store %arg6[%swap3A_423, %swap3A_424], %swap3A_427 {strides = array<i32>} : memref<16x1024xf32, #tpu.memory_space<vmem>>, vector<1x16xf32>,
      %get3A_428 = arith.index_cast %scan3A_156 : i32 to index
      %get3A_429 = arith.constant 272 : index
      %get3A_430 = tpu.vector_load %arg6[%get3A_428, %get3A_429] {strides = array<i32>} : memref<16x1024xf32, #tpu.memory_space<vmem>>, vector<1x16xf32>,
      %get3A_431 = vector.shape_cast %get3A_430 : vector<1x16xf32> to vector<16xf32>
      %add3A_432 = arith.constant 48 : i32
      %add3A_433 = arith.addi %add3A_432, %scan3A_156 : i32
      %get3A_434 = arith.index_cast %add3A_433 : i32 to index
      %get3A_435 = arith.constant 272 : index
      %get3A_436 = tpu.vector_load %arg5[%get3A_434, %get3A_435] {strides = array<i32>} : memref<64x1024xf32, #tpu.memory_space<vmem>>, vector<1x16xf32>,
      %get3A_437 = vector.shape_cast %get3A_436 : vector<1x16xf32> to vector<16xf32>
      %add3A_438 = arith.addf %get3A_431, %get3A_437 : vector<16xf32>
      %swap3A_439 = arith.index_cast %scan3A_156 : i32 to index
      %swap3A_440 = arith.constant 272 : index
      %swap3A_441 = tpu.vector_load %arg6[%swap3A_439, %swap3A_440] {strides = array<i32>} : memref<16x1024xf32, #tpu.memory_space<vmem>>, vector<1x16xf32>,
      %swap3A_442 = vector.shape_cast %swap3A_441 : vector<1x16xf32> to vector<16xf32>
      %swap3A_443 = vector.shape_cast %add3A_438 : vector<16xf32> to vector<1x16xf32>
      tpu.vector_store %arg6[%swap3A_439, %swap3A_440], %swap3A_443 {strides = array<i32>} : memref<16x1024xf32, #tpu.memory_space<vmem>>, vector<1x16xf32>,
      %get3A_444 = arith.index_cast %scan3A_156 : i32 to index
      %get3A_445 = arith.constant 288 : index
      %get3A_446 = tpu.vector_load %arg6[%get3A_444, %get3A_445] {strides = array<i32>} : memref<16x1024xf32, #tpu.memory_space<vmem>>, vector<1x16xf32>,
      %get3A_447 = vector.shape_cast %get3A_446 : vector<1x16xf32> to vector<16xf32>
      %add3A_448 = arith.constant 48 : i32
      %add3A_449 = arith.addi %add3A_448, %scan3A_156 : i32
      %get3A_450 = arith.index_cast %add3A_449 : i32 to index
      %get3A_451 = arith.constant 288 : index
      %get3A_452 = tpu.vector_load %arg5[%get3A_450, %get3A_451] {strides = array<i32>} : memref<64x1024xf32, #tpu.memory_space<vmem>>, vector<1x16xf32>,
      %get3A_453 = vector.shape_cast %get3A_452 : vector<1x16xf32> to vector<16xf32>
      %add3A_454 = arith.addf %get3A_447, %get3A_453 : vector<16xf32>
      %swap3A_455 = arith.index_cast %scan3A_156 : i32 to index
      %swap3A_456 = arith.constant 288 : index
      %swap3A_457 = tpu.vector_load %arg6[%swap3A_455, %swap3A_456] {strides = array<i32>} : memref<16x1024xf32, #tpu.memory_space<vmem>>, vector<1x16xf32>,
      %swap3A_458 = vector.shape_cast %swap3A_457 : vector<1x16xf32> to vector<16xf32>
      %swap3A_459 = vector.shape_cast %add3A_454 : vector<16xf32> to vector<1x16xf32>
      tpu.vector_store %arg6[%swap3A_455, %swap3A_456], %swap3A_459 {strides = array<i32>} : memref<16x1024xf32, #tpu.memory_space<vmem>>, vector<1x16xf32>,
      %get3A_460 = arith.index_cast %scan3A_156 : i32 to index
      %get3A_461 = arith.constant 304 : index
      %get3A_462 = tpu.vector_load %arg6[%get3A_460, %get3A_461] {strides = array<i32>} : memref<16x1024xf32, #tpu.memory_space<vmem>>, vector<1x16xf32>,
      %get3A_463 = vector.shape_cast %get3A_462 : vector<1x16xf32> to vector<16xf32>
      %add3A_464 = arith.constant 48 : i32
      %add3A_465 = arith.addi %add3A_464, %scan3A_156 : i32
      %get3A_466 = arith.index_cast %add3A_465 : i32 to index
      %get3A_467 = arith.constant 304 : index
      %get3A_468 = tpu.vector_load %arg5[%get3A_466, %get3A_467] {strides = array<i32>} : memref<64x1024xf32, #tpu.memory_space<vmem>>, vector<1x16xf32>,
      %get3A_469 = vector.shape_cast %get3A_468 : vector<1x16xf32> to vector<16xf32>
      %add3A_470 = arith.addf %get3A_463, %get3A_469 : vector<16xf32>
      %swap3A_471 = arith.index_cast %scan3A_156 : i32 to index
      %swap3A_472 = arith.constant 304 : index
      %swap3A_473 = tpu.vector_load %arg6[%swap3A_471, %swap3A_472] {strides = array<i32>} : memref<16x1024xf32, #tpu.memory_space<vmem>>, vector<1x16xf32>,
      %swap3A_474 = vector.shape_cast %swap3A_473 : vector<1x16xf32> to vector<16xf32>
      %swap3A_475 = vector.shape_cast %add3A_470 : vector<16xf32> to vector<1x16xf32>
      tpu.vector_store %arg6[%swap3A_471, %swap3A_472], %swap3A_475 {strides = array<i32>} : memref<16x1024xf32, #tpu.memory_space<vmem>>, vector<1x16xf32>,
      %get3A_476 = arith.index_cast %scan3A_156 : i32 to index
      %get3A_477 = arith.constant 320 : index
      %get3A_478 = tpu.vector_load %arg6[%get3A_476, %get3A_477] {strides = array<i32>} : memref<16x1024xf32, #tpu.memory_space<vmem>>, vector<1x16xf32>,
      %get3A_479 = vector.shape_cast %get3A_478 : vector<1x16xf32> to vector<16xf32>
      %add3A_480 = arith.constant 48 : i32
      %add3A_481 = arith.addi %add3A_480, %scan3A_156 : i32
      %get3A_482 = arith.index_cast %add3A_481 : i32 to index
      %get3A_483 = arith.constant 320 : index
      %get3A_484 = tpu.vector_load %arg5[%get3A_482, %get3A_483] {strides = array<i32>} : memref<64x1024xf32, #tpu.memory_space<vmem>>, vector<1x16xf32>,
      %get3A_485 = vector.shape_cast %get3A_484 : vector<1x16xf32> to vector<16xf32>
      %add3A_486 = arith.addf %get3A_479, %get3A_485 : vector<16xf32>
      %swap3A_487 = arith.index_cast %scan3A_156 : i32 to index
      %swap3A_488 = arith.constant 320 : index
      %swap3A_489 = tpu.vector_load %arg6[%swap3A_487, %swap3A_488] {strides = array<i32>} : memref<16x1024xf32, #tpu.memory_space<vmem>>, vector<1x16xf32>,
      %swap3A_490 = vector.shape_cast %swap3A_489 : vector<1x16xf32> to vector<16xf32>
      %swap3A_491 = vector.shape_cast %add3A_486 : vector<16xf32> to vector<1x16xf32>
      tpu.vector_store %arg6[%swap3A_487, %swap3A_488], %swap3A_491 {strides = array<i32>} : memref<16x1024xf32, #tpu.memory_space<vmem>>, vector<1x16xf32>,
      %get3A_492 = arith.index_cast %scan3A_156 : i32 to index
      %get3A_493 = arith.constant 336 : index
      %get3A_494 = tpu.vector_load %arg6[%get3A_492, %get3A_493] {strides = array<i32>} : memref<16x1024xf32, #tpu.memory_space<vmem>>, vector<1x16xf32>,
      %get3A_495 = vector.shape_cast %get3A_494 : vector<1x16xf32> to vector<16xf32>
      %add3A_496 = arith.constant 48 : i32
      %add3A_497 = arith.addi %add3A_496, %scan3A_156 : i32
      %get3A_498 = arith.index_cast %add3A_497 : i32 to index
      %get3A_499 = arith.constant 336 : index
      %get3A_500 = tpu.vector_load %arg5[%get3A_498, %get3A_499] {strides = array<i32>} : memref<64x1024xf32, #tpu.memory_space<vmem>>, vector<1x16xf32>,
      %get3A_501 = vector.shape_cast %get3A_500 : vector<1x16xf32> to vector<16xf32>
      %add3A_502 = arith.addf %get3A_495, %get3A_501 : vector<16xf32>
      %swap3A_503 = arith.index_cast %scan3A_156 : i32 to index
      %swap3A_504 = arith.constant 336 : index
      %swap3A_505 = tpu.vector_load %arg6[%swap3A_503, %swap3A_504] {strides = array<i32>} : memref<16x1024xf32, #tpu.memory_space<vmem>>, vector<1x16xf32>,
      %swap3A_506 = vector.shape_cast %swap3A_505 : vector<1x16xf32> to vector<16xf32>
      %swap3A_507 = vector.shape_cast %add3A_502 : vector<16xf32> to vector<1x16xf32>
      tpu.vector_store %arg6[%swap3A_503, %swap3A_504], %swap3A_507 {strides = array<i32>} : memref<16x1024xf32, #tpu.memory_space<vmem>>, vector<1x16xf32>,
      %get3A_508 = arith.index_cast %scan3A_156 : i32 to index
      %get3A_509 = arith.constant 352 : index
      %get3A_510 = tpu.vector_load %arg6[%get3A_508, %get3A_509] {strides = array<i32>} : memref<16x1024xf32, #tpu.memory_space<vmem>>, vector<1x16xf32>,
      %get3A_511 = vector.shape_cast %get3A_510 : vector<1x16xf32> to vector<16xf32>
      %add3A_512 = arith.constant 48 : i32
      %add3A_513 = arith.addi %add3A_512, %scan3A_156 : i32
      %get3A_514 = arith.index_cast %add3A_513 : i32 to index
      %get3A_515 = arith.constant 352 : index
      %get3A_516 = tpu.vector_load %arg5[%get3A_514, %get3A_515] {strides = array<i32>} : memref<64x1024xf32, #tpu.memory_space<vmem>>, vector<1x16xf32>,
      %get3A_517 = vector.shape_cast %get3A_516 : vector<1x16xf32> to vector<16xf32>
      %add3A_518 = arith.addf %get3A_511, %get3A_517 : vector<16xf32>
      %swap3A_519 = arith.index_cast %scan3A_156 : i32 to index
      %swap3A_520 = arith.constant 352 : index
      %swap3A_521 = tpu.vector_load %arg6[%swap3A_519, %swap3A_520] {strides = array<i32>} : memref<16x1024xf32, #tpu.memory_space<vmem>>, vector<1x16xf32>,
      %swap3A_522 = vector.shape_cast %swap3A_521 : vector<1x16xf32> to vector<16xf32>
      %swap3A_523 = vector.shape_cast %add3A_518 : vector<16xf32> to vector<1x16xf32>
      tpu.vector_store %arg6[%swap3A_519, %swap3A_520], %swap3A_523 {strides = array<i32>} : memref<16x1024xf32, #tpu.memory_space<vmem>>, vector<1x16xf32>,
      %get3A_524 = arith.index_cast %scan3A_156 : i32 to index
      %get3A_525 = arith.constant 368 : index
      %get3A_526 = tpu.vector_load %arg6[%get3A_524, %get3A_525] {strides = array<i32>} : memref<16x1024xf32, #tpu.memory_space<vmem>>, vector<1x16xf32>,
      %get3A_527 = vector.shape_cast %get3A_526 : vector<1x16xf32> to vector<16xf32>
      %add3A_528 = arith.constant 48 : i32
      %add3A_529 = arith.addi %add3A_528, %scan3A_156 : i32
      %get3A_530 = arith.index_cast %add3A_529 : i32 to index
      %get3A_531 = arith.constant 368 : index
      %get3A_532 = tpu.vector_load %arg5[%get3A_530, %get3A_531] {strides = array<i32>} : memref<64x1024xf32, #tpu.memory_space<vmem>>, vector<1x16xf32>,
      %get3A_533 = vector.shape_cast %get3A_532 : vector<1x16xf32> to vector<16xf32>
      %add3A_534 = arith.addf %get3A_527, %get3A_533 : vector<16xf32>
      %swap3A_535 = arith.index_cast %scan3A_156 : i32 to index
      %swap3A_536 = arith.constant 368 : index
      %swap3A_537 = tpu.vector_load %arg6[%swap3A_535, %swap3A_536] {strides = array<i32>} : memref<16x1024xf32, #tpu.memory_space<vmem>>, vector<1x16xf32>,
      %swap3A_538 = vector.shape_cast %swap3A_537 : vector<1x16xf32> to vector<16xf32>
      %swap3A_539 = vector.shape_cast %add3A_534 : vector<16xf32> to vector<1x16xf32>
      tpu.vector_store %arg6[%swap3A_535, %swap3A_536], %swap3A_539 {strides = array<i32>} : memref<16x1024xf32, #tpu.memory_space<vmem>>, vector<1x16xf32>,
      %get3A_540 = arith.index_cast %scan3A_156 : i32 to index
      %get3A_541 = arith.constant 384 : index
      %get3A_542 = tpu.vector_load %arg6[%get3A_540, %get3A_541] {strides = array<i32>} : memref<16x1024xf32, #tpu.memory_space<vmem>>, vector<1x16xf32>,
      %get3A_543 = vector.shape_cast %get3A_542 : vector<1x16xf32> to vector<16xf32>
      %add3A_544 = arith.constant 48 : i32
      %add3A_545 = arith.addi %add3A_544, %scan3A_156 : i32
      %get3A_546 = arith.index_cast %add3A_545 : i32 to index
      %get3A_547 = arith.constant 384 : index
      %get3A_548 = tpu.vector_load %arg5[%get3A_546, %get3A_547] {strides = array<i32>} : memref<64x1024xf32, #tpu.memory_space<vmem>>, vector<1x16xf32>,
      %get3A_549 = vector.shape_cast %get3A_548 : vector<1x16xf32> to vector<16xf32>
      %add3A_550 = arith.addf %get3A_543, %get3A_549 : vector<16xf32>
      %swap3A_551 = arith.index_cast %scan3A_156 : i32 to index
      %swap3A_552 = arith.constant 384 : index
      %swap3A_553 = tpu.vector_load %arg6[%swap3A_551, %swap3A_552] {strides = array<i32>} : memref<16x1024xf32, #tpu.memory_space<vmem>>, vector<1x16xf32>,
      %swap3A_554 = vector.shape_cast %swap3A_553 : vector<1x16xf32> to vector<16xf32>
      %swap3A_555 = vector.shape_cast %add3A_550 : vector<16xf32> to vector<1x16xf32>
      tpu.vector_store %arg6[%swap3A_551, %swap3A_552], %swap3A_555 {strides = array<i32>} : memref<16x1024xf32, #tpu.memory_space<vmem>>, vector<1x16xf32>,
      %get3A_556 = arith.index_cast %scan3A_156 : i32 to index
      %get3A_557 = arith.constant 400 : index
      %get3A_558 = tpu.vector_load %arg6[%get3A_556, %get3A_557] {strides = array<i32>} : memref<16x1024xf32, #tpu.memory_space<vmem>>, vector<1x16xf32>,
      %get3A_559 = vector.shape_cast %get3A_558 : vector<1x16xf32> to vector<16xf32>
      %add3A_560 = arith.constant 48 : i32
      %add3A_561 = arith.addi %add3A_560, %scan3A_156 : i32
      %get3A_562 = arith.index_cast %add3A_561 : i32 to index
      %get3A_563 = arith.constant 400 : index
      %get3A_564 = tpu.vector_load %arg5[%get3A_562, %get3A_563] {strides = array<i32>} : memref<64x1024xf32, #tpu.memory_space<vmem>>, vector<1x16xf32>,
      %get3A_565 = vector.shape_cast %get3A_564 : vector<1x16xf32> to vector<16xf32>
      %add3A_566 = arith.addf %get3A_559, %get3A_565 : vector<16xf32>
      %swap3A_567 = arith.index_cast %scan3A_156 : i32 to index
      %swap3A_568 = arith.constant 400 : index
      %swap3A_569 = tpu.vector_load %arg6[%swap3A_567, %swap3A_568] {strides = array<i32>} : memref<16x1024xf32, #tpu.memory_space<vmem>>, vector<1x16xf32>,
      %swap3A_570 = vector.shape_cast %swap3A_569 : vector<1x16xf32> to vector<16xf32>
      %swap3A_571 = vector.shape_cast %add3A_566 : vector<16xf32> to vector<1x16xf32>
      tpu.vector_store %arg6[%swap3A_567, %swap3A_568], %swap3A_571 {strides = array<i32>} : memref<16x1024xf32, #tpu.memory_space<vmem>>, vector<1x16xf32>,
      %get3A_572 = arith.index_cast %scan3A_156 : i32 to index
      %get3A_573 = arith.constant 416 : index
      %get3A_574 = tpu.vector_load %arg6[%get3A_572, %get3A_573] {strides = array<i32>} : memref<16x1024xf32, #tpu.memory_space<vmem>>, vector<1x16xf32>,
      %get3A_575 = vector.shape_cast %get3A_574 : vector<1x16xf32> to vector<16xf32>
      %add3A_576 = arith.constant 48 : i32
      %add3A_577 = arith.addi %add3A_576, %scan3A_156 : i32
      %get3A_578 = arith.index_cast %add3A_577 : i32 to index
      %get3A_579 = arith.constant 416 : index
      %get3A_580 = tpu.vector_load %arg5[%get3A_578, %get3A_579] {strides = array<i32>} : memref<64x1024xf32, #tpu.memory_space<vmem>>, vector<1x16xf32>,
      %get3A_581 = vector.shape_cast %get3A_580 : vector<1x16xf32> to vector<16xf32>
      %add3A_582 = arith.addf %get3A_575, %get3A_581 : vector<16xf32>
      %swap3A_583 = arith.index_cast %scan3A_156 : i32 to index
      %swap3A_584 = arith.constant 416 : index
      %swap3A_585 = tpu.vector_load %arg6[%swap3A_583, %swap3A_584] {strides = array<i32>} : memref<16x1024xf32, #tpu.memory_space<vmem>>, vector<1x16xf32>,
      %swap3A_586 = vector.shape_cast %swap3A_585 : vector<1x16xf32> to vector<16xf32>
      %swap3A_587 = vector.shape_cast %add3A_582 : vector<16xf32> to vector<1x16xf32>
      tpu.vector_store %arg6[%swap3A_583, %swap3A_584], %swap3A_587 {strides = array<i32>} : memref<16x1024xf32, #tpu.memory_space<vmem>>, vector<1x16xf32>,
      %get3A_588 = arith.index_cast %scan3A_156 : i32 to index
      %get3A_589 = arith.constant 432 : index
      %get3A_590 = tpu.vector_load %arg6[%get3A_588, %get3A_589] {strides = array<i32>} : memref<16x1024xf32, #tpu.memory_space<vmem>>, vector<1x16xf32>,
      %get3A_591 = vector.shape_cast %get3A_590 : vector<1x16xf32> to vector<16xf32>
      %add3A_592 = arith.constant 48 : i32
      %add3A_593 = arith.addi %add3A_592, %scan3A_156 : i32
      %get3A_594 = arith.index_cast %add3A_593 : i32 to index
      %get3A_595 = arith.constant 432 : index
      %get3A_596 = tpu.vector_load %arg5[%get3A_594, %get3A_595] {strides = array<i32>} : memref<64x1024xf32, #tpu.memory_space<vmem>>, vector<1x16xf32>,
      %get3A_597 = vector.shape_cast %get3A_596 : vector<1x16xf32> to vector<16xf32>
      %add3A_598 = arith.addf %get3A_591, %get3A_597 : vector<16xf32>
      %swap3A_599 = arith.index_cast %scan3A_156 : i32 to index
      %swap3A_600 = arith.constant 432 : index
      %swap3A_601 = tpu.vector_load %arg6[%swap3A_599, %swap3A_600] {strides = array<i32>} : memref<16x1024xf32, #tpu.memory_space<vmem>>, vector<1x16xf32>,
      %swap3A_602 = vector.shape_cast %swap3A_601 : vector<1x16xf32> to vector<16xf32>
      %swap3A_603 = vector.shape_cast %add3A_598 : vector<16xf32> to vector<1x16xf32>
      tpu.vector_store %arg6[%swap3A_599, %swap3A_600], %swap3A_603 {strides = array<i32>} : memref<16x1024xf32, #tpu.memory_space<vmem>>, vector<1x16xf32>,
      %get3A_604 = arith.index_cast %scan3A_156 : i32 to index
      %get3A_605 = arith.constant 448 : index
      %get3A_606 = tpu.vector_load %arg6[%get3A_604, %get3A_605] {strides = array<i32>} : memref<16x1024xf32, #tpu.memory_space<vmem>>, vector<1x16xf32>,
      %get3A_607 = vector.shape_cast %get3A_606 : vector<1x16xf32> to vector<16xf32>
      %add3A_608 = arith.constant 48 : i32
      %add3A_609 = arith.addi %add3A_608, %scan3A_156 : i32
      %get3A_610 = arith.index_cast %add3A_609 : i32 to index
      %get3A_611 = arith.constant 448 : index
      %get3A_612 = tpu.vector_load %arg5[%get3A_610, %get3A_611] {strides = array<i32>} : memref<64x1024xf32, #tpu.memory_space<vmem>>, vector<1x16xf32>,
      %get3A_613 = vector.shape_cast %get3A_612 : vector<1x16xf32> to vector<16xf32>
      %add3A_614 = arith.addf %get3A_607, %get3A_613 : vector<16xf32>
      %swap3A_615 = arith.index_cast %scan3A_156 : i32 to index
      %swap3A_616 = arith.constant 448 : index
      %swap3A_617 = tpu.vector_load %arg6[%swap3A_615, %swap3A_616] {strides = array<i32>} : memref<16x1024xf32, #tpu.memory_space<vmem>>, vector<1x16xf32>,
      %swap3A_618 = vector.shape_cast %swap3A_617 : vector<1x16xf32> to vector<16xf32>
      %swap3A_619 = vector.shape_cast %add3A_614 : vector<16xf32> to vector<1x16xf32>
      tpu.vector_store %arg6[%swap3A_615, %swap3A_616], %swap3A_619 {strides = array<i32>} : memref<16x1024xf32, #tpu.memory_space<vmem>>, vector<1x16xf32>,
      %get3A_620 = arith.index_cast %scan3A_156 : i32 to index
      %get3A_621 = arith.constant 464 : index
      %get3A_622 = tpu.vector_load %arg6[%get3A_620, %get3A_621] {strides = array<i32>} : memref<16x1024xf32, #tpu.memory_space<vmem>>, vector<1x16xf32>,
      %get3A_623 = vector.shape_cast %get3A_622 : vector<1x16xf32> to vector<16xf32>
      %add3A_624 = arith.constant 48 : i32
      %add3A_625 = arith.addi %add3A_624, %scan3A_156 : i32
      %get3A_626 = arith.index_cast %add3A_625 : i32 to index
      %get3A_627 = arith.constant 464 : index
      %get3A_628 = tpu.vector_load %arg5[%get3A_626, %get3A_627] {strides = array<i32>} : memref<64x1024xf32, #tpu.memory_space<vmem>>, vector<1x16xf32>,
      %get3A_629 = vector.shape_cast %get3A_628 : vector<1x16xf32> to vector<16xf32>
      %add3A_630 = arith.addf %get3A_623, %get3A_629 : vector<16xf32>
      %swap3A_631 = arith.index_cast %scan3A_156 : i32 to index
      %swap3A_632 = arith.constant 464 : index
      %swap3A_633 = tpu.vector_load %arg6[%swap3A_631, %swap3A_632] {strides = array<i32>} : memref<16x1024xf32, #tpu.memory_space<vmem>>, vector<1x16xf32>,
      %swap3A_634 = vector.shape_cast %swap3A_633 : vector<1x16xf32> to vector<16xf32>
      %swap3A_635 = vector.shape_cast %add3A_630 : vector<16xf32> to vector<1x16xf32>
      tpu.vector_store %arg6[%swap3A_631, %swap3A_632], %swap3A_635 {strides = array<i32>} : memref<16x1024xf32, #tpu.memory_space<vmem>>, vector<1x16xf32>,
      %get3A_636 = arith.index_cast %scan3A_156 : i32 to index
      %get3A_637 = arith.constant 480 : index
      %get3A_638 = tpu.vector_load %arg6[%get3A_636, %get3A_637] {strides = array<i32>} : memref<16x1024xf32, #tpu.memory_space<vmem>>, vector<1x16xf32>,
      %get3A_639 = vector.shape_cast %get3A_638 : vector<1x16xf32> to vector<16xf32>
      %add3A_640 = arith.constant 48 : i32
      %add3A_641 = arith.addi %add3A_640, %scan3A_156 : i32
      %get3A_642 = arith.index_cast %add3A_641 : i32 to index
      %get3A_643 = arith.constant 480 : index
      %get3A_644 = tpu.vector_load %arg5[%get3A_642, %get3A_643] {strides = array<i32>} : memref<64x1024xf32, #tpu.memory_space<vmem>>, vector<1x16xf32>,
      %get3A_645 = vector.shape_cast %get3A_644 : vector<1x16xf32> to vector<16xf32>
      %add3A_646 = arith.addf %get3A_639, %get3A_645 : vector<16xf32>
      %swap3A_647 = arith.index_cast %scan3A_156 : i32 to index
      %swap3A_648 = arith.constant 480 : index
      %swap3A_649 = tpu.vector_load %arg6[%swap3A_647, %swap3A_648] {strides = array<i32>} : memref<16x1024xf32, #tpu.memory_space<vmem>>, vector<1x16xf32>,
      %swap3A_650 = vector.shape_cast %swap3A_649 : vector<1x16xf32> to vector<16xf32>
      %swap3A_651 = vector.shape_cast %add3A_646 : vector<16xf32> to vector<1x16xf32>
      tpu.vector_store %arg6[%swap3A_647, %swap3A_648], %swap3A_651 {strides = array<i32>} : memref<16x1024xf32, #tpu.memory_space<vmem>>, vector<1x16xf32>,
      %get3A_652 = arith.index_cast %scan3A_156 : i32 to index
      %get3A_653 = arith.constant 496 : index
      %get3A_654 = tpu.vector_load %arg6[%get3A_652, %get3A_653] {strides = array<i32>} : memref<16x1024xf32, #tpu.memory_space<vmem>>, vector<1x16xf32>,
      %get3A_655 = vector.shape_cast %get3A_654 : vector<1x16xf32> to vector<16xf32>
      %add3A_656 = arith.constant 48 : i32
      %add3A_657 = arith.addi %add3A_656, %scan3A_156 : i32
      %get3A_658 = arith.index_cast %add3A_657 : i32 to index
      %get3A_659 = arith.constant 496 : index
      %get3A_660 = tpu.vector_load %arg5[%get3A_658, %get3A_659] {strides = array<i32>} : memref<64x1024xf32, #tpu.memory_space<vmem>>, vector<1x16xf32>,
      %get3A_661 = vector.shape_cast %get3A_660 : vector<1x16xf32> to vector<16xf32>
      %add3A_662 = arith.addf %get3A_655, %get3A_661 : vector<16xf32>
      %swap3A_663 = arith.index_cast %scan3A_156 : i32 to index
      %swap3A_664 = arith.constant 496 : index
      %swap3A_665 = tpu.vector_load %arg6[%swap3A_663, %swap3A_664] {strides = array<i32>} : memref<16x1024xf32, #tpu.memory_space<vmem>>, vector<1x16xf32>,
      %swap3A_666 = vector.shape_cast %swap3A_665 : vector<1x16xf32> to vector<16xf32>
      %swap3A_667 = vector.shape_cast %add3A_662 : vector<16xf32> to vector<1x16xf32>
      tpu.vector_store %arg6[%swap3A_663, %swap3A_664], %swap3A_667 {strides = array<i32>} : memref<16x1024xf32, #tpu.memory_space<vmem>>, vector<1x16xf32>,
      %get3A_668 = arith.index_cast %scan3A_156 : i32 to index
      %get3A_669 = arith.constant 512 : index
      %get3A_670 = tpu.vector_load %arg6[%get3A_668, %get3A_669] {strides = array<i32>} : memref<16x1024xf32, #tpu.memory_space<vmem>>, vector<1x16xf32>,
      %get3A_671 = vector.shape_cast %get3A_670 : vector<1x16xf32> to vector<16xf32>
      %add3A_672 = arith.constant 48 : i32
      %add3A_673 = arith.addi %add3A_672, %scan3A_156 : i32
      %get3A_674 = arith.index_cast %add3A_673 : i32 to index
      %get3A_675 = arith.constant 512 : index
      %get3A_676 = tpu.vector_load %arg5[%get3A_674, %get3A_675] {strides = array<i32>} : memref<64x1024xf32, #tpu.memory_space<vmem>>, vector<1x16xf32>,
      %get3A_677 = vector.shape_cast %get3A_676 : vector<1x16xf32> to vector<16xf32>
      %add3A_678 = arith.addf %get3A_671, %get3A_677 : vector<16xf32>
      %swap3A_679 = arith.index_cast %scan3A_156 : i32 to index
      %swap3A_680 = arith.constant 512 : index
      %swap3A_681 = tpu.vector_load %arg6[%swap3A_679, %swap3A_680] {strides = array<i32>} : memref<16x1024xf32, #tpu.memory_space<vmem>>, vector<1x16xf32>,
      %swap3A_682 = vector.shape_cast %swap3A_681 : vector<1x16xf32> to vector<16xf32>
      %swap3A_683 = vector.shape_cast %add3A_678 : vector<16xf32> to vector<1x16xf32>
      tpu.vector_store %arg6[%swap3A_679, %swap3A_680], %swap3A_683 {strides = array<i32>} : memref<16x1024xf32, #tpu.memory_space<vmem>>, vector<1x16xf32>,
      %get3A_684 = arith.index_cast %scan3A_156 : i32 to index
      %get3A_685 = arith.constant 528 : index
      %get3A_686 = tpu.vector_load %arg6[%get3A_684, %get3A_685] {strides = array<i32>} : memref<16x1024xf32, #tpu.memory_space<vmem>>, vector<1x16xf32>,
      %get3A_687 = vector.shape_cast %get3A_686 : vector<1x16xf32> to vector<16xf32>
      %add3A_688 = arith.constant 48 : i32
      %add3A_689 = arith.addi %add3A_688, %scan3A_156 : i32
      %get3A_690 = arith.index_cast %add3A_689 : i32 to index
      %get3A_691 = arith.constant 528 : index
      %get3A_692 = tpu.vector_load %arg5[%get3A_690, %get3A_691] {strides = array<i32>} : memref<64x1024xf32, #tpu.memory_space<vmem>>, vector<1x16xf32>,
      %get3A_693 = vector.shape_cast %get3A_692 : vector<1x16xf32> to vector<16xf32>
      %add3A_694 = arith.addf %get3A_687, %get3A_693 : vector<16xf32>
      %swap3A_695 = arith.index_cast %scan3A_156 : i32 to index
      %swap3A_696 = arith.constant 528 : index
      %swap3A_697 = tpu.vector_load %arg6[%swap3A_695, %swap3A_696] {strides = array<i32>} : memref<16x1024xf32, #tpu.memory_space<vmem>>, vector<1x16xf32>,
      %swap3A_698 = vector.shape_cast %swap3A_697 : vector<1x16xf32> to vector<16xf32>
      %swap3A_699 = vector.shape_cast %add3A_694 : vector<16xf32> to vector<1x16xf32>
      tpu.vector_store %arg6[%swap3A_695, %swap3A_696], %swap3A_699 {strides = array<i32>} : memref<16x1024xf32, #tpu.memory_space<vmem>>, vector<1x16xf32>,
      %get3A_700 = arith.index_cast %scan3A_156 : i32 to index
      %get3A_701 = arith.constant 544 : index
      %get3A_702 = tpu.vector_load %arg6[%get3A_700, %get3A_701] {strides = array<i32>} : memref<16x1024xf32, #tpu.memory_space<vmem>>, vector<1x16xf32>,
      %get3A_703 = vector.shape_cast %get3A_702 : vector<1x16xf32> to vector<16xf32>
      %add3A_704 = arith.constant 48 : i32
      %add3A_705 = arith.addi %add3A_704, %scan3A_156 : i32
      %get3A_706 = arith.index_cast %add3A_705 : i32 to index
      %get3A_707 = arith.constant 544 : index
      %get3A_708 = tpu.vector_load %arg5[%get3A_706, %get3A_707] {strides = array<i32>} : memref<64x1024xf32, #tpu.memory_space<vmem>>, vector<1x16xf32>,
      %get3A_709 = vector.shape_cast %get3A_708 : vector<1x16xf32> to vector<16xf32>
      %add3A_710 = arith.addf %get3A_703, %get3A_709 : vector<16xf32>
      %swap3A_711 = arith.index_cast %scan3A_156 : i32 to index
      %swap3A_712 = arith.constant 544 : index
      %swap3A_713 = tpu.vector_load %arg6[%swap3A_711, %swap3A_712] {strides = array<i32>} : memref<16x1024xf32, #tpu.memory_space<vmem>>, vector<1x16xf32>,
      %swap3A_714 = vector.shape_cast %swap3A_713 : vector<1x16xf32> to vector<16xf32>
      %swap3A_715 = vector.shape_cast %add3A_710 : vector<16xf32> to vector<1x16xf32>
      tpu.vector_store %arg6[%swap3A_711, %swap3A_712], %swap3A_715 {strides = array<i32>} : memref<16x1024xf32, #tpu.memory_space<vmem>>, vector<1x16xf32>,
      %get3A_716 = arith.index_cast %scan3A_156 : i32 to index
      %get3A_717 = arith.constant 560 : index
      %get3A_718 = tpu.vector_load %arg6[%get3A_716, %get3A_717] {strides = array<i32>} : memref<16x1024xf32, #tpu.memory_space<vmem>>, vector<1x16xf32>,
      %get3A_719 = vector.shape_cast %get3A_718 : vector<1x16xf32> to vector<16xf32>
      %add3A_720 = arith.constant 48 : i32
      %add3A_721 = arith.addi %add3A_720, %scan3A_156 : i32
      %get3A_722 = arith.index_cast %add3A_721 : i32 to index
      %get3A_723 = arith.constant 560 : index
      %get3A_724 = tpu.vector_load %arg5[%get3A_722, %get3A_723] {strides = array<i32>} : memref<64x1024xf32, #tpu.memory_space<vmem>>, vector<1x16xf32>,
      %get3A_725 = vector.shape_cast %get3A_724 : vector<1x16xf32> to vector<16xf32>
      %add3A_726 = arith.addf %get3A_719, %get3A_725 : vector<16xf32>
      %swap3A_727 = arith.index_cast %scan3A_156 : i32 to index
      %swap3A_728 = arith.constant 560 : index
      %swap3A_729 = tpu.vector_load %arg6[%swap3A_727, %swap3A_728] {strides = array<i32>} : memref<16x1024xf32, #tpu.memory_space<vmem>>, vector<1x16xf32>,
      %swap3A_730 = vector.shape_cast %swap3A_729 : vector<1x16xf32> to vector<16xf32>
      %swap3A_731 = vector.shape_cast %add3A_726 : vector<16xf32> to vector<1x16xf32>
      tpu.vector_store %arg6[%swap3A_727, %swap3A_728], %swap3A_731 {strides = array<i32>} : memref<16x1024xf32, #tpu.memory_space<vmem>>, vector<1x16xf32>,
      %get3A_732 = arith.index_cast %scan3A_156 : i32 to index
      %get3A_733 = arith.constant 576 : index
      %get3A_734 = tpu.vector_load %arg6[%get3A_732, %get3A_733] {strides = array<i32>} : memref<16x1024xf32, #tpu.memory_space<vmem>>, vector<1x16xf32>,
      %get3A_735 = vector.shape_cast %get3A_734 : vector<1x16xf32> to vector<16xf32>
      %add3A_736 = arith.constant 48 : i32
      %add3A_737 = arith.addi %add3A_736, %scan3A_156 : i32
      %get3A_738 = arith.index_cast %add3A_737 : i32 to index
      %get3A_739 = arith.constant 576 : index
      %get3A_740 = tpu.vector_load %arg5[%get3A_738, %get3A_739] {strides = array<i32>} : memref<64x1024xf32, #tpu.memory_space<vmem>>, vector<1x16xf32>,
      %get3A_741 = vector.shape_cast %get3A_740 : vector<1x16xf32> to vector<16xf32>
      %add3A_742 = arith.addf %get3A_735, %get3A_741 : vector<16xf32>
      %swap3A_743 = arith.index_cast %scan3A_156 : i32 to index
      %swap3A_744 = arith.constant 576 : index
      %swap3A_745 = tpu.vector_load %arg6[%swap3A_743, %swap3A_744] {strides = array<i32>} : memref<16x1024xf32, #tpu.memory_space<vmem>>, vector<1x16xf32>,
      %swap3A_746 = vector.shape_cast %swap3A_745 : vector<1x16xf32> to vector<16xf32>
      %swap3A_747 = vector.shape_cast %add3A_742 : vector<16xf32> to vector<1x16xf32>
      tpu.vector_store %arg6[%swap3A_743, %swap3A_744], %swap3A_747 {strides = array<i32>} : memref<16x1024xf32, #tpu.memory_space<vmem>>, vector<1x16xf32>,
      %get3A_748 = arith.index_cast %scan3A_156 : i32 to index
      %get3A_749 = arith.constant 592 : index
      %get3A_750 = tpu.vector_load %arg6[%get3A_748, %get3A_749] {strides = array<i32>} : memref<16x1024xf32, #tpu.memory_space<vmem>>, vector<1x16xf32>,
      %get3A_751 = vector.shape_cast %get3A_750 : vector<1x16xf32> to vector<16xf32>
      %add3A_752 = arith.constant 48 : i32
      %add3A_753 = arith.addi %add3A_752, %scan3A_156 : i32
      %get3A_754 = arith.index_cast %add3A_753 : i32 to index
      %get3A_755 = arith.constant 592 : index
      %get3A_756 = tpu.vector_load %arg5[%get3A_754, %get3A_755] {strides = array<i32>} : memref<64x1024xf32, #tpu.memory_space<vmem>>, vector<1x16xf32>,
      %get3A_757 = vector.shape_cast %get3A_756 : vector<1x16xf32> to vector<16xf32>
      %add3A_758 = arith.addf %get3A_751, %get3A_757 : vector<16xf32>
      %swap3A_759 = arith.index_cast %scan3A_156 : i32 to index
      %swap3A_760 = arith.constant 592 : index
      %swap3A_761 = tpu.vector_load %arg6[%swap3A_759, %swap3A_760] {strides = array<i32>} : memref<16x1024xf32, #tpu.memory_space<vmem>>, vector<1x16xf32>,
      %swap3A_762 = vector.shape_cast %swap3A_761 : vector<1x16xf32> to vector<16xf32>
      %swap3A_763 = vector.shape_cast %add3A_758 : vector<16xf32> to vector<1x16xf32>
      tpu.vector_store %arg6[%swap3A_759, %swap3A_760], %swap3A_763 {strides = array<i32>} : memref<16x1024xf32, #tpu.memory_space<vmem>>, vector<1x16xf32>,
      %get3A_764 = arith.index_cast %scan3A_156 : i32 to index
      %get3A_765 = arith.constant 608 : index
      %get3A_766 = tpu.vector_load %arg6[%get3A_764, %get3A_765] {strides = array<i32>} : memref<16x1024xf32, #tpu.memory_space<vmem>>, vector<1x16xf32>,
      %get3A_767 = vector.shape_cast %get3A_766 : vector<1x16xf32> to vector<16xf32>
      %add3A_768 = arith.constant 48 : i32
      %add3A_769 = arith.addi %add3A_768, %scan3A_156 : i32
      %get3A_770 = arith.index_cast %add3A_769 : i32 to index
      %get3A_771 = arith.constant 608 : index
      %get3A_772 = tpu.vector_load %arg5[%get3A_770, %get3A_771] {strides = array<i32>} : memref<64x1024xf32, #tpu.memory_space<vmem>>, vector<1x16xf32>,
      %get3A_773 = vector.shape_cast %get3A_772 : vector<1x16xf32> to vector<16xf32>
      %add3A_774 = arith.addf %get3A_767, %get3A_773 : vector<16xf32>
      %swap3A_775 = arith.index_cast %scan3A_156 : i32 to index
      %swap3A_776 = arith.constant 608 : index
      %swap3A_777 = tpu.vector_load %arg6[%swap3A_775, %swap3A_776] {strides = array<i32>} : memref<16x1024xf32, #tpu.memory_space<vmem>>, vector<1x16xf32>,
      %swap3A_778 = vector.shape_cast %swap3A_777 : vector<1x16xf32> to vector<16xf32>
      %swap3A_779 = vector.shape_cast %add3A_774 : vector<16xf32> to vector<1x16xf32>
      tpu.vector_store %arg6[%swap3A_775, %swap3A_776], %swap3A_779 {strides = array<i32>} : memref<16x1024xf32, #tpu.memory_space<vmem>>, vector<1x16xf32>,
      %get3A_780 = arith.index_cast %scan3A_156 : i32 to index
      %get3A_781 = arith.constant 624 : index
      %get3A_782 = tpu.vector_load %arg6[%get3A_780, %get3A_781] {strides = array<i32>} : memref<16x1024xf32, #tpu.memory_space<vmem>>, vector<1x16xf32>,
      %get3A_783 = vector.shape_cast %get3A_782 : vector<1x16xf32> to vector<16xf32>
      %add3A_784 = arith.constant 48 : i32
      %add3A_785 = arith.addi %add3A_784, %scan3A_156 : i32
      %get3A_786 = arith.index_cast %add3A_785 : i32 to index
      %get3A_787 = arith.constant 624 : index
      %get3A_788 = tpu.vector_load %arg5[%get3A_786, %get3A_787] {strides = array<i32>} : memref<64x1024xf32, #tpu.memory_space<vmem>>, vector<1x16xf32>,
      %get3A_789 = vector.shape_cast %get3A_788 : vector<1x16xf32> to vector<16xf32>
      %add3A_790 = arith.addf %get3A_783, %get3A_789 : vector<16xf32>
      %swap3A_791 = arith.index_cast %scan3A_156 : i32 to index
      %swap3A_792 = arith.constant 624 : index
      %swap3A_793 = tpu.vector_load %arg6[%swap3A_791, %swap3A_792] {strides = array<i32>} : memref<16x1024xf32, #tpu.memory_space<vmem>>, vector<1x16xf32>,
      %swap3A_794 = vector.shape_cast %swap3A_793 : vector<1x16xf32> to vector<16xf32>
      %swap3A_795 = vector.shape_cast %add3A_790 : vector<16xf32> to vector<1x16xf32>
      tpu.vector_store %arg6[%swap3A_791, %swap3A_792], %swap3A_795 {strides = array<i32>} : memref<16x1024xf32, #tpu.memory_space<vmem>>, vector<1x16xf32>,
      %get3A_796 = arith.index_cast %scan3A_156 : i32 to index
      %get3A_797 = arith.constant 640 : index
      %get3A_798 = tpu.vector_load %arg6[%get3A_796, %get3A_797] {strides = array<i32>} : memref<16x1024xf32, #tpu.memory_space<vmem>>, vector<1x16xf32>,
      %get3A_799 = vector.shape_cast %get3A_798 : vector<1x16xf32> to vector<16xf32>
      %add3A_800 = arith.constant 48 : i32
      %add3A_801 = arith.addi %add3A_800, %scan3A_156 : i32
      %get3A_802 = arith.index_cast %add3A_801 : i32 to index
      %get3A_803 = arith.constant 640 : index
      %get3A_804 = tpu.vector_load %arg5[%get3A_802, %get3A_803] {strides = array<i32>} : memref<64x1024xf32, #tpu.memory_space<vmem>>, vector<1x16xf32>,
      %get3A_805 = vector.shape_cast %get3A_804 : vector<1x16xf32> to vector<16xf32>
      %add3A_806 = arith.addf %get3A_799, %get3A_805 : vector<16xf32>
      %swap3A_807 = arith.index_cast %scan3A_156 : i32 to index
      %swap3A_808 = arith.constant 640 : index
      %swap3A_809 = tpu.vector_load %arg6[%swap3A_807, %swap3A_808] {strides = array<i32>} : memref<16x1024xf32, #tpu.memory_space<vmem>>, vector<1x16xf32>,
      %swap3A_810 = vector.shape_cast %swap3A_809 : vector<1x16xf32> to vector<16xf32>
      %swap3A_811 = vector.shape_cast %add3A_806 : vector<16xf32> to vector<1x16xf32>
      tpu.vector_store %arg6[%swap3A_807, %swap3A_808], %swap3A_811 {strides = array<i32>} : memref<16x1024xf32, #tpu.memory_space<vmem>>, vector<1x16xf32>,
      %get3A_812 = arith.index_cast %scan3A_156 : i32 to index
      %get3A_813 = arith.constant 656 : index
      %get3A_814 = tpu.vector_load %arg6[%get3A_812, %get3A_813] {strides = array<i32>} : memref<16x1024xf32, #tpu.memory_space<vmem>>, vector<1x16xf32>,
      %get3A_815 = vector.shape_cast %get3A_814 : vector<1x16xf32> to vector<16xf32>
      %add3A_816 = arith.constant 48 : i32
      %add3A_817 = arith.addi %add3A_816, %scan3A_156 : i32
      %get3A_818 = arith.index_cast %add3A_817 : i32 to index
      %get3A_819 = arith.constant 656 : index
      %get3A_820 = tpu.vector_load %arg5[%get3A_818, %get3A_819] {strides = array<i32>} : memref<64x1024xf32, #tpu.memory_space<vmem>>, vector<1x16xf32>,
      %get3A_821 = vector.shape_cast %get3A_820 : vector<1x16xf32> to vector<16xf32>
      %add3A_822 = arith.addf %get3A_815, %get3A_821 : vector<16xf32>
      %swap3A_823 = arith.index_cast %scan3A_156 : i32 to index
      %swap3A_824 = arith.constant 656 : index
      %swap3A_825 = tpu.vector_load %arg6[%swap3A_823, %swap3A_824] {strides = array<i32>} : memref<16x1024xf32, #tpu.memory_space<vmem>>, vector<1x16xf32>,
      %swap3A_826 = vector.shape_cast %swap3A_825 : vector<1x16xf32> to vector<16xf32>
      %swap3A_827 = vector.shape_cast %add3A_822 : vector<16xf32> to vector<1x16xf32>
      tpu.vector_store %arg6[%swap3A_823, %swap3A_824], %swap3A_827 {strides = array<i32>} : memref<16x1024xf32, #tpu.memory_space<vmem>>, vector<1x16xf32>,
      %get3A_828 = arith.index_cast %scan3A_156 : i32 to index
      %get3A_829 = arith.constant 672 : index
      %get3A_830 = tpu.vector_load %arg6[%get3A_828, %get3A_829] {strides = array<i32>} : memref<16x1024xf32, #tpu.memory_space<vmem>>, vector<1x16xf32>,
      %get3A_831 = vector.shape_cast %get3A_830 : vector<1x16xf32> to vector<16xf32>
      %add3A_832 = arith.constant 48 : i32
      %add3A_833 = arith.addi %add3A_832, %scan3A_156 : i32
      %get3A_834 = arith.index_cast %add3A_833 : i32 to index
      %get3A_835 = arith.constant 672 : index
      %get3A_836 = tpu.vector_load %arg5[%get3A_834, %get3A_835] {strides = array<i32>} : memref<64x1024xf32, #tpu.memory_space<vmem>>, vector<1x16xf32>,
      %get3A_837 = vector.shape_cast %get3A_836 : vector<1x16xf32> to vector<16xf32>
      %add3A_838 = arith.addf %get3A_831, %get3A_837 : vector<16xf32>
      %swap3A_839 = arith.index_cast %scan3A_156 : i32 to index
      %swap3A_840 = arith.constant 672 : index
      %swap3A_841 = tpu.vector_load %arg6[%swap3A_839, %swap3A_840] {strides = array<i32>} : memref<16x1024xf32, #tpu.memory_space<vmem>>, vector<1x16xf32>,
      %swap3A_842 = vector.shape_cast %swap3A_841 : vector<1x16xf32> to vector<16xf32>
      %swap3A_843 = vector.shape_cast %add3A_838 : vector<16xf32> to vector<1x16xf32>
      tpu.vector_store %arg6[%swap3A_839, %swap3A_840], %swap3A_843 {strides = array<i32>} : memref<16x1024xf32, #tpu.memory_space<vmem>>, vector<1x16xf32>,
      %get3A_844 = arith.index_cast %scan3A_156 : i32 to index
      %get3A_845 = arith.constant 688 : index
      %get3A_846 = tpu.vector_load %arg6[%get3A_844, %get3A_845] {strides = array<i32>} : memref<16x1024xf32, #tpu.memory_space<vmem>>, vector<1x16xf32>,
      %get3A_847 = vector.shape_cast %get3A_846 : vector<1x16xf32> to vector<16xf32>
      %add3A_848 = arith.constant 48 : i32
      %add3A_849 = arith.addi %add3A_848, %scan3A_156 : i32
      %get3A_850 = arith.index_cast %add3A_849 : i32 to index
      %get3A_851 = arith.constant 688 : index
      %get3A_852 = tpu.vector_load %arg5[%get3A_850, %get3A_851] {strides = array<i32>} : memref<64x1024xf32, #tpu.memory_space<vmem>>, vector<1x16xf32>,
      %get3A_853 = vector.shape_cast %get3A_852 : vector<1x16xf32> to vector<16xf32>
      %add3A_854 = arith.addf %get3A_847, %get3A_853 : vector<16xf32>
      %swap3A_855 = arith.index_cast %scan3A_156 : i32 to index
      %swap3A_856 = arith.constant 688 : index
      %swap3A_857 = tpu.vector_load %arg6[%swap3A_855, %swap3A_856] {strides = array<i32>} : memref<16x1024xf32, #tpu.memory_space<vmem>>, vector<1x16xf32>,
      %swap3A_858 = vector.shape_cast %swap3A_857 : vector<1x16xf32> to vector<16xf32>
      %swap3A_859 = vector.shape_cast %add3A_854 : vector<16xf32> to vector<1x16xf32>
      tpu.vector_store %arg6[%swap3A_855, %swap3A_856], %swap3A_859 {strides = array<i32>} : memref<16x1024xf32, #tpu.memory_space<vmem>>, vector<1x16xf32>,
      %get3A_860 = arith.index_cast %scan3A_156 : i32 to index
      %get3A_861 = arith.constant 704 : index
      %get3A_862 = tpu.vector_load %arg6[%get3A_860, %get3A_861] {strides = array<i32>} : memref<16x1024xf32, #tpu.memory_space<vmem>>, vector<1x16xf32>,
      %get3A_863 = vector.shape_cast %get3A_862 : vector<1x16xf32> to vector<16xf32>
      %add3A_864 = arith.constant 48 : i32
      %add3A_865 = arith.addi %add3A_864, %scan3A_156 : i32
      %get3A_866 = arith.index_cast %add3A_865 : i32 to index
      %get3A_867 = arith.constant 704 : index
      %get3A_868 = tpu.vector_load %arg5[%get3A_866, %get3A_867] {strides = array<i32>} : memref<64x1024xf32, #tpu.memory_space<vmem>>, vector<1x16xf32>,
      %get3A_869 = vector.shape_cast %get3A_868 : vector<1x16xf32> to vector<16xf32>
      %add3A_870 = arith.addf %get3A_863, %get3A_869 : vector<16xf32>
      %swap3A_871 = arith.index_cast %scan3A_156 : i32 to index
      %swap3A_872 = arith.constant 704 : index
      %swap3A_873 = tpu.vector_load %arg6[%swap3A_871, %swap3A_872] {strides = array<i32>} : memref<16x1024xf32, #tpu.memory_space<vmem>>, vector<1x16xf32>,
      %swap3A_874 = vector.shape_cast %swap3A_873 : vector<1x16xf32> to vector<16xf32>
      %swap3A_875 = vector.shape_cast %add3A_870 : vector<16xf32> to vector<1x16xf32>
      tpu.vector_store %arg6[%swap3A_871, %swap3A_872], %swap3A_875 {strides = array<i32>} : memref<16x1024xf32, #tpu.memory_space<vmem>>, vector<1x16xf32>,
      %get3A_876 = arith.index_cast %scan3A_156 : i32 to index
      %get3A_877 = arith.constant 720 : index
      %get3A_878 = tpu.vector_load %arg6[%get3A_876, %get3A_877] {strides = array<i32>} : memref<16x1024xf32, #tpu.memory_space<vmem>>, vector<1x16xf32>,
      %get3A_879 = vector.shape_cast %get3A_878 : vector<1x16xf32> to vector<16xf32>
      %add3A_880 = arith.constant 48 : i32
      %add3A_881 = arith.addi %add3A_880, %scan3A_156 : i32
      %get3A_882 = arith.index_cast %add3A_881 : i32 to index
      %get3A_883 = arith.constant 720 : index
      %get3A_884 = tpu.vector_load %arg5[%get3A_882, %get3A_883] {strides = array<i32>} : memref<64x1024xf32, #tpu.memory_space<vmem>>, vector<1x16xf32>,
      %get3A_885 = vector.shape_cast %get3A_884 : vector<1x16xf32> to vector<16xf32>
      %add3A_886 = arith.addf %get3A_879, %get3A_885 : vector<16xf32>
      %swap3A_887 = arith.index_cast %scan3A_156 : i32 to index
      %swap3A_888 = arith.constant 720 : index
      %swap3A_889 = tpu.vector_load %arg6[%swap3A_887, %swap3A_888] {strides = array<i32>} : memref<16x1024xf32, #tpu.memory_space<vmem>>, vector<1x16xf32>,
      %swap3A_890 = vector.shape_cast %swap3A_889 : vector<1x16xf32> to vector<16xf32>
      %swap3A_891 = vector.shape_cast %add3A_886 : vector<16xf32> to vector<1x16xf32>
      tpu.vector_store %arg6[%swap3A_887, %swap3A_888], %swap3A_891 {strides = array<i32>} : memref<16x1024xf32, #tpu.memory_space<vmem>>, vector<1x16xf32>,
      %get3A_892 = arith.index_cast %scan3A_156 : i32 to index
      %get3A_893 = arith.constant 736 : index
      %get3A_894 = tpu.vector_load %arg6[%get3A_892, %get3A_893] {strides = array<i32>} : memref<16x1024xf32, #tpu.memory_space<vmem>>, vector<1x16xf32>,
      %get3A_895 = vector.shape_cast %get3A_894 : vector<1x16xf32> to vector<16xf32>
      %add3A_896 = arith.constant 48 : i32
      %add3A_897 = arith.addi %add3A_896, %scan3A_156 : i32
      %get3A_898 = arith.index_cast %add3A_897 : i32 to index
      %get3A_899 = arith.constant 736 : index
      %get3A_900 = tpu.vector_load %arg5[%get3A_898, %get3A_899] {strides = array<i32>} : memref<64x1024xf32, #tpu.memory_space<vmem>>, vector<1x16xf32>,
      %get3A_901 = vector.shape_cast %get3A_900 : vector<1x16xf32> to vector<16xf32>
      %add3A_902 = arith.addf %get3A_895, %get3A_901 : vector<16xf32>
      %swap3A_903 = arith.index_cast %scan3A_156 : i32 to index
      %swap3A_904 = arith.constant 736 : index
      %swap3A_905 = tpu.vector_load %arg6[%swap3A_903, %swap3A_904] {strides = array<i32>} : memref<16x1024xf32, #tpu.memory_space<vmem>>, vector<1x16xf32>,
      %swap3A_906 = vector.shape_cast %swap3A_905 : vector<1x16xf32> to vector<16xf32>
      %swap3A_907 = vector.shape_cast %add3A_902 : vector<16xf32> to vector<1x16xf32>
      tpu.vector_store %arg6[%swap3A_903, %swap3A_904], %swap3A_907 {strides = array<i32>} : memref<16x1024xf32, #tpu.memory_space<vmem>>, vector<1x16xf32>,
      %get3A_908 = arith.index_cast %scan3A_156 : i32 to index
      %get3A_909 = arith.constant 752 : index
      %get3A_910 = tpu.vector_load %arg6[%get3A_908, %get3A_909] {strides = array<i32>} : memref<16x1024xf32, #tpu.memory_space<vmem>>, vector<1x16xf32>,
      %get3A_911 = vector.shape_cast %get3A_910 : vector<1x16xf32> to vector<16xf32>
      %add3A_912 = arith.constant 48 : i32
      %add3A_913 = arith.addi %add3A_912, %scan3A_156 : i32
      %get3A_914 = arith.index_cast %add3A_913 : i32 to index
      %get3A_915 = arith.constant 752 : index
      %get3A_916 = tpu.vector_load %arg5[%get3A_914, %get3A_915] {strides = array<i32>} : memref<64x1024xf32, #tpu.memory_space<vmem>>, vector<1x16xf32>,
      %get3A_917 = vector.shape_cast %get3A_916 : vector<1x16xf32> to vector<16xf32>
      %add3A_918 = arith.addf %get3A_911, %get3A_917 : vector<16xf32>
      %swap3A_919 = arith.index_cast %scan3A_156 : i32 to index
      %swap3A_920 = arith.constant 752 : index
      %swap3A_921 = tpu.vector_load %arg6[%swap3A_919, %swap3A_920] {strides = array<i32>} : memref<16x1024xf32, #tpu.memory_space<vmem>>, vector<1x16xf32>,
      %swap3A_922 = vector.shape_cast %swap3A_921 : vector<1x16xf32> to vector<16xf32>
      %swap3A_923 = vector.shape_cast %add3A_918 : vector<16xf32> to vector<1x16xf32>
      tpu.vector_store %arg6[%swap3A_919, %swap3A_920], %swap3A_923 {strides = array<i32>} : memref<16x1024xf32, #tpu.memory_space<vmem>>, vector<1x16xf32>,
      %get3A_924 = arith.index_cast %scan3A_156 : i32 to index
      %get3A_925 = arith.constant 768 : index
      %get3A_926 = tpu.vector_load %arg6[%get3A_924, %get3A_925] {strides = array<i32>} : memref<16x1024xf32, #tpu.memory_space<vmem>>, vector<1x16xf32>,
      %get3A_927 = vector.shape_cast %get3A_926 : vector<1x16xf32> to vector<16xf32>
      %add3A_928 = arith.constant 48 : i32
      %add3A_929 = arith.addi %add3A_928, %scan3A_156 : i32
      %get3A_930 = arith.index_cast %add3A_929 : i32 to index
      %get3A_931 = arith.constant 768 : index
      %get3A_932 = tpu.vector_load %arg5[%get3A_930, %get3A_931] {strides = array<i32>} : memref<64x1024xf32, #tpu.memory_space<vmem>>, vector<1x16xf32>,
      %get3A_933 = vector.shape_cast %get3A_932 : vector<1x16xf32> to vector<16xf32>
      %add3A_934 = arith.addf %get3A_927, %get3A_933 : vector<16xf32>
      %swap3A_935 = arith.index_cast %scan3A_156 : i32 to index
      %swap3A_936 = arith.constant 768 : index
      %swap3A_937 = tpu.vector_load %arg6[%swap3A_935, %swap3A_936] {strides = array<i32>} : memref<16x1024xf32, #tpu.memory_space<vmem>>, vector<1x16xf32>,
      %swap3A_938 = vector.shape_cast %swap3A_937 : vector<1x16xf32> to vector<16xf32>
      %swap3A_939 = vector.shape_cast %add3A_934 : vector<16xf32> to vector<1x16xf32>
      tpu.vector_store %arg6[%swap3A_935, %swap3A_936], %swap3A_939 {strides = array<i32>} : memref<16x1024xf32, #tpu.memory_space<vmem>>, vector<1x16xf32>,
      %get3A_940 = arith.index_cast %scan3A_156 : i32 to index
      %get3A_941 = arith.constant 784 : index
      %get3A_942 = tpu.vector_load %arg6[%get3A_940, %get3A_941] {strides = array<i32>} : memref<16x1024xf32, #tpu.memory_space<vmem>>, vector<1x16xf32>,
      %get3A_943 = vector.shape_cast %get3A_942 : vector<1x16xf32> to vector<16xf32>
      %add3A_944 = arith.constant 48 : i32
      %add3A_945 = arith.addi %add3A_944, %scan3A_156 : i32
      %get3A_946 = arith.index_cast %add3A_945 : i32 to index
      %get3A_947 = arith.constant 784 : index
      %get3A_948 = tpu.vector_load %arg5[%get3A_946, %get3A_947] {strides = array<i32>} : memref<64x1024xf32, #tpu.memory_space<vmem>>, vector<1x16xf32>,
      %get3A_949 = vector.shape_cast %get3A_948 : vector<1x16xf32> to vector<16xf32>
      %add3A_950 = arith.addf %get3A_943, %get3A_949 : vector<16xf32>
      %swap3A_951 = arith.index_cast %scan3A_156 : i32 to index
      %swap3A_952 = arith.constant 784 : index
      %swap3A_953 = tpu.vector_load %arg6[%swap3A_951, %swap3A_952] {strides = array<i32>} : memref<16x1024xf32, #tpu.memory_space<vmem>>, vector<1x16xf32>,
      %swap3A_954 = vector.shape_cast %swap3A_953 : vector<1x16xf32> to vector<16xf32>
      %swap3A_955 = vector.shape_cast %add3A_950 : vector<16xf32> to vector<1x16xf32>
      tpu.vector_store %arg6[%swap3A_951, %swap3A_952], %swap3A_955 {strides = array<i32>} : memref<16x1024xf32, #tpu.memory_space<vmem>>, vector<1x16xf32>,
      %get3A_956 = arith.index_cast %scan3A_156 : i32 to index
      %get3A_957 = arith.constant 800 : index
      %get3A_958 = tpu.vector_load %arg6[%get3A_956, %get3A_957] {strides = array<i32>} : memref<16x1024xf32, #tpu.memory_space<vmem>>, vector<1x16xf32>,
      %get3A_959 = vector.shape_cast %get3A_958 : vector<1x16xf32> to vector<16xf32>
      %add3A_960 = arith.constant 48 : i32
      %add3A_961 = arith.addi %add3A_960, %scan3A_156 : i32
      %get3A_962 = arith.index_cast %add3A_961 : i32 to index
      %get3A_963 = arith.constant 800 : index
      %get3A_964 = tpu.vector_load %arg5[%get3A_962, %get3A_963] {strides = array<i32>} : memref<64x1024xf32, #tpu.memory_space<vmem>>, vector<1x16xf32>,
      %get3A_965 = vector.shape_cast %get3A_964 : vector<1x16xf32> to vector<16xf32>
      %add3A_966 = arith.addf %get3A_959, %get3A_965 : vector<16xf32>
      %swap3A_967 = arith.index_cast %scan3A_156 : i32 to index
      %swap3A_968 = arith.constant 800 : index
      %swap3A_969 = tpu.vector_load %arg6[%swap3A_967, %swap3A_968] {strides = array<i32>} : memref<16x1024xf32, #tpu.memory_space<vmem>>, vector<1x16xf32>,
      %swap3A_970 = vector.shape_cast %swap3A_969 : vector<1x16xf32> to vector<16xf32>
      %swap3A_971 = vector.shape_cast %add3A_966 : vector<16xf32> to vector<1x16xf32>
      tpu.vector_store %arg6[%swap3A_967, %swap3A_968], %swap3A_971 {strides = array<i32>} : memref<16x1024xf32, #tpu.memory_space<vmem>>, vector<1x16xf32>,
      %get3A_972 = arith.index_cast %scan3A_156 : i32 to index
      %get3A_973 = arith.constant 816 : index
      %get3A_974 = tpu.vector_load %arg6[%get3A_972, %get3A_973] {strides = array<i32>} : memref<16x1024xf32, #tpu.memory_space<vmem>>, vector<1x16xf32>,
      %get3A_975 = vector.shape_cast %get3A_974 : vector<1x16xf32> to vector<16xf32>
      %add3A_976 = arith.constant 48 : i32
      %add3A_977 = arith.addi %add3A_976, %scan3A_156 : i32
      %get3A_978 = arith.index_cast %add3A_977 : i32 to index
      %get3A_979 = arith.constant 816 : index
      %get3A_980 = tpu.vector_load %arg5[%get3A_978, %get3A_979] {strides = array<i32>} : memref<64x1024xf32, #tpu.memory_space<vmem>>, vector<1x16xf32>,
      %get3A_981 = vector.shape_cast %get3A_980 : vector<1x16xf32> to vector<16xf32>
      %add3A_982 = arith.addf %get3A_975, %get3A_981 : vector<16xf32>
      %swap3A_983 = arith.index_cast %scan3A_156 : i32 to index
      %swap3A_984 = arith.constant 816 : index
      %swap3A_985 = tpu.vector_load %arg6[%swap3A_983, %swap3A_984] {strides = array<i32>} : memref<16x1024xf32, #tpu.memory_space<vmem>>, vector<1x16xf32>,
      %swap3A_986 = vector.shape_cast %swap3A_985 : vector<1x16xf32> to vector<16xf32>
      %swap3A_987 = vector.shape_cast %add3A_982 : vector<16xf32> to vector<1x16xf32>
      tpu.vector_store %arg6[%swap3A_983, %swap3A_984], %swap3A_987 {strides = array<i32>} : memref<16x1024xf32, #tpu.memory_space<vmem>>, vector<1x16xf32>,
      %get3A_988 = arith.index_cast %scan3A_156 : i32 to index
      %get3A_989 = arith.constant 832 : index
      %get3A_990 = tpu.vector_load %arg6[%get3A_988, %get3A_989] {strides = array<i32>} : memref<16x1024xf32, #tpu.memory_space<vmem>>, vector<1x16xf32>,
      %get3A_991 = vector.shape_cast %get3A_990 : vector<1x16xf32> to vector<16xf32>
      %add3A_992 = arith.constant 48 : i32
      %add3A_993 = arith.addi %add3A_992, %scan3A_156 : i32
      %get3A_994 = arith.index_cast %add3A_993 : i32 to index
      %get3A_995 = arith.constant 832 : index
      %get3A_996 = tpu.vector_load %arg5[%get3A_994, %get3A_995] {strides = array<i32>} : memref<64x1024xf32, #tpu.memory_space<vmem>>, vector<1x16xf32>,
      %get3A_997 = vector.shape_cast %get3A_996 : vector<1x16xf32> to vector<16xf32>
      %add3A_998 = arith.addf %get3A_991, %get3A_997 : vector<16xf32>
      %swap3A_999 = arith.index_cast %scan3A_156 : i32 to index
      %swap3A_1000 = arith.constant 832 : index
      %swap3A_1001 = tpu.vector_load %arg6[%swap3A_999, %swap3A_1000] {strides = array<i32>} : memref<16x1024xf32, #tpu.memory_space<vmem>>, vector<1x16xf32>,
      %swap3A_1002 = vector.shape_cast %swap3A_1001 : vector<1x16xf32> to vector<16xf32>
      %swap3A_1003 = vector.shape_cast %add3A_998 : vector<16xf32> to vector<1x16xf32>
      tpu.vector_store %arg6[%swap3A_999, %swap3A_1000], %swap3A_1003 {strides = array<i32>} : memref<16x1024xf32, #tpu.memory_space<vmem>>, vector<1x16xf32>,
      %get3A_1004 = arith.index_cast %scan3A_156 : i32 to index
      %get3A_1005 = arith.constant 848 : index
      %get3A_1006 = tpu.vector_load %arg6[%get3A_1004, %get3A_1005] {strides = array<i32>} : memref<16x1024xf32, #tpu.memory_space<vmem>>, vector<1x16xf32>,
      %get3A_1007 = vector.shape_cast %get3A_1006 : vector<1x16xf32> to vector<16xf32>
      %add3A_1008 = arith.constant 48 : i32
      %add3A_1009 = arith.addi %add3A_1008, %scan3A_156 : i32
      %get3A_1010 = arith.index_cast %add3A_1009 : i32 to index
      %get3A_1011 = arith.constant 848 : index
      %get3A_1012 = tpu.vector_load %arg5[%get3A_1010, %get3A_1011] {strides = array<i32>} : memref<64x1024xf32, #tpu.memory_space<vmem>>, vector<1x16xf32>,
      %get3A_1013 = vector.shape_cast %get3A_1012 : vector<1x16xf32> to vector<16xf32>
      %add3A_1014 = arith.addf %get3A_1007, %get3A_1013 : vector<16xf32>
      %swap3A_1015 = arith.index_cast %scan3A_156 : i32 to index
      %swap3A_1016 = arith.constant 848 : index
      %swap3A_1017 = tpu.vector_load %arg6[%swap3A_1015, %swap3A_1016] {strides = array<i32>} : memref<16x1024xf32, #tpu.memory_space<vmem>>, vector<1x16xf32>,
      %swap3A_1018 = vector.shape_cast %swap3A_1017 : vector<1x16xf32> to vector<16xf32>
      %swap3A_1019 = vector.shape_cast %add3A_1014 : vector<16xf32> to vector<1x16xf32>
      tpu.vector_store %arg6[%swap3A_1015, %swap3A_1016], %swap3A_1019 {strides = array<i32>} : memref<16x1024xf32, #tpu.memory_space<vmem>>, vector<1x16xf32>,
      %get3A_1020 = arith.index_cast %scan3A_156 : i32 to index
      %get3A_1021 = arith.constant 864 : index
      %get3A_1022 = tpu.vector_load %arg6[%get3A_1020, %get3A_1021] {strides = array<i32>} : memref<16x1024xf32, #tpu.memory_space<vmem>>, vector<1x16xf32>,
      %get3A_1023 = vector.shape_cast %get3A_1022 : vector<1x16xf32> to vector<16xf32>
      %add3A_1024 = arith.constant 48 : i32
      %add3A_1025 = arith.addi %add3A_1024, %scan3A_156 : i32
      %get3A_1026 = arith.index_cast %add3A_1025 : i32 to index
      %get3A_1027 = arith.constant 864 : index
      %get3A_1028 = tpu.vector_load %arg5[%get3A_1026, %get3A_1027] {strides = array<i32>} : memref<64x1024xf32, #tpu.memory_space<vmem>>, vector<1x16xf32>,
      %get3A_1029 = vector.shape_cast %get3A_1028 : vector<1x16xf32> to vector<16xf32>
      %add3A_1030 = arith.addf %get3A_1023, %get3A_1029 : vector<16xf32>
      %swap3A_1031 = arith.index_cast %scan3A_156 : i32 to index
      %swap3A_1032 = arith.constant 864 : index
      %swap3A_1033 = tpu.vector_load %arg6[%swap3A_1031, %swap3A_1032] {strides = array<i32>} : memref<16x1024xf32, #tpu.memory_space<vmem>>, vector<1x16xf32>,
      %swap3A_1034 = vector.shape_cast %swap3A_1033 : vector<1x16xf32> to vector<16xf32>
      %swap3A_1035 = vector.shape_cast %add3A_1030 : vector<16xf32> to vector<1x16xf32>
      tpu.vector_store %arg6[%swap3A_1031, %swap3A_1032], %swap3A_1035 {strides = array<i32>} : memref<16x1024xf32, #tpu.memory_space<vmem>>, vector<1x16xf32>,
      %get3A_1036 = arith.index_cast %scan3A_156 : i32 to index
      %get3A_1037 = arith.constant 880 : index
      %get3A_1038 = tpu.vector_load %arg6[%get3A_1036, %get3A_1037] {strides = array<i32>} : memref<16x1024xf32, #tpu.memory_space<vmem>>, vector<1x16xf32>,
      %get3A_1039 = vector.shape_cast %get3A_1038 : vector<1x16xf32> to vector<16xf32>
      %add3A_1040 = arith.constant 48 : i32
      %add3A_1041 = arith.addi %add3A_1040, %scan3A_156 : i32
      %get3A_1042 = arith.index_cast %add3A_1041 : i32 to index
      %get3A_1043 = arith.constant 880 : index
      %get3A_1044 = tpu.vector_load %arg5[%get3A_1042, %get3A_1043] {strides = array<i32>} : memref<64x1024xf32, #tpu.memory_space<vmem>>, vector<1x16xf32>,
      %get3A_1045 = vector.shape_cast %get3A_1044 : vector<1x16xf32> to vector<16xf32>
      %add3A_1046 = arith.addf %get3A_1039, %get3A_1045 : vector<16xf32>
      %swap3A_1047 = arith.index_cast %scan3A_156 : i32 to index
      %swap3A_1048 = arith.constant 880 : index
      %swap3A_1049 = tpu.vector_load %arg6[%swap3A_1047, %swap3A_1048] {strides = array<i32>} : memref<16x1024xf32, #tpu.memory_space<vmem>>, vector<1x16xf32>,
      %swap3A_1050 = vector.shape_cast %swap3A_1049 : vector<1x16xf32> to vector<16xf32>
      %swap3A_1051 = vector.shape_cast %add3A_1046 : vector<16xf32> to vector<1x16xf32>
      tpu.vector_store %arg6[%swap3A_1047, %swap3A_1048], %swap3A_1051 {strides = array<i32>} : memref<16x1024xf32, #tpu.memory_space<vmem>>, vector<1x16xf32>,
      %get3A_1052 = arith.index_cast %scan3A_156 : i32 to index
      %get3A_1053 = arith.constant 896 : index
      %get3A_1054 = tpu.vector_load %arg6[%get3A_1052, %get3A_1053] {strides = array<i32>} : memref<16x1024xf32, #tpu.memory_space<vmem>>, vector<1x16xf32>,
      %get3A_1055 = vector.shape_cast %get3A_1054 : vector<1x16xf32> to vector<16xf32>
      %add3A_1056 = arith.constant 48 : i32
      %add3A_1057 = arith.addi %add3A_1056, %scan3A_156 : i32
      %get3A_1058 = arith.index_cast %add3A_1057 : i32 to index
      %get3A_1059 = arith.constant 896 : index
      %get3A_1060 = tpu.vector_load %arg5[%get3A_1058, %get3A_1059] {strides = array<i32>} : memref<64x1024xf32, #tpu.memory_space<vmem>>, vector<1x16xf32>,
      %get3A_1061 = vector.shape_cast %get3A_1060 : vector<1x16xf32> to vector<16xf32>
      %add3A_1062 = arith.addf %get3A_1055, %get3A_1061 : vector<16xf32>
      %swap3A_1063 = arith.index_cast %scan3A_156 : i32 to index
      %swap3A_1064 = arith.constant 896 : index
      %swap3A_1065 = tpu.vector_load %arg6[%swap3A_1063, %swap3A_1064] {strides = array<i32>} : memref<16x1024xf32, #tpu.memory_space<vmem>>, vector<1x16xf32>,
      %swap3A_1066 = vector.shape_cast %swap3A_1065 : vector<1x16xf32> to vector<16xf32>
      %swap3A_1067 = vector.shape_cast %add3A_1062 : vector<16xf32> to vector<1x16xf32>
      tpu.vector_store %arg6[%swap3A_1063, %swap3A_1064], %swap3A_1067 {strides = array<i32>} : memref<16x1024xf32, #tpu.memory_space<vmem>>, vector<1x16xf32>,
      %get3A_1068 = arith.index_cast %scan3A_156 : i32 to index
      %get3A_1069 = arith.constant 912 : index
      %get3A_1070 = tpu.vector_load %arg6[%get3A_1068, %get3A_1069] {strides = array<i32>} : memref<16x1024xf32, #tpu.memory_space<vmem>>, vector<1x16xf32>,
      %get3A_1071 = vector.shape_cast %get3A_1070 : vector<1x16xf32> to vector<16xf32>
      %add3A_1072 = arith.constant 48 : i32
      %add3A_1073 = arith.addi %add3A_1072, %scan3A_156 : i32
      %get3A_1074 = arith.index_cast %add3A_1073 : i32 to index
      %get3A_1075 = arith.constant 912 : index
      %get3A_1076 = tpu.vector_load %arg5[%get3A_1074, %get3A_1075] {strides = array<i32>} : memref<64x1024xf32, #tpu.memory_space<vmem>>, vector<1x16xf32>,
      %get3A_1077 = vector.shape_cast %get3A_1076 : vector<1x16xf32> to vector<16xf32>
      %add3A_1078 = arith.addf %get3A_1071, %get3A_1077 : vector<16xf32>
      %swap3A_1079 = arith.index_cast %scan3A_156 : i32 to index
      %swap3A_1080 = arith.constant 912 : index
      %swap3A_1081 = tpu.vector_load %arg6[%swap3A_1079, %swap3A_1080] {strides = array<i32>} : memref<16x1024xf32, #tpu.memory_space<vmem>>, vector<1x16xf32>,
      %swap3A_1082 = vector.shape_cast %swap3A_1081 : vector<1x16xf32> to vector<16xf32>
      %swap3A_1083 = vector.shape_cast %add3A_1078 : vector<16xf32> to vector<1x16xf32>
      tpu.vector_store %arg6[%swap3A_1079, %swap3A_1080], %swap3A_1083 {strides = array<i32>} : memref<16x1024xf32, #tpu.memory_space<vmem>>, vector<1x16xf32>,
      %get3A_1084 = arith.index_cast %scan3A_156 : i32 to index
      %get3A_1085 = arith.constant 928 : index
      %get3A_1086 = tpu.vector_load %arg6[%get3A_1084, %get3A_1085] {strides = array<i32>} : memref<16x1024xf32, #tpu.memory_space<vmem>>, vector<1x16xf32>,
      %get3A_1087 = vector.shape_cast %get3A_1086 : vector<1x16xf32> to vector<16xf32>
      %add3A_1088 = arith.constant 48 : i32
      %add3A_1089 = arith.addi %add3A_1088, %scan3A_156 : i32
      %get3A_1090 = arith.index_cast %add3A_1089 : i32 to index
      %get3A_1091 = arith.constant 928 : index
      %get3A_1092 = tpu.vector_load %arg5[%get3A_1090, %get3A_1091] {strides = array<i32>} : memref<64x1024xf32, #tpu.memory_space<vmem>>, vector<1x16xf32>,
      %get3A_1093 = vector.shape_cast %get3A_1092 : vector<1x16xf32> to vector<16xf32>
      %add3A_1094 = arith.addf %get3A_1087, %get3A_1093 : vector<16xf32>
      %swap3A_1095 = arith.index_cast %scan3A_156 : i32 to index
      %swap3A_1096 = arith.constant 928 : index
      %swap3A_1097 = tpu.vector_load %arg6[%swap3A_1095, %swap3A_1096] {strides = array<i32>} : memref<16x1024xf32, #tpu.memory_space<vmem>>, vector<1x16xf32>,
      %swap3A_1098 = vector.shape_cast %swap3A_1097 : vector<1x16xf32> to vector<16xf32>
      %swap3A_1099 = vector.shape_cast %add3A_1094 : vector<16xf32> to vector<1x16xf32>
      tpu.vector_store %arg6[%swap3A_1095, %swap3A_1096], %swap3A_1099 {strides = array<i32>} : memref<16x1024xf32, #tpu.memory_space<vmem>>, vector<1x16xf32>,
      %get3A_1100 = arith.index_cast %scan3A_156 : i32 to index
      %get3A_1101 = arith.constant 944 : index
      %get3A_1102 = tpu.vector_load %arg6[%get3A_1100, %get3A_1101] {strides = array<i32>} : memref<16x1024xf32, #tpu.memory_space<vmem>>, vector<1x16xf32>,
      %get3A_1103 = vector.shape_cast %get3A_1102 : vector<1x16xf32> to vector<16xf32>
      %add3A_1104 = arith.constant 48 : i32
      %add3A_1105 = arith.addi %add3A_1104, %scan3A_156 : i32
      %get3A_1106 = arith.index_cast %add3A_1105 : i32 to index
      %get3A_1107 = arith.constant 944 : index
      %get3A_1108 = tpu.vector_load %arg5[%get3A_1106, %get3A_1107] {strides = array<i32>} : memref<64x1024xf32, #tpu.memory_space<vmem>>, vector<1x16xf32>,
      %get3A_1109 = vector.shape_cast %get3A_1108 : vector<1x16xf32> to vector<16xf32>
      %add3A_1110 = arith.addf %get3A_1103, %get3A_1109 : vector<16xf32>
      %swap3A_1111 = arith.index_cast %scan3A_156 : i32 to index
      %swap3A_1112 = arith.constant 944 : index
      %swap3A_1113 = tpu.vector_load %arg6[%swap3A_1111, %swap3A_1112] {strides = array<i32>} : memref<16x1024xf32, #tpu.memory_space<vmem>>, vector<1x16xf32>,
      %swap3A_1114 = vector.shape_cast %swap3A_1113 : vector<1x16xf32> to vector<16xf32>
      %swap3A_1115 = vector.shape_cast %add3A_1110 : vector<16xf32> to vector<1x16xf32>
      tpu.vector_store %arg6[%swap3A_1111, %swap3A_1112], %swap3A_1115 {strides = array<i32>} : memref<16x1024xf32, #tpu.memory_space<vmem>>, vector<1x16xf32>,
      %get3A_1116 = arith.index_cast %scan3A_156 : i32 to index
      %get3A_1117 = arith.constant 960 : index
      %get3A_1118 = tpu.vector_load %arg6[%get3A_1116, %get3A_1117] {strides = array<i32>} : memref<16x1024xf32, #tpu.memory_space<vmem>>, vector<1x16xf32>,
      %get3A_1119 = vector.shape_cast %get3A_1118 : vector<1x16xf32> to vector<16xf32>
      %add3A_1120 = arith.constant 48 : i32
      %add3A_1121 = arith.addi %add3A_1120, %scan3A_156 : i32
      %get3A_1122 = arith.index_cast %add3A_1121 : i32 to index
      %get3A_1123 = arith.constant 960 : index
      %get3A_1124 = tpu.vector_load %arg5[%get3A_1122, %get3A_1123] {strides = array<i32>} : memref<64x1024xf32, #tpu.memory_space<vmem>>, vector<1x16xf32>,
      %get3A_1125 = vector.shape_cast %get3A_1124 : vector<1x16xf32> to vector<16xf32>
      %add3A_1126 = arith.addf %get3A_1119, %get3A_1125 : vector<16xf32>
      %swap3A_1127 = arith.index_cast %scan3A_156 : i32 to index
      %swap3A_1128 = arith.constant 960 : index
      %swap3A_1129 = tpu.vector_load %arg6[%swap3A_1127, %swap3A_1128] {strides = array<i32>} : memref<16x1024xf32, #tpu.memory_space<vmem>>, vector<1x16xf32>,
      %swap3A_1130 = vector.shape_cast %swap3A_1129 : vector<1x16xf32> to vector<16xf32>
      %swap3A_1131 = vector.shape_cast %add3A_1126 : vector<16xf32> to vector<1x16xf32>
      tpu.vector_store %arg6[%swap3A_1127, %swap3A_1128], %swap3A_1131 {strides = array<i32>} : memref<16x1024xf32, #tpu.memory_space<vmem>>, vector<1x16xf32>,
      %get3A_1132 = arith.index_cast %scan3A_156 : i32 to index
      %get3A_1133 = arith.constant 976 : index
      %get3A_1134 = tpu.vector_load %arg6[%get3A_1132, %get3A_1133] {strides = array<i32>} : memref<16x1024xf32, #tpu.memory_space<vmem>>, vector<1x16xf32>,
      %get3A_1135 = vector.shape_cast %get3A_1134 : vector<1x16xf32> to vector<16xf32>
      %add3A_1136 = arith.constant 48 : i32
      %add3A_1137 = arith.addi %add3A_1136, %scan3A_156 : i32
      %get3A_1138 = arith.index_cast %add3A_1137 : i32 to index
      %get3A_1139 = arith.constant 976 : index
      %get3A_1140 = tpu.vector_load %arg5[%get3A_1138, %get3A_1139] {strides = array<i32>} : memref<64x1024xf32, #tpu.memory_space<vmem>>, vector<1x16xf32>,
      %get3A_1141 = vector.shape_cast %get3A_1140 : vector<1x16xf32> to vector<16xf32>
      %add3A_1142 = arith.addf %get3A_1135, %get3A_1141 : vector<16xf32>
      %swap3A_1143 = arith.index_cast %scan3A_156 : i32 to index
      %swap3A_1144 = arith.constant 976 : index
      %swap3A_1145 = tpu.vector_load %arg6[%swap3A_1143, %swap3A_1144] {strides = array<i32>} : memref<16x1024xf32, #tpu.memory_space<vmem>>, vector<1x16xf32>,
      %swap3A_1146 = vector.shape_cast %swap3A_1145 : vector<1x16xf32> to vector<16xf32>
      %swap3A_1147 = vector.shape_cast %add3A_1142 : vector<16xf32> to vector<1x16xf32>
      tpu.vector_store %arg6[%swap3A_1143, %swap3A_1144], %swap3A_1147 {strides = array<i32>} : memref<16x1024xf32, #tpu.memory_space<vmem>>, vector<1x16xf32>,
      %get3A_1148 = arith.index_cast %scan3A_156 : i32 to index
      %get3A_1149 = arith.constant 992 : index
      %get3A_1150 = tpu.vector_load %arg6[%get3A_1148, %get3A_1149] {strides = array<i32>} : memref<16x1024xf32, #tpu.memory_space<vmem>>, vector<1x16xf32>,
      %get3A_1151 = vector.shape_cast %get3A_1150 : vector<1x16xf32> to vector<16xf32>
      %add3A_1152 = arith.constant 48 : i32
      %add3A_1153 = arith.addi %add3A_1152, %scan3A_156 : i32
      %get3A_1154 = arith.index_cast %add3A_1153 : i32 to index
      %get3A_1155 = arith.constant 992 : index
      %get3A_1156 = tpu.vector_load %arg5[%get3A_1154, %get3A_1155] {strides = array<i32>} : memref<64x1024xf32, #tpu.memory_space<vmem>>, vector<1x16xf32>,
      %get3A_1157 = vector.shape_cast %get3A_1156 : vector<1x16xf32> to vector<16xf32>
      %add3A_1158 = arith.addf %get3A_1151, %get3A_1157 : vector<16xf32>
      %swap3A_1159 = arith.index_cast %scan3A_156 : i32 to index
      %swap3A_1160 = arith.constant 992 : index
      %swap3A_1161 = tpu.vector_load %arg6[%swap3A_1159, %swap3A_1160] {strides = array<i32>} : memref<16x1024xf32, #tpu.memory_space<vmem>>, vector<1x16xf32>,
      %swap3A_1162 = vector.shape_cast %swap3A_1161 : vector<1x16xf32> to vector<16xf32>
      %swap3A_1163 = vector.shape_cast %add3A_1158 : vector<16xf32> to vector<1x16xf32>
      tpu.vector_store %arg6[%swap3A_1159, %swap3A_1160], %swap3A_1163 {strides = array<i32>} : memref<16x1024xf32, #tpu.memory_space<vmem>>, vector<1x16xf32>,
      %get3A_1164 = arith.index_cast %scan3A_156 : i32 to index
      %get3A_1165 = arith.constant 1008 : index
      %get3A_1166 = tpu.vector_load %arg6[%get3A_1164, %get3A_1165] {strides = array<i32>} : memref<16x1024xf32, #tpu.memory_space<vmem>>, vector<1x16xf32>,
      %get3A_1167 = vector.shape_cast %get3A_1166 : vector<1x16xf32> to vector<16xf32>
      %add3A_1168 = arith.constant 48 : i32
      %add3A_1169 = arith.addi %add3A_1168, %scan3A_156 : i32
      %get3A_1170 = arith.index_cast %add3A_1169 : i32 to index
      %get3A_1171 = arith.constant 1008 : index
      %get3A_1172 = tpu.vector_load %arg5[%get3A_1170, %get3A_1171] {strides = array<i32>} : memref<64x1024xf32, #tpu.memory_space<vmem>>, vector<1x16xf32>,
      %get3A_1173 = vector.shape_cast %get3A_1172 : vector<1x16xf32> to vector<16xf32>
      %add3A_1174 = arith.addf %get3A_1167, %get3A_1173 : vector<16xf32>
      %swap3A_1175 = arith.index_cast %scan3A_156 : i32 to index
      %swap3A_1176 = arith.constant 1008 : index
      %swap3A_1177 = tpu.vector_load %arg6[%swap3A_1175, %swap3A_1176] {strides = array<i32>} : memref<16x1024xf32, #tpu.memory_space<vmem>>, vector<1x16xf32>,
      %swap3A_1178 = vector.shape_cast %swap3A_1177 : vector<1x16xf32> to vector<16xf32>
      %swap3A_1179 = vector.shape_cast %add3A_1174 : vector<16xf32> to vector<1x16xf32>
      tpu.vector_store %arg6[%swap3A_1175, %swap3A_1176], %swap3A_1179 {strides = array<i32>} : memref<16x1024xf32, #tpu.memory_space<vmem>>, vector<1x16xf32>,
      %scan3A_1180 = arith.constant 0 : i32
      scf.yield %scan3A_1180 : i32
    }
    %scan3A_123 = arith.constant 16 : i32
    %add3A_124 = arith.constant 0 : i32
    %add3A_125 = arith.addi %add3A_124, %mul3A_2 : i32
    %add3A_126 = arith.constant 48 : i32
    %add3A_127 = arith.addi %add3A_125, %add3A_126 : i32
    %dma_start3A_128 = arith.constant 0 : i32
    %dma_start3A_129 = tpu.memref_slice %arg4[%add3A_127, %dma_start3A_128] : memref<2048x1024xf32, #tpu.memory_space<hbm>> -> memref<16x1024xf32, #tpu.memory_space<hbm>>
    %dma_start3A_130 = arith.constant 0 : i32
    %dma_start3A_131 = tpu.memref_slice %arg4[%add3A_127, %dma_start3A_130] : memref<2048x1024xf32, #tpu.memory_space<hbm>> -> memref<16x1024xf32, #tpu.memory_space<hbm>>
    tpu.enqueue_dma source(%arg6 : memref<16x1024xf32, #tpu.memory_space<vmem>>) target(%dma_start3A_131 : memref<16x1024xf32, #tpu.memory_space<hbm>>) target_semaphore(%arg12 : memref<!tpu.dma_semaphore, #tpu.memory_space<semaphore_mem>>)
    %add3A_132 = arith.constant 0 : i32
    %add3A_133 = arith.addi %add3A_132, %mul3A_2 : i32
    %add3A_134 = arith.constant 16 : i32
    %add3A_135 = arith.addi %add3A_133, %add3A_134 : i32
    %dma_wait3A_136 = arith.constant 0 : i32
    %dma_wait3A_137 = tpu.memref_slice %arg4[%add3A_135, %dma_wait3A_136] : memref<2048x1024xf32, #tpu.memory_space<hbm>> -> memref<16x1024xf32, #tpu.memory_space<hbm>>
    %dma_wait3A_138 = arith.constant 0 : i32
    %dma_wait3A_139 = tpu.memref_slice %arg4[%add3A_135, %dma_wait3A_138] : memref<2048x1024xf32, #tpu.memory_space<hbm>> -> memref<16x1024xf32, #tpu.memory_space<hbm>>
    tpu.wait_dma2 semaphore(%arg13 : memref<!tpu.dma_semaphore, #tpu.memory_space<semaphore_mem>>) src(%arg7 : memref<16x1024xf32, #tpu.memory_space<vmem>>) dst(%dma_wait3A_139 : memref<16x1024xf32, #tpu.memory_space<hbm>>)
    %add3A_140 = arith.constant 0 : i32
    %add3A_141 = arith.addi %add3A_140, %mul3A_2 : i32
    %add3A_142 = arith.constant 32 : i32
    %add3A_143 = arith.addi %add3A_141, %add3A_142 : i32
    %dma_wait3A_144 = arith.constant 0 : i32
    %dma_wait3A_145 = tpu.memref_slice %arg4[%add3A_143, %dma_wait3A_144] : memref<2048x1024xf32, #tpu.memory_space<hbm>> -> memref<16x1024xf32, #tpu.memory_space<hbm>>
    %dma_wait3A_146 = arith.constant 0 : i32
    %dma_wait3A_147 = tpu.memref_slice %arg4[%add3A_143, %dma_wait3A_146] : memref<2048x1024xf32, #tpu.memory_space<hbm>> -> memref<16x1024xf32, #tpu.memory_space<hbm>>
    tpu.wait_dma2 semaphore(%arg14 : memref<!tpu.dma_semaphore, #tpu.memory_space<semaphore_mem>>) src(%arg8 : memref<16x1024xf32, #tpu.memory_space<vmem>>) dst(%dma_wait3A_147 : memref<16x1024xf32, #tpu.memory_space<hbm>>)
    %add3A_148 = arith.constant 0 : i32
    %add3A_149 = arith.addi %add3A_148, %mul3A_2 : i32
    %add3A_150 = arith.constant 48 : i32
    %add3A_151 = arith.addi %add3A_149, %add3A_150 : i32
    %dma_wait3A_152 = arith.constant 0 : i32
    %dma_wait3A_153 = tpu.memref_slice %arg4[%add3A_151, %dma_wait3A_152] : memref<2048x1024xf32, #tpu.memory_space<hbm>> -> memref<16x1024xf32, #tpu.memory_space<hbm>>
    %dma_wait3A_154 = arith.constant 0 : i32
    %dma_wait3A_155 = tpu.memref_slice %arg4[%add3A_151, %dma_wait3A_154] : memref<2048x1024xf32, #tpu.memory_space<hbm>> -> memref<16x1024xf32, #tpu.memory_space<hbm>>
    tpu.wait_dma2 semaphore(%arg12 : memref<!tpu.dma_semaphore, #tpu.memory_space<semaphore_mem>>) src(%arg6 : memref<16x1024xf32, #tpu.memory_space<vmem>>) dst(%dma_wait3A_155 : memref<16x1024xf32, #tpu.memory_space<hbm>>)
    return
  }
}

module attributes {stable_mosaic.version = 14 : i64} {
  func.func @_tc_body(%arg0: i32, %arg1: memref<1x2048x1024xf32, #tpu.memory_space<vmem>>, %arg2: memref<2048x1024xf32, #tpu.memory_space<vmem>>, %arg3: memref<1x2048x1024xf32, #tpu.memory_space<vmem>>) attributes {dimension_semantics = [#tpu.dimension_semantics<arbitrary>], iteration_bounds = array<i64: 3>, scalar_prefetch = 0 : i64, scratch_operands = 0 : i64, tpu.core_type = #tpu.core_type<tc>, window_params = [{transform_indices = @transform_0, window_bounds = array<i64: 1, 2048, 1024>}, {pipeline_mode = #tpu.pipeline_mode<synchronous>, transform_indices = @transform_1, window_bounds = array<i64: 2048, 1024>}, {transform_indices = @transform_2, window_bounds = array<i64: 1, 2048, 1024>}]} {
    %get3A = arith.constant 0 : index
    %get3A_0 = arith.constant 0 : index
    %get3A_1 = arith.constant 0 : index
    %get3A_2 = vector.load %arg1[%get3A, %get3A_0, %get3A_1] : memref<1x2048x1024xf32, #tpu.memory_space<vmem>>, vector<1x2048x1024xf32>
    %get3A_3 = arith.constant 0 : index
    %get3A_4 = arith.constant 0 : index
    %get3A_5 = vector.load %arg2[%get3A_3, %get3A_4] : memref<2048x1024xf32, #tpu.memory_space<vmem>>, vector<2048x1024xf32>
    %broadcast_in_dim3A = vector.shape_cast %get3A_5 : vector<2048x1024xf32> to vector<1x2048x1024xf32>
    %add3A = arith.addf %get3A_2, %broadcast_in_dim3A : vector<1x2048x1024xf32>
    %swap3A = arith.constant 0 : index
    %swap3A_6 = arith.constant 0 : index
    %swap3A_7 = arith.constant 0 : index
    %swap3A_8 = vector.load %arg3[%swap3A, %swap3A_6, %swap3A_7] : memref<1x2048x1024xf32, #tpu.memory_space<vmem>>, vector<1x2048x1024xf32>
    tpu.vector_store %arg3[%swap3A, %swap3A_6, %swap3A_7], %add3A {strides = array<i32>} : memref<1x2048x1024xf32, #tpu.memory_space<vmem>>, vector<1x2048x1024xf32>,
    return
  }
  func.func @transform_0(%arg0: i32) -> (i32, i32, i32) {
    %c0_i32 = arith.constant 0 : i32
    %c0_i32_0 = arith.constant 0 : i32
    %c0_i32_1 = arith.constant 0 : i32
    return %arg0, %c0_i32, %c0_i32_0 : i32, i32, i32
  }
  func.func @transform_1(%arg0: i32) -> (i32, i32) {
    %c0_i32 = arith.constant 0 : i32
    %c0_i32_0 = arith.constant 0 : i32
    %c0_i32_1 = arith.constant 0 : i32
    return %c0_i32, %c0_i32_0 : i32, i32
  }
  func.func @transform_2(%arg0: i32) -> (i32, i32, i32) {
    %c0_i32 = arith.constant 0 : i32
    %c0_i32_0 = arith.constant 0 : i32
    %c0_i32_1 = arith.constant 0 : i32
    return %arg0, %c0_i32, %c0_i32_0 : i32, i32, i32
  }
}

</mosaic_0001>

<sc_bundles>
// kernel: kernel.4.cloned.1.call-start
scs
__scs_entry_jumppad:
0x0: {  	(pc) =	sbr.rel $0x88, $3  }
0x1: {  	(tag) =	ssettag $0x0;
	lr =	simm.s32 $0x1  }
0x2: {  	[smem:$0x3F9F] =	sst lr;
	_ =	strace $0xD0000000  }
0x3: {  	_ = 	snop  }
0x4: {  	_ = 	snop  }
0x5: {  	_ = 	snop  }
0x6: {  	_ = 	snop  }
0x7: {  	_ = 	snop  }
__scs_overlays_trampoline_lowered:
0x8: {  	[smem:$0x3FAE] =	sst s0  }
0x9: {  	[smem:$0x3FAF] =	sst s1  }
0xa: {  	[smem:$0x3FB0] =	sst s2  }
0xb: {  	[smem:$0x3FB1] =	sst s3  }
0xc: {  	[smem:$0x3FB2] =	sst s4  }
0xd: {  	[smem:$0x3FB3] =	sst s5  }
0xe: {  	[smem:$0x3FB4] =	sst s6  }
0xf: {  	[smem:$0x3FB5] =	sst s7  }
0x10: {  	[smem:$0x3FB6] =	sst s8  }
0x11: {  	[smem:$0x3FB7] =	sst s9;
	s0 =	simm.s32 @!p0 $0x0  }
0x12: {  	s1 =	sld [smem:$0x3F9D];
	s0 =	simm.s32 @p0 $0x1  }
0x13: {  	[smem:$0x3FB8] =	sst s0;
	s0 =	simm.s32 @!p1 $0x0  }
0x14: {  	s2 =	sld [smem:$0x3F9C];
	s0 =	simm.s32 @p1 $0x1  }
0x15: {  	[smem:$0x3FB9] =	sst s0;
	s0 =	simm.s32 @!p2 $0x0  }
0x16: {  	s3 =	sld [smem:$0x3FDB];
	s0 =	simm.s32 @p2 $0x1  }
0x17: {  	s4 =	simm.s32 $0x1BF5;
	[smem:$0x3FBB] =	sst s0  }
0x18: {  	s0 =	sld [smem:$0x3F9E];
	_ =	swait.ge [sflag:s4], $0x0  }
0x19: {  	s7 =	sld [smem:$0x3F9F]  }
0x1a: {  	s8 =	sadd.s32 $0xFFFFE003, lr  }
0x1b: {  	s9 =	sadd.s32 $0xFFFFFEF7, lr;
	s5 =	simm.s32 $0xFFFFFFFF;
	p2 =	slt.u32 s8, $0xFFFFF086  }
0x1c: {  	p1 =	slt.u32 s9, $0xF7A;
	s5 =	simm.s32 @!p2 $0x0  }
0x1d: {  	s5 =	simm.s32 @p1 $0x1;
	p0 =	seq.s32 s7, s2  }
0x1e: {  	s7 =	smul.u32 @!p0 $0xF7A, s2;
	p2 =	seq.s32 @!p0 s5, $0x0  }
0x1f: {  	s9 =	smul.u32 $0xF7A, s1;
	s8 =	simm.s32 @!p0 $0x1BF5;
	p2 =	por !p2, p0  }
0x20: {  	[sflag:s8] =	ssyncset.s32 @!p0 $0xFFFFF086;
	s6 =	sadd.s32 @!p0 s3, s7;
	s7 =	simm.s32 @!p0 $0x108  }
0x21: {  	s3 =	sadd.s32 s3, s9;
	s6 =	sadd.s32 @!p0 $0x88, s6;
	s7 =	simm.s32 @p2 $0x1082  }
0x22: {  	[simem:s7], [sflag:s8] =	dma.local @!p0 [hbm:s6], $0xF7A  }
0x23: {  	s9 =	sor.u32 $0xD0000000, s2;
	s6 =	simm.s32 $0x108;
	_ =	swait.ge @!p0 [sflag:s8], $0x0  }
0x24: {  	s3 =	sadd.s32 $0x88, s3;
	s6 =	simm.s32 @!p1 $0x1082;
	[sflag:s4] =	ssyncset.s32 $0xFFFFF086  }
0x25: {  	[simem:s6], [sflag:s4] =	dma.local [hbm:s3], $0xF7A  }
0x26: {  	[smem:$0x3F9F] =	sst s1;
	(tag) =	ssettag s2;
	_ =	strace s9  }
0x27: {  	s1 =	sld [smem:$0x3FAF]  }
0x28: {  	s2 =	sld [smem:$0x3FB0]  }
0x29: {  	s4 =	sld [smem:$0x3FB2]  }
0x2a: {  	p0 =	seq.s32 s5, $0x0;
	s5 =	sld [smem:$0x3FB3]  }
0x2b: {  	s6 =	sld [smem:$0x3FB4]  }
0x2c: {  	s7 =	sld [smem:$0x3FB5]  }
0x2d: {  	s3 =	simm.s32 $0x108;
	s8 =	sld [smem:$0x3FB6]  }
0x2e: {  	s3 =	simm.s32 @!p0 $0x1082;
	s9 =	sld [smem:$0x3FB7]  }
0x2f: {  	lr =	sadd.s32 s0, s3;
	s0 =	sld [smem:$0x3FAE]  }
0x30: {  	s3 =	sld [smem:$0x3FB1]  }
0x31: {  	[smem:$0x3FBA] =	sst s10  }
0x32: {  	s10 =	sld [smem:$0x3FB8];
	_ =	sdelay $0x3  }
0x33: {  	p0 =	seq.s32 s10, $0x1;
	s10 =	sld [smem:$0x3FBA];
	_ =	sdelay $0x3  }
0x34: {  	[smem:$0x3FBA] =	sst s10  }
0x35: {  	s10 =	sld [smem:$0x3FB9];
	_ =	sdelay $0x3  }
0x36: {  	p1 =	seq.s32 s10, $0x1;
	s10 =	sld [smem:$0x3FBA];
	_ =	sdelay $0x3  }
0x37: {  	[smem:$0x3FBA] =	sst s10  }
0x38: {  	s10 =	sld [smem:$0x3FBB]  }
0x39: {  	_ = 	snop;
	(pc) =	sbr.ind lr, $3  }
0x3a: {  	_ = 	snop  }
0x3b: {  	_ = 	snop  }
0x3c: {  	p2 =	seq.s32 s10, $0x1;
	s10 =	sld [smem:$0x3FBA]  }
0x3d: {  	_ =	shalt  }
0x3e: {  	_ =	shalt  }
0x3f: {  	_ =	shalt  }
0x40: {  	_ =	shalt  }
0x41: {  	_ =	shalt  }
0x42: {  	_ =	shalt  }
0x43: {  	_ =	shalt  }
0x44: {  	_ =	shalt  }
0x45: {  	_ =	shalt  }
0x46: {  	_ =	shalt  }
0x47: {  	_ =	shalt  }
0x48: {  	_ =	shalt  }
0x49: {  	_ =	shalt  }
0x4a: {  	_ =	shalt  }
0x4b: {  	_ =	shalt  }
0x4c: {  	_ =	shalt  }
0x4d: {  	_ =	shalt  }
0x4e: {  	_ =	shalt  }
0x4f: {  	_ =	shalt  }
0x50: {  	_ =	shalt  }
0x51: {  	_ =	shalt  }
0x52: {  	_ =	shalt  }
0x53: {  	_ =	shalt  }
0x54: {  	_ =	shalt  }
0x55: {  	_ =	shalt  }
0x56: {  	_ =	shalt  }
0x57: {  	_ =	shalt  }
0x58: {  	_ =	shalt  }
0x59: {  	_ =	shalt  }
0x5a: {  	_ =	shalt  }
0x5b: {  	_ =	shalt  }
0x5c: {  	_ =	shalt  }
0x5d: {  	_ =	shalt  }
0x5e: {  	_ =	shalt  }
0x5f: {  	_ =	shalt  }
0x60: {  	_ =	shalt  }
0x61: {  	_ =	shalt  }
0x62: {  	_ =	shalt  }
0x63: {  	_ =	shalt  }
0x64: {  	_ =	shalt  }
0x65: {  	_ =	shalt  }
0x66: {  	_ =	shalt  }
0x67: {  	_ =	shalt  }
0x68: {  	_ =	shalt  }
0x69: {  	_ =	shalt  }
0x6a: {  	_ =	shalt  }
0x6b: {  	_ =	shalt  }
0x6c: {  	_ =	shalt  }
0x6d: {  	_ =	shalt  }
0x6e: {  	_ =	shalt  }
0x6f: {  	_ =	shalt  }
0x70: {  	_ =	shalt  }
0x71: {  	_ =	shalt  }
0x72: {  	_ =	shalt  }
0x73: {  	_ =	shalt  }
0x74: {  	_ =	shalt  }
0x75: {  	_ =	shalt  }
0x76: {  	_ =	shalt  }
0x77: {  	_ =	shalt  }
0x78: {  	_ =	shalt  }
0x79: {  	_ =	shalt  }
0x7a: {  	_ =	shalt  }
0x7b: {  	_ =	shalt  }
0x7c: {  	_ =	shalt  }
0x7d: {  	_ =	shalt  }
0x7e: {  	_ =	shalt  }
0x7f: {  	_ =	shalt  }
0x80: {  	_ =	shalt  }
0x81: {  	_ =	shalt  }
0x82: {  	_ =	shalt  }
0x83: {  	_ =	shalt  }
0x84: {  	_ =	shalt  }
0x85: {  	_ =	shalt  }
0x86: {  	_ =	shalt  }
0x87: {  	_ =	shalt  }
.Lfunc_end0:
.L_simem_size_0:
called_computation_lowered:
.L_overlay_start_0:
0x88: {  	s2 =	sld [smem:$0x3FD9]  }
0x89: {  	s3 =	sld [smem:$0x3FFE];
	_ =	sdelay $0x1  }
0x8a: {  	s1 =	srdreg.scid  }
0x8b: {  	s0 =	sand.u32 $0x1, s1  }
0x8c: {  	s17 =	sshll.u32 s0, $0xA;
	s2 =	sadd.s32 s3, s2  }
0x8d: {  	s2 =	sadd.s32 s2, s17  }
0x8e: {  	[smem:$0x3FC6] =	sst s2  }
0x8f: {  	_ = 	snop  }
0x90: {  	s2 =	sld [smem:$0x3FC9]  }
0x91: {  	s18 =	sld [smem:$0x3FC8];
	(tm) =	ssettm $0x1  }
0x92: {  	s4 =	sld [smem:$0x3FFB];
	_ =	sdelay $0x3  }
0x93: {  	_ =	strace s4  }
0x94: {  	s4 =	sld [smem:$0x3FFC];
	_ =	sdelay $0x3  }
0x95: {  	_ =	strace s4  }
0x96: {  	s4 =	sld [smem:$0x3FFD];
	_ =	sdelay $0x3  }
0x97: {  	_ =	strace s4  }
0x98: {  	_ =	strace $0x8FFFFFFF  }
0x99: {  	s19 =	sld [smem:$0x3FDB];
	_ =	sdelay $0x1  }
0x9a: {  	s5 =	simm.s32 $_scs_section_size  }
0x9b: {  	s6 =	simm.s32 $_size__tile_overlayer_lowered;
	s7 =	simm.s32 $_tile_overlayer_lowered  }
0x9c: {  	s22 =	simm.s32 $0x1BFF;
	s21 =	sshll.u32 s7, $0x1;
	s4 =	sadd.s32 s5, s19  }
0x9d: {  	s8 =	simm.s32 $0x0;
	s20 =	sshll.u32 s6, $0x1;
	s6 =	sadd.s32 s21, s4  }
0x9e: {  	[timem:s8], [sflag:s22] =	dma.local [hbm:s6], s20  }
0x9f: {  	_ =	swait.ge [sflag:s22], s20  }
0xa0: {  	s5 =	ssub.s32 $0x0, s20;
	[sflag:s22] =	ssyncset.done $0x0  }
0xa1: {  	[sflag:s22] =	ssyncadd.s32 s5;
	_ =	sdelay $0x1  }
0xa2: {  	s23 =	simm.s32 $0x1B8B  }
0xa3: {  	_ =	swait.ge [sflag:s23], $0x1  }
0xa4: {  	[sflag:s23] =	ssyncset.done $0x0  }
0xa5: {  	s25 =	simm.s32 $0x1B8E;
	s24 =	sld [smem:$0x3FFE];
	[sflag:s23] =	ssyncadd.s32 $0xFFFFFFFF  }
0xa6: {  	s26 =	simm.s32 $execute0_lowered;
	[smem:$0x3FD2] =	sst s25  }
0xa7: {  	s6 =	sshll.u32 s26, $0x1;
	_ =	strace $0x80000046;
	[dreg:$0x1] =	wrdreg $0xFFFFFFFF  }
0xa8: {  	s28 =	simm.s32 $_size_execute0_lowered;
	s4 =	sadd.s32 s4, s6;
	[dreg:$0x0] =	wrdreg $0x0  }
0xa9: {  	s6 =	sshll.u32 s28, $0x1;
	[dreg:$0x2] =	wrdreg s4  }
0xaa: {  	[dreg:$0x3] =	wrdreg s6  }
0xab: {  	[dreg:$0x4] =	wrdreg $0xC0  }
0xac: {  	_ =	task [dreg:s8], $0x5FFFF  }
0xad: {  	[dreg:$0x1] =	wrdreg $0xFFFFFFFF  }
0xae: {  	[dreg:$0x0] =	wrdreg $0x60  }
0xaf: {  	[dreg:$0x2] =	wrdreg s2  }
0xb0: {  	[dreg:$0x3] =	wrdreg s18  }
0xb1: {  	[dreg:$0x4] =	wrdreg s24  }
0xb2: {  	[dreg:$0x5] =	wrdreg $0x9  }
0xb3: {  	_ =	task.clear_ibuf [dreg:s8], $0x6FFFF;
	_ =	strace $0x90000046  }
0xb4: {  	s29 =	simm.s32 $0x9;
	_ =	strace $0x80000048  }
0xb5: {  	_ =	swait.ge [sflag:s29], $0x1  }
0xb6: {  	[sflag:s29] =	ssyncadd.s32 $0xFFFFFFFF  }
0xb7: {  	_ =	strace $0x90000048  }
0xb8: {  	_ =	sfence  }
0xb9: {  	s30 =	sld [smem:$0x0];
	_ =	sdelay $0x2  }
0xba: {  	s31 =	sshll.u32 s1, $0xD;
	s1 =	sshrl.u32 s1, $0x2  }
0xbb: {  	s3 =	sand.u32 $0x4000, s31;
	s1 =	sadd.s32 s1, s30  }
0xbc: {  	s0 =	sor.u32 s3, s0;
	s1 =	sshll.u32 s1, $0x11  }
0xbd: {  	s0 =	sor.u32 s1, s0  }
0xbe: {  	s0 =	sadd.s32 $0x8F2B, s0  }
0xbf: {  	[sflag:s0] =	ssyncadd.remote.s32 $0x1  }
0xc0: {  	_ =	sfence.sel $0xFFFF  }
0xc1: {  	[dreg:$0x0] =	wrdreg $0xFFFFFFFF;
	(pc) =	sbr.abs _section_cstart, $3  }
0xc2: {  	[dreg:$0x1] =	wrdreg $0xFFFFFFFF  }
0xc3: {  	_ =	task.clear_ibuf [dreg:s8], $0x2FFFF;
	_ =	strace $0x9FFFFFFF  }
0xc4: {  	(tm) =	ssettm $0x7FFFFFFF  }
0xc5: {  	_ =	shalt  }
tec
execute0_lowered:
.L_overlay_start_1:
0x0: {  	(tag) =	ssettag $0x1  }
0x1: {  	s3 =	rddreg [dreg:$0x0]  }
0x2: {  	s4 =	rddreg [dreg:$0x1]  }
0x3: {  	s5 =	rddreg [dreg:$0x2]  }
0x4: {  	s0 =	rddreg [dreg:$0x3];
	s2 =	simm.s32 $0x0;
	s6 =	srdreg.scid  }
0x5: {  	s1 =	stileid.u32;
	s13 =	simm.s32 $0x7;
	s14 =	simm.s32 $0x10000  }
0x6: {  	s15 =	simm.s32 $0x14000;
	s16 =	simm.s32 $0x1;
	s17 =	simm.s32 $0x18000  }
0x7: {  	s18 =	simm.s32 $0x2;
	s19 =	simm.s32 $0x4;
	s20 =	simm.s32 $0x3  }
0x8: {  	s21 =	simm.s32 $0x5;
	s22 =	simm.s32 $0x6;
	s6 =	sand.u32 $0x1, s6  }
0x9: {  	s23 =	simm.s32 $0x0;
	s7 =	sshll.u32 s1, $0xE;
	s8 =	sshll.u32 s6, $0xD  }
0xa: {  	[smem:$0x7FF] =	sst s2;
	s6 =	ssub.s32 $0x2, s6;
	s7 =	sor.u32 s8, s7  }
0xb: {  	_ =	strace $0x80000047;
	s31 =	sshrl.u32 s6, $0x1;
	s11 =	sadd.s32 s7, s5  }
0xc: {  	s12 =	ssub.s32 s6, s31;
	s9 =	sadd.s32 s7, s3;
	s3 =	sadd.s32 s4, s7  }
0xd: {  	s4 =	sadd.s32 $0xC0000, s9;
	s5 =	sadd.s32 $0xC0800, s9;
	s6 =	sadd.s32 $0x600, s11  }
0xe: {  	s7 =	sadd.s32 $0xC1000, s9;
	s8 =	sadd.s32 $0xE00, s11;
	s9 =	sadd.s32 $0xC1800, s9  }
0xf: {  	s10 =	sadd.s32 $0x1600, s11;
	s11 =	sadd.s32 $0x1E00, s11;
	s12 =	smax.u32 s12, $0x1  }
.LBB2_1:
0x10: {  	[tilespmem:s2], [sflag:$0x7] =	stream.linear.gather [hbm4b:s3+s2], $0x10000, $0x38;
	[tilespmem:$0x1C000] =	vst v63  }
0x11: {  	_ =	swait.ge [sflag:s13], $0x10000  }
0x12: {  	[sflag:s13] =	ssyncset.done $0x0  }
0x13: {  	[sflag:s13] =	ssyncadd.s32 $0xFFFF0000  }
0x14: {  	[tilespmem:s14], [sflag:$0x1] =	stream.linear.gather [hbm4b:s4+s2], $0x4000, $0x38;
	[tilespmem:$0x1C000] =	vst v63  }
0x15: {  	_ = 	snop  }
0x16: {  	[tilespmem:s15], [sflag:$0x2] =	stream.linear.gather [hbm4b:s5+s2], $0x4000, $0x38;
	[tilespmem:$0x1C000] =	vst v63  }
0x17: {  	_ =	swait.ge [sflag:s16], $0x4000  }
0x18: {  	s24 =	simm.s32 $0xFFFFC000;
	s25 =	simm.s32 $0x0;
	[sflag:s16] =	ssyncset.done $0x0  }
0x19: {  	s26 =	simm.s32 $0x0;
	s28 =	simm.s32 $0x0;
	[sflag:s16] =	ssyncadd.s32 $0xFFFFC000  }
.LBB2_2:
0x1a: {  	s29 =	sadd.s32 $0x4000, s24  }
0x1b: {  	s30 =	sand.u32 $0x380, s28;
	s29 =	sand.u32 $0x2000, s29  }
0x1c: {  	s29 =	sor.u32 s30, s29  }
0x1d: {  	v0 =	vld [tilespmem:s29+$0x10000]  }
0x1e: {  	v1 =	vld [tilespmem:s29+$0x0]  }
0x1f: {  	v2 =	vld [tilespmem:s29+$0x10010]  }
0x20: {  	v3 =	vld [tilespmem:s29+$0x10]  }
0x21: {  	v4 =	vld [tilespmem:s29+$0x10020]  }
0x22: {  	v5 =	vld [tilespmem:s29+$0x20]  }
0x23: {  	v6 =	vld [tilespmem:s29+$0x10030]  }
0x24: {  	v7 =	vld [tilespmem:s29+$0x30]  }
0x25: {  	v8 =	vld [tilespmem:s29+$0x10040]  }
0x26: {  	v9 =	vld [tilespmem:s29+$0x40]  }
0x27: {  	v10 =	vld [tilespmem:s29+$0x10050]  }
0x28: {  	v11 =	vld [tilespmem:s29+$0x50]  }
0x29: {  	v12 =	vld [tilespmem:s29+$0x10060]  }
0x2a: {  	v13 =	vld [tilespmem:s29+$0x60]  }
0x2b: {  	v14 =	vld [tilespmem:s29+$0x10070]  }
0x2c: {  	v15 =	vld [tilespmem:s29+$0x70]  }
0x2d: {  	v16 =	vld [tilespmem:s29+$0x10400]  }
0x2e: {  	v17 =	vld [tilespmem:s29+$0x400]  }
0x2f: {  	v18 =	vld [tilespmem:s29+$0x10410]  }
0x30: {  	v19 =	vld [tilespmem:s29+$0x410]  }
0x31: {  	v20 =	vld [tilespmem:s29+$0x10420]  }
0x32: {  	v21 =	vld [tilespmem:s29+$0x420]  }
0x33: {  	v22 =	vld [tilespmem:s29+$0x10430]  }
0x34: {  	v23 =	vld [tilespmem:s29+$0x430]  }
0x35: {  	v24 =	vld [tilespmem:s29+$0x10440]  }
0x36: {  	v25 =	vld [tilespmem:s29+$0x440]  }
0x37: {  	v26 =	vld [tilespmem:s29+$0x10450]  }
0x38: {  	v27 =	vld [tilespmem:s29+$0x450]  }
0x39: {  	v28 =	vld [tilespmem:s29+$0x10460]  }
0x3a: {  	v29 =	vld [tilespmem:s29+$0x460]  }
0x3b: {  	v30 =	vld [tilespmem:s29+$0x10470]  }
0x3c: {  	v31 =	vld [tilespmem:s29+$0x470]  }
0x3d: {  	v32 =	vld [tilespmem:s29+$0x10800]  }
0x3e: {  	v33 =	vld [tilespmem:s29+$0x800]  }
0x3f: {  	v34 =	vld [tilespmem:s29+$0x10810]  }
0x40: {  	v35 =	vld [tilespmem:s29+$0x810]  }
0x41: {  	v36 =	vld [tilespmem:s29+$0x10820]  }
0x42: {  	v37 =	vld [tilespmem:s29+$0x820]  }
0x43: {  	v38 =	vld [tilespmem:s29+$0x10830]  }
0x44: {  	v39 =	vld [tilespmem:s29+$0x830]  }
0x45: {  	v40 =	vld [tilespmem:s29+$0x10840]  }
0x46: {  	v41 =	vld [tilespmem:s29+$0x840]  }
0x47: {  	v42 =	vld [tilespmem:s29+$0x10850]  }
0x48: {  	v43 =	vld [tilespmem:s29+$0x850]  }
0x49: {  	v44 =	vld [tilespmem:s29+$0x10860]  }
0x4a: {  	v45 =	vld [tilespmem:s29+$0x860]  }
0x4b: {  	v46 =	vld [tilespmem:s29+$0x10870]  }
0x4c: {  	v47 =	vld [tilespmem:s29+$0x870]  }
0x4d: {  	v48 =	vld [tilespmem:s29+$0x10C00]  }
0x4e: {  	v49 =	vld [tilespmem:s29+$0xC00]  }
0x4f: {  	v50 =	vld [tilespmem:s29+$0x10C10]  }
0x50: {  	v51 =	vld [tilespmem:s29+$0xC10]  }
0x51: {  	v52 =	vld [tilespmem:s29+$0x10C20]  }
0x52: {  	v53 =	vld [tilespmem:s29+$0xC20]  }
0x53: {  	v54 =	vld [tilespmem:s29+$0x10C30]  }
0x54: {  	v55 =	vld [tilespmem:s29+$0xC30]  }
0x55: {  	v56 =	vld [tilespmem:s29+$0x10C40]  }
0x56: {  	v57 =	vld [tilespmem:s29+$0xC40]  }
0x57: {  	v58 =	vld [tilespmem:s29+$0x10C50]  }
0x58: {  	v59 =	vld [tilespmem:s29+$0xC50]  }
0x59: {  	v60 =	vld [tilespmem:s29+$0x10C60]  }
0x5a: {  	v0 =	vadd.f32 v1, v0;
	v1 =	vld [tilespmem:s29+$0xC60]  }
0x5b: {  	v2 =	vadd.f32 v3, v2;
	v3 =	vld [tilespmem:s29+$0x10C70]  }
0x5c: {  	v63 =	vadd.f32 v5, v4;
	v4 =	vld [tilespmem:s29+$0xC70];
	[tilespmem:s29+$0x10000] =	vst v0  }
0x5d: {  	v61 =	vadd.f32 v7, v6;
	v5 =	vld [tilespmem:s29+$0x11000];
	[tilespmem:s29+$0x10010] =	vst v2  }
0x5e: {  	v62 =	vadd.f32 v9, v8;
	v6 =	vld [tilespmem:s29+$0x1000];
	[tilespmem:s29+$0x10020] =	vst v63  }
0x5f: {  	v7 =	vld [tilespmem:s29+$0x11010];
	v13 =	vadd.f32 v13, v12;
	[tilespmem:s29+$0x10030] =	vst v61  }
0x60: {  	v8 =	vld [tilespmem:s29+$0x1010];
	v15 =	vadd.f32 v15, v14;
	[tilespmem:s29+$0x10040] =	vst v62  }
0x61: {  	v9 =	vld [tilespmem:s29+$0x11020];
	v17 =	vadd.f32 v17, v16;
	[tilespmem:s29+$0x10060] =	vst v13  }
0x62: {  	v19 =	vadd.f32 v19, v18;
	v12 =	vld [tilespmem:s29+$0x1030];
	[tilespmem:s29+$0x10070] =	vst v15  }
0x63: {  	v21 =	vadd.f32 v21, v20;
	v14 =	vld [tilespmem:s29+$0x1040];
	[tilespmem:s29+$0x10400] =	vst v17  }
0x64: {  	v23 =	vadd.f32 v23, v22;
	v16 =	vld [tilespmem:s29+$0x1050];
	[tilespmem:s29+$0x10410] =	vst v19  }
0x65: {  	v25 =	vadd.f32 v25, v24;
	v20 =	vld [tilespmem:s29+$0x1070];
	[tilespmem:s29+$0x10420] =	vst v21  }
0x66: {  	v27 =	vadd.f32 v27, v26;
	v22 =	vld [tilespmem:s29+$0x1400];
	[tilespmem:s29+$0x10430] =	vst v23  }
0x67: {  	v29 =	vadd.f32 v29, v28;
	v24 =	vld [tilespmem:s29+$0x1410];
	[tilespmem:s29+$0x10440] =	vst v25  }
0x68: {  	v28 =	vadd.f32 v37, v36;
	v37 =	vld [tilespmem:s29+$0x11430];
	[tilespmem:s29+$0x10450] =	vst v27  }
0x69: {  	v36 =	vadd.f32 v51, v50;
	v51 =	vld [tilespmem:s29+$0x1460];
	[tilespmem:s29+$0x10460] =	vst v29  }
0x6a: {  	v63 =	vadd.f32 v11, v10;
	v10 =	vld [tilespmem:s29+$0x1020];
	[tilespmem:s29+$0x10820] =	vst v28  }
0x6b: {  	v11 =	vld [tilespmem:s29+$0x11030];
	v61 =	vadd.f32 v31, v30;
	[tilespmem:s29+$0x10C10] =	vst v36  }
0x6c: {  	v13 =	vld [tilespmem:s29+$0x11040];
	v62 =	vadd.f32 v33, v32;
	[tilespmem:s29+$0x10050] =	vst v63  }
0x6d: {  	v15 =	vld [tilespmem:s29+$0x11050];
	v27 =	vadd.f32 v35, v34;
	[tilespmem:s29+$0x10470] =	vst v61  }
0x6e: {  	v17 =	vld [tilespmem:s29+$0x11060];
	v29 =	vadd.f32 v39, v38;
	[tilespmem:s29+$0x10800] =	vst v62  }
0x6f: {  	v19 =	vld [tilespmem:s29+$0x11070];
	v30 =	vadd.f32 v41, v40;
	[tilespmem:s29+$0x10810] =	vst v27  }
0x70: {  	v21 =	vld [tilespmem:s29+$0x11400];
	v31 =	vadd.f32 v43, v42;
	[tilespmem:s29+$0x10830] =	vst v29  }
0x71: {  	v23 =	vld [tilespmem:s29+$0x11410];
	v32 =	vadd.f32 v45, v44;
	[tilespmem:s29+$0x10840] =	vst v30  }
0x72: {  	v33 =	vadd.f32 v47, v46;
	v25 =	vld [tilespmem:s29+$0x11420];
	[tilespmem:s29+$0x10850] =	vst v31  }
0x73: {  	v34 =	vadd.f32 v49, v48;
	v35 =	vld [tilespmem:s29+$0x1420];
	[tilespmem:s29+$0x10860] =	vst v32  }
0x74: {  	v38 =	vadd.f32 v53, v52;
	v39 =	vld [tilespmem:s29+$0x1430];
	[tilespmem:s29+$0x10870] =	vst v33  }
0x75: {  	v40 =	vadd.f32 v55, v54;
	v41 =	vld [tilespmem:s29+$0x11440];
	[tilespmem:s29+$0x10C00] =	vst v34  }
0x76: {  	v42 =	vadd.f32 v57, v56;
	v43 =	vld [tilespmem:s29+$0x1440];
	[tilespmem:s29+$0x10C20] =	vst v38  }
0x77: {  	v44 =	vadd.f32 v59, v58;
	v45 =	vld [tilespmem:s29+$0x11450];
	[tilespmem:s29+$0x10C30] =	vst v40  }
0x78: {  	v47 =	vld [tilespmem:s29+$0x1450];
	[tilespmem:s29+$0x10C40] =	vst v42;
	v46 =	vadd.f32 v1, v60  }
0x79: {  	v49 =	vld [tilespmem:s29+$0x11460];
	[tilespmem:s29+$0x10C50] =	vst v44;
	v48 =	vadd.f32 v4, v3  }
0x7a: {  	v53 =	vld [tilespmem:s29+$0x11470];
	v50 =	vadd.f32 v6, v5;
	[tilespmem:s29+$0x10C60] =	vst v46  }
0x7b: {  	v55 =	vld [tilespmem:s29+$0x1470];
	v52 =	vadd.f32 v8, v7;
	[tilespmem:s29+$0x10C70] =	vst v48  }
0x7c: {  	v57 =	vld [tilespmem:s29+$0x11800];
	[tilespmem:s29+$0x11000] =	vst v50;
	v54 =	vadd.f32 v10, v9  }
0x7d: {  	v59 =	vld [tilespmem:s29+$0x1800];
	[tilespmem:s29+$0x11010] =	vst v52;
	v56 =	vadd.f32 v12, v11  }
0x7e: {  	v36 =	vld [tilespmem:s29+$0x1830];
	v58 =	vadd.f32 v14, v13;
	[tilespmem:s29+$0x11020] =	vst v54  }
0x7f: {  	v63 =	vld [tilespmem:s29+$0x1060];
	v60 =	vadd.f32 v16, v15;
	[tilespmem:s29+$0x11030] =	vst v56  }
0x80: {  	v61 =	vld [tilespmem:s29+$0x11810];
	v19 =	vadd.f32 v20, v19;
	[tilespmem:s29+$0x11040] =	vst v58  }
0x81: {  	v32 =	vld [tilespmem:s29+$0x1820];
	v22 =	vadd.f32 v22, v21;
	[tilespmem:s29+$0x11050] =	vst v60  }
0x82: {  	v34 =	vld [tilespmem:s29+$0x11830];
	v33 =	vadd.f32 v24, v23;
	[tilespmem:s29+$0x11070] =	vst v19  }
0x83: {  	v38 =	vld [tilespmem:s29+$0x11840];
	v35 =	vadd.f32 v35, v25;
	[tilespmem:s29+$0x11400] =	vst v22  }
0x84: {  	v40 =	vld [tilespmem:s29+$0x11850];
	v37 =	vadd.f32 v39, v37;
	[tilespmem:s29+$0x11410] =	vst v33  }
0x85: {  	v20 =	vld [tilespmem:s29+$0x11820];
	v39 =	vadd.f32 v43, v41;
	[tilespmem:s29+$0x11420] =	vst v35  }
0x86: {  	v1 =	vadd.f32 v47, v45;
	v41 =	vld [tilespmem:s29+$0x1850];
	[tilespmem:s29+$0x11430] =	vst v37  }
0x87: {  	v42 =	vadd.f32 v51, v49;
	v43 =	vld [tilespmem:s29+$0x11860];
	[tilespmem:s29+$0x11440] =	vst v39  }
0x88: {  	v44 =	vadd.f32 v55, v53;
	v45 =	vld [tilespmem:s29+$0x1860];
	[tilespmem:s29+$0x11450] =	vst v1  }
0x89: {  	v46 =	vadd.f32 v59, v57;
	v47 =	vld [tilespmem:s29+$0x11870];
	[tilespmem:s29+$0x11460] =	vst v42  }
0x8a: {  	v49 =	vld [tilespmem:s29+$0x1870];
	v62 =	vadd.f32 v63, v17;
	[tilespmem:s29+$0x11470] =	vst v44  }
0x8b: {  	v63 =	vld [tilespmem:s29+$0x1810];
	[tilespmem:s29+$0x11800] =	vst v46;
	v52 =	vadd.f32 v36, v34  }
0x8c: {  	v51 =	vld [tilespmem:s29+$0x1840];
	[tilespmem:s29+$0x11060] =	vst v62;
	v50 =	vadd.f32 v32, v20  }
0x8d: {  	[tilespmem:s29+$0x11830] =	vst v52;
	v53 =	vadd.f32 v41, v40  }
0x8e: {  	v54 =	vadd.f32 v45, v43;
	[tilespmem:s29+$0x11820] =	vst v50  }
0x8f: {  	s31 =	sand.u32 $0x7, s25;
	v55 =	vadd.f32 v49, v47;
	[tilespmem:s29+$0x11850] =	vst v53  }
0x90: {  	s30 =	sshll.u32 s31, $0x7;
	v48 =	vadd.f32 v63, v61;
	[tilespmem:s29+$0x11860] =	vst v54  }
0x91: {  	s30 =	sadd.s32 s30, s26;
	v56 =	vadd.f32 v51, v38;
	[tilespmem:s29+$0x11870] =	vst v55  }
0x92: {  	s31 =	sor.u32 $0x1C00, s30;
	[tilespmem:s29+$0x11810] =	vst v48  }
0x93: {  	[tilespmem:s29+$0x11840] =	vst v56;
	v0 =	vld [tilespmem:s31+$0x10000]  }
0x94: {  	v1 =	vld [tilespmem:s31+$0x0];
	_ =	sdelay $0x4  }
0x95: {  	v0 =	vadd.f32 v1, v0;
	_ =	sdelay $0x1  }
0x96: {  	[tilespmem:s31+$0x10000] =	vst v0;
	s31 =	sor.u32 $0x1C10, s30  }
0x97: {  	v0 =	vld [tilespmem:s31+$0x10000]  }
0x98: {  	v57 =	vld [tilespmem:s31+$0x0];
	_ =	sdelay $0x4  }
0x99: {  	v0 =	vadd.f32 v57, v0;
	_ =	sdelay $0x1  }
0x9a: {  	[tilespmem:s31+$0x10000] =	vst v0;
	s31 =	sor.u32 $0x1C20, s30  }
0x9b: {  	v0 =	vld [tilespmem:s31+$0x10000]  }
0x9c: {  	v58 =	vld [tilespmem:s31+$0x0];
	_ =	sdelay $0x4  }
0x9d: {  	v0 =	vadd.f32 v58, v0;
	_ =	sdelay $0x1  }
0x9e: {  	[tilespmem:s31+$0x10000] =	vst v0;
	s31 =	sor.u32 $0x1C30, s30  }
0x9f: {  	v0 =	vld [tilespmem:s31+$0x10000]  }
0xa0: {  	v59 =	vld [tilespmem:s31+$0x0];
	_ =	sdelay $0x4  }
0xa1: {  	v0 =	vadd.f32 v59, v0;
	_ =	sdelay $0x1  }
0xa2: {  	[tilespmem:s31+$0x10000] =	vst v0;
	s31 =	sor.u32 $0x1C40, s30  }
0xa3: {  	v0 =	vld [tilespmem:s31+$0x10000]  }
0xa4: {  	v60 =	vld [tilespmem:s31+$0x0];
	_ =	sdelay $0x4  }
0xa5: {  	v0 =	vadd.f32 v60, v0;
	_ =	sdelay $0x1  }
0xa6: {  	[tilespmem:s31+$0x10000] =	vst v0;
	s31 =	sor.u32 $0x1C50, s30  }
0xa7: {  	v0 =	vld [tilespmem:s31+$0x10000]  }
0xa8: {  	v61 =	vld [tilespmem:s31+$0x0];
	_ =	sdelay $0x4  }
0xa9: {  	v0 =	vadd.f32 v61, v0;
	_ =	sdelay $0x1  }
0xaa: {  	[tilespmem:s31+$0x10000] =	vst v0;
	s31 =	sor.u32 $0x1C60, s30  }
0xab: {  	v0 =	vld [tilespmem:s31+$0x10000]  }
0xac: {  	v62 =	vld [tilespmem:s31+$0x0];
	_ =	sdelay $0x4  }
0xad: {  	v0 =	vadd.f32 v62, v0;
	_ =	sdelay $0x1  }
0xae: {  	[tilespmem:s31+$0x10000] =	vst v0;
	s31 =	sor.u32 $0x1C70, s30  }
0xaf: {  	v0 =	vld [tilespmem:s31+$0x10000]  }
0xb0: {  	v63 =	vld [tilespmem:s31+$0x0];
	_ =	sdelay $0x1  }
0xb1: {  	p0 =	sne.s32 s28, $0x780  }
.Ltmp0:
0xb2: {  	_ = 	snop;
	(pc) =	sbr.rel @p0 .LBB2_2-.Ltmp0, $4  }
0xb3: {  	_ = 	snop  }
0xb4: {  	v0 =	vadd.f32 v63, v0  }
0xb5: {  	s25 =	sadd.s32 $0x1, s25  }
0xb6: {  	s24 =	sadd.s32 $0x400, s24;
	s28 =	sadd.s32 $0x80, s28;
	s26 =	sadd.s32 $0x400, s26;
	[tilespmem:s31+$0x10000] =	vst v0  }
0xb7: {  	s24 =	simm.s32 $0x0  }
0xb8: {  	[hbm4b:s6+s24] =	stream.linear.scatter [tilespmem:s14], [sflag:$0x4], $0x4000, $0x38;
	[tilespmem:$0x1C000] =	vst v63  }
0xb9: {  	_ = 	snop  }
0xba: {  	[tilespmem:s17], [sflag:$0x3] =	stream.linear.gather [hbm4b:s7+s24], $0x4000, $0x38;
	[tilespmem:$0x1C000] =	vst v63  }
0xbb: {  	_ =	swait.ge [sflag:s18], $0x4000  }
0xbc: {  	s25 =	sand.u32 $0x2000, s24;
	s26 =	sand.u32 $0x380, s24;
	[sflag:s18] =	ssyncset.done $0x0  }
0xbd: {  	s25 =	sor.u32 s26, s25;
	[sflag:s18] =	ssyncadd.s32 $0xFFFFC000  }
0xbe: {  	v0 =	vld [tilespmem:s25+$0x4070]  }
0xbf: {  	v1 =	vld [tilespmem:s25+$0x14000]  }
0xc0: {  	v2 =	vld [tilespmem:s25+$0x4050]  }
0xc1: {  	v3 =	vld [tilespmem:s25+$0x4020]  }
0xc2: {  	v4 =	vld [tilespmem:s25+$0x4060]  }
0xc3: {  	v5 =	vld [tilespmem:s25+$0x4000]  }
0xc4: {  	v6 =	vld [tilespmem:s25+$0x14030]  }
0xc5: {  	v7 =	vld [tilespmem:s25+$0x14020]  }
0xc6: {  	v8 =	vld [tilespmem:s25+$0x4040]  }
0xc7: {  	v9 =	vld [tilespmem:s25+$0x4010]  }
0xc8: {  	v11 =	vld [tilespmem:s25+$0x14070]  }
0xc9: {  	v10 =	vld [tilespmem:s25+$0x14010]  }
0xca: {  	v18 =	vld [tilespmem:s25+$0x14060]  }
0xcb: {  	v12 =	vld [tilespmem:s25+$0x14040];
	v1 =	vadd.f32 v5, v1  }
0xcc: {  	v13 =	vld [tilespmem:s25+$0x4030];
	v3 =	vadd.f32 v3, v7  }
0xcd: {  	v19 =	vld [tilespmem:s25+$0x14050];
	v0 =	vadd.f32 v0, v11;
	[tilespmem:s25+$0x14000] =	vst v1  }
0xce: {  	v1 =	vadd.f32 v9, v10;
	[tilespmem:s25+$0x14020] =	vst v3  }
0xcf: {  	v3 =	vadd.f32 v4, v18;
	[tilespmem:s25+$0x14070] =	vst v0  }
0xd0: {  	[tilespmem:s25+$0x14010] =	vst v1;
	v1 =	vadd.f32 v8, v12  }
0xd1: {  	v0 =	vadd.f32 v13, v6;
	[tilespmem:s25+$0x14060] =	vst v3  }
0xd2: {  	s28 =	sand.u32 $0xFFFFE000, s24;
	[tilespmem:s25+$0x14040] =	vst v1;
	v1 =	vadd.f32 v2, v19  }
0xd3: {  	s26 =	sadd.s32 $0x0, s28;
	[tilespmem:s25+$0x14030] =	vst v0  }
0xd4: {  	s28 =	sor.u32 $0x4400, s26;
	v0 =	vld [tilespmem:s25+$0x14400];
	[tilespmem:s25+$0x14050] =	vst v1  }
0xd5: {  	v1 =	vld [tilespmem:s28+$0x0];
	_ =	sdelay $0x4  }
0xd6: {  	v0 =	vadd.f32 v1, v0;
	_ =	sdelay $0x1  }
0xd7: {  	[tilespmem:s25+$0x14400] =	vst v0;
	v0 =	vld [tilespmem:s25+$0x14410]  }
0xd8: {  	v1 =	vld [tilespmem:s28+$0x10];
	_ =	sdelay $0x4  }
0xd9: {  	v0 =	vadd.f32 v1, v0;
	_ =	sdelay $0x1  }
0xda: {  	[tilespmem:s25+$0x14410] =	vst v0;
	v0 =	vld [tilespmem:s25+$0x14420]  }
0xdb: {  	v1 =	vld [tilespmem:s28+$0x20];
	_ =	sdelay $0x4  }
0xdc: {  	v0 =	vadd.f32 v1, v0;
	_ =	sdelay $0x1  }
0xdd: {  	[tilespmem:s25+$0x14420] =	vst v0;
	v0 =	vld [tilespmem:s25+$0x14430]  }
0xde: {  	v1 =	vld [tilespmem:s28+$0x30];
	_ =	sdelay $0x4  }
0xdf: {  	v0 =	vadd.f32 v1, v0;
	_ =	sdelay $0x1  }
0xe0: {  	[tilespmem:s25+$0x14430] =	vst v0;
	v0 =	vld [tilespmem:s25+$0x14440]  }
0xe1: {  	v1 =	vld [tilespmem:s28+$0x40];
	_ =	sdelay $0x3  }
0xe2: {  	v20 =	vld [tilespmem:s25+$0x14800]  }
0xe3: {  	v21 =	vld [tilespmem:s25+$0x4820];
	v0 =	vadd.f32 v1, v0  }
0xe4: {  	v22 =	vld [tilespmem:s25+$0x4840]  }
0xe5: {  	[tilespmem:s25+$0x14440] =	vst v0;
	v0 =	vld [tilespmem:s25+$0x14450]  }
0xe6: {  	v3 =	vld [tilespmem:s28+$0x50]  }
0xe7: {  	v23 =	vld [tilespmem:s25+$0x4860]  }
0xe8: {  	v24 =	vld [tilespmem:s25+$0x4850]  }
0xe9: {  	v26 =	vld [tilespmem:s25+$0x4870]  }
0xea: {  	v27 =	vld [tilespmem:s25+$0x14870]  }
0xeb: {  	v28 =	vld [tilespmem:s25+$0x14850];
	v0 =	vadd.f32 v3, v0  }
0xec: {  	v29 =	vld [tilespmem:s25+$0x14830]  }
0xed: {  	[tilespmem:s25+$0x14450] =	vst v0;
	v0 =	vld [tilespmem:s25+$0x14460]  }
0xee: {  	v25 =	vld [tilespmem:s28+$0x60]  }
0xef: {  	v30 =	vld [tilespmem:s25+$0x14860]  }
0xf0: {  	v14 =	vld [tilespmem:s25+$0x14840]  }
0xf1: {  	v3 =	vld [tilespmem:s25+$0x4830]  }
0xf2: {  	v32 =	vld [tilespmem:s25+$0x14810]  }
0xf3: {  	v1 =	vld [tilespmem:s25+$0x4800];
	v0 =	vadd.f32 v25, v0  }
0xf4: {  	v10 =	vadd.f32 v26, v27;
	v2 =	vld [tilespmem:s25+$0x4810]  }
0xf5: {  	v8 =	vadd.f32 v24, v28;
	[tilespmem:s25+$0x14460] =	vst v0;
	v0 =	vld [tilespmem:s25+$0x14820]  }
0xf6: {  	v3 =	vadd.f32 v3, v29;
	v31 =	vld [tilespmem:s28+$0x70];
	[tilespmem:s25+$0x14870] =	vst v10  }
0xf7: {  	v33 =	vld [tilespmem:s25+$0x14470];
	v7 =	vadd.f32 v23, v30;
	[tilespmem:s25+$0x14850] =	vst v8  }
0xf8: {  	v1 =	vadd.f32 v1, v20;
	[tilespmem:s25+$0x14830] =	vst v3  }
0xf9: {  	v2 =	vadd.f32 v2, v32;
	[tilespmem:s25+$0x14860] =	vst v7  }
0xfa: {  	[tilespmem:s25+$0x14800] =	vst v1;
	v0 =	vadd.f32 v21, v0  }
0xfb: {  	v3 =	vadd.f32 v22, v14;
	[tilespmem:s25+$0x14810] =	vst v2  }
0xfc: {  	[tilespmem:s25+$0x14820] =	vst v0;
	v0 =	vadd.f32 v31, v33  }
0xfd: {  	[tilespmem:s25+$0x14840] =	vst v3  }
0xfe: {  	s28 =	sor.u32 $0x4C00, s26;
	[tilespmem:s25+$0x14470] =	vst v0;
	v0 =	vld [tilespmem:s25+$0x14C00]  }
0xff: {  	v1 =	vld [tilespmem:s28+$0x0];
	_ =	sdelay $0x4  }
0x100: {  	v0 =	vadd.f32 v1, v0;
	_ =	sdelay $0x1  }
0x101: {  	[tilespmem:s25+$0x14C00] =	vst v0;
	v0 =	vld [tilespmem:s25+$0x14C10]  }
0x102: {  	v1 =	vld [tilespmem:s28+$0x10];
	_ =	sdelay $0x4  }
0x103: {  	v0 =	vadd.f32 v1, v0;
	_ =	sdelay $0x1  }
0x104: {  	[tilespmem:s25+$0x14C10] =	vst v0;
	v0 =	vld [tilespmem:s25+$0x14C20]  }
0x105: {  	v1 =	vld [tilespmem:s28+$0x20];
	_ =	sdelay $0x4  }
0x106: {  	v0 =	vadd.f32 v1, v0;
	_ =	sdelay $0x1  }
0x107: {  	[tilespmem:s25+$0x14C20] =	vst v0;
	v0 =	vld [tilespmem:s25+$0x14C30]  }
0x108: {  	v1 =	vld [tilespmem:s28+$0x30];
	_ =	sdelay $0x4  }
0x109: {  	v0 =	vadd.f32 v1, v0;
	_ =	sdelay $0x1  }
0x10a: {  	[tilespmem:s25+$0x14C30] =	vst v0;
	v0 =	vld [tilespmem:s25+$0x14C40]  }
0x10b: {  	v1 =	vld [tilespmem:s28+$0x40];
	_ =	sdelay $0x3  }
0x10c: {  	v34 =	vld [tilespmem:s25+$0x14C70]  }
0x10d: {  	v35 =	vld [tilespmem:s25+$0x5040];
	v0 =	vadd.f32 v1, v0  }
0x10e: {  	v36 =	vld [tilespmem:s25+$0x5030]  }
0x10f: {  	[tilespmem:s25+$0x14C40] =	vst v0;
	v0 =	vld [tilespmem:s25+$0x14C50]  }
0x110: {  	v3 =	vld [tilespmem:s28+$0x50]  }
0x111: {  	v37 =	vld [tilespmem:s25+$0x5020]  }
0x112: {  	v38 =	vld [tilespmem:s25+$0x5000]  }
0x113: {  	v40 =	vld [tilespmem:s25+$0x5050]  }
0x114: {  	v41 =	vld [tilespmem:s25+$0x15050]  }
0x115: {  	v42 =	vld [tilespmem:s25+$0x15000];
	v0 =	vadd.f32 v3, v0  }
0x116: {  	v43 =	vld [tilespmem:s25+$0x15010]  }
0x117: {  	[tilespmem:s25+$0x14C50] =	vst v0;
	v0 =	vld [tilespmem:s25+$0x14C60]  }
0x118: {  	v39 =	vld [tilespmem:s28+$0x60]  }
0x119: {  	v44 =	vld [tilespmem:s25+$0x15020]  }
0x11a: {  	v45 =	vld [tilespmem:s25+$0x15030]  }
0x11b: {  	v3 =	vld [tilespmem:s25+$0x5010]  }
0x11c: {  	v48 =	vld [tilespmem:s25+$0x15060]  }
0x11d: {  	v1 =	vld [tilespmem:s25+$0x5060];
	v0 =	vadd.f32 v39, v0  }
0x11e: {  	v47 =	vld [tilespmem:s25+$0x15070];
	v10 =	vadd.f32 v40, v41  }
0x11f: {  	v8 =	vadd.f32 v38, v42;
	[tilespmem:s25+$0x14C60] =	vst v0;
	v0 =	vld [tilespmem:s25+$0x15040]  }
0x120: {  	v3 =	vadd.f32 v3, v43;
	v46 =	vld [tilespmem:s28+$0x70];
	[tilespmem:s25+$0x15050] =	vst v10  }
0x121: {  	v2 =	vld [tilespmem:s25+$0x5070];
	v7 =	vadd.f32 v37, v44;
	[tilespmem:s25+$0x15000] =	vst v8  }
0x122: {  	v1 =	vadd.f32 v1, v48;
	[tilespmem:s25+$0x15010] =	vst v3  }
0x123: {  	v3 =	vadd.f32 v36, v45;
	[tilespmem:s25+$0x15020] =	vst v7  }
0x124: {  	[tilespmem:s25+$0x15060] =	vst v1;
	v0 =	vadd.f32 v35, v0  }
0x125: {  	[tilespmem:s25+$0x15030] =	vst v3;
	v4 =	vadd.f32 v46, v34  }
0x126: {  	[tilespmem:s25+$0x15040] =	vst v0;
	v0 =	vadd.f32 v2, v47  }
0x127: {  	[tilespmem:s25+$0x14C70] =	vst v4  }
0x128: {  	s26 =	sor.u32 $0x5400, s26;
	[tilespmem:s25+$0x15070] =	vst v0;
	v0 =	vld [tilespmem:s25+$0x15400]  }
0x129: {  	v1 =	vld [tilespmem:s26+$0x0];
	_ =	sdelay $0x4  }
0x12a: {  	v0 =	vadd.f32 v1, v0;
	_ =	sdelay $0x1  }
0x12b: {  	[tilespmem:s25+$0x15400] =	vst v0;
	v0 =	vld [tilespmem:s25+$0x15410]  }
0x12c: {  	v1 =	vld [tilespmem:s26+$0x10];
	_ =	sdelay $0x4  }
0x12d: {  	v0 =	vadd.f32 v1, v0;
	_ =	sdelay $0x1  }
0x12e: {  	[tilespmem:s25+$0x15410] =	vst v0;
	v0 =	vld [tilespmem:s25+$0x15420]  }
0x12f: {  	v1 =	vld [tilespmem:s26+$0x20];
	_ =	sdelay $0x4  }
0x130: {  	v0 =	vadd.f32 v1, v0;
	_ =	sdelay $0x1  }
0x131: {  	[tilespmem:s25+$0x15420] =	vst v0;
	v0 =	vld [tilespmem:s25+$0x15430]  }
0x132: {  	v1 =	vld [tilespmem:s26+$0x30];
	_ =	sdelay $0x4  }
0x133: {  	v0 =	vadd.f32 v1, v0;
	_ =	sdelay $0x1  }
0x134: {  	[tilespmem:s25+$0x15430] =	vst v0;
	v0 =	vld [tilespmem:s25+$0x15440]  }
0x135: {  	v1 =	vld [tilespmem:s26+$0x40];
	_ =	sdelay $0x3  }
0x136: {  	v49 =	vld [tilespmem:s25+$0x15470]  }
0x137: {  	v50 =	vld [tilespmem:s25+$0x5860];
	v0 =	vadd.f32 v1, v0  }
0x138: {  	v51 =	vld [tilespmem:s25+$0x5870]  }
0x139: {  	[tilespmem:s25+$0x15440] =	vst v0;
	v0 =	vld [tilespmem:s25+$0x15450]  }
0x13a: {  	v3 =	vld [tilespmem:s26+$0x50]  }
0x13b: {  	v52 =	vld [tilespmem:s25+$0x5800]  }
0x13c: {  	v53 =	vld [tilespmem:s25+$0x5810]  }
0x13d: {  	v55 =	vld [tilespmem:s25+$0x5840]  }
0x13e: {  	v56 =	vld [tilespmem:s25+$0x15840]  }
0x13f: {  	v57 =	vld [tilespmem:s25+$0x15810];
	v0 =	vadd.f32 v3, v0  }
0x140: {  	v58 =	vld [tilespmem:s25+$0x15830]  }
0x141: {  	[tilespmem:s25+$0x15450] =	vst v0;
	v0 =	vld [tilespmem:s25+$0x15460]  }
0x142: {  	v54 =	vld [tilespmem:s26+$0x60]  }
0x143: {  	v59 =	vld [tilespmem:s25+$0x15800]  }
0x144: {  	v60 =	vld [tilespmem:s25+$0x15870]  }
0x145: {  	v3 =	vld [tilespmem:s25+$0x5830]  }
0x146: {  	v61 =	vld [tilespmem:s25+$0x15860]  }
0x147: {  	v63 =	vld [tilespmem:s25+$0x15820];
	v0 =	vadd.f32 v54, v0  }
0x148: {  	v8 =	vadd.f32 v53, v57;
	v1 =	vld [tilespmem:s25+$0x5820]  }
0x149: {  	v2 =	vld [tilespmem:s25+$0x5850];
	[tilespmem:s25+$0x15460] =	vst v0;
	v0 =	vadd.f32 v55, v56  }
0x14a: {  	v3 =	vadd.f32 v3, v58;
	v62 =	vld [tilespmem:s26+$0x70];
	[tilespmem:s25+$0x15810] =	vst v8  }
0x14b: {  	v7 =	vadd.f32 v52, v59;
	[tilespmem:s25+$0x15840] =	vst v0;
	v0 =	vld [tilespmem:s25+$0x15850]  }
0x14c: {  	v5 =	vadd.f32 v50, v61;
	[tilespmem:s25+$0x15830] =	vst v3  }
0x14d: {  	v1 =	vadd.f32 v1, v63;
	[tilespmem:s25+$0x15800] =	vst v7  }
0x14e: {  	v3 =	vadd.f32 v51, v60;
	[tilespmem:s25+$0x15860] =	vst v5  }
0x14f: {  	s28 =	sand.u32 $0x7, s24;
	[tilespmem:s25+$0x15820] =	vst v1;
	v4 =	vadd.f32 v62, v49  }
0x150: {  	s26 =	sshll.u32 s28, $0x7;
	[tilespmem:s25+$0x15870] =	vst v3;
	v0 =	vadd.f32 v2, v0  }
0x151: {  	s30 =	sadd.s32 $0x0, s26;
	[tilespmem:s25+$0x15470] =	vst v4  }
0x152: {  	s28 =	sor.u32 s24, s24;
	[tilespmem:s25+$0x15850] =	vst v0;
	s25 =	sor.u32 $0x1C00, s30  }
0x153: {  	s29 =	sor.u32 $0x5C00, s28;
	v0 =	vld [tilespmem:s25+$0x14000]  }
0x154: {  	v1 =	vld [tilespmem:s29+$0x0];
	_ =	sdelay $0x4  }
0x155: {  	v0 =	vadd.f32 v1, v0;
	_ =	sdelay $0x1  }
0x156: {  	s28 =	sor.u32 $0x1C10, s30;
	[tilespmem:s25+$0x14000] =	vst v0  }
0x157: {  	v0 =	vld [tilespmem:s28+$0x14000]  }
0x158: {  	v1 =	vld [tilespmem:s29+$0x10];
	_ =	sdelay $0x4  }
0x159: {  	v0 =	vadd.f32 v1, v0;
	_ =	sdelay $0x1  }
0x15a: {  	s26 =	sor.u32 $0x1C20, s30;
	[tilespmem:s28+$0x14000] =	vst v0  }
0x15b: {  	v0 =	vld [tilespmem:s26+$0x14000]  }
0x15c: {  	v1 =	vld [tilespmem:s29+$0x20];
	_ =	sdelay $0x4  }
0x15d: {  	v0 =	vadd.f32 v1, v0;
	_ =	sdelay $0x1  }
0x15e: {  	s28 =	sor.u32 $0x1C30, s30;
	[tilespmem:s26+$0x14000] =	vst v0  }
0x15f: {  	v0 =	vld [tilespmem:s28+$0x14000]  }
0x160: {  	v1 =	vld [tilespmem:s29+$0x30];
	_ =	sdelay $0x4  }
0x161: {  	v0 =	vadd.f32 v1, v0;
	_ =	sdelay $0x1  }
0x162: {  	s31 =	sor.u32 $0x1C40, s30;
	[tilespmem:s28+$0x14000] =	vst v0  }
0x163: {  	v0 =	vld [tilespmem:s31+$0x14000]  }
0x164: {  	s25 =	simm.s32 $0x400;
	s26 =	simm.s32 $0x0;
	v1 =	vld [tilespmem:s29+$0x40]  }
.LBB2_4:
0x165: {  	_ =	sdelay $0x1  }
0x166: {  	p0 =	sne.s32 s25, $0x3C00;
	s24 =	sadd.s32 $0x80, s24;
	s26 =	sadd.s32 $0x1, s26  }
0x167: {  	s28 =	smov.u32 s25;
	s25 =	sadd.s32 $0x400, s25  }
0x168: {  	v0 =	vadd.f32 v1, v0;
	_ =	sdelay $0x1  }
0x169: {  	[tilespmem:s31+$0x14000] =	vst v0;
	s31 =	sor.u32 $0x1C50, s30  }
0x16a: {  	v0 =	vld [tilespmem:s31+$0x14000]  }
0x16b: {  	v1 =	vld [tilespmem:s29+$0x50];
	_ =	sdelay $0x4  }
0x16c: {  	v0 =	vadd.f32 v1, v0;
	_ =	sdelay $0x1  }
0x16d: {  	[tilespmem:s31+$0x14000] =	vst v0;
	s31 =	sor.u32 $0x1C60, s30  }
0x16e: {  	v0 =	vld [tilespmem:s31+$0x14000]  }
0x16f: {  	v1 =	vld [tilespmem:s29+$0x60];
	_ =	sdelay $0x4  }
0x170: {  	v0 =	vadd.f32 v1, v0;
	_ =	sdelay $0x1  }
0x171: {  	s30 =	sor.u32 $0x1C70, s30;
	[tilespmem:s31+$0x14000] =	vst v0  }
0x172: {  	v0 =	vld [tilespmem:s30+$0x14000]  }
0x173: {  	v1 =	vld [tilespmem:s29+$0x70];
	_ =	sdelay $0x4  }
0x174: {  	v0 =	vadd.f32 v1, v0  }
0x175: {  	s31 =	sand.u32 $0x380, s24;
	s29 =	sand.u32 $0x2000, s28  }
0x176: {  	s29 =	sor.u32 s31, s29;
	[tilespmem:s30+$0x14000] =	vst v0  }
0x177: {  	v0 =	vld [tilespmem:s29+$0x4070]  }
0x178: {  	v1 =	vld [tilespmem:s29+$0x14000]  }
0x179: {  	v2 =	vld [tilespmem:s29+$0x4050]  }
0x17a: {  	v3 =	vld [tilespmem:s29+$0x4020]  }
0x17b: {  	v4 =	vld [tilespmem:s29+$0x4060]  }
0x17c: {  	v5 =	vld [tilespmem:s29+$0x14050]  }
0x17d: {  	v6 =	vld [tilespmem:s29+$0x4000]  }
0x17e: {  	v7 =	vld [tilespmem:s29+$0x14030]  }
0x17f: {  	v8 =	vld [tilespmem:s29+$0x14020]  }
0x180: {  	v9 =	vld [tilespmem:s29+$0x4030]  }
0x181: {  	v10 =	vld [tilespmem:s29+$0x4040]  }
0x182: {  	v11 =	vld [tilespmem:s29+$0x4010]  }
0x183: {  	v12 =	vld [tilespmem:s29+$0x14010]  }
0x184: {  	v1 =	vadd.f32 v6, v1;
	v6 =	vld [tilespmem:s29+$0x14070]  }
0x185: {  	v13 =	vld [tilespmem:s29+$0x14040]  }
0x186: {  	v3 =	vadd.f32 v3, v8;
	v8 =	vld [tilespmem:s29+$0x14060];
	_ =	sdelay $0x1  }
0x187: {  	[tilespmem:s29+$0x14000] =	vst v1;
	v1 =	vadd.f32 v11, v12  }
0x188: {  	v2 =	vadd.f32 v2, v5;
	[tilespmem:s29+$0x14020] =	vst v3;
	v0 =	vadd.f32 v0, v6  }
0x189: {  	[tilespmem:s29+$0x14010] =	vst v1;
	v1 =	vadd.f32 v9, v7;
	v3 =	vadd.f32 v10, v13  }
0x18a: {  	v4 =	vadd.f32 v4, v8;
	[tilespmem:s29+$0x14070] =	vst v0  }
0x18b: {  	[tilespmem:s29+$0x14040] =	vst v3  }
0x18c: {  	s30 =	sand.u32 $0xFFFFE000, s28;
	[tilespmem:s29+$0x14060] =	vst v4  }
0x18d: {  	s30 =	sadd.s32 s30, s24;
	[tilespmem:s29+$0x14030] =	vst v1  }
0x18e: {  	s31 =	sor.u32 $0x4400, s30;
	[tilespmem:s29+$0x14050] =	vst v2;
	v0 =	vld [tilespmem:s29+$0x14400]  }
0x18f: {  	v1 =	vld [tilespmem:s31+$0x0];
	_ =	sdelay $0x4  }
0x190: {  	v0 =	vadd.f32 v1, v0;
	_ =	sdelay $0x1  }
0x191: {  	[tilespmem:s29+$0x14400] =	vst v0;
	v0 =	vld [tilespmem:s29+$0x14410]  }
0x192: {  	v1 =	vld [tilespmem:s31+$0x10];
	_ =	sdelay $0x4  }
0x193: {  	v0 =	vadd.f32 v1, v0;
	_ =	sdelay $0x1  }
0x194: {  	[tilespmem:s29+$0x14410] =	vst v0;
	v0 =	vld [tilespmem:s29+$0x14420]  }
0x195: {  	v1 =	vld [tilespmem:s31+$0x20];
	_ =	sdelay $0x4  }
0x196: {  	v0 =	vadd.f32 v1, v0;
	_ =	sdelay $0x1  }
0x197: {  	[tilespmem:s29+$0x14420] =	vst v0;
	v0 =	vld [tilespmem:s29+$0x14430]  }
0x198: {  	v1 =	vld [tilespmem:s31+$0x30];
	_ =	sdelay $0x4  }
0x199: {  	v0 =	vadd.f32 v1, v0;
	_ =	sdelay $0x1  }
0x19a: {  	[tilespmem:s29+$0x14430] =	vst v0;
	v0 =	vld [tilespmem:s29+$0x14440]  }
0x19b: {  	v1 =	vld [tilespmem:s31+$0x40];
	_ =	sdelay $0x3  }
0x19c: {  	v2 =	vld [tilespmem:s29+$0x4810]  }
0x19d: {  	v0 =	vadd.f32 v1, v0;
	v1 =	vld [tilespmem:s29+$0x4800]  }
0x19e: {  	v3 =	vld [tilespmem:s29+$0x14800]  }
0x19f: {  	[tilespmem:s29+$0x14440] =	vst v0;
	v0 =	vld [tilespmem:s29+$0x14450]  }
0x1a0: {  	v4 =	vld [tilespmem:s31+$0x50]  }
0x1a1: {  	v5 =	vld [tilespmem:s29+$0x14470]  }
0x1a2: {  	v6 =	vld [tilespmem:s29+$0x4820]  }
0x1a3: {  	v7 =	vld [tilespmem:s29+$0x4840]  }
0x1a4: {  	v8 =	vld [tilespmem:s29+$0x4860]  }
0x1a5: {  	v0 =	vadd.f32 v4, v0;
	v4 =	vld [tilespmem:s29+$0x4830]  }
0x1a6: {  	v9 =	vld [tilespmem:s29+$0x4850]  }
0x1a7: {  	[tilespmem:s29+$0x14450] =	vst v0;
	v0 =	vld [tilespmem:s29+$0x14460]  }
0x1a8: {  	v10 =	vld [tilespmem:s31+$0x60]  }
0x1a9: {  	v11 =	vld [tilespmem:s29+$0x4870]  }
0x1aa: {  	v12 =	vld [tilespmem:s29+$0x14870]  }
0x1ab: {  	v13 =	vld [tilespmem:s29+$0x14850]  }
0x1ac: {  	v14 =	vld [tilespmem:s29+$0x14830]  }
0x1ad: {  	v0 =	vadd.f32 v10, v0;
	v10 =	vld [tilespmem:s29+$0x14860]  }
0x1ae: {  	v15 =	vld [tilespmem:s29+$0x14840]  }
0x1af: {  	[tilespmem:s29+$0x14460] =	vst v0;
	v0 =	vld [tilespmem:s29+$0x14820];
	v11 =	vadd.f32 v11, v12  }
0x1b0: {  	v12 =	vld [tilespmem:s31+$0x70];
	v9 =	vadd.f32 v9, v13  }
0x1b1: {  	v13 =	vld [tilespmem:s29+$0x14810];
	v4 =	vadd.f32 v4, v14;
	[tilespmem:s29+$0x14870] =	vst v11  }
0x1b2: {  	[tilespmem:s29+$0x14850] =	vst v9;
	v8 =	vadd.f32 v8, v10  }
0x1b3: {  	[tilespmem:s29+$0x14830] =	vst v4;
	v4 =	vadd.f32 v7, v15  }
0x1b4: {  	v0 =	vadd.f32 v6, v0;
	[tilespmem:s29+$0x14860] =	vst v8  }
0x1b5: {  	v1 =	vadd.f32 v1, v3;
	v5 =	vadd.f32 v12, v5;
	[tilespmem:s29+$0x14840] =	vst v4  }
0x1b6: {  	v2 =	vadd.f32 v2, v13;
	[tilespmem:s29+$0x14820] =	vst v0  }
0x1b7: {  	[tilespmem:s29+$0x14800] =	vst v1  }
0x1b8: {  	[tilespmem:s29+$0x14810] =	vst v2  }
0x1b9: {  	s31 =	sor.u32 $0x4C00, s30;
	[tilespmem:s29+$0x14470] =	vst v5;
	v0 =	vld [tilespmem:s29+$0x14C00]  }
0x1ba: {  	v1 =	vld [tilespmem:s31+$0x0];
	_ =	sdelay $0x4  }
0x1bb: {  	v0 =	vadd.f32 v1, v0;
	_ =	sdelay $0x1  }
0x1bc: {  	[tilespmem:s29+$0x14C00] =	vst v0;
	v0 =	vld [tilespmem:s29+$0x14C10]  }
0x1bd: {  	v1 =	vld [tilespmem:s31+$0x10];
	_ =	sdelay $0x4  }
0x1be: {  	v0 =	vadd.f32 v1, v0;
	_ =	sdelay $0x1  }
0x1bf: {  	[tilespmem:s29+$0x14C10] =	vst v0;
	v0 =	vld [tilespmem:s29+$0x14C20]  }
0x1c0: {  	v1 =	vld [tilespmem:s31+$0x20];
	_ =	sdelay $0x4  }
0x1c1: {  	v0 =	vadd.f32 v1, v0;
	_ =	sdelay $0x1  }
0x1c2: {  	[tilespmem:s29+$0x14C20] =	vst v0;
	v0 =	vld [tilespmem:s29+$0x14C30]  }
0x1c3: {  	v1 =	vld [tilespmem:s31+$0x30];
	_ =	sdelay $0x4  }
0x1c4: {  	v0 =	vadd.f32 v1, v0;
	_ =	sdelay $0x1  }
0x1c5: {  	[tilespmem:s29+$0x14C30] =	vst v0;
	v0 =	vld [tilespmem:s29+$0x14C40]  }
0x1c6: {  	v1 =	vld [tilespmem:s31+$0x40];
	_ =	sdelay $0x4  }
0x1c7: {  	v0 =	vadd.f32 v1, v0;
	v1 =	vld [tilespmem:s29+$0x5060]  }
0x1c8: {  	v2 =	vld [tilespmem:s29+$0x5070]  }
0x1c9: {  	[tilespmem:s29+$0x14C40] =	vst v0;
	v0 =	vld [tilespmem:s29+$0x14C50]  }
0x1ca: {  	v3 =	vld [tilespmem:s31+$0x50]  }
0x1cb: {  	v4 =	vld [tilespmem:s29+$0x14C70]  }
0x1cc: {  	v5 =	vld [tilespmem:s29+$0x5040]  }
0x1cd: {  	v6 =	vld [tilespmem:s29+$0x5030]  }
0x1ce: {  	v7 =	vld [tilespmem:s29+$0x5020]  }
0x1cf: {  	v0 =	vadd.f32 v3, v0;
	v3 =	vld [tilespmem:s29+$0x5010]  }
0x1d0: {  	v8 =	vld [tilespmem:s29+$0x5000]  }
0x1d1: {  	[tilespmem:s29+$0x14C50] =	vst v0;
	v0 =	vld [tilespmem:s29+$0x14C60]  }
0x1d2: {  	v9 =	vld [tilespmem:s31+$0x60]  }
0x1d3: {  	v10 =	vld [tilespmem:s29+$0x5050]  }
0x1d4: {  	v11 =	vld [tilespmem:s29+$0x15050]  }
0x1d5: {  	v12 =	vld [tilespmem:s29+$0x15000]  }
0x1d6: {  	v13 =	vld [tilespmem:s29+$0x15010]  }
0x1d7: {  	v0 =	vadd.f32 v9, v0;
	v9 =	vld [tilespmem:s29+$0x15020]  }
0x1d8: {  	v14 =	vld [tilespmem:s29+$0x15030]  }
0x1d9: {  	[tilespmem:s29+$0x14C60] =	vst v0;
	v0 =	vld [tilespmem:s29+$0x15040];
	v10 =	vadd.f32 v10, v11  }
0x1da: {  	v11 =	vld [tilespmem:s31+$0x70];
	v8 =	vadd.f32 v8, v12  }
0x1db: {  	v3 =	vadd.f32 v3, v13;
	[tilespmem:s29+$0x15050] =	vst v10;
	v10 =	vld [tilespmem:s29+$0x15070]  }
0x1dc: {  	[tilespmem:s29+$0x15000] =	vst v8;
	v7 =	vadd.f32 v7, v9;
	v8 =	vld [tilespmem:s29+$0x15060]  }
0x1dd: {  	[tilespmem:s29+$0x15010] =	vst v3;
	v3 =	vadd.f32 v6, v14  }
0x1de: {  	[tilespmem:s29+$0x15020] =	vst v7;
	v0 =	vadd.f32 v5, v0  }
0x1df: {  	v4 =	vadd.f32 v11, v4;
	[tilespmem:s29+$0x15030] =	vst v3  }
0x1e0: {  	[tilespmem:s29+$0x15040] =	vst v0;
	v0 =	vadd.f32 v2, v10  }
0x1e1: {  	[tilespmem:s29+$0x14C70] =	vst v4;
	v1 =	vadd.f32 v1, v8  }
0x1e2: {  	[tilespmem:s29+$0x15070] =	vst v0  }
0x1e3: {  	s30 =	sor.u32 $0x5400, s30;
	[tilespmem:s29+$0x15060] =	vst v1;
	v0 =	vld [tilespmem:s29+$0x15400]  }
0x1e4: {  	v1 =	vld [tilespmem:s30+$0x0];
	_ =	sdelay $0x4  }
0x1e5: {  	v0 =	vadd.f32 v1, v0;
	_ =	sdelay $0x1  }
0x1e6: {  	[tilespmem:s29+$0x15400] =	vst v0;
	v0 =	vld [tilespmem:s29+$0x15410]  }
0x1e7: {  	v1 =	vld [tilespmem:s30+$0x10];
	_ =	sdelay $0x4  }
0x1e8: {  	v0 =	vadd.f32 v1, v0;
	_ =	sdelay $0x1  }
0x1e9: {  	[tilespmem:s29+$0x15410] =	vst v0;
	v0 =	vld [tilespmem:s29+$0x15420]  }
0x1ea: {  	v1 =	vld [tilespmem:s30+$0x20];
	_ =	sdelay $0x4  }
0x1eb: {  	v0 =	vadd.f32 v1, v0;
	_ =	sdelay $0x1  }
0x1ec: {  	[tilespmem:s29+$0x15420] =	vst v0;
	v0 =	vld [tilespmem:s29+$0x15430]  }
0x1ed: {  	v1 =	vld [tilespmem:s30+$0x30];
	_ =	sdelay $0x4  }
0x1ee: {  	v0 =	vadd.f32 v1, v0;
	_ =	sdelay $0x1  }
0x1ef: {  	[tilespmem:s29+$0x15430] =	vst v0;
	v0 =	vld [tilespmem:s29+$0x15440]  }
0x1f0: {  	v1 =	vld [tilespmem:s30+$0x40];
	_ =	sdelay $0x4  }
0x1f1: {  	v0 =	vadd.f32 v1, v0;
	v1 =	vld [tilespmem:s29+$0x5820]  }
0x1f2: {  	v2 =	vld [tilespmem:s29+$0x5850]  }
0x1f3: {  	[tilespmem:s29+$0x15440] =	vst v0;
	v0 =	vld [tilespmem:s29+$0x15450]  }
0x1f4: {  	v3 =	vld [tilespmem:s30+$0x50]  }
0x1f5: {  	v4 =	vld [tilespmem:s29+$0x15470]  }
0x1f6: {  	v5 =	vld [tilespmem:s29+$0x5860]  }
0x1f7: {  	v6 =	vld [tilespmem:s29+$0x5870]  }
0x1f8: {  	v7 =	vld [tilespmem:s29+$0x5800]  }
0x1f9: {  	v0 =	vadd.f32 v3, v0;
	v3 =	vld [tilespmem:s29+$0x5830]  }
0x1fa: {  	v8 =	vld [tilespmem:s29+$0x5810]  }
0x1fb: {  	[tilespmem:s29+$0x15450] =	vst v0;
	v0 =	vld [tilespmem:s29+$0x15460]  }
0x1fc: {  	v9 =	vld [tilespmem:s30+$0x60]  }
0x1fd: {  	v10 =	vld [tilespmem:s29+$0x5840]  }
0x1fe: {  	v11 =	vld [tilespmem:s29+$0x15840]  }
0x1ff: {  	v12 =	vld [tilespmem:s29+$0x15810]  }
0x200: {  	v13 =	vld [tilespmem:s29+$0x15830]  }
0x201: {  	v0 =	vadd.f32 v9, v0;
	v9 =	vld [tilespmem:s29+$0x15800]  }
0x202: {  	v14 =	vld [tilespmem:s29+$0x15870]  }
0x203: {  	[tilespmem:s29+$0x15460] =	vst v0;
	v0 =	vadd.f32 v10, v11;
	v10 =	vld [tilespmem:s29+$0x15860]  }
0x204: {  	v11 =	vld [tilespmem:s30+$0x70];
	v8 =	vadd.f32 v8, v12  }
0x205: {  	v3 =	vadd.f32 v3, v13;
	[tilespmem:s29+$0x15840] =	vst v0;
	v0 =	vld [tilespmem:s29+$0x15850]  }
0x206: {  	v7 =	vadd.f32 v7, v9;
	[tilespmem:s29+$0x15810] =	vst v8;
	v8 =	vld [tilespmem:s29+$0x15820]  }
0x207: {  	[tilespmem:s29+$0x15830] =	vst v3;
	v3 =	vadd.f32 v6, v14  }
0x208: {  	[tilespmem:s29+$0x15800] =	vst v7;
	v5 =	vadd.f32 v5, v10  }
0x209: {  	v4 =	vadd.f32 v11, v4;
	[tilespmem:s29+$0x15870] =	vst v3  }
0x20a: {  	s30 =	sand.u32 $0x7, s26;
	v0 =	vadd.f32 v2, v0;
	[tilespmem:s29+$0x15860] =	vst v5  }
0x20b: {  	s30 =	sshll.u32 s30, $0x7;
	[tilespmem:s29+$0x15470] =	vst v4;
	v1 =	vadd.f32 v1, v8  }
0x20c: {  	s30 =	sadd.s32 s30, s28;
	[tilespmem:s29+$0x15850] =	vst v0  }
0x20d: {  	s28 =	sor.u32 s28, s24;
	s31 =	sor.u32 $0x1C00, s30;
	[tilespmem:s29+$0x15820] =	vst v1  }
0x20e: {  	s29 =	sor.u32 $0x5C00, s28;
	v0 =	vld [tilespmem:s31+$0x14000]  }
0x20f: {  	v1 =	vld [tilespmem:s29+$0x0];
	_ =	sdelay $0x4  }
0x210: {  	v0 =	vadd.f32 v1, v0;
	_ =	sdelay $0x1  }
0x211: {  	s28 =	sor.u32 $0x1C10, s30;
	[tilespmem:s31+$0x14000] =	vst v0  }
0x212: {  	v0 =	vld [tilespmem:s28+$0x14000]  }
0x213: {  	v1 =	vld [tilespmem:s29+$0x10];
	_ =	sdelay $0x4  }
0x214: {  	v0 =	vadd.f32 v1, v0;
	_ =	sdelay $0x1  }
0x215: {  	[tilespmem:s28+$0x14000] =	vst v0;
	s28 =	sor.u32 $0x1C20, s30  }
0x216: {  	v0 =	vld [tilespmem:s28+$0x14000]  }
0x217: {  	v1 =	vld [tilespmem:s29+$0x20];
	_ =	sdelay $0x4  }
0x218: {  	v0 =	vadd.f32 v1, v0;
	_ =	sdelay $0x1  }
0x219: {  	[tilespmem:s28+$0x14000] =	vst v0;
	s28 =	sor.u32 $0x1C30, s30  }
0x21a: {  	v0 =	vld [tilespmem:s28+$0x14000]  }
0x21b: {  	v1 =	vld [tilespmem:s29+$0x30];
	_ =	sdelay $0x4  }
.Ltmp1:
0x21c: {  	v0 =	vadd.f32 v1, v0;
	(pc) =	sbr.rel @p0 .LBB2_4-.Ltmp1, $4  }
0x21d: {  	_ = 	snop  }
0x21e: {  	s31 =	sor.u32 $0x1C40, s30;
	[tilespmem:s28+$0x14000] =	vst v0  }
0x21f: {  	v0 =	vld [tilespmem:s31+$0x14000]  }
0x220: {  	v1 =	vld [tilespmem:s29+$0x40]  }
0x221: {  	_ =	sdelay $0x3  }
0x222: {  	v0 =	vadd.f32 v1, v0;
	_ =	sdelay $0x1  }
0x223: {  	s24 =	sor.u32 $0x1C50, s30;
	[tilespmem:s31+$0x14000] =	vst v0  }
0x224: {  	v0 =	vld [tilespmem:s24+$0x14000]  }
0x225: {  	v1 =	vld [tilespmem:s29+$0x50];
	_ =	sdelay $0x4  }
0x226: {  	v0 =	vadd.f32 v1, v0;
	_ =	sdelay $0x1  }
0x227: {  	s25 =	sor.u32 $0x1C60, s30;
	[tilespmem:s24+$0x14000] =	vst v0  }
0x228: {  	v0 =	vld [tilespmem:s25+$0x14000]  }
0x229: {  	v1 =	vld [tilespmem:s29+$0x60];
	_ =	sdelay $0x4  }
0x22a: {  	v0 =	vadd.f32 v1, v0;
	_ =	sdelay $0x1  }
0x22b: {  	s26 =	sor.u32 $0x1C70, s30;
	[tilespmem:s25+$0x14000] =	vst v0  }
0x22c: {  	v0 =	vld [tilespmem:s26+$0x14000]  }
0x22d: {  	v1 =	vld [tilespmem:s29+$0x70];
	_ =	sdelay $0x4  }
0x22e: {  	v0 =	vadd.f32 v1, v0;
	_ =	sdelay $0x1  }
0x22f: {  	s24 =	simm.s32 $0x0;
	[tilespmem:s26+$0x14000] =	vst v0  }
0x230: {  	[hbm4b:s8+s24] =	stream.linear.scatter [tilespmem:s15], [sflag:$0x5], $0x4000, $0x38;
	[tilespmem:$0x1C000] =	vst v63  }
0x231: {  	_ =	swait.ge [sflag:s19], $0x4000  }
0x232: {  	[sflag:s19] =	ssyncset.done $0x0  }
0x233: {  	[sflag:s19] =	ssyncadd.s32 $0xFFFFC000  }
0x234: {  	[tilespmem:s14], [sflag:$0x1] =	stream.linear.gather [hbm4b:s9+s24], $0x4000, $0x38;
	[tilespmem:$0x1C000] =	vst v63  }
0x235: {  	_ =	swait.ge [sflag:s20], $0x4000  }
0x236: {  	s25 =	sand.u32 $0x2000, s24;
	s26 =	sand.u32 $0x380, s24;
	[sflag:s20] =	ssyncset.done $0x0  }
0x237: {  	s25 =	sor.u32 s26, s25;
	[sflag:s20] =	ssyncadd.s32 $0xFFFFC000  }
0x238: {  	v0 =	vld [tilespmem:s25+$0x8070]  }
0x239: {  	v1 =	vld [tilespmem:s25+$0x18000]  }
0x23a: {  	v2 =	vld [tilespmem:s25+$0x8050]  }
0x23b: {  	v3 =	vld [tilespmem:s25+$0x8020]  }
0x23c: {  	v4 =	vld [tilespmem:s25+$0x8060]  }
0x23d: {  	v5 =	vld [tilespmem:s25+$0x8000]  }
0x23e: {  	v6 =	vld [tilespmem:s25+$0x18030]  }
0x23f: {  	v7 =	vld [tilespmem:s25+$0x18020]  }
0x240: {  	v8 =	vld [tilespmem:s25+$0x8040]  }
0x241: {  	v9 =	vld [tilespmem:s25+$0x8010]  }
0x242: {  	v11 =	vld [tilespmem:s25+$0x18070]  }
0x243: {  	v10 =	vld [tilespmem:s25+$0x18010]  }
0x244: {  	v18 =	vld [tilespmem:s25+$0x18060]  }
0x245: {  	v12 =	vld [tilespmem:s25+$0x18040];
	v1 =	vadd.f32 v5, v1  }
0x246: {  	v13 =	vld [tilespmem:s25+$0x8030];
	v3 =	vadd.f32 v3, v7  }
0x247: {  	v19 =	vld [tilespmem:s25+$0x18050];
	v0 =	vadd.f32 v0, v11;
	[tilespmem:s25+$0x18000] =	vst v1  }
0x248: {  	v1 =	vadd.f32 v9, v10;
	[tilespmem:s25+$0x18020] =	vst v3  }
0x249: {  	v3 =	vadd.f32 v4, v18;
	[tilespmem:s25+$0x18070] =	vst v0  }
0x24a: {  	[tilespmem:s25+$0x18010] =	vst v1;
	v1 =	vadd.f32 v8, v12  }
0x24b: {  	v0 =	vadd.f32 v13, v6;
	[tilespmem:s25+$0x18060] =	vst v3  }
0x24c: {  	s28 =	sand.u32 $0xFFFFE000, s24;
	[tilespmem:s25+$0x18040] =	vst v1;
	v1 =	vadd.f32 v2, v19  }
0x24d: {  	s26 =	sadd.s32 $0x0, s28;
	[tilespmem:s25+$0x18030] =	vst v0  }
0x24e: {  	s28 =	sor.u32 $0x8400, s26;
	v0 =	vld [tilespmem:s25+$0x18400];
	[tilespmem:s25+$0x18050] =	vst v1  }
0x24f: {  	v1 =	vld [tilespmem:s28+$0x0];
	_ =	sdelay $0x4  }
0x250: {  	v0 =	vadd.f32 v1, v0;
	_ =	sdelay $0x1  }
0x251: {  	[tilespmem:s25+$0x18400] =	vst v0;
	v0 =	vld [tilespmem:s25+$0x18410]  }
0x252: {  	v1 =	vld [tilespmem:s28+$0x10];
	_ =	sdelay $0x4  }
0x253: {  	v0 =	vadd.f32 v1, v0;
	_ =	sdelay $0x1  }
0x254: {  	[tilespmem:s25+$0x18410] =	vst v0;
	v0 =	vld [tilespmem:s25+$0x18420]  }
0x255: {  	v1 =	vld [tilespmem:s28+$0x20];
	_ =	sdelay $0x4  }
0x256: {  	v0 =	vadd.f32 v1, v0;
	_ =	sdelay $0x1  }
0x257: {  	[tilespmem:s25+$0x18420] =	vst v0;
	v0 =	vld [tilespmem:s25+$0x18430]  }
0x258: {  	v1 =	vld [tilespmem:s28+$0x30];
	_ =	sdelay $0x4  }
0x259: {  	v0 =	vadd.f32 v1, v0;
	_ =	sdelay $0x1  }
0x25a: {  	[tilespmem:s25+$0x18430] =	vst v0;
	v0 =	vld [tilespmem:s25+$0x18440]  }
0x25b: {  	v1 =	vld [tilespmem:s28+$0x40];
	_ =	sdelay $0x3  }
0x25c: {  	v20 =	vld [tilespmem:s25+$0x18800]  }
0x25d: {  	v21 =	vld [tilespmem:s25+$0x8820];
	v0 =	vadd.f32 v1, v0  }
0x25e: {  	v22 =	vld [tilespmem:s25+$0x8840]  }
0x25f: {  	[tilespmem:s25+$0x18440] =	vst v0;
	v0 =	vld [tilespmem:s25+$0x18450]  }
0x260: {  	v3 =	vld [tilespmem:s28+$0x50]  }
0x261: {  	v23 =	vld [tilespmem:s25+$0x8860]  }
0x262: {  	v24 =	vld [tilespmem:s25+$0x8850]  }
0x263: {  	v26 =	vld [tilespmem:s25+$0x8870]  }
0x264: {  	v27 =	vld [tilespmem:s25+$0x18870]  }
0x265: {  	v28 =	vld [tilespmem:s25+$0x18850];
	v0 =	vadd.f32 v3, v0  }
0x266: {  	v29 =	vld [tilespmem:s25+$0x18830]  }
0x267: {  	[tilespmem:s25+$0x18450] =	vst v0;
	v0 =	vld [tilespmem:s25+$0x18460]  }
0x268: {  	v25 =	vld [tilespmem:s28+$0x60]  }
0x269: {  	v30 =	vld [tilespmem:s25+$0x18860]  }
0x26a: {  	v14 =	vld [tilespmem:s25+$0x18840]  }
0x26b: {  	v3 =	vld [tilespmem:s25+$0x8830]  }
0x26c: {  	v32 =	vld [tilespmem:s25+$0x18810]  }
0x26d: {  	v1 =	vld [tilespmem:s25+$0x8800];
	v0 =	vadd.f32 v25, v0  }
0x26e: {  	v10 =	vadd.f32 v26, v27;
	v2 =	vld [tilespmem:s25+$0x8810]  }
0x26f: {  	v8 =	vadd.f32 v24, v28;
	[tilespmem:s25+$0x18460] =	vst v0;
	v0 =	vld [tilespmem:s25+$0x18820]  }
0x270: {  	v3 =	vadd.f32 v3, v29;
	v31 =	vld [tilespmem:s28+$0x70];
	[tilespmem:s25+$0x18870] =	vst v10  }
0x271: {  	v33 =	vld [tilespmem:s25+$0x18470];
	v7 =	vadd.f32 v23, v30;
	[tilespmem:s25+$0x18850] =	vst v8  }
0x272: {  	v1 =	vadd.f32 v1, v20;
	[tilespmem:s25+$0x18830] =	vst v3  }
0x273: {  	v2 =	vadd.f32 v2, v32;
	[tilespmem:s25+$0x18860] =	vst v7  }
0x274: {  	[tilespmem:s25+$0x18800] =	vst v1;
	v0 =	vadd.f32 v21, v0  }
0x275: {  	v3 =	vadd.f32 v22, v14;
	[tilespmem:s25+$0x18810] =	vst v2  }
0x276: {  	[tilespmem:s25+$0x18820] =	vst v0;
	v0 =	vadd.f32 v31, v33  }
0x277: {  	[tilespmem:s25+$0x18840] =	vst v3  }
0x278: {  	s28 =	sor.u32 $0x8C00, s26;
	[tilespmem:s25+$0x18470] =	vst v0;
	v0 =	vld [tilespmem:s25+$0x18C00]  }
0x279: {  	v1 =	vld [tilespmem:s28+$0x0];
	_ =	sdelay $0x4  }
0x27a: {  	v0 =	vadd.f32 v1, v0;
	_ =	sdelay $0x1  }
0x27b: {  	[tilespmem:s25+$0x18C00] =	vst v0;
	v0 =	vld [tilespmem:s25+$0x18C10]  }
0x27c: {  	v1 =	vld [tilespmem:s28+$0x10];
	_ =	sdelay $0x4  }
0x27d: {  	v0 =	vadd.f32 v1, v0;
	_ =	sdelay $0x1  }
0x27e: {  	[tilespmem:s25+$0x18C10] =	vst v0;
	v0 =	vld [tilespmem:s25+$0x18C20]  }
0x27f: {  	v1 =	vld [tilespmem:s28+$0x20];
	_ =	sdelay $0x4  }
0x280: {  	v0 =	vadd.f32 v1, v0;
	_ =	sdelay $0x1  }
0x281: {  	[tilespmem:s25+$0x18C20] =	vst v0;
	v0 =	vld [tilespmem:s25+$0x18C30]  }
0x282: {  	v1 =	vld [tilespmem:s28+$0x30];
	_ =	sdelay $0x4  }
0x283: {  	v0 =	vadd.f32 v1, v0;
	_ =	sdelay $0x1  }
0x284: {  	[tilespmem:s25+$0x18C30] =	vst v0;
	v0 =	vld [tilespmem:s25+$0x18C40]  }
0x285: {  	v1 =	vld [tilespmem:s28+$0x40];
	_ =	sdelay $0x3  }
0x286: {  	v34 =	vld [tilespmem:s25+$0x18C70]  }
0x287: {  	v35 =	vld [tilespmem:s25+$0x9040];
	v0 =	vadd.f32 v1, v0  }
0x288: {  	v36 =	vld [tilespmem:s25+$0x9030]  }
0x289: {  	[tilespmem:s25+$0x18C40] =	vst v0;
	v0 =	vld [tilespmem:s25+$0x18C50]  }
0x28a: {  	v3 =	vld [tilespmem:s28+$0x50]  }
0x28b: {  	v37 =	vld [tilespmem:s25+$0x9020]  }
0x28c: {  	v38 =	vld [tilespmem:s25+$0x9000]  }
0x28d: {  	v40 =	vld [tilespmem:s25+$0x9050]  }
0x28e: {  	v41 =	vld [tilespmem:s25+$0x19050]  }
0x28f: {  	v42 =	vld [tilespmem:s25+$0x19000];
	v0 =	vadd.f32 v3, v0  }
0x290: {  	v43 =	vld [tilespmem:s25+$0x19010]  }
0x291: {  	[tilespmem:s25+$0x18C50] =	vst v0;
	v0 =	vld [tilespmem:s25+$0x18C60]  }
0x292: {  	v39 =	vld [tilespmem:s28+$0x60]  }
0x293: {  	v44 =	vld [tilespmem:s25+$0x19020]  }
0x294: {  	v45 =	vld [tilespmem:s25+$0x19030]  }
0x295: {  	v3 =	vld [tilespmem:s25+$0x9010]  }
0x296: {  	v48 =	vld [tilespmem:s25+$0x19060]  }
0x297: {  	v1 =	vld [tilespmem:s25+$0x9060];
	v0 =	vadd.f32 v39, v0  }
0x298: {  	v47 =	vld [tilespmem:s25+$0x19070];
	v10 =	vadd.f32 v40, v41  }
0x299: {  	v8 =	vadd.f32 v38, v42;
	[tilespmem:s25+$0x18C60] =	vst v0;
	v0 =	vld [tilespmem:s25+$0x19040]  }
0x29a: {  	v3 =	vadd.f32 v3, v43;
	v46 =	vld [tilespmem:s28+$0x70];
	[tilespmem:s25+$0x19050] =	vst v10  }
0x29b: {  	v2 =	vld [tilespmem:s25+$0x9070];
	v7 =	vadd.f32 v37, v44;
	[tilespmem:s25+$0x19000] =	vst v8  }
0x29c: {  	v1 =	vadd.f32 v1, v48;
	[tilespmem:s25+$0x19010] =	vst v3  }
0x29d: {  	v3 =	vadd.f32 v36, v45;
	[tilespmem:s25+$0x19020] =	vst v7  }
0x29e: {  	[tilespmem:s25+$0x19060] =	vst v1;
	v0 =	vadd.f32 v35, v0  }
0x29f: {  	[tilespmem:s25+$0x19030] =	vst v3;
	v4 =	vadd.f32 v46, v34  }
0x2a0: {  	[tilespmem:s25+$0x19040] =	vst v0;
	v0 =	vadd.f32 v2, v47  }
0x2a1: {  	[tilespmem:s25+$0x18C70] =	vst v4  }
0x2a2: {  	s26 =	sor.u32 $0x9400, s26;
	[tilespmem:s25+$0x19070] =	vst v0;
	v0 =	vld [tilespmem:s25+$0x19400]  }
0x2a3: {  	v1 =	vld [tilespmem:s26+$0x0];
	_ =	sdelay $0x4  }
0x2a4: {  	v0 =	vadd.f32 v1, v0;
	_ =	sdelay $0x1  }
0x2a5: {  	[tilespmem:s25+$0x19400] =	vst v0;
	v0 =	vld [tilespmem:s25+$0x19410]  }
0x2a6: {  	v1 =	vld [tilespmem:s26+$0x10];
	_ =	sdelay $0x4  }
0x2a7: {  	v0 =	vadd.f32 v1, v0;
	_ =	sdelay $0x1  }
0x2a8: {  	[tilespmem:s25+$0x19410] =	vst v0;
	v0 =	vld [tilespmem:s25+$0x19420]  }
0x2a9: {  	v1 =	vld [tilespmem:s26+$0x20];
	_ =	sdelay $0x4  }
0x2aa: {  	v0 =	vadd.f32 v1, v0;
	_ =	sdelay $0x1  }
0x2ab: {  	[tilespmem:s25+$0x19420] =	vst v0;
	v0 =	vld [tilespmem:s25+$0x19430]  }
0x2ac: {  	v1 =	vld [tilespmem:s26+$0x30];
	_ =	sdelay $0x4  }
0x2ad: {  	v0 =	vadd.f32 v1, v0;
	_ =	sdelay $0x1  }
0x2ae: {  	[tilespmem:s25+$0x19430] =	vst v0;
	v0 =	vld [tilespmem:s25+$0x19440]  }
0x2af: {  	v1 =	vld [tilespmem:s26+$0x40];
	_ =	sdelay $0x3  }
0x2b0: {  	v49 =	vld [tilespmem:s25+$0x19470]  }
0x2b1: {  	v50 =	vld [tilespmem:s25+$0x9860];
	v0 =	vadd.f32 v1, v0  }
0x2b2: {  	v51 =	vld [tilespmem:s25+$0x9870]  }
0x2b3: {  	[tilespmem:s25+$0x19440] =	vst v0;
	v0 =	vld [tilespmem:s25+$0x19450]  }
0x2b4: {  	v3 =	vld [tilespmem:s26+$0x50]  }
0x2b5: {  	v52 =	vld [tilespmem:s25+$0x9800]  }
0x2b6: {  	v53 =	vld [tilespmem:s25+$0x9810]  }
0x2b7: {  	v55 =	vld [tilespmem:s25+$0x9840]  }
0x2b8: {  	v56 =	vld [tilespmem:s25+$0x19840]  }
0x2b9: {  	v57 =	vld [tilespmem:s25+$0x19810];
	v0 =	vadd.f32 v3, v0  }
0x2ba: {  	v58 =	vld [tilespmem:s25+$0x19830]  }
0x2bb: {  	[tilespmem:s25+$0x19450] =	vst v0;
	v0 =	vld [tilespmem:s25+$0x19460]  }
0x2bc: {  	v54 =	vld [tilespmem:s26+$0x60]  }
0x2bd: {  	v59 =	vld [tilespmem:s25+$0x19800]  }
0x2be: {  	v60 =	vld [tilespmem:s25+$0x19870]  }
0x2bf: {  	v3 =	vld [tilespmem:s25+$0x9830]  }
0x2c0: {  	v61 =	vld [tilespmem:s25+$0x19860]  }
0x2c1: {  	v63 =	vld [tilespmem:s25+$0x19820];
	v0 =	vadd.f32 v54, v0  }
0x2c2: {  	v8 =	vadd.f32 v53, v57;
	v1 =	vld [tilespmem:s25+$0x9820]  }
0x2c3: {  	v2 =	vld [tilespmem:s25+$0x9850];
	[tilespmem:s25+$0x19460] =	vst v0;
	v0 =	vadd.f32 v55, v56  }
0x2c4: {  	v3 =	vadd.f32 v3, v58;
	v62 =	vld [tilespmem:s26+$0x70];
	[tilespmem:s25+$0x19810] =	vst v8  }
0x2c5: {  	v7 =	vadd.f32 v52, v59;
	[tilespmem:s25+$0x19840] =	vst v0;
	v0 =	vld [tilespmem:s25+$0x19850]  }
0x2c6: {  	v5 =	vadd.f32 v50, v61;
	[tilespmem:s25+$0x19830] =	vst v3  }
0x2c7: {  	v1 =	vadd.f32 v1, v63;
	[tilespmem:s25+$0x19800] =	vst v7  }
0x2c8: {  	v3 =	vadd.f32 v51, v60;
	[tilespmem:s25+$0x19860] =	vst v5  }
0x2c9: {  	s28 =	sand.u32 $0x7, s24;
	[tilespmem:s25+$0x19820] =	vst v1;
	v4 =	vadd.f32 v62, v49  }
0x2ca: {  	s26 =	sshll.u32 s28, $0x7;
	[tilespmem:s25+$0x19870] =	vst v3;
	v0 =	vadd.f32 v2, v0  }
0x2cb: {  	s30 =	sadd.s32 $0x0, s26;
	[tilespmem:s25+$0x19470] =	vst v4  }
0x2cc: {  	s28 =	sor.u32 s24, s24;
	[tilespmem:s25+$0x19850] =	vst v0;
	s25 =	sor.u32 $0x1C00, s30  }
0x2cd: {  	s29 =	sor.u32 $0x9C00, s28;
	v0 =	vld [tilespmem:s25+$0x18000]  }
0x2ce: {  	v1 =	vld [tilespmem:s29+$0x0];
	_ =	sdelay $0x4  }
0x2cf: {  	v0 =	vadd.f32 v1, v0;
	_ =	sdelay $0x1  }
0x2d0: {  	s28 =	sor.u32 $0x1C10, s30;
	[tilespmem:s25+$0x18000] =	vst v0  }
0x2d1: {  	v0 =	vld [tilespmem:s28+$0x18000]  }
0x2d2: {  	v1 =	vld [tilespmem:s29+$0x10];
	_ =	sdelay $0x4  }
0x2d3: {  	v0 =	vadd.f32 v1, v0;
	_ =	sdelay $0x1  }
0x2d4: {  	s26 =	sor.u32 $0x1C20, s30;
	[tilespmem:s28+$0x18000] =	vst v0  }
0x2d5: {  	v0 =	vld [tilespmem:s26+$0x18000]  }
0x2d6: {  	v1 =	vld [tilespmem:s29+$0x20];
	_ =	sdelay $0x4  }
0x2d7: {  	v0 =	vadd.f32 v1, v0;
	_ =	sdelay $0x1  }
0x2d8: {  	s28 =	sor.u32 $0x1C30, s30;
	[tilespmem:s26+$0x18000] =	vst v0  }
0x2d9: {  	v0 =	vld [tilespmem:s28+$0x18000]  }
0x2da: {  	v1 =	vld [tilespmem:s29+$0x30];
	_ =	sdelay $0x4  }
0x2db: {  	v0 =	vadd.f32 v1, v0;
	_ =	sdelay $0x1  }
0x2dc: {  	s31 =	sor.u32 $0x1C40, s30;
	[tilespmem:s28+$0x18000] =	vst v0  }
0x2dd: {  	v0 =	vld [tilespmem:s31+$0x18000]  }
0x2de: {  	s25 =	simm.s32 $0x400;
	s26 =	simm.s32 $0x0;
	v1 =	vld [tilespmem:s29+$0x40]  }
.LBB2_6:
0x2df: {  	_ =	sdelay $0x1  }
0x2e0: {  	p0 =	sne.s32 s25, $0x3C00;
	s24 =	sadd.s32 $0x80, s24;
	s26 =	sadd.s32 $0x1, s26  }
0x2e1: {  	s28 =	smov.u32 s25;
	s25 =	sadd.s32 $0x400, s25  }
0x2e2: {  	v0 =	vadd.f32 v1, v0;
	_ =	sdelay $0x1  }
0x2e3: {  	[tilespmem:s31+$0x18000] =	vst v0;
	s31 =	sor.u32 $0x1C50, s30  }
0x2e4: {  	v0 =	vld [tilespmem:s31+$0x18000]  }
0x2e5: {  	v1 =	vld [tilespmem:s29+$0x50];
	_ =	sdelay $0x4  }
0x2e6: {  	v0 =	vadd.f32 v1, v0;
	_ =	sdelay $0x1  }
0x2e7: {  	[tilespmem:s31+$0x18000] =	vst v0;
	s31 =	sor.u32 $0x1C60, s30  }
0x2e8: {  	v0 =	vld [tilespmem:s31+$0x18000]  }
0x2e9: {  	v1 =	vld [tilespmem:s29+$0x60];
	_ =	sdelay $0x4  }
0x2ea: {  	v0 =	vadd.f32 v1, v0;
	_ =	sdelay $0x1  }
0x2eb: {  	s30 =	sor.u32 $0x1C70, s30;
	[tilespmem:s31+$0x18000] =	vst v0  }
0x2ec: {  	v0 =	vld [tilespmem:s30+$0x18000]  }
0x2ed: {  	v1 =	vld [tilespmem:s29+$0x70];
	_ =	sdelay $0x4  }
0x2ee: {  	v0 =	vadd.f32 v1, v0  }
0x2ef: {  	s31 =	sand.u32 $0x380, s24;
	s29 =	sand.u32 $0x2000, s28  }
0x2f0: {  	s29 =	sor.u32 s31, s29;
	[tilespmem:s30+$0x18000] =	vst v0  }
0x2f1: {  	v0 =	vld [tilespmem:s29+$0x8070]  }
0x2f2: {  	v1 =	vld [tilespmem:s29+$0x18000]  }
0x2f3: {  	v2 =	vld [tilespmem:s29+$0x8050]  }
0x2f4: {  	v3 =	vld [tilespmem:s29+$0x8020]  }
0x2f5: {  	v4 =	vld [tilespmem:s29+$0x8060]  }
0x2f6: {  	v5 =	vld [tilespmem:s29+$0x18050]  }
0x2f7: {  	v6 =	vld [tilespmem:s29+$0x8000]  }
0x2f8: {  	v7 =	vld [tilespmem:s29+$0x18030]  }
0x2f9: {  	v8 =	vld [tilespmem:s29+$0x18020]  }
0x2fa: {  	v9 =	vld [tilespmem:s29+$0x8030]  }
0x2fb: {  	v10 =	vld [tilespmem:s29+$0x8040]  }
0x2fc: {  	v11 =	vld [tilespmem:s29+$0x8010]  }
0x2fd: {  	v12 =	vld [tilespmem:s29+$0x18010]  }
0x2fe: {  	v1 =	vadd.f32 v6, v1;
	v6 =	vld [tilespmem:s29+$0x18070]  }
0x2ff: {  	v13 =	vld [tilespmem:s29+$0x18040]  }
0x300: {  	v3 =	vadd.f32 v3, v8;
	v8 =	vld [tilespmem:s29+$0x18060];
	_ =	sdelay $0x1  }
0x301: {  	[tilespmem:s29+$0x18000] =	vst v1;
	v1 =	vadd.f32 v11, v12  }
0x302: {  	v2 =	vadd.f32 v2, v5;
	[tilespmem:s29+$0x18020] =	vst v3;
	v0 =	vadd.f32 v0, v6  }
0x303: {  	[tilespmem:s29+$0x18010] =	vst v1;
	v1 =	vadd.f32 v9, v7;
	v3 =	vadd.f32 v10, v13  }
0x304: {  	v4 =	vadd.f32 v4, v8;
	[tilespmem:s29+$0x18070] =	vst v0  }
0x305: {  	[tilespmem:s29+$0x18040] =	vst v3  }
0x306: {  	s30 =	sand.u32 $0xFFFFE000, s28;
	[tilespmem:s29+$0x18060] =	vst v4  }
0x307: {  	s30 =	sadd.s32 s30, s24;
	[tilespmem:s29+$0x18030] =	vst v1  }
0x308: {  	s31 =	sor.u32 $0x8400, s30;
	[tilespmem:s29+$0x18050] =	vst v2;
	v0 =	vld [tilespmem:s29+$0x18400]  }
0x309: {  	v1 =	vld [tilespmem:s31+$0x0];
	_ =	sdelay $0x4  }
0x30a: {  	v0 =	vadd.f32 v1, v0;
	_ =	sdelay $0x1  }
0x30b: {  	[tilespmem:s29+$0x18400] =	vst v0;
	v0 =	vld [tilespmem:s29+$0x18410]  }
0x30c: {  	v1 =	vld [tilespmem:s31+$0x10];
	_ =	sdelay $0x4  }
0x30d: {  	v0 =	vadd.f32 v1, v0;
	_ =	sdelay $0x1  }
0x30e: {  	[tilespmem:s29+$0x18410] =	vst v0;
	v0 =	vld [tilespmem:s29+$0x18420]  }
0x30f: {  	v1 =	vld [tilespmem:s31+$0x20];
	_ =	sdelay $0x4  }
0x310: {  	v0 =	vadd.f32 v1, v0;
	_ =	sdelay $0x1  }
0x311: {  	[tilespmem:s29+$0x18420] =	vst v0;
	v0 =	vld [tilespmem:s29+$0x18430]  }
0x312: {  	v1 =	vld [tilespmem:s31+$0x30];
	_ =	sdelay $0x4  }
0x313: {  	v0 =	vadd.f32 v1, v0;
	_ =	sdelay $0x1  }
0x314: {  	[tilespmem:s29+$0x18430] =	vst v0;
	v0 =	vld [tilespmem:s29+$0x18440]  }
0x315: {  	v1 =	vld [tilespmem:s31+$0x40];
	_ =	sdelay $0x3  }
0x316: {  	v2 =	vld [tilespmem:s29+$0x8810]  }
0x317: {  	v0 =	vadd.f32 v1, v0;
	v1 =	vld [tilespmem:s29+$0x8800]  }
0x318: {  	v3 =	vld [tilespmem:s29+$0x18800]  }
0x319: {  	[tilespmem:s29+$0x18440] =	vst v0;
	v0 =	vld [tilespmem:s29+$0x18450]  }
0x31a: {  	v4 =	vld [tilespmem:s31+$0x50]  }
0x31b: {  	v5 =	vld [tilespmem:s29+$0x18470]  }
0x31c: {  	v6 =	vld [tilespmem:s29+$0x8820]  }
0x31d: {  	v7 =	vld [tilespmem:s29+$0x8840]  }
0x31e: {  	v8 =	vld [tilespmem:s29+$0x8860]  }
0x31f: {  	v0 =	vadd.f32 v4, v0;
	v4 =	vld [tilespmem:s29+$0x8830]  }
0x320: {  	v9 =	vld [tilespmem:s29+$0x8850]  }
0x321: {  	[tilespmem:s29+$0x18450] =	vst v0;
	v0 =	vld [tilespmem:s29+$0x18460]  }
0x322: {  	v10 =	vld [tilespmem:s31+$0x60]  }
0x323: {  	v11 =	vld [tilespmem:s29+$0x8870]  }
0x324: {  	v12 =	vld [tilespmem:s29+$0x18870]  }
0x325: {  	v13 =	vld [tilespmem:s29+$0x18850]  }
0x326: {  	v14 =	vld [tilespmem:s29+$0x18830]  }
0x327: {  	v0 =	vadd.f32 v10, v0;
	v10 =	vld [tilespmem:s29+$0x18860]  }
0x328: {  	v15 =	vld [tilespmem:s29+$0x18840]  }
0x329: {  	[tilespmem:s29+$0x18460] =	vst v0;
	v0 =	vld [tilespmem:s29+$0x18820];
	v11 =	vadd.f32 v11, v12  }
0x32a: {  	v12 =	vld [tilespmem:s31+$0x70];
	v9 =	vadd.f32 v9, v13  }
0x32b: {  	v13 =	vld [tilespmem:s29+$0x18810];
	v4 =	vadd.f32 v4, v14;
	[tilespmem:s29+$0x18870] =	vst v11  }
0x32c: {  	[tilespmem:s29+$0x18850] =	vst v9;
	v8 =	vadd.f32 v8, v10  }
0x32d: {  	[tilespmem:s29+$0x18830] =	vst v4;
	v4 =	vadd.f32 v7, v15  }
0x32e: {  	v0 =	vadd.f32 v6, v0;
	[tilespmem:s29+$0x18860] =	vst v8  }
0x32f: {  	v1 =	vadd.f32 v1, v3;
	v5 =	vadd.f32 v12, v5;
	[tilespmem:s29+$0x18840] =	vst v4  }
0x330: {  	v2 =	vadd.f32 v2, v13;
	[tilespmem:s29+$0x18820] =	vst v0  }
0x331: {  	[tilespmem:s29+$0x18800] =	vst v1  }
0x332: {  	[tilespmem:s29+$0x18810] =	vst v2  }
0x333: {  	s31 =	sor.u32 $0x8C00, s30;
	[tilespmem:s29+$0x18470] =	vst v5;
	v0 =	vld [tilespmem:s29+$0x18C00]  }
0x334: {  	v1 =	vld [tilespmem:s31+$0x0];
	_ =	sdelay $0x4  }
0x335: {  	v0 =	vadd.f32 v1, v0;
	_ =	sdelay $0x1  }
0x336: {  	[tilespmem:s29+$0x18C00] =	vst v0;
	v0 =	vld [tilespmem:s29+$0x18C10]  }
0x337: {  	v1 =	vld [tilespmem:s31+$0x10];
	_ =	sdelay $0x4  }
0x338: {  	v0 =	vadd.f32 v1, v0;
	_ =	sdelay $0x1  }
0x339: {  	[tilespmem:s29+$0x18C10] =	vst v0;
	v0 =	vld [tilespmem:s29+$0x18C20]  }
0x33a: {  	v1 =	vld [tilespmem:s31+$0x20];
	_ =	sdelay $0x4  }
0x33b: {  	v0 =	vadd.f32 v1, v0;
	_ =	sdelay $0x1  }
0x33c: {  	[tilespmem:s29+$0x18C20] =	vst v0;
	v0 =	vld [tilespmem:s29+$0x18C30]  }
0x33d: {  	v1 =	vld [tilespmem:s31+$0x30];
	_ =	sdelay $0x4  }
0x33e: {  	v0 =	vadd.f32 v1, v0;
	_ =	sdelay $0x1  }
0x33f: {  	[tilespmem:s29+$0x18C30] =	vst v0;
	v0 =	vld [tilespmem:s29+$0x18C40]  }
0x340: {  	v1 =	vld [tilespmem:s31+$0x40];
	_ =	sdelay $0x4  }
0x341: {  	v0 =	vadd.f32 v1, v0;
	v1 =	vld [tilespmem:s29+$0x9060]  }
0x342: {  	v2 =	vld [tilespmem:s29+$0x9070]  }
0x343: {  	[tilespmem:s29+$0x18C40] =	vst v0;
	v0 =	vld [tilespmem:s29+$0x18C50]  }
0x344: {  	v3 =	vld [tilespmem:s31+$0x50]  }
0x345: {  	v4 =	vld [tilespmem:s29+$0x18C70]  }
0x346: {  	v5 =	vld [tilespmem:s29+$0x9040]  }
0x347: {  	v6 =	vld [tilespmem:s29+$0x9030]  }
0x348: {  	v7 =	vld [tilespmem:s29+$0x9020]  }
0x349: {  	v0 =	vadd.f32 v3, v0;
	v3 =	vld [tilespmem:s29+$0x9010]  }
0x34a: {  	v8 =	vld [tilespmem:s29+$0x9000]  }
0x34b: {  	[tilespmem:s29+$0x18C50] =	vst v0;
	v0 =	vld [tilespmem:s29+$0x18C60]  }
0x34c: {  	v9 =	vld [tilespmem:s31+$0x60]  }
0x34d: {  	v10 =	vld [tilespmem:s29+$0x9050]  }
0x34e: {  	v11 =	vld [tilespmem:s29+$0x19050]  }
0x34f: {  	v12 =	vld [tilespmem:s29+$0x19000]  }
0x350: {  	v13 =	vld [tilespmem:s29+$0x19010]  }
0x351: {  	v0 =	vadd.f32 v9, v0;
	v9 =	vld [tilespmem:s29+$0x19020]  }
0x352: {  	v14 =	vld [tilespmem:s29+$0x19030]  }
0x353: {  	[tilespmem:s29+$0x18C60] =	vst v0;
	v0 =	vld [tilespmem:s29+$0x19040];
	v10 =	vadd.f32 v10, v11  }
0x354: {  	v11 =	vld [tilespmem:s31+$0x70];
	v8 =	vadd.f32 v8, v12  }
0x355: {  	v3 =	vadd.f32 v3, v13;
	[tilespmem:s29+$0x19050] =	vst v10;
	v10 =	vld [tilespmem:s29+$0x19070]  }
0x356: {  	[tilespmem:s29+$0x19000] =	vst v8;
	v7 =	vadd.f32 v7, v9;
	v8 =	vld [tilespmem:s29+$0x19060]  }
0x357: {  	[tilespmem:s29+$0x19010] =	vst v3;
	v3 =	vadd.f32 v6, v14  }
0x358: {  	[tilespmem:s29+$0x19020] =	vst v7;
	v0 =	vadd.f32 v5, v0  }
0x359: {  	v4 =	vadd.f32 v11, v4;
	[tilespmem:s29+$0x19030] =	vst v3  }
0x35a: {  	[tilespmem:s29+$0x19040] =	vst v0;
	v0 =	vadd.f32 v2, v10  }
0x35b: {  	[tilespmem:s29+$0x18C70] =	vst v4;
	v1 =	vadd.f32 v1, v8  }
0x35c: {  	[tilespmem:s29+$0x19070] =	vst v0  }
0x35d: {  	s30 =	sor.u32 $0x9400, s30;
	[tilespmem:s29+$0x19060] =	vst v1;
	v0 =	vld [tilespmem:s29+$0x19400]  }
0x35e: {  	v1 =	vld [tilespmem:s30+$0x0];
	_ =	sdelay $0x4  }
0x35f: {  	v0 =	vadd.f32 v1, v0;
	_ =	sdelay $0x1  }
0x360: {  	[tilespmem:s29+$0x19400] =	vst v0;
	v0 =	vld [tilespmem:s29+$0x19410]  }
0x361: {  	v1 =	vld [tilespmem:s30+$0x10];
	_ =	sdelay $0x4  }
0x362: {  	v0 =	vadd.f32 v1, v0;
	_ =	sdelay $0x1  }
0x363: {  	[tilespmem:s29+$0x19410] =	vst v0;
	v0 =	vld [tilespmem:s29+$0x19420]  }
0x364: {  	v1 =	vld [tilespmem:s30+$0x20];
	_ =	sdelay $0x4  }
0x365: {  	v0 =	vadd.f32 v1, v0;
	_ =	sdelay $0x1  }
0x366: {  	[tilespmem:s29+$0x19420] =	vst v0;
	v0 =	vld [tilespmem:s29+$0x19430]  }
0x367: {  	v1 =	vld [tilespmem:s30+$0x30];
	_ =	sdelay $0x4  }
0x368: {  	v0 =	vadd.f32 v1, v0;
	_ =	sdelay $0x1  }
0x369: {  	[tilespmem:s29+$0x19430] =	vst v0;
	v0 =	vld [tilespmem:s29+$0x19440]  }
0x36a: {  	v1 =	vld [tilespmem:s30+$0x40];
	_ =	sdelay $0x4  }
0x36b: {  	v0 =	vadd.f32 v1, v0;
	v1 =	vld [tilespmem:s29+$0x9820]  }
0x36c: {  	v2 =	vld [tilespmem:s29+$0x9850]  }
0x36d: {  	[tilespmem:s29+$0x19440] =	vst v0;
	v0 =	vld [tilespmem:s29+$0x19450]  }
0x36e: {  	v3 =	vld [tilespmem:s30+$0x50]  }
0x36f: {  	v4 =	vld [tilespmem:s29+$0x19470]  }
0x370: {  	v5 =	vld [tilespmem:s29+$0x9860]  }
0x371: {  	v6 =	vld [tilespmem:s29+$0x9870]  }
0x372: {  	v7 =	vld [tilespmem:s29+$0x9800]  }
0x373: {  	v0 =	vadd.f32 v3, v0;
	v3 =	vld [tilespmem:s29+$0x9830]  }
0x374: {  	v8 =	vld [tilespmem:s29+$0x9810]  }
0x375: {  	[tilespmem:s29+$0x19450] =	vst v0;
	v0 =	vld [tilespmem:s29+$0x19460]  }
0x376: {  	v9 =	vld [tilespmem:s30+$0x60]  }
0x377: {  	v10 =	vld [tilespmem:s29+$0x9840]  }
0x378: {  	v11 =	vld [tilespmem:s29+$0x19840]  }
0x379: {  	v12 =	vld [tilespmem:s29+$0x19810]  }
0x37a: {  	v13 =	vld [tilespmem:s29+$0x19830]  }
0x37b: {  	v0 =	vadd.f32 v9, v0;
	v9 =	vld [tilespmem:s29+$0x19800]  }
0x37c: {  	v14 =	vld [tilespmem:s29+$0x19870]  }
0x37d: {  	[tilespmem:s29+$0x19460] =	vst v0;
	v0 =	vadd.f32 v10, v11;
	v10 =	vld [tilespmem:s29+$0x19860]  }
0x37e: {  	v11 =	vld [tilespmem:s30+$0x70];
	v8 =	vadd.f32 v8, v12  }
0x37f: {  	v3 =	vadd.f32 v3, v13;
	[tilespmem:s29+$0x19840] =	vst v0;
	v0 =	vld [tilespmem:s29+$0x19850]  }
0x380: {  	v7 =	vadd.f32 v7, v9;
	[tilespmem:s29+$0x19810] =	vst v8;
	v8 =	vld [tilespmem:s29+$0x19820]  }
0x381: {  	[tilespmem:s29+$0x19830] =	vst v3;
	v3 =	vadd.f32 v6, v14  }
0x382: {  	[tilespmem:s29+$0x19800] =	vst v7;
	v5 =	vadd.f32 v5, v10  }
0x383: {  	v4 =	vadd.f32 v11, v4;
	[tilespmem:s29+$0x19870] =	vst v3  }
0x384: {  	s30 =	sand.u32 $0x7, s26;
	v0 =	vadd.f32 v2, v0;
	[tilespmem:s29+$0x19860] =	vst v5  }
0x385: {  	s30 =	sshll.u32 s30, $0x7;
	[tilespmem:s29+$0x19470] =	vst v4;
	v1 =	vadd.f32 v1, v8  }
0x386: {  	s30 =	sadd.s32 s30, s28;
	[tilespmem:s29+$0x19850] =	vst v0  }
0x387: {  	s28 =	sor.u32 s28, s24;
	s31 =	sor.u32 $0x1C00, s30;
	[tilespmem:s29+$0x19820] =	vst v1  }
0x388: {  	s29 =	sor.u32 $0x9C00, s28;
	v0 =	vld [tilespmem:s31+$0x18000]  }
0x389: {  	v1 =	vld [tilespmem:s29+$0x0];
	_ =	sdelay $0x4  }
0x38a: {  	v0 =	vadd.f32 v1, v0;
	_ =	sdelay $0x1  }
0x38b: {  	s28 =	sor.u32 $0x1C10, s30;
	[tilespmem:s31+$0x18000] =	vst v0  }
0x38c: {  	v0 =	vld [tilespmem:s28+$0x18000]  }
0x38d: {  	v1 =	vld [tilespmem:s29+$0x10];
	_ =	sdelay $0x4  }
0x38e: {  	v0 =	vadd.f32 v1, v0;
	_ =	sdelay $0x1  }
0x38f: {  	[tilespmem:s28+$0x18000] =	vst v0;
	s28 =	sor.u32 $0x1C20, s30  }
0x390: {  	v0 =	vld [tilespmem:s28+$0x18000]  }
0x391: {  	v1 =	vld [tilespmem:s29+$0x20];
	_ =	sdelay $0x4  }
0x392: {  	v0 =	vadd.f32 v1, v0;
	_ =	sdelay $0x1  }
0x393: {  	[tilespmem:s28+$0x18000] =	vst v0;
	s28 =	sor.u32 $0x1C30, s30  }
0x394: {  	v0 =	vld [tilespmem:s28+$0x18000]  }
0x395: {  	v1 =	vld [tilespmem:s29+$0x30];
	_ =	sdelay $0x4  }
.Ltmp2:
0x396: {  	v0 =	vadd.f32 v1, v0;
	(pc) =	sbr.rel @p0 .LBB2_6-.Ltmp2, $4  }
0x397: {  	_ = 	snop  }
0x398: {  	s31 =	sor.u32 $0x1C40, s30;
	[tilespmem:s28+$0x18000] =	vst v0  }
0x399: {  	v0 =	vld [tilespmem:s31+$0x18000]  }
0x39a: {  	v1 =	vld [tilespmem:s29+$0x40]  }
0x39b: {  	_ =	sdelay $0x3  }
0x39c: {  	v0 =	vadd.f32 v1, v0;
	_ =	sdelay $0x1  }
0x39d: {  	s24 =	sor.u32 $0x1C50, s30;
	[tilespmem:s31+$0x18000] =	vst v0  }
0x39e: {  	v0 =	vld [tilespmem:s24+$0x18000]  }
0x39f: {  	v1 =	vld [tilespmem:s29+$0x50];
	_ =	sdelay $0x4  }
0x3a0: {  	v0 =	vadd.f32 v1, v0;
	_ =	sdelay $0x1  }
0x3a1: {  	s25 =	sor.u32 $0x1C60, s30;
	[tilespmem:s24+$0x18000] =	vst v0  }
0x3a2: {  	v0 =	vld [tilespmem:s25+$0x18000]  }
0x3a3: {  	v1 =	vld [tilespmem:s29+$0x60];
	_ =	sdelay $0x4  }
0x3a4: {  	v0 =	vadd.f32 v1, v0;
	_ =	sdelay $0x1  }
0x3a5: {  	s26 =	sor.u32 $0x1C70, s30;
	[tilespmem:s25+$0x18000] =	vst v0  }
0x3a6: {  	v0 =	vld [tilespmem:s26+$0x18000]  }
0x3a7: {  	v1 =	vld [tilespmem:s29+$0x70];
	_ =	sdelay $0x4  }
0x3a8: {  	v0 =	vadd.f32 v1, v0;
	_ =	sdelay $0x1  }
0x3a9: {  	s24 =	simm.s32 $0x0;
	[tilespmem:s26+$0x18000] =	vst v0  }
0x3aa: {  	[hbm4b:s10+s24] =	stream.linear.scatter [tilespmem:s17], [sflag:$0x6], $0x4000, $0x38;
	[tilespmem:$0x1C000] =	vst v63  }
0x3ab: {  	_ =	swait.ge [sflag:s16], $0x4000  }
0x3ac: {  	s25 =	sand.u32 $0x2000, s24;
	s26 =	sand.u32 $0x380, s24;
	[sflag:s16] =	ssyncset.done $0x0  }
0x3ad: {  	s25 =	sor.u32 s26, s25;
	[sflag:s16] =	ssyncadd.s32 $0xFFFFC000  }
0x3ae: {  	v0 =	vld [tilespmem:s25+$0xC070]  }
0x3af: {  	v1 =	vld [tilespmem:s25+$0x10000]  }
0x3b0: {  	v2 =	vld [tilespmem:s25+$0xC050]  }
0x3b1: {  	v3 =	vld [tilespmem:s25+$0xC020]  }
0x3b2: {  	v4 =	vld [tilespmem:s25+$0xC060]  }
0x3b3: {  	v5 =	vld [tilespmem:s25+$0xC000]  }
0x3b4: {  	v6 =	vld [tilespmem:s25+$0x10030]  }
0x3b5: {  	v7 =	vld [tilespmem:s25+$0x10020]  }
0x3b6: {  	v8 =	vld [tilespmem:s25+$0xC040]  }
0x3b7: {  	v9 =	vld [tilespmem:s25+$0xC010]  }
0x3b8: {  	v11 =	vld [tilespmem:s25+$0x10070]  }
0x3b9: {  	v10 =	vld [tilespmem:s25+$0x10010]  }
0x3ba: {  	v18 =	vld [tilespmem:s25+$0x10060]  }
0x3bb: {  	v12 =	vld [tilespmem:s25+$0x10040];
	v1 =	vadd.f32 v5, v1  }
0x3bc: {  	v13 =	vld [tilespmem:s25+$0xC030];
	v3 =	vadd.f32 v3, v7  }
0x3bd: {  	v19 =	vld [tilespmem:s25+$0x10050];
	v0 =	vadd.f32 v0, v11;
	[tilespmem:s25+$0x10000] =	vst v1  }
0x3be: {  	v1 =	vadd.f32 v9, v10;
	[tilespmem:s25+$0x10020] =	vst v3  }
0x3bf: {  	v3 =	vadd.f32 v4, v18;
	[tilespmem:s25+$0x10070] =	vst v0  }
0x3c0: {  	[tilespmem:s25+$0x10010] =	vst v1;
	v1 =	vadd.f32 v8, v12  }
0x3c1: {  	v0 =	vadd.f32 v13, v6;
	[tilespmem:s25+$0x10060] =	vst v3  }
0x3c2: {  	s28 =	sand.u32 $0xFFFFE000, s24;
	[tilespmem:s25+$0x10040] =	vst v1;
	v1 =	vadd.f32 v2, v19  }
0x3c3: {  	s26 =	sadd.s32 $0x0, s28;
	[tilespmem:s25+$0x10030] =	vst v0  }
0x3c4: {  	s28 =	sor.u32 $0xC400, s26;
	v0 =	vld [tilespmem:s25+$0x10400];
	[tilespmem:s25+$0x10050] =	vst v1  }
0x3c5: {  	v1 =	vld [tilespmem:s28+$0x0];
	_ =	sdelay $0x4  }
0x3c6: {  	v0 =	vadd.f32 v1, v0;
	_ =	sdelay $0x1  }
0x3c7: {  	[tilespmem:s25+$0x10400] =	vst v0;
	v0 =	vld [tilespmem:s25+$0x10410]  }
0x3c8: {  	v1 =	vld [tilespmem:s28+$0x10];
	_ =	sdelay $0x4  }
0x3c9: {  	v0 =	vadd.f32 v1, v0;
	_ =	sdelay $0x1  }
0x3ca: {  	[tilespmem:s25+$0x10410] =	vst v0;
	v0 =	vld [tilespmem:s25+$0x10420]  }
0x3cb: {  	v1 =	vld [tilespmem:s28+$0x20];
	_ =	sdelay $0x4  }
0x3cc: {  	v0 =	vadd.f32 v1, v0;
	_ =	sdelay $0x1  }
0x3cd: {  	[tilespmem:s25+$0x10420] =	vst v0;
	v0 =	vld [tilespmem:s25+$0x10430]  }
0x3ce: {  	v1 =	vld [tilespmem:s28+$0x30];
	_ =	sdelay $0x4  }
0x3cf: {  	v0 =	vadd.f32 v1, v0;
	_ =	sdelay $0x1  }
0x3d0: {  	[tilespmem:s25+$0x10430] =	vst v0;
	v0 =	vld [tilespmem:s25+$0x10440]  }
0x3d1: {  	v1 =	vld [tilespmem:s28+$0x40];
	_ =	sdelay $0x3  }
0x3d2: {  	v20 =	vld [tilespmem:s25+$0x10800]  }
0x3d3: {  	v21 =	vld [tilespmem:s25+$0xC820];
	v0 =	vadd.f32 v1, v0  }
0x3d4: {  	v22 =	vld [tilespmem:s25+$0xC840]  }
0x3d5: {  	[tilespmem:s25+$0x10440] =	vst v0;
	v0 =	vld [tilespmem:s25+$0x10450]  }
0x3d6: {  	v3 =	vld [tilespmem:s28+$0x50]  }
0x3d7: {  	v23 =	vld [tilespmem:s25+$0xC860]  }
0x3d8: {  	v24 =	vld [tilespmem:s25+$0xC850]  }
0x3d9: {  	v26 =	vld [tilespmem:s25+$0xC870]  }
0x3da: {  	v27 =	vld [tilespmem:s25+$0x10870]  }
0x3db: {  	v28 =	vld [tilespmem:s25+$0x10850];
	v0 =	vadd.f32 v3, v0  }
0x3dc: {  	v29 =	vld [tilespmem:s25+$0x10830]  }
0x3dd: {  	[tilespmem:s25+$0x10450] =	vst v0;
	v0 =	vld [tilespmem:s25+$0x10460]  }
0x3de: {  	v25 =	vld [tilespmem:s28+$0x60]  }
0x3df: {  	v30 =	vld [tilespmem:s25+$0x10860]  }
0x3e0: {  	v14 =	vld [tilespmem:s25+$0x10840]  }
0x3e1: {  	v3 =	vld [tilespmem:s25+$0xC830]  }
0x3e2: {  	v32 =	vld [tilespmem:s25+$0x10810]  }
0x3e3: {  	v1 =	vld [tilespmem:s25+$0xC800];
	v0 =	vadd.f32 v25, v0  }
0x3e4: {  	v10 =	vadd.f32 v26, v27;
	v2 =	vld [tilespmem:s25+$0xC810]  }
0x3e5: {  	v8 =	vadd.f32 v24, v28;
	[tilespmem:s25+$0x10460] =	vst v0;
	v0 =	vld [tilespmem:s25+$0x10820]  }
0x3e6: {  	v3 =	vadd.f32 v3, v29;
	v31 =	vld [tilespmem:s28+$0x70];
	[tilespmem:s25+$0x10870] =	vst v10  }
0x3e7: {  	v33 =	vld [tilespmem:s25+$0x10470];
	v7 =	vadd.f32 v23, v30;
	[tilespmem:s25+$0x10850] =	vst v8  }
0x3e8: {  	v1 =	vadd.f32 v1, v20;
	[tilespmem:s25+$0x10830] =	vst v3  }
0x3e9: {  	v2 =	vadd.f32 v2, v32;
	[tilespmem:s25+$0x10860] =	vst v7  }
0x3ea: {  	[tilespmem:s25+$0x10800] =	vst v1;
	v0 =	vadd.f32 v21, v0  }
0x3eb: {  	v3 =	vadd.f32 v22, v14;
	[tilespmem:s25+$0x10810] =	vst v2  }
0x3ec: {  	[tilespmem:s25+$0x10820] =	vst v0;
	v0 =	vadd.f32 v31, v33  }
0x3ed: {  	[tilespmem:s25+$0x10840] =	vst v3  }
0x3ee: {  	s28 =	sor.u32 $0xCC00, s26;
	[tilespmem:s25+$0x10470] =	vst v0;
	v0 =	vld [tilespmem:s25+$0x10C00]  }
0x3ef: {  	v1 =	vld [tilespmem:s28+$0x0];
	_ =	sdelay $0x4  }
0x3f0: {  	v0 =	vadd.f32 v1, v0;
	_ =	sdelay $0x1  }
0x3f1: {  	[tilespmem:s25+$0x10C00] =	vst v0;
	v0 =	vld [tilespmem:s25+$0x10C10]  }
0x3f2: {  	v1 =	vld [tilespmem:s28+$0x10];
	_ =	sdelay $0x4  }
0x3f3: {  	v0 =	vadd.f32 v1, v0;
	_ =	sdelay $0x1  }
0x3f4: {  	[tilespmem:s25+$0x10C10] =	vst v0;
	v0 =	vld [tilespmem:s25+$0x10C20]  }
0x3f5: {  	v1 =	vld [tilespmem:s28+$0x20];
	_ =	sdelay $0x4  }
0x3f6: {  	v0 =	vadd.f32 v1, v0;
	_ =	sdelay $0x1  }
0x3f7: {  	[tilespmem:s25+$0x10C20] =	vst v0;
	v0 =	vld [tilespmem:s25+$0x10C30]  }
0x3f8: {  	v1 =	vld [tilespmem:s28+$0x30];
	_ =	sdelay $0x4  }
0x3f9: {  	v0 =	vadd.f32 v1, v0;
	_ =	sdelay $0x1  }
0x3fa: {  	[tilespmem:s25+$0x10C30] =	vst v0;
	v0 =	vld [tilespmem:s25+$0x10C40]  }
0x3fb: {  	v1 =	vld [tilespmem:s28+$0x40];
	_ =	sdelay $0x3  }
0x3fc: {  	v34 =	vld [tilespmem:s25+$0x10C70]  }
0x3fd: {  	v35 =	vld [tilespmem:s25+$0xD040];
	v0 =	vadd.f32 v1, v0  }
0x3fe: {  	v36 =	vld [tilespmem:s25+$0xD030]  }
0x3ff: {  	[tilespmem:s25+$0x10C40] =	vst v0;
	v0 =	vld [tilespmem:s25+$0x10C50]  }
0x400: {  	v3 =	vld [tilespmem:s28+$0x50]  }
0x401: {  	v37 =	vld [tilespmem:s25+$0xD020]  }
0x402: {  	v38 =	vld [tilespmem:s25+$0xD000]  }
0x403: {  	v40 =	vld [tilespmem:s25+$0xD050]  }
0x404: {  	v41 =	vld [tilespmem:s25+$0x11050]  }
0x405: {  	v42 =	vld [tilespmem:s25+$0x11000];
	v0 =	vadd.f32 v3, v0  }
0x406: {  	v43 =	vld [tilespmem:s25+$0x11010]  }
0x407: {  	[tilespmem:s25+$0x10C50] =	vst v0;
	v0 =	vld [tilespmem:s25+$0x10C60]  }
0x408: {  	v39 =	vld [tilespmem:s28+$0x60]  }
0x409: {  	v44 =	vld [tilespmem:s25+$0x11020]  }
0x40a: {  	v45 =	vld [tilespmem:s25+$0x11030]  }
0x40b: {  	v3 =	vld [tilespmem:s25+$0xD010]  }
0x40c: {  	v48 =	vld [tilespmem:s25+$0x11060]  }
0x40d: {  	v1 =	vld [tilespmem:s25+$0xD060];
	v0 =	vadd.f32 v39, v0  }
0x40e: {  	v47 =	vld [tilespmem:s25+$0x11070];
	v10 =	vadd.f32 v40, v41  }
0x40f: {  	v8 =	vadd.f32 v38, v42;
	[tilespmem:s25+$0x10C60] =	vst v0;
	v0 =	vld [tilespmem:s25+$0x11040]  }
0x410: {  	v3 =	vadd.f32 v3, v43;
	v46 =	vld [tilespmem:s28+$0x70];
	[tilespmem:s25+$0x11050] =	vst v10  }
0x411: {  	v2 =	vld [tilespmem:s25+$0xD070];
	v7 =	vadd.f32 v37, v44;
	[tilespmem:s25+$0x11000] =	vst v8  }
0x412: {  	v1 =	vadd.f32 v1, v48;
	[tilespmem:s25+$0x11010] =	vst v3  }
0x413: {  	v3 =	vadd.f32 v36, v45;
	[tilespmem:s25+$0x11020] =	vst v7  }
0x414: {  	[tilespmem:s25+$0x11060] =	vst v1;
	v0 =	vadd.f32 v35, v0  }
0x415: {  	[tilespmem:s25+$0x11030] =	vst v3;
	v4 =	vadd.f32 v46, v34  }
0x416: {  	[tilespmem:s25+$0x11040] =	vst v0;
	v0 =	vadd.f32 v2, v47  }
0x417: {  	[tilespmem:s25+$0x10C70] =	vst v4  }
0x418: {  	s26 =	sor.u32 $0xD400, s26;
	[tilespmem:s25+$0x11070] =	vst v0;
	v0 =	vld [tilespmem:s25+$0x11400]  }
0x419: {  	v1 =	vld [tilespmem:s26+$0x0];
	_ =	sdelay $0x4  }
0x41a: {  	v0 =	vadd.f32 v1, v0;
	_ =	sdelay $0x1  }
0x41b: {  	[tilespmem:s25+$0x11400] =	vst v0;
	v0 =	vld [tilespmem:s25+$0x11410]  }
0x41c: {  	v1 =	vld [tilespmem:s26+$0x10];
	_ =	sdelay $0x4  }
0x41d: {  	v0 =	vadd.f32 v1, v0;
	_ =	sdelay $0x1  }
0x41e: {  	[tilespmem:s25+$0x11410] =	vst v0;
	v0 =	vld [tilespmem:s25+$0x11420]  }
0x41f: {  	v1 =	vld [tilespmem:s26+$0x20];
	_ =	sdelay $0x4  }
0x420: {  	v0 =	vadd.f32 v1, v0;
	_ =	sdelay $0x1  }
0x421: {  	[tilespmem:s25+$0x11420] =	vst v0;
	v0 =	vld [tilespmem:s25+$0x11430]  }
0x422: {  	v1 =	vld [tilespmem:s26+$0x30];
	_ =	sdelay $0x4  }
0x423: {  	v0 =	vadd.f32 v1, v0;
	_ =	sdelay $0x1  }
0x424: {  	[tilespmem:s25+$0x11430] =	vst v0;
	v0 =	vld [tilespmem:s25+$0x11440]  }
0x425: {  	v1 =	vld [tilespmem:s26+$0x40];
	_ =	sdelay $0x3  }
0x426: {  	v49 =	vld [tilespmem:s25+$0x11470]  }
0x427: {  	v50 =	vld [tilespmem:s25+$0xD860];
	v0 =	vadd.f32 v1, v0  }
0x428: {  	v51 =	vld [tilespmem:s25+$0xD870]  }
0x429: {  	[tilespmem:s25+$0x11440] =	vst v0;
	v0 =	vld [tilespmem:s25+$0x11450]  }
0x42a: {  	v3 =	vld [tilespmem:s26+$0x50]  }
0x42b: {  	v52 =	vld [tilespmem:s25+$0xD800]  }
0x42c: {  	v53 =	vld [tilespmem:s25+$0xD810]  }
0x42d: {  	v55 =	vld [tilespmem:s25+$0xD840]  }
0x42e: {  	v56 =	vld [tilespmem:s25+$0x11840]  }
0x42f: {  	v57 =	vld [tilespmem:s25+$0x11810];
	v0 =	vadd.f32 v3, v0  }
0x430: {  	v58 =	vld [tilespmem:s25+$0x11830]  }
0x431: {  	[tilespmem:s25+$0x11450] =	vst v0;
	v0 =	vld [tilespmem:s25+$0x11460]  }
0x432: {  	v54 =	vld [tilespmem:s26+$0x60]  }
0x433: {  	v59 =	vld [tilespmem:s25+$0x11800]  }
0x434: {  	v60 =	vld [tilespmem:s25+$0x11870]  }
0x435: {  	v3 =	vld [tilespmem:s25+$0xD830]  }
0x436: {  	v61 =	vld [tilespmem:s25+$0x11860]  }
0x437: {  	v63 =	vld [tilespmem:s25+$0x11820];
	v0 =	vadd.f32 v54, v0  }
0x438: {  	v8 =	vadd.f32 v53, v57;
	v1 =	vld [tilespmem:s25+$0xD820]  }
0x439: {  	v2 =	vld [tilespmem:s25+$0xD850];
	[tilespmem:s25+$0x11460] =	vst v0;
	v0 =	vadd.f32 v55, v56  }
0x43a: {  	v3 =	vadd.f32 v3, v58;
	v62 =	vld [tilespmem:s26+$0x70];
	[tilespmem:s25+$0x11810] =	vst v8  }
0x43b: {  	v7 =	vadd.f32 v52, v59;
	[tilespmem:s25+$0x11840] =	vst v0;
	v0 =	vld [tilespmem:s25+$0x11850]  }
0x43c: {  	v5 =	vadd.f32 v50, v61;
	[tilespmem:s25+$0x11830] =	vst v3  }
0x43d: {  	v1 =	vadd.f32 v1, v63;
	[tilespmem:s25+$0x11800] =	vst v7  }
0x43e: {  	v3 =	vadd.f32 v51, v60;
	[tilespmem:s25+$0x11860] =	vst v5  }
0x43f: {  	s28 =	sand.u32 $0x7, s24;
	[tilespmem:s25+$0x11820] =	vst v1;
	v4 =	vadd.f32 v62, v49  }
0x440: {  	s26 =	sshll.u32 s28, $0x7;
	[tilespmem:s25+$0x11870] =	vst v3;
	v0 =	vadd.f32 v2, v0  }
0x441: {  	s30 =	sadd.s32 $0x0, s26;
	[tilespmem:s25+$0x11470] =	vst v4  }
0x442: {  	s28 =	sor.u32 s24, s24;
	[tilespmem:s25+$0x11850] =	vst v0;
	s25 =	sor.u32 $0x1C00, s30  }
0x443: {  	s29 =	sor.u32 $0xDC00, s28;
	v0 =	vld [tilespmem:s25+$0x10000]  }
0x444: {  	v1 =	vld [tilespmem:s29+$0x0];
	_ =	sdelay $0x4  }
0x445: {  	v0 =	vadd.f32 v1, v0;
	_ =	sdelay $0x1  }
0x446: {  	s28 =	sor.u32 $0x1C10, s30;
	[tilespmem:s25+$0x10000] =	vst v0  }
0x447: {  	v0 =	vld [tilespmem:s28+$0x10000]  }
0x448: {  	v1 =	vld [tilespmem:s29+$0x10];
	_ =	sdelay $0x4  }
0x449: {  	v0 =	vadd.f32 v1, v0;
	_ =	sdelay $0x1  }
0x44a: {  	s26 =	sor.u32 $0x1C20, s30;
	[tilespmem:s28+$0x10000] =	vst v0  }
0x44b: {  	v0 =	vld [tilespmem:s26+$0x10000]  }
0x44c: {  	v1 =	vld [tilespmem:s29+$0x20];
	_ =	sdelay $0x4  }
0x44d: {  	v0 =	vadd.f32 v1, v0;
	_ =	sdelay $0x1  }
0x44e: {  	s28 =	sor.u32 $0x1C30, s30;
	[tilespmem:s26+$0x10000] =	vst v0  }
0x44f: {  	v0 =	vld [tilespmem:s28+$0x10000]  }
0x450: {  	v1 =	vld [tilespmem:s29+$0x30];
	_ =	sdelay $0x4  }
0x451: {  	v0 =	vadd.f32 v1, v0;
	_ =	sdelay $0x1  }
0x452: {  	s31 =	sor.u32 $0x1C40, s30;
	[tilespmem:s28+$0x10000] =	vst v0  }
0x453: {  	v0 =	vld [tilespmem:s31+$0x10000]  }
0x454: {  	s25 =	simm.s32 $0x400;
	s26 =	simm.s32 $0x0;
	v1 =	vld [tilespmem:s29+$0x40]  }
.LBB2_8:
0x455: {  	_ =	sdelay $0x1  }
0x456: {  	p0 =	sne.s32 s25, $0x3C00;
	s24 =	sadd.s32 $0x80, s24;
	s26 =	sadd.s32 $0x1, s26  }
0x457: {  	s28 =	smov.u32 s25;
	s25 =	sadd.s32 $0x400, s25  }
0x458: {  	v0 =	vadd.f32 v1, v0;
	_ =	sdelay $0x1  }
0x459: {  	[tilespmem:s31+$0x10000] =	vst v0;
	s31 =	sor.u32 $0x1C50, s30  }
0x45a: {  	v0 =	vld [tilespmem:s31+$0x10000]  }
0x45b: {  	v1 =	vld [tilespmem:s29+$0x50];
	_ =	sdelay $0x4  }
0x45c: {  	v0 =	vadd.f32 v1, v0;
	_ =	sdelay $0x1  }
0x45d: {  	[tilespmem:s31+$0x10000] =	vst v0;
	s31 =	sor.u32 $0x1C60, s30  }
0x45e: {  	v0 =	vld [tilespmem:s31+$0x10000]  }
0x45f: {  	v1 =	vld [tilespmem:s29+$0x60];
	_ =	sdelay $0x4  }
0x460: {  	v0 =	vadd.f32 v1, v0;
	_ =	sdelay $0x1  }
0x461: {  	s30 =	sor.u32 $0x1C70, s30;
	[tilespmem:s31+$0x10000] =	vst v0  }
0x462: {  	v0 =	vld [tilespmem:s30+$0x10000]  }
0x463: {  	v1 =	vld [tilespmem:s29+$0x70];
	_ =	sdelay $0x4  }
0x464: {  	v0 =	vadd.f32 v1, v0  }
0x465: {  	s31 =	sand.u32 $0x380, s24;
	s29 =	sand.u32 $0x2000, s28  }
0x466: {  	s29 =	sor.u32 s31, s29;
	[tilespmem:s30+$0x10000] =	vst v0  }
0x467: {  	v0 =	vld [tilespmem:s29+$0xC070]  }
0x468: {  	v1 =	vld [tilespmem:s29+$0x10000]  }
0x469: {  	v2 =	vld [tilespmem:s29+$0xC050]  }
0x46a: {  	v3 =	vld [tilespmem:s29+$0xC020]  }
0x46b: {  	v4 =	vld [tilespmem:s29+$0xC060]  }
0x46c: {  	v5 =	vld [tilespmem:s29+$0x10050]  }
0x46d: {  	v6 =	vld [tilespmem:s29+$0xC000]  }
0x46e: {  	v7 =	vld [tilespmem:s29+$0x10030]  }
0x46f: {  	v8 =	vld [tilespmem:s29+$0x10020]  }
0x470: {  	v9 =	vld [tilespmem:s29+$0xC030]  }
0x471: {  	v10 =	vld [tilespmem:s29+$0xC040]  }
0x472: {  	v11 =	vld [tilespmem:s29+$0xC010]  }
0x473: {  	v12 =	vld [tilespmem:s29+$0x10010]  }
0x474: {  	v1 =	vadd.f32 v6, v1;
	v6 =	vld [tilespmem:s29+$0x10070]  }
0x475: {  	v13 =	vld [tilespmem:s29+$0x10040]  }
0x476: {  	v3 =	vadd.f32 v3, v8;
	v8 =	vld [tilespmem:s29+$0x10060];
	_ =	sdelay $0x1  }
0x477: {  	[tilespmem:s29+$0x10000] =	vst v1;
	v1 =	vadd.f32 v11, v12  }
0x478: {  	v2 =	vadd.f32 v2, v5;
	[tilespmem:s29+$0x10020] =	vst v3;
	v0 =	vadd.f32 v0, v6  }
0x479: {  	[tilespmem:s29+$0x10010] =	vst v1;
	v1 =	vadd.f32 v9, v7;
	v3 =	vadd.f32 v10, v13  }
0x47a: {  	v4 =	vadd.f32 v4, v8;
	[tilespmem:s29+$0x10070] =	vst v0  }
0x47b: {  	[tilespmem:s29+$0x10040] =	vst v3  }
0x47c: {  	s30 =	sand.u32 $0xFFFFE000, s28;
	[tilespmem:s29+$0x10060] =	vst v4  }
0x47d: {  	s30 =	sadd.s32 s30, s24;
	[tilespmem:s29+$0x10030] =	vst v1  }
0x47e: {  	s31 =	sor.u32 $0xC400, s30;
	[tilespmem:s29+$0x10050] =	vst v2;
	v0 =	vld [tilespmem:s29+$0x10400]  }
0x47f: {  	v1 =	vld [tilespmem:s31+$0x0];
	_ =	sdelay $0x4  }
0x480: {  	v0 =	vadd.f32 v1, v0;
	_ =	sdelay $0x1  }
0x481: {  	[tilespmem:s29+$0x10400] =	vst v0;
	v0 =	vld [tilespmem:s29+$0x10410]  }
0x482: {  	v1 =	vld [tilespmem:s31+$0x10];
	_ =	sdelay $0x4  }
0x483: {  	v0 =	vadd.f32 v1, v0;
	_ =	sdelay $0x1  }
0x484: {  	[tilespmem:s29+$0x10410] =	vst v0;
	v0 =	vld [tilespmem:s29+$0x10420]  }
0x485: {  	v1 =	vld [tilespmem:s31+$0x20];
	_ =	sdelay $0x4  }
0x486: {  	v0 =	vadd.f32 v1, v0;
	_ =	sdelay $0x1  }
0x487: {  	[tilespmem:s29+$0x10420] =	vst v0;
	v0 =	vld [tilespmem:s29+$0x10430]  }
0x488: {  	v1 =	vld [tilespmem:s31+$0x30];
	_ =	sdelay $0x4  }
0x489: {  	v0 =	vadd.f32 v1, v0;
	_ =	sdelay $0x1  }
0x48a: {  	[tilespmem:s29+$0x10430] =	vst v0;
	v0 =	vld [tilespmem:s29+$0x10440]  }
0x48b: {  	v1 =	vld [tilespmem:s31+$0x40];
	_ =	sdelay $0x3  }
0x48c: {  	v2 =	vld [tilespmem:s29+$0xC810]  }
0x48d: {  	v0 =	vadd.f32 v1, v0;
	v1 =	vld [tilespmem:s29+$0xC800]  }
0x48e: {  	v3 =	vld [tilespmem:s29+$0x10800]  }
0x48f: {  	[tilespmem:s29+$0x10440] =	vst v0;
	v0 =	vld [tilespmem:s29+$0x10450]  }
0x490: {  	v4 =	vld [tilespmem:s31+$0x50]  }
0x491: {  	v5 =	vld [tilespmem:s29+$0x10470]  }
0x492: {  	v6 =	vld [tilespmem:s29+$0xC820]  }
0x493: {  	v7 =	vld [tilespmem:s29+$0xC840]  }
0x494: {  	v8 =	vld [tilespmem:s29+$0xC860]  }
0x495: {  	v0 =	vadd.f32 v4, v0;
	v4 =	vld [tilespmem:s29+$0xC830]  }
0x496: {  	v9 =	vld [tilespmem:s29+$0xC850]  }
0x497: {  	[tilespmem:s29+$0x10450] =	vst v0;
	v0 =	vld [tilespmem:s29+$0x10460]  }
0x498: {  	v10 =	vld [tilespmem:s31+$0x60]  }
0x499: {  	v11 =	vld [tilespmem:s29+$0xC870]  }
0x49a: {  	v12 =	vld [tilespmem:s29+$0x10870]  }
0x49b: {  	v13 =	vld [tilespmem:s29+$0x10850]  }
0x49c: {  	v14 =	vld [tilespmem:s29+$0x10830]  }
0x49d: {  	v0 =	vadd.f32 v10, v0;
	v10 =	vld [tilespmem:s29+$0x10860]  }
0x49e: {  	v15 =	vld [tilespmem:s29+$0x10840]  }
0x49f: {  	[tilespmem:s29+$0x10460] =	vst v0;
	v0 =	vld [tilespmem:s29+$0x10820];
	v11 =	vadd.f32 v11, v12  }
0x4a0: {  	v12 =	vld [tilespmem:s31+$0x70];
	v9 =	vadd.f32 v9, v13  }
0x4a1: {  	v13 =	vld [tilespmem:s29+$0x10810];
	v4 =	vadd.f32 v4, v14;
	[tilespmem:s29+$0x10870] =	vst v11  }
0x4a2: {  	[tilespmem:s29+$0x10850] =	vst v9;
	v8 =	vadd.f32 v8, v10  }
0x4a3: {  	[tilespmem:s29+$0x10830] =	vst v4;
	v4 =	vadd.f32 v7, v15  }
0x4a4: {  	v0 =	vadd.f32 v6, v0;
	[tilespmem:s29+$0x10860] =	vst v8  }
0x4a5: {  	v1 =	vadd.f32 v1, v3;
	v5 =	vadd.f32 v12, v5;
	[tilespmem:s29+$0x10840] =	vst v4  }
0x4a6: {  	v2 =	vadd.f32 v2, v13;
	[tilespmem:s29+$0x10820] =	vst v0  }
0x4a7: {  	[tilespmem:s29+$0x10800] =	vst v1  }
0x4a8: {  	[tilespmem:s29+$0x10810] =	vst v2  }
0x4a9: {  	s31 =	sor.u32 $0xCC00, s30;
	[tilespmem:s29+$0x10470] =	vst v5;
	v0 =	vld [tilespmem:s29+$0x10C00]  }
0x4aa: {  	v1 =	vld [tilespmem:s31+$0x0];
	_ =	sdelay $0x4  }
0x4ab: {  	v0 =	vadd.f32 v1, v0;
	_ =	sdelay $0x1  }
0x4ac: {  	[tilespmem:s29+$0x10C00] =	vst v0;
	v0 =	vld [tilespmem:s29+$0x10C10]  }
0x4ad: {  	v1 =	vld [tilespmem:s31+$0x10];
	_ =	sdelay $0x4  }
0x4ae: {  	v0 =	vadd.f32 v1, v0;
	_ =	sdelay $0x1  }
0x4af: {  	[tilespmem:s29+$0x10C10] =	vst v0;
	v0 =	vld [tilespmem:s29+$0x10C20]  }
0x4b0: {  	v1 =	vld [tilespmem:s31+$0x20];
	_ =	sdelay $0x4  }
0x4b1: {  	v0 =	vadd.f32 v1, v0;
	_ =	sdelay $0x1  }
0x4b2: {  	[tilespmem:s29+$0x10C20] =	vst v0;
	v0 =	vld [tilespmem:s29+$0x10C30]  }
0x4b3: {  	v1 =	vld [tilespmem:s31+$0x30];
	_ =	sdelay $0x4  }
0x4b4: {  	v0 =	vadd.f32 v1, v0;
	_ =	sdelay $0x1  }
0x4b5: {  	[tilespmem:s29+$0x10C30] =	vst v0;
	v0 =	vld [tilespmem:s29+$0x10C40]  }
0x4b6: {  	v1 =	vld [tilespmem:s31+$0x40];
	_ =	sdelay $0x4  }
0x4b7: {  	v0 =	vadd.f32 v1, v0;
	v1 =	vld [tilespmem:s29+$0xD060]  }
0x4b8: {  	v2 =	vld [tilespmem:s29+$0xD070]  }
0x4b9: {  	[tilespmem:s29+$0x10C40] =	vst v0;
	v0 =	vld [tilespmem:s29+$0x10C50]  }
0x4ba: {  	v3 =	vld [tilespmem:s31+$0x50]  }
0x4bb: {  	v4 =	vld [tilespmem:s29+$0x10C70]  }
0x4bc: {  	v5 =	vld [tilespmem:s29+$0xD040]  }
0x4bd: {  	v6 =	vld [tilespmem:s29+$0xD030]  }
0x4be: {  	v7 =	vld [tilespmem:s29+$0xD020]  }
0x4bf: {  	v0 =	vadd.f32 v3, v0;
	v3 =	vld [tilespmem:s29+$0xD010]  }
0x4c0: {  	v8 =	vld [tilespmem:s29+$0xD000]  }
0x4c1: {  	[tilespmem:s29+$0x10C50] =	vst v0;
	v0 =	vld [tilespmem:s29+$0x10C60]  }
0x4c2: {  	v9 =	vld [tilespmem:s31+$0x60]  }
0x4c3: {  	v10 =	vld [tilespmem:s29+$0xD050]  }
0x4c4: {  	v11 =	vld [tilespmem:s29+$0x11050]  }
0x4c5: {  	v12 =	vld [tilespmem:s29+$0x11000]  }
0x4c6: {  	v13 =	vld [tilespmem:s29+$0x11010]  }
0x4c7: {  	v0 =	vadd.f32 v9, v0;
	v9 =	vld [tilespmem:s29+$0x11020]  }
0x4c8: {  	v14 =	vld [tilespmem:s29+$0x11030]  }
0x4c9: {  	[tilespmem:s29+$0x10C60] =	vst v0;
	v0 =	vld [tilespmem:s29+$0x11040];
	v10 =	vadd.f32 v10, v11  }
0x4ca: {  	v11 =	vld [tilespmem:s31+$0x70];
	v8 =	vadd.f32 v8, v12  }
0x4cb: {  	v3 =	vadd.f32 v3, v13;
	[tilespmem:s29+$0x11050] =	vst v10;
	v10 =	vld [tilespmem:s29+$0x11070]  }
0x4cc: {  	[tilespmem:s29+$0x11000] =	vst v8;
	v7 =	vadd.f32 v7, v9;
	v8 =	vld [tilespmem:s29+$0x11060]  }
0x4cd: {  	[tilespmem:s29+$0x11010] =	vst v3;
	v3 =	vadd.f32 v6, v14  }
0x4ce: {  	[tilespmem:s29+$0x11020] =	vst v7;
	v0 =	vadd.f32 v5, v0  }
0x4cf: {  	v4 =	vadd.f32 v11, v4;
	[tilespmem:s29+$0x11030] =	vst v3  }
0x4d0: {  	[tilespmem:s29+$0x11040] =	vst v0;
	v0 =	vadd.f32 v2, v10  }
0x4d1: {  	[tilespmem:s29+$0x10C70] =	vst v4;
	v1 =	vadd.f32 v1, v8  }
0x4d2: {  	[tilespmem:s29+$0x11070] =	vst v0  }
0x4d3: {  	s30 =	sor.u32 $0xD400, s30;
	[tilespmem:s29+$0x11060] =	vst v1;
	v0 =	vld [tilespmem:s29+$0x11400]  }
0x4d4: {  	v1 =	vld [tilespmem:s30+$0x0];
	_ =	sdelay $0x4  }
0x4d5: {  	v0 =	vadd.f32 v1, v0;
	_ =	sdelay $0x1  }
0x4d6: {  	[tilespmem:s29+$0x11400] =	vst v0;
	v0 =	vld [tilespmem:s29+$0x11410]  }
0x4d7: {  	v1 =	vld [tilespmem:s30+$0x10];
	_ =	sdelay $0x4  }
0x4d8: {  	v0 =	vadd.f32 v1, v0;
	_ =	sdelay $0x1  }
0x4d9: {  	[tilespmem:s29+$0x11410] =	vst v0;
	v0 =	vld [tilespmem:s29+$0x11420]  }
0x4da: {  	v1 =	vld [tilespmem:s30+$0x20];
	_ =	sdelay $0x4  }
0x4db: {  	v0 =	vadd.f32 v1, v0;
	_ =	sdelay $0x1  }
0x4dc: {  	[tilespmem:s29+$0x11420] =	vst v0;
	v0 =	vld [tilespmem:s29+$0x11430]  }
0x4dd: {  	v1 =	vld [tilespmem:s30+$0x30];
	_ =	sdelay $0x4  }
0x4de: {  	v0 =	vadd.f32 v1, v0;
	_ =	sdelay $0x1  }
0x4df: {  	[tilespmem:s29+$0x11430] =	vst v0;
	v0 =	vld [tilespmem:s29+$0x11440]  }
0x4e0: {  	v1 =	vld [tilespmem:s30+$0x40];
	_ =	sdelay $0x4  }
0x4e1: {  	v0 =	vadd.f32 v1, v0;
	v1 =	vld [tilespmem:s29+$0xD820]  }
0x4e2: {  	v2 =	vld [tilespmem:s29+$0xD850]  }
0x4e3: {  	[tilespmem:s29+$0x11440] =	vst v0;
	v0 =	vld [tilespmem:s29+$0x11450]  }
0x4e4: {  	v3 =	vld [tilespmem:s30+$0x50]  }
0x4e5: {  	v4 =	vld [tilespmem:s29+$0x11470]  }
0x4e6: {  	v5 =	vld [tilespmem:s29+$0xD860]  }
0x4e7: {  	v6 =	vld [tilespmem:s29+$0xD870]  }
0x4e8: {  	v7 =	vld [tilespmem:s29+$0xD800]  }
0x4e9: {  	v0 =	vadd.f32 v3, v0;
	v3 =	vld [tilespmem:s29+$0xD830]  }
0x4ea: {  	v8 =	vld [tilespmem:s29+$0xD810]  }
0x4eb: {  	[tilespmem:s29+$0x11450] =	vst v0;
	v0 =	vld [tilespmem:s29+$0x11460]  }
0x4ec: {  	v9 =	vld [tilespmem:s30+$0x60]  }
0x4ed: {  	v10 =	vld [tilespmem:s29+$0xD840]  }
0x4ee: {  	v11 =	vld [tilespmem:s29+$0x11840]  }
0x4ef: {  	v12 =	vld [tilespmem:s29+$0x11810]  }
0x4f0: {  	v13 =	vld [tilespmem:s29+$0x11830]  }
0x4f1: {  	v0 =	vadd.f32 v9, v0;
	v9 =	vld [tilespmem:s29+$0x11800]  }
0x4f2: {  	v14 =	vld [tilespmem:s29+$0x11870]  }
0x4f3: {  	[tilespmem:s29+$0x11460] =	vst v0;
	v0 =	vadd.f32 v10, v11;
	v10 =	vld [tilespmem:s29+$0x11860]  }
0x4f4: {  	v11 =	vld [tilespmem:s30+$0x70];
	v8 =	vadd.f32 v8, v12  }
0x4f5: {  	v3 =	vadd.f32 v3, v13;
	[tilespmem:s29+$0x11840] =	vst v0;
	v0 =	vld [tilespmem:s29+$0x11850]  }
0x4f6: {  	v7 =	vadd.f32 v7, v9;
	[tilespmem:s29+$0x11810] =	vst v8;
	v8 =	vld [tilespmem:s29+$0x11820]  }
0x4f7: {  	[tilespmem:s29+$0x11830] =	vst v3;
	v3 =	vadd.f32 v6, v14  }
0x4f8: {  	[tilespmem:s29+$0x11800] =	vst v7;
	v5 =	vadd.f32 v5, v10  }
0x4f9: {  	v4 =	vadd.f32 v11, v4;
	[tilespmem:s29+$0x11870] =	vst v3  }
0x4fa: {  	s30 =	sand.u32 $0x7, s26;
	v0 =	vadd.f32 v2, v0;
	[tilespmem:s29+$0x11860] =	vst v5  }
0x4fb: {  	s30 =	sshll.u32 s30, $0x7;
	[tilespmem:s29+$0x11470] =	vst v4;
	v1 =	vadd.f32 v1, v8  }
0x4fc: {  	s30 =	sadd.s32 s30, s28;
	[tilespmem:s29+$0x11850] =	vst v0  }
0x4fd: {  	s28 =	sor.u32 s28, s24;
	s31 =	sor.u32 $0x1C00, s30;
	[tilespmem:s29+$0x11820] =	vst v1  }
0x4fe: {  	s29 =	sor.u32 $0xDC00, s28;
	v0 =	vld [tilespmem:s31+$0x10000]  }
0x4ff: {  	v1 =	vld [tilespmem:s29+$0x0];
	_ =	sdelay $0x4  }
0x500: {  	v0 =	vadd.f32 v1, v0;
	_ =	sdelay $0x1  }
0x501: {  	s28 =	sor.u32 $0x1C10, s30;
	[tilespmem:s31+$0x10000] =	vst v0  }
0x502: {  	v0 =	vld [tilespmem:s28+$0x10000]  }
0x503: {  	v1 =	vld [tilespmem:s29+$0x10];
	_ =	sdelay $0x4  }
0x504: {  	v0 =	vadd.f32 v1, v0;
	_ =	sdelay $0x1  }
0x505: {  	[tilespmem:s28+$0x10000] =	vst v0;
	s28 =	sor.u32 $0x1C20, s30  }
0x506: {  	v0 =	vld [tilespmem:s28+$0x10000]  }
0x507: {  	v1 =	vld [tilespmem:s29+$0x20];
	_ =	sdelay $0x4  }
0x508: {  	v0 =	vadd.f32 v1, v0;
	_ =	sdelay $0x1  }
0x509: {  	[tilespmem:s28+$0x10000] =	vst v0;
	s28 =	sor.u32 $0x1C30, s30  }
0x50a: {  	v0 =	vld [tilespmem:s28+$0x10000]  }
0x50b: {  	v1 =	vld [tilespmem:s29+$0x30];
	_ =	sdelay $0x4  }
.Ltmp3:
0x50c: {  	v0 =	vadd.f32 v1, v0;
	(pc) =	sbr.rel @p0 .LBB2_8-.Ltmp3, $4  }
0x50d: {  	_ = 	snop  }
0x50e: {  	s31 =	sor.u32 $0x1C40, s30;
	[tilespmem:s28+$0x10000] =	vst v0  }
0x50f: {  	v0 =	vld [tilespmem:s31+$0x10000]  }
0x510: {  	v1 =	vld [tilespmem:s29+$0x40]  }
0x511: {  	_ =	sdelay $0x3  }
0x512: {  	v0 =	vadd.f32 v1, v0;
	_ =	sdelay $0x1  }
0x513: {  	s24 =	sor.u32 $0x1C50, s30;
	[tilespmem:s31+$0x10000] =	vst v0  }
0x514: {  	v0 =	vld [tilespmem:s24+$0x10000]  }
0x515: {  	v61 =	vld [tilespmem:s29+$0x50];
	_ =	sdelay $0x4  }
0x516: {  	v0 =	vadd.f32 v61, v0;
	_ =	sdelay $0x1  }
0x517: {  	s28 =	sor.u32 $0x1C60, s30;
	[tilespmem:s24+$0x10000] =	vst v0  }
0x518: {  	v0 =	vld [tilespmem:s28+$0x10000]  }
0x519: {  	v62 =	vld [tilespmem:s29+$0x60];
	_ =	sdelay $0x4  }
0x51a: {  	v0 =	vadd.f32 v62, v0;
	_ =	sdelay $0x1  }
0x51b: {  	s31 =	sor.u32 $0x1C70, s30;
	[tilespmem:s28+$0x10000] =	vst v0  }
0x51c: {  	v0 =	vld [tilespmem:s31+$0x10000]  }
0x51d: {  	v63 =	vld [tilespmem:s29+$0x70];
	_ =	sdelay $0x4  }
0x51e: {  	v0 =	vadd.f32 v63, v0;
	_ =	sdelay $0x1  }
0x51f: {  	[tilespmem:s31+$0x10000] =	vst v0  }
0x520: {  	[hbm4b:s11+s2] =	stream.linear.scatter [tilespmem:s14], [sflag:$0x4], $0x4000, $0x38;
	[tilespmem:$0x1C000] =	vst v63  }
0x521: {  	_ =	swait.ge [sflag:s21], $0x4000  }
0x522: {  	[sflag:s21] =	ssyncset.done $0x0  }
0x523: {  	s23 =	sadd.s32 $0x1, s23;
	[sflag:s21] =	ssyncadd.s32 $0xFFFFC000  }
0x524: {  	p0 =	sne.s32 s23, s12;
	_ =	swait.ge [sflag:s22], $0x4000  }
.Ltmp4:
0x525: {  	[sflag:s22] =	ssyncset.done $0x0;
	(pc) =	sbr.rel @p0 .LBB2_1-.Ltmp4, $4  }
0x526: {  	[sflag:s22] =	ssyncadd.s32 $0xFFFFC000  }
0x527: {  	_ =	swait.ge [sflag:s19], $0x4000  }
0x528: {  	[sflag:s19] =	ssyncset.done $0x0  }
0x529: {  	[sflag:s19] =	ssyncadd.s32 $0xFFFFC000  }
0x52a: {  	_ =	sfence.sel $0x180000  }
0x52b: {  	[bflag:$0x0] =	sbarrier.arrive $0xFFFF  }
0x52c: {  	p0 =	sne.s32 s1, $0x0;
	_ =	strace $0x90000047  }
0x52d: {  	s0 =	sadd.s32 @!p0 $0x100000, s0;
	[bflag:$0x2] =	sbarrier.arrive $0xFFFF  }
0x52e: {  	[sflag:s0] =	ssyncadd.tile.s32 @!p0 $0x1;
	_ =	shalt  }
.Lfunc_end2:
_tile_overlayer_lowered:
.L_overlay_start_2:
0x52f: {  	(tag) =	ssettag $0x2  }
0x530: {  	s0 =	rddreg [dreg:$0x0];
	s2 =	stileid.u32  }
0x531: {  	s1 =	rddreg [dreg:$0x1];
	p0 =	sne.s32 s2, $0x0  }
0x532: {  	s3 =	rddreg [dreg:$0x2];
	[bflag:$0x3] =	sbarrier.arrive $0xFFFF;
	s2 =	simm.s32 @!p0 $0x1C07  }
0x533: {  	[timem:s3], [sflag:s2] =	dma.local @!p0 [hbm:s0], s1  }
0x534: {  	s0 =	simm.s32 @!p0 $0x7  }
0x535: {  	_ =	swait.ge @!p0 [sflag:s0], s1  }
0x536: {  	s1 =	ssub.s32 @!p0 $0x0, s1;
	[sflag:s0] =	ssyncset.done @!p0 $0x0  }
0x537: {  	[sflag:s0] =	ssyncadd.s32 @!p0 s1  }
0x538: {  	[bflag:$0x3] =	sbarrier.arrive $0xFFFF  }
0x539: {  	_ =	shalt  }

</sc_bundles>
